<compile_context>
chip_gen: v7x
topology: tpu7x:2x2x1
jax: 0.10.2.dev20260603
libtpu: 0.0.44.dev20260713+nightly
codegen_flags: <defaults>
</compile_context>

<pallas_src>
import functools

import jax
import jax.numpy as jnp
from jax import lax
from jax.experimental import pallas as pl
from jax.experimental.pallas import tpu as pltpu
from jax.experimental.pallas import tpu_sc as plsc

_B = 16384
_D = 128
_NEG = 5
_NC = 2
_NS = 16
_NW = _NC * _NS
_BPW = _B // _NW
_CHUNK = 64
_NCH = _BPW // _CHUNK
_GRP = _CHUNK // 16
_NROWS = _CHUNK * _NEG
_VN = _CHUNK + _NROWS
_LN2 = 0.6931471805599453
_NBUF = 2


def _softplus(z):
  w = 1.0 + jnp.exp(z)
  bits = lax.bitcast_convert_type(w, jnp.int32)
  e = jnp.right_shift(bits, 23) - 127
  m = lax.bitcast_convert_type(
      (bits & 0x7FFFFF) | 0x3F800000, jnp.float32)
  s = (m - 1.0) / (m + 1.0)
  t = s * s
  ln_m = 2.0 * s * (1.0 + t * (1.0 / 3.0 + t * (
      1.0 / 5.0 + t * (1.0 / 7.0 + t * (1.0 / 9.0)))))
  return e.astype(jnp.float32) * _LN2 + ln_m


def _sc_body(pos_u, pos_v, neg_t, node_t, ctx_t, out,
             idx_u, idx_v, idx_n2, idx_n, u0, vn0, u1, vn1, part_v,
             sem0, sem1):
  wid = lax.axis_index("s") * _NC + lax.axis_index("c")
  base = wid * _BPW
  lanes0 = lax.iota(jnp.int32, 16)
  stage = (
      pltpu.async_copy(pos_u.at[pl.ds(base, _BPW)], idx_u, sem0),
      pltpu.async_copy(pos_v.at[pl.ds(base, _BPW)], idx_v, sem0),
      pltpu.async_copy(neg_t.at[pl.ds(0, _NEG), pl.ds(base, _BPW)], idx_n2,
                       sem0),
  )
  for dsc in stage:
    dsc.wait()

  @plsc.parallel_loop(0, _BPW * _NEG // 16, 1, unroll=4)
  def _flatten(j, _=None):
    r = j * 16 + lanes0
    item = r // _NEG
    col = r - item * _NEG
    idx_n[pl.ds(j * 16, 16)] = plsc.load_gather(idx_n2, [col, item])

  bufs = ((u0, vn0), (u1, vn1))
  sems = (sem0, sem1)

  def issue(c):
    ub, vnb = bufs[c % _NBUF]
    sem = sems[c % _NBUF]
    return (
        pltpu.async_copy(node_t.at[idx_u.at[pl.ds(c * _CHUNK, _CHUNK)]], ub, sem),
        pltpu.async_copy(ctx_t.at[idx_v.at[pl.ds(c * _CHUNK, _CHUNK)]],
                         vnb.at[pl.ds(0, _CHUNK)], sem),
        pltpu.async_copy(ctx_t.at[idx_n.at[pl.ds(c * _NROWS, _NROWS)]],
                         vnb.at[pl.ds(_CHUNK, _NROWS)], sem),
    )

  lanes = lax.iota(jnp.int32, 16)
  partial = jnp.zeros((16,), jnp.float32)

  def compute(c, partial):
    ub, vnb = bufs[c % _NBUF]

    def gbody(g, partial):
      rows = lanes + g * 16
      nrows = [rows * _NEG + (_CHUNK + n) for n in range(_NEG)]
      zero = jnp.zeros((16,), jnp.float32)

      @plsc.parallel_loop(0, _D, 1, unroll=2,
                          carry=(zero,) * (1 + _NEG) + (lanes,))
      def acc(d, carry):
        dv = carry[-1]
        u = plsc.load_gather(ub, [rows, dv])
        v = plsc.load_gather(vnb, [rows, dv])
        out_c = [carry[0] + u * v]
        for n in range(_NEG):
          w = plsc.load_gather(vnb, [nrows[n], dv])
          out_c.append(carry[n + 1] + u * w)
        out_c.append((dv + 1) & (_D - 1))
        return tuple(out_c)

      partial = partial + _softplus(-jnp.clip(acc[0], -10.0, 10.0))
      for n in range(_NEG):
        partial = partial + _softplus(jnp.clip(acc[n + 1], -10.0, 10.0))
      return partial

    return lax.fori_loop(0, _GRP, gbody, partial)

  pending = {}
  issued = 0
  for c in range(_NCH):
    while issued < min(c + _NBUF, _NCH):
      pending[issued] = issue(issued)
      issued += 1
    for dsc in pending.pop(c):
      dsc.wait()
    partial = compute(c, partial)

  part_v[...] = partial
  pltpu.sync_copy(part_v, out.at[pl.ds(wid * 16, 16)])


@functools.lru_cache(maxsize=1)
def _sc_dots():
  return pl.kernel(
      _sc_body,
      out_type=jax.ShapeDtypeStruct((_NW * 16,), jnp.float32),
      mesh=plsc.VectorSubcoreMesh(core_axis_name="c", subcore_axis_name="s",
                                  num_cores=_NC, num_subcores=_NS),
      scratch_types=[
          pltpu.VMEM((_BPW,), jnp.int32),
          pltpu.VMEM((_BPW,), jnp.int32),
          pltpu.VMEM((_NEG, _BPW), jnp.int32),
          pltpu.VMEM((_BPW * _NEG,), jnp.int32),
          pltpu.VMEM((_CHUNK, _D), jnp.float32),
          pltpu.VMEM((_VN, _D), jnp.float32),
          pltpu.VMEM((_CHUNK, _D), jnp.float32),
          pltpu.VMEM((_VN, _D), jnp.float32),
          pltpu.VMEM((16,), jnp.float32),
          pltpu.SemaphoreType.DMA,
          pltpu.SemaphoreType.DMA,
      ],
      compiler_params=pltpu.CompilerParams(needs_layout_passes=False),
  )


def kernel(pos_u, pos_v, neg_v, node_embed, context_embed):
  partials = _sc_dots()(pos_u, pos_v, neg_v.T, node_embed, context_embed)
  return jnp.sum(partials) / _B

# --- scband reference (transcript-rebuilt; emitter-appended) ---
"""Pipeline reference for scband-meta-path2-vec-51101520888207 (READ-ONLY COPY).

The authoritative reference and input builder live on the scoring server;
editing this copy changes nothing except your own understanding.
"""

import jax, jax.numpy as jnp
import numpy as np

NUM_NODES = 1000000
EMB_DIM = 128
BATCH = 16384
NEG = 5


def setup_inputs(seed: int = 0) -> dict:
    key = jax.random.key(seed)
    k1, k2, k3, k4, k5 = jax.random.split(key, 5)
    pos_u = jax.random.randint(k1, (BATCH,), 0, NUM_NODES, dtype=jnp.int32)
    pos_v = jax.random.randint(k2, (BATCH,), 0, NUM_NODES, dtype=jnp.int32)
    neg_v = jax.random.randint(k3, (BATCH, NEG), 0, NUM_NODES, dtype=jnp.int32)
    init_range = 1.0 / EMB_DIM
    node_embed = jax.random.uniform(k4, (NUM_NODES, EMB_DIM), dtype=jnp.float32, minval=-init_range, maxval=init_range)
    # Original init is zeros for context_embed; use small random values so the
    # computation is numerically nontrivial while keeping the same math.
    context_embed = jax.random.uniform(k5, (NUM_NODES, EMB_DIM), dtype=jnp.float32, minval=-init_range, maxval=init_range)
    return {"pos_u": pos_u, "pos_v": pos_v, "neg_v": neg_v, "node_embed": node_embed, "context_embed": context_embed}


def reference(pos_u, pos_v, neg_v, node_embed, context_embed):
    # emb_u = self.node_embed(pos_u)
    emb_u = jnp.take(node_embed, pos_u, axis=0)           # [B, D]
    # emb_v = self.context_embed(pos_v)
    emb_v = jnp.take(context_embed, pos_v, axis=0)        # [B, D]
    # emb_neg_v = self.context_embed(neg_v)
    emb_neg_v = jnp.take(context_embed, neg_v, axis=0)    # [B, NEG, D]

    score = jnp.sum(emb_u * emb_v, axis=1)                # [B]
    score = jnp.clip(score, -10.0, 10.0)
    score = -jax.nn.log_sigmoid(score)

    # torch.bmm(emb_neg_v, emb_u.unsqueeze(2)).squeeze() -> [B, NEG]
    neg_score = jnp.einsum('bnd,bd->bn', emb_neg_v, emb_u)
    neg_score = jnp.clip(neg_score, -10.0, 10.0)
    neg_score = -jnp.sum(jax.nn.log_sigmoid(-neg_score), axis=1)

    return jnp.mean(score + neg_score)

if __name__ == "__main__":
    import jax
    _d = setup_inputs()
    print(jax.jit(kernel)(*tuple(_d.values())))

</pallas_src>

<mosaic_0001>
#map = affine_map<(d0, d1) -> (0)>
#map1 = affine_map<(d0, d1) -> (0, 0)>
module attributes {stable_mosaic.version = 14 : i64} {
  func.func @_sc_body(%arg0: i32, %arg1: i32, %arg2: memref<16384xi32, #tpu.memory_space<hbm>>, %arg3: memref<16384xi32, #tpu.memory_space<hbm>>, %arg4: memref<5x16384xi32, #tpu.memory_space<hbm>>, %arg5: memref<1000000x128xf32, #tpu.memory_space<hbm>>, %arg6: memref<1000000x128xf32, #tpu.memory_space<hbm>>, %arg7: memref<512xf32, #tpu.memory_space<hbm>>, %arg8: memref<512xi32, #tpu.memory_space<vmem>>, %arg9: memref<512xi32, #tpu.memory_space<vmem>>, %arg10: memref<5x512xi32, #tpu.memory_space<vmem>>, %arg11: memref<2560xi32, #tpu.memory_space<vmem>>, %arg12: memref<64x128xf32, #tpu.memory_space<vmem>>, %arg13: memref<384x128xf32, #tpu.memory_space<vmem>>, %arg14: memref<64x128xf32, #tpu.memory_space<vmem>>, %arg15: memref<384x128xf32, #tpu.memory_space<vmem>>, %arg16: memref<16xf32, #tpu.memory_space<vmem>>, %arg17: memref<!tpu.dma_semaphore, #tpu.memory_space<semaphore_mem>>, %arg18: memref<!tpu.dma_semaphore, #tpu.memory_space<semaphore_mem>>) attributes {dimension_semantics = [#tpu.dimension_semantics<core_parallel>, #tpu.dimension_semantics<subcore_parallel>], iteration_bounds = array<i64: 2, 16>, scalar_prefetch = 0 : i64, scratch_operands = 11 : i64, tpu.core_type = #tpu.core_type<sc_vector_subcore>, window_params = [{transform_indices = #map}, {transform_indices = #map}, {transform_indices = #map1}, {transform_indices = #map1}, {transform_indices = #map1}, {transform_indices = #map}]} {
    %mul3A = arith.constant 2 : i32
    %mul3A_0 = arith.muli %arg1, %mul3A : i32
    %add3A = arith.addi %mul3A_0, %arg0 : i32
    %mul3A_1 = arith.constant 512 : i32
    %mul3A_2 = arith.muli %add3A, %mul3A_1 : i32
    %iota3A = tpu.iota {dimensions = array<i32: 0>} : vector<16xi32>
    %dma_start3A = tpu.memref_slice %arg2[%mul3A_2] : memref<16384xi32, #tpu.memory_space<hbm>> -> memref<512xi32, #tpu.memory_space<hbm>>
    %dma_start3A_3 = tpu.memref_slice %arg2[%mul3A_2] : memref<16384xi32, #tpu.memory_space<hbm>> -> memref<512xi32, #tpu.memory_space<hbm>>
    tpu.enqueue_dma source(%dma_start3A_3 : memref<512xi32, #tpu.memory_space<hbm>>) target(%arg8 : memref<512xi32, #tpu.memory_space<vmem>>) target_semaphore(%arg17 : memref<!tpu.dma_semaphore, #tpu.memory_space<semaphore_mem>>)
    %dma_start3A_4 = tpu.memref_slice %arg3[%mul3A_2] : memref<16384xi32, #tpu.memory_space<hbm>> -> memref<512xi32, #tpu.memory_space<hbm>>
    %dma_start3A_5 = tpu.memref_slice %arg3[%mul3A_2] : memref<16384xi32, #tpu.memory_space<hbm>> -> memref<512xi32, #tpu.memory_space<hbm>>
    tpu.enqueue_dma source(%dma_start3A_5 : memref<512xi32, #tpu.memory_space<hbm>>) target(%arg9 : memref<512xi32, #tpu.memory_space<vmem>>) target_semaphore(%arg17 : memref<!tpu.dma_semaphore, #tpu.memory_space<semaphore_mem>>)
    %dma_start3A_6 = arith.constant 0 : i32
    %dma_start3A_7 = tpu.memref_slice %arg4[%dma_start3A_6, %mul3A_2] : memref<5x16384xi32, #tpu.memory_space<hbm>> -> memref<5x512xi32, #tpu.memory_space<hbm>>
    %dma_start3A_8 = arith.constant 0 : i32
    %dma_start3A_9 = tpu.memref_slice %arg4[%dma_start3A_8, %mul3A_2] : memref<5x16384xi32, #tpu.memory_space<hbm>> -> memref<5x512xi32, #tpu.memory_space<hbm>>
    tpu.enqueue_dma source(%dma_start3A_9 : memref<5x512xi32, #tpu.memory_space<hbm>>) target(%arg10 : memref<5x512xi32, #tpu.memory_space<vmem>>) target_semaphore(%arg17 : memref<!tpu.dma_semaphore, #tpu.memory_space<semaphore_mem>>)
    %dma_wait3A = tpu.memref_slice %arg2[%mul3A_2] : memref<16384xi32, #tpu.memory_space<hbm>> -> memref<512xi32, #tpu.memory_space<hbm>>
    %dma_wait3A_10 = tpu.memref_slice %arg2[%mul3A_2] : memref<16384xi32, #tpu.memory_space<hbm>> -> memref<512xi32, #tpu.memory_space<hbm>>
    tpu.wait_dma2 semaphore(%arg17 : memref<!tpu.dma_semaphore, #tpu.memory_space<semaphore_mem>>) src(%dma_wait3A_10 : memref<512xi32, #tpu.memory_space<hbm>>) dst(%arg8 : memref<512xi32, #tpu.memory_space<vmem>>)
    %dma_wait3A_11 = tpu.memref_slice %arg3[%mul3A_2] : memref<16384xi32, #tpu.memory_space<hbm>> -> memref<512xi32, #tpu.memory_space<hbm>>
    %dma_wait3A_12 = tpu.memref_slice %arg3[%mul3A_2] : memref<16384xi32, #tpu.memory_space<hbm>> -> memref<512xi32, #tpu.memory_space<hbm>>
    tpu.wait_dma2 semaphore(%arg17 : memref<!tpu.dma_semaphore, #tpu.memory_space<semaphore_mem>>) src(%dma_wait3A_12 : memref<512xi32, #tpu.memory_space<hbm>>) dst(%arg9 : memref<512xi32, #tpu.memory_space<vmem>>)
    %dma_wait3A_13 = arith.constant 0 : i32
    %dma_wait3A_14 = tpu.memref_slice %arg4[%dma_wait3A_13, %mul3A_2] : memref<5x16384xi32, #tpu.memory_space<hbm>> -> memref<5x512xi32, #tpu.memory_space<hbm>>
    %dma_wait3A_15 = arith.constant 0 : i32
    %dma_wait3A_16 = tpu.memref_slice %arg4[%dma_wait3A_15, %mul3A_2] : memref<5x16384xi32, #tpu.memory_space<hbm>> -> memref<5x512xi32, #tpu.memory_space<hbm>>
    tpu.wait_dma2 semaphore(%arg17 : memref<!tpu.dma_semaphore, #tpu.memory_space<semaphore_mem>>) src(%dma_wait3A_16 : memref<5x512xi32, #tpu.memory_space<hbm>>) dst(%arg10 : memref<5x512xi32, #tpu.memory_space<vmem>>)
    %parallel_loop3A = arith.constant 0 : i32
    %parallel_loop3A_17 = arith.constant 160 : i32
    %parallel_loop3A_18 = arith.constant 1 : i32
    scf.for %parallel_loop3A_407 = %parallel_loop3A to %parallel_loop3A_17 step %parallel_loop3A_18  : i32 {
      %parallel_loop3A_408 = arith.constant 16 : i32
      %parallel_loop3A_409 = arith.muli %parallel_loop3A_407, %parallel_loop3A_408 : i32
      %parallel_loop3A_410 = vector.broadcast %parallel_loop3A_409 : i32 to vector<16xi32>
      %parallel_loop3A_411 = arith.addi %parallel_loop3A_410, %iota3A : vector<16xi32>
      %parallel_loop3A_412 = arith.constant 5 : i32
      %parallel_loop3A_413 = vector.broadcast %parallel_loop3A_412 : i32 to vector<16xi32>
      %parallel_loop3A_414 = arith.divsi %parallel_loop3A_411, %parallel_loop3A_413 : vector<16xi32>
      %parallel_loop3A_415 = arith.constant 0 : i32
      %parallel_loop3A_416 = vector.broadcast %parallel_loop3A_415 : i32 to vector<16xi32>
      %parallel_loop3A_417 = arith.cmpi sgt, %parallel_loop3A_411, %parallel_loop3A_416 : vector<16xi32>
      %parallel_loop3A_418 = arith.extui %parallel_loop3A_417 : vector<16xi1> to vector<16xi32>
      %parallel_loop3A_419 = arith.constant 0 : i32
      %parallel_loop3A_420 = vector.broadcast %parallel_loop3A_419 : i32 to vector<16xi32>
      %parallel_loop3A_421 = arith.cmpi slt, %parallel_loop3A_411, %parallel_loop3A_420 : vector<16xi32>
      %parallel_loop3A_422 = arith.extui %parallel_loop3A_421 : vector<16xi1> to vector<16xi32>
      %parallel_loop3A_423 = arith.subi %parallel_loop3A_418, %parallel_loop3A_422 : vector<16xi32>
      %parallel_loop3A_424 = arith.constant 0 : i32
      %parallel_loop3A_425 = arith.cmpi sgt, %parallel_loop3A_412, %parallel_loop3A_424 : i32
      %parallel_loop3A_426 = arith.extui %parallel_loop3A_425 : i1 to i32
      %parallel_loop3A_427 = arith.constant 0 : i32
      %parallel_loop3A_428 = arith.cmpi slt, %parallel_loop3A_412, %parallel_loop3A_427 : i32
      %parallel_loop3A_429 = arith.extui %parallel_loop3A_428 : i1 to i32
      %parallel_loop3A_430 = arith.subi %parallel_loop3A_426, %parallel_loop3A_429 : i32
      %parallel_loop3A_431 = vector.broadcast %parallel_loop3A_430 : i32 to vector<16xi32>
      %parallel_loop3A_432 = arith.cmpi ne, %parallel_loop3A_423, %parallel_loop3A_431 : vector<16xi32>
      %parallel_loop3A_433 = vector.broadcast %parallel_loop3A_412 : i32 to vector<16xi32>
      %parallel_loop3A_434 = arith.remsi %parallel_loop3A_411, %parallel_loop3A_433 : vector<16xi32>
      %parallel_loop3A_435 = arith.constant 0 : i32
      %parallel_loop3A_436 = vector.broadcast %parallel_loop3A_435 : i32 to vector<16xi32>
      %parallel_loop3A_437 = arith.cmpi ne, %parallel_loop3A_434, %parallel_loop3A_436 : vector<16xi32>
      %parallel_loop3A_438 = arith.andi %parallel_loop3A_432, %parallel_loop3A_437 : vector<16xi1>
      %parallel_loop3A_439 = arith.constant 1 : i32
      %parallel_loop3A_440 = vector.broadcast %parallel_loop3A_439 : i32 to vector<16xi32>
      %parallel_loop3A_441 = arith.subi %parallel_loop3A_414, %parallel_loop3A_440 : vector<16xi32>
      %parallel_loop3A_442 = arith.select %parallel_loop3A_438, %parallel_loop3A_441, %parallel_loop3A_414 : vector<16xi1>, vector<16xi32>
      %parallel_loop3A_443 = arith.constant 5 : i32
      %parallel_loop3A_444 = vector.broadcast %parallel_loop3A_443 : i32 to vector<16xi32>
      %parallel_loop3A_445 = arith.muli %parallel_loop3A_442, %parallel_loop3A_444 : vector<16xi32>
      %parallel_loop3A_446 = arith.subi %parallel_loop3A_411, %parallel_loop3A_445 : vector<16xi32>
      %parallel_loop3A_447 = tpu.vector_load_idx %arg10[%parallel_loop3A_446, %parallel_loop3A_442] : memref<5x512xi32, #tpu.memory_space<vmem>>[vector<16xi32>, vector<16xi32>], vector<16xi32>,
      %parallel_loop3A_448 = arith.constant 16 : i32
      %parallel_loop3A_449 = arith.muli %parallel_loop3A_407, %parallel_loop3A_448 : i32
      %parallel_loop3A_450 = arith.index_cast %parallel_loop3A_449 : i32 to index
      %parallel_loop3A_451 = tpu.vector_load %arg11[%parallel_loop3A_450] {strides = array<i32>} : memref<2560xi32, #tpu.memory_space<vmem>>, vector<16xi32>,
      tpu.vector_store %arg11[%parallel_loop3A_450], %parallel_loop3A_447 {strides = array<i32>} : memref<2560xi32, #tpu.memory_space<vmem>>, vector<16xi32>,
    } {sc.loop_unroll_factor = 4 : i64, sc.parallel_access}
    %iota3A_19 = tpu.iota {dimensions = array<i32: 0>} : vector<16xi32>
    %broadcast_in_dim3A = arith.constant 0.000000e+00 : f32
    %broadcast_in_dim3A_20 = vector.broadcast %broadcast_in_dim3A : f32 to vector<16xf32>
    %dma_start3A_21 = arith.constant 0 : i32
    %dma_start3A_22 = tpu.memref_slice %arg8[%dma_start3A_21] : memref<512xi32, #tpu.memory_space<vmem>> -> memref<64xi32, #tpu.memory_space<vmem>>
    %dma_start3A_23 = arith.constant 0 : i32
    %dma_start3A_24 = arith.constant 0 : i32
    %dma_start3A_25 = tpu.memref_slice %arg5[%dma_start3A_23, %dma_start3A_24] : memref<1000000x128xf32, #tpu.memory_space<hbm>> -> memref<1000000x128xf32, #tpu.memory_space<hbm>>
    tpu.enqueue_indirect_dma source(%dma_start3A_25 : memref<1000000x128xf32, #tpu.memory_space<hbm>>) target(%arg12 : memref<64x128xf32, #tpu.memory_space<vmem>>) offsets(%dma_start3A_22 : memref<64xi32, #tpu.memory_space<vmem>>) semaphore(%arg17 : memref<!tpu.dma_semaphore, #tpu.memory_space<semaphore_mem>>)
    %dma_start3A_26 = arith.constant 0 : i32
    %dma_start3A_27 = arith.constant 0 : i32
    %dma_start3A_28 = tpu.memref_slice %arg13[%dma_start3A_26, %dma_start3A_27] : memref<384x128xf32, #tpu.memory_space<vmem>> -> memref<64x128xf32, #tpu.memory_space<vmem>>
    %dma_start3A_29 = arith.constant 0 : i32
    %dma_start3A_30 = tpu.memref_slice %arg9[%dma_start3A_29] : memref<512xi32, #tpu.memory_space<vmem>> -> memref<64xi32, #tpu.memory_space<vmem>>
    %dma_start3A_31 = arith.constant 0 : i32
    %dma_start3A_32 = arith.constant 0 : i32
    %dma_start3A_33 = tpu.memref_slice %arg6[%dma_start3A_31, %dma_start3A_32] : memref<1000000x128xf32, #tpu.memory_space<hbm>> -> memref<1000000x128xf32, #tpu.memory_space<hbm>>
    tpu.enqueue_indirect_dma source(%dma_start3A_33 : memref<1000000x128xf32, #tpu.memory_space<hbm>>) target(%dma_start3A_28 : memref<64x128xf32, #tpu.memory_space<vmem>>) offsets(%dma_start3A_30 : memref<64xi32, #tpu.memory_space<vmem>>) semaphore(%arg17 : memref<!tpu.dma_semaphore, #tpu.memory_space<semaphore_mem>>)
    %dma_start3A_34 = arith.constant 64 : i32
    %dma_start3A_35 = arith.constant 0 : i32
    %dma_start3A_36 = tpu.memref_slice %arg13[%dma_start3A_34, %dma_start3A_35] : memref<384x128xf32, #tpu.memory_space<vmem>> -> memref<320x128xf32, #tpu.memory_space<vmem>>
    %dma_start3A_37 = arith.constant 0 : i32
    %dma_start3A_38 = tpu.memref_slice %arg11[%dma_start3A_37] : memref<2560xi32, #tpu.memory_space<vmem>> -> memref<320xi32, #tpu.memory_space<vmem>>
    %dma_start3A_39 = arith.constant 0 : i32
    %dma_start3A_40 = arith.constant 0 : i32
    %dma_start3A_41 = tpu.memref_slice %arg6[%dma_start3A_39, %dma_start3A_40] : memref<1000000x128xf32, #tpu.memory_space<hbm>> -> memref<1000000x128xf32, #tpu.memory_space<hbm>>
    tpu.enqueue_indirect_dma source(%dma_start3A_41 : memref<1000000x128xf32, #tpu.memory_space<hbm>>) target(%dma_start3A_36 : memref<320x128xf32, #tpu.memory_space<vmem>>) offsets(%dma_start3A_38 : memref<320xi32, #tpu.memory_space<vmem>>) semaphore(%arg17 : memref<!tpu.dma_semaphore, #tpu.memory_space<semaphore_mem>>)
    %dma_start3A_42 = arith.constant 64 : i32
    %dma_start3A_43 = tpu.memref_slice %arg8[%dma_start3A_42] : memref<512xi32, #tpu.memory_space<vmem>> -> memref<64xi32, #tpu.memory_space<vmem>>
    %dma_start3A_44 = arith.constant 0 : i32
    %dma_start3A_45 = arith.constant 0 : i32
    %dma_start3A_46 = tpu.memref_slice %arg5[%dma_start3A_44, %dma_start3A_45] : memref<1000000x128xf32, #tpu.memory_space<hbm>> -> memref<1000000x128xf32, #tpu.memory_space<hbm>>
    tpu.enqueue_indirect_dma source(%dma_start3A_46 : memref<1000000x128xf32, #tpu.memory_space<hbm>>) target(%arg14 : memref<64x128xf32, #tpu.memory_space<vmem>>) offsets(%dma_start3A_43 : memref<64xi32, #tpu.memory_space<vmem>>) semaphore(%arg18 : memref<!tpu.dma_semaphore, #tpu.memory_space<semaphore_mem>>)
    %dma_start3A_47 = arith.constant 0 : i32
    %dma_start3A_48 = arith.constant 0 : i32
    %dma_start3A_49 = tpu.memref_slice %arg15[%dma_start3A_47, %dma_start3A_48] : memref<384x128xf32, #tpu.memory_space<vmem>> -> memref<64x128xf32, #tpu.memory_space<vmem>>
    %dma_start3A_50 = arith.constant 64 : i32
    %dma_start3A_51 = tpu.memref_slice %arg9[%dma_start3A_50] : memref<512xi32, #tpu.memory_space<vmem>> -> memref<64xi32, #tpu.memory_space<vmem>>
    %dma_start3A_52 = arith.constant 0 : i32
    %dma_start3A_53 = arith.constant 0 : i32
    %dma_start3A_54 = tpu.memref_slice %arg6[%dma_start3A_52, %dma_start3A_53] : memref<1000000x128xf32, #tpu.memory_space<hbm>> -> memref<1000000x128xf32, #tpu.memory_space<hbm>>
    tpu.enqueue_indirect_dma source(%dma_start3A_54 : memref<1000000x128xf32, #tpu.memory_space<hbm>>) target(%dma_start3A_49 : memref<64x128xf32, #tpu.memory_space<vmem>>) offsets(%dma_start3A_51 : memref<64xi32, #tpu.memory_space<vmem>>) semaphore(%arg18 : memref<!tpu.dma_semaphore, #tpu.memory_space<semaphore_mem>>)
    %dma_start3A_55 = arith.constant 64 : i32
    %dma_start3A_56 = arith.constant 0 : i32
    %dma_start3A_57 = tpu.memref_slice %arg15[%dma_start3A_55, %dma_start3A_56] : memref<384x128xf32, #tpu.memory_space<vmem>> -> memref<320x128xf32, #tpu.memory_space<vmem>>
    %dma_start3A_58 = arith.constant 320 : i32
    %dma_start3A_59 = tpu.memref_slice %arg11[%dma_start3A_58] : memref<2560xi32, #tpu.memory_space<vmem>> -> memref<320xi32, #tpu.memory_space<vmem>>
    %dma_start3A_60 = arith.constant 0 : i32
    %dma_start3A_61 = arith.constant 0 : i32
    %dma_start3A_62 = tpu.memref_slice %arg6[%dma_start3A_60, %dma_start3A_61] : memref<1000000x128xf32, #tpu.memory_space<hbm>> -> memref<1000000x128xf32, #tpu.memory_space<hbm>>
    tpu.enqueue_indirect_dma source(%dma_start3A_62 : memref<1000000x128xf32, #tpu.memory_space<hbm>>) target(%dma_start3A_57 : memref<320x128xf32, #tpu.memory_space<vmem>>) offsets(%dma_start3A_59 : memref<320xi32, #tpu.memory_space<vmem>>) semaphore(%arg18 : memref<!tpu.dma_semaphore, #tpu.memory_space<semaphore_mem>>)
    %dma_wait3A_63 = arith.constant 0 : i32
    %dma_wait3A_64 = tpu.memref_slice %arg8[%dma_wait3A_63] : memref<512xi32, #tpu.memory_space<vmem>> -> memref<64xi32, #tpu.memory_space<vmem>>
    %dma_wait3A_65 = arith.constant 0 : i32
    %dma_wait3A_66 = arith.constant 0 : i32
    %dma_wait3A_67 = tpu.memref_slice %arg5[%dma_wait3A_65, %dma_wait3A_66] : memref<1000000x128xf32, #tpu.memory_space<hbm>> -> memref<1000000x128xf32, #tpu.memory_space<hbm>>
    tpu.wait_indirect_dma semaphore(%arg17 : memref<!tpu.dma_semaphore, #tpu.memory_space<semaphore_mem>>) src(%dma_wait3A_67 : memref<1000000x128xf32, #tpu.memory_space<hbm>>) dst(%arg12 : memref<64x128xf32, #tpu.memory_space<vmem>>)
    %dma_wait3A_68 = arith.constant 0 : i32
    %dma_wait3A_69 = arith.constant 0 : i32
    %dma_wait3A_70 = tpu.memref_slice %arg13[%dma_wait3A_68, %dma_wait3A_69] : memref<384x128xf32, #tpu.memory_space<vmem>> -> memref<64x128xf32, #tpu.memory_space<vmem>>
    %dma_wait3A_71 = arith.constant 0 : i32
    %dma_wait3A_72 = tpu.memref_slice %arg9[%dma_wait3A_71] : memref<512xi32, #tpu.memory_space<vmem>> -> memref<64xi32, #tpu.memory_space<vmem>>
    %dma_wait3A_73 = arith.constant 0 : i32
    %dma_wait3A_74 = arith.constant 0 : i32
    %dma_wait3A_75 = tpu.memref_slice %arg6[%dma_wait3A_73, %dma_wait3A_74] : memref<1000000x128xf32, #tpu.memory_space<hbm>> -> memref<1000000x128xf32, #tpu.memory_space<hbm>>
    tpu.wait_indirect_dma semaphore(%arg17 : memref<!tpu.dma_semaphore, #tpu.memory_space<semaphore_mem>>) src(%dma_wait3A_75 : memref<1000000x128xf32, #tpu.memory_space<hbm>>) dst(%dma_wait3A_70 : memref<64x128xf32, #tpu.memory_space<vmem>>)
    %dma_wait3A_76 = arith.constant 64 : i32
    %dma_wait3A_77 = arith.constant 0 : i32
    %dma_wait3A_78 = tpu.memref_slice %arg13[%dma_wait3A_76, %dma_wait3A_77] : memref<384x128xf32, #tpu.memory_space<vmem>> -> memref<320x128xf32, #tpu.memory_space<vmem>>
    %dma_wait3A_79 = arith.constant 0 : i32
    %dma_wait3A_80 = tpu.memref_slice %arg11[%dma_wait3A_79] : memref<2560xi32, #tpu.memory_space<vmem>> -> memref<320xi32, #tpu.memory_space<vmem>>
    %dma_wait3A_81 = arith.constant 0 : i32
    %dma_wait3A_82 = arith.constant 0 : i32
    %dma_wait3A_83 = tpu.memref_slice %arg6[%dma_wait3A_81, %dma_wait3A_82] : memref<1000000x128xf32, #tpu.memory_space<hbm>> -> memref<1000000x128xf32, #tpu.memory_space<hbm>>
    tpu.wait_indirect_dma semaphore(%arg17 : memref<!tpu.dma_semaphore, #tpu.memory_space<semaphore_mem>>) src(%dma_wait3A_83 : memref<1000000x128xf32, #tpu.memory_space<hbm>>) dst(%dma_wait3A_78 : memref<320x128xf32, #tpu.memory_space<vmem>>)
    %scan3A = arith.constant 0 : i32
    %scan3A_84 = arith.constant 4 : i32
    %scan3A_85 = arith.addi %scan3A, %scan3A_84 : i32
    %scan3A_86 = arith.constant 1 : i32
    %scan3A_87 = scf.for %scan3A_407 = %scan3A to %scan3A_85 step %scan3A_86 iter_args(%scan3A_408 = %broadcast_in_dim3A_20) -> (vector<16xf32>)  : i32 {
      %mul3A_409 = arith.constant 16 : i32
      %mul3A_410 = arith.muli %scan3A_407, %mul3A_409 : i32
      %add3A_411 = vector.broadcast %mul3A_410 : i32 to vector<16xi32>
      %add3A_412 = arith.addi %iota3A_19, %add3A_411 : vector<16xi32>
      %mul3A_413 = arith.constant 5 : i32
      %mul3A_414 = vector.broadcast %mul3A_413 : i32 to vector<16xi32>
      %mul3A_415 = arith.muli %add3A_412, %mul3A_414 : vector<16xi32>
      %add3A_416 = arith.constant 64 : i32
      %add3A_417 = vector.broadcast %add3A_416 : i32 to vector<16xi32>
      %add3A_418 = arith.addi %mul3A_415, %add3A_417 : vector<16xi32>
      %mul3A_419 = arith.constant 5 : i32
      %mul3A_420 = vector.broadcast %mul3A_419 : i32 to vector<16xi32>
      %mul3A_421 = arith.muli %add3A_412, %mul3A_420 : vector<16xi32>
      %add3A_422 = arith.constant 65 : i32
      %add3A_423 = vector.broadcast %add3A_422 : i32 to vector<16xi32>
      %add3A_424 = arith.addi %mul3A_421, %add3A_423 : vector<16xi32>
      %mul3A_425 = arith.constant 5 : i32
      %mul3A_426 = vector.broadcast %mul3A_425 : i32 to vector<16xi32>
      %mul3A_427 = arith.muli %add3A_412, %mul3A_426 : vector<16xi32>
      %add3A_428 = arith.constant 66 : i32
      %add3A_429 = vector.broadcast %add3A_428 : i32 to vector<16xi32>
      %add3A_430 = arith.addi %mul3A_427, %add3A_429 : vector<16xi32>
      %mul3A_431 = arith.constant 5 : i32
      %mul3A_432 = vector.broadcast %mul3A_431 : i32 to vector<16xi32>
      %mul3A_433 = arith.muli %add3A_412, %mul3A_432 : vector<16xi32>
      %add3A_434 = arith.constant 67 : i32
      %add3A_435 = vector.broadcast %add3A_434 : i32 to vector<16xi32>
      %add3A_436 = arith.addi %mul3A_433, %add3A_435 : vector<16xi32>
      %mul3A_437 = arith.constant 5 : i32
      %mul3A_438 = vector.broadcast %mul3A_437 : i32 to vector<16xi32>
      %mul3A_439 = arith.muli %add3A_412, %mul3A_438 : vector<16xi32>
      %add3A_440 = arith.constant 68 : i32
      %add3A_441 = vector.broadcast %add3A_440 : i32 to vector<16xi32>
      %add3A_442 = arith.addi %mul3A_439, %add3A_441 : vector<16xi32>
      %broadcast_in_dim3A_443 = arith.constant 0.000000e+00 : f32
      %broadcast_in_dim3A_444 = vector.broadcast %broadcast_in_dim3A_443 : f32 to vector<16xf32>
      %parallel_loop3A_445 = arith.constant 0 : i32
      %parallel_loop3A_446 = arith.constant 128 : i32
      %parallel_loop3A_447 = arith.constant 1 : i32
      %parallel_loop3A_448:7 = scf.for %parallel_loop3A_800 = %parallel_loop3A_445 to %parallel_loop3A_446 step %parallel_loop3A_447 iter_args(%parallel_loop3A_801 = %broadcast_in_dim3A_444, %parallel_loop3A_802 = %broadcast_in_dim3A_444, %parallel_loop3A_803 = %broadcast_in_dim3A_444, %parallel_loop3A_804 = %broadcast_in_dim3A_444, %parallel_loop3A_805 = %broadcast_in_dim3A_444, %parallel_loop3A_806 = %broadcast_in_dim3A_444, %parallel_loop3A_807 = %iota3A_19) -> (vector<16xf32>, vector<16xf32>, vector<16xf32>, vector<16xf32>, vector<16xf32>, vector<16xf32>, vector<16xi32>)  : i32 {
        %parallel_loop3A_808 = tpu.vector_load_idx %arg12[%add3A_412, %parallel_loop3A_807] : memref<64x128xf32, #tpu.memory_space<vmem>>[vector<16xi32>, vector<16xi32>], vector<16xf32>,
        %parallel_loop3A_809 = tpu.vector_load_idx %arg13[%add3A_412, %parallel_loop3A_807] : memref<384x128xf32, #tpu.memory_space<vmem>>[vector<16xi32>, vector<16xi32>], vector<16xf32>,
        %parallel_loop3A_810 = arith.mulf %parallel_loop3A_808, %parallel_loop3A_809 : vector<16xf32>
        %parallel_loop3A_811 = arith.addf %parallel_loop3A_801, %parallel_loop3A_810 : vector<16xf32>
        %parallel_loop3A_812 = tpu.vector_load_idx %arg13[%add3A_418, %parallel_loop3A_807] : memref<384x128xf32, #tpu.memory_space<vmem>>[vector<16xi32>, vector<16xi32>], vector<16xf32>,
        %parallel_loop3A_813 = arith.mulf %parallel_loop3A_808, %parallel_loop3A_812 : vector<16xf32>
        %parallel_loop3A_814 = arith.addf %parallel_loop3A_802, %parallel_loop3A_813 : vector<16xf32>
        %parallel_loop3A_815 = tpu.vector_load_idx %arg13[%add3A_424, %parallel_loop3A_807] : memref<384x128xf32, #tpu.memory_space<vmem>>[vector<16xi32>, vector<16xi32>], vector<16xf32>,
        %parallel_loop3A_816 = arith.mulf %parallel_loop3A_808, %parallel_loop3A_815 : vector<16xf32>
        %parallel_loop3A_817 = arith.addf %parallel_loop3A_803, %parallel_loop3A_816 : vector<16xf32>
        %parallel_loop3A_818 = tpu.vector_load_idx %arg13[%add3A_430, %parallel_loop3A_807] : memref<384x128xf32, #tpu.memory_space<vmem>>[vector<16xi32>, vector<16xi32>], vector<16xf32>,
        %parallel_loop3A_819 = arith.mulf %parallel_loop3A_808, %parallel_loop3A_818 : vector<16xf32>
        %parallel_loop3A_820 = arith.addf %parallel_loop3A_804, %parallel_loop3A_819 : vector<16xf32>
        %parallel_loop3A_821 = tpu.vector_load_idx %arg13[%add3A_436, %parallel_loop3A_807] : memref<384x128xf32, #tpu.memory_space<vmem>>[vector<16xi32>, vector<16xi32>], vector<16xf32>,
        %parallel_loop3A_822 = arith.mulf %parallel_loop3A_808, %parallel_loop3A_821 : vector<16xf32>
        %parallel_loop3A_823 = arith.addf %parallel_loop3A_805, %parallel_loop3A_822 : vector<16xf32>
        %parallel_loop3A_824 = tpu.vector_load_idx %arg13[%add3A_442, %parallel_loop3A_807] : memref<384x128xf32, #tpu.memory_space<vmem>>[vector<16xi32>, vector<16xi32>], vector<16xf32>,
        %parallel_loop3A_825 = arith.mulf %parallel_loop3A_808, %parallel_loop3A_824 : vector<16xf32>
        %parallel_loop3A_826 = arith.addf %parallel_loop3A_806, %parallel_loop3A_825 : vector<16xf32>
        %parallel_loop3A_827 = arith.constant 1 : i32
        %parallel_loop3A_828 = vector.broadcast %parallel_loop3A_827 : i32 to vector<16xi32>
        %parallel_loop3A_829 = arith.addi %parallel_loop3A_807, %parallel_loop3A_828 : vector<16xi32>
        %parallel_loop3A_830 = arith.constant 127 : i32
        %parallel_loop3A_831 = vector.broadcast %parallel_loop3A_830 : i32 to vector<16xi32>
        %parallel_loop3A_832 = arith.andi %parallel_loop3A_829, %parallel_loop3A_831 : vector<16xi32>
        scf.yield %parallel_loop3A_811, %parallel_loop3A_814, %parallel_loop3A_817, %parallel_loop3A_820, %parallel_loop3A_823, %parallel_loop3A_826, %parallel_loop3A_832 : vector<16xf32>, vector<16xf32>, vector<16xf32>, vector<16xf32>, vector<16xf32>, vector<16xf32>, vector<16xi32>
      } {sc.loop_unroll_factor = 2 : i64, sc.parallel_access}
      %jit3A = arith.constant -1.000000e+01 : f32
      %jit3A_449 = arith.constant 1.000000e+01 : f32
      %max3A = vector.broadcast %jit3A : f32 to vector<16xf32>
      %max3A_450 = arith.maximumf %max3A, %parallel_loop3A_448#0 : vector<16xf32>
      %min3A = vector.broadcast %jit3A_449 : f32 to vector<16xf32>
      %min3A_451 = arith.minimumf %min3A, %max3A_450 : vector<16xf32>
      %neg3A = arith.constant 0.000000e+00 : f32
      %neg3A_452 = vector.broadcast %neg3A : f32 to vector<16xf32>
      %neg3A_453 = arith.subf %neg3A_452, %min3A_451 : vector<16xf32>
      %exp3A = math.exp %neg3A_453 : vector<16xf32>
      %add3A_454 = arith.constant 1.000000e+00 : f32
      %add3A_455 = vector.broadcast %add3A_454 : f32 to vector<16xf32>
      %add3A_456 = arith.addf %add3A_455, %exp3A : vector<16xf32>
      %bitcast_convert_type3A = tpu.bitcast %add3A_456 : vector<16xf32> -> vector<16xi32>
      %shift_right_arithmetic3A = arith.constant 23 : i32
      %shift_right_arithmetic3A_457 = vector.broadcast %shift_right_arithmetic3A : i32 to vector<16xi32>
      %shift_right_arithmetic3A_458 = arith.shrsi %bitcast_convert_type3A, %shift_right_arithmetic3A_457 : vector<16xi32>
      %sub3A = arith.constant 127 : i32
      %sub3A_459 = vector.broadcast %sub3A : i32 to vector<16xi32>
      %sub3A_460 = arith.subi %shift_right_arithmetic3A_458, %sub3A_459 : vector<16xi32>
      %and3A = arith.constant 8388607 : i32
      %and3A_461 = vector.broadcast %and3A : i32 to vector<16xi32>
      %and3A_462 = arith.andi %bitcast_convert_type3A, %and3A_461 : vector<16xi32>
      %or3A = arith.constant 1065353216 : i32
      %or3A_463 = vector.broadcast %or3A : i32 to vector<16xi32>
      %or3A_464 = arith.ori %and3A_462, %or3A_463 : vector<16xi32>
      %bitcast_convert_type3A_465 = tpu.bitcast %or3A_464 : vector<16xi32> -> vector<16xf32>
      %sub3A_466 = arith.constant 1.000000e+00 : f32
      %sub3A_467 = vector.broadcast %sub3A_466 : f32 to vector<16xf32>
      %sub3A_468 = arith.subf %bitcast_convert_type3A_465, %sub3A_467 : vector<16xf32>
      %add3A_469 = arith.constant 1.000000e+00 : f32
      %add3A_470 = vector.broadcast %add3A_469 : f32 to vector<16xf32>
      %add3A_471 = arith.addf %bitcast_convert_type3A_465, %add3A_470 : vector<16xf32>
      %div3A = arith.divf %sub3A_468, %add3A_471 : vector<16xf32>
      %mul3A_472 = arith.mulf %div3A, %div3A : vector<16xf32>
      %mul3A_473 = arith.constant 2.000000e+00 : f32
      %mul3A_474 = vector.broadcast %mul3A_473 : f32 to vector<16xf32>
      %mul3A_475 = arith.mulf %mul3A_474, %div3A : vector<16xf32>
      %mul3A_476 = arith.constant 0.111111112 : f32
      %mul3A_477 = vector.broadcast %mul3A_476 : f32 to vector<16xf32>
      %mul3A_478 = arith.mulf %mul3A_472, %mul3A_477 : vector<16xf32>
      %add3A_479 = arith.constant 0.142857149 : f32
      %add3A_480 = vector.broadcast %add3A_479 : f32 to vector<16xf32>
      %add3A_481 = arith.addf %add3A_480, %mul3A_478 : vector<16xf32>
      %mul3A_482 = arith.mulf %mul3A_472, %add3A_481 : vector<16xf32>
      %add3A_483 = arith.constant 2.000000e-01 : f32
      %add3A_484 = vector.broadcast %add3A_483 : f32 to vector<16xf32>
      %add3A_485 = arith.addf %add3A_484, %mul3A_482 : vector<16xf32>
      %mul3A_486 = arith.mulf %mul3A_472, %add3A_485 : vector<16xf32>
      %add3A_487 = arith.constant 0.333333343 : f32
      %add3A_488 = vector.broadcast %add3A_487 : f32 to vector<16xf32>
      %add3A_489 = arith.addf %add3A_488, %mul3A_486 : vector<16xf32>
      %mul3A_490 = arith.mulf %mul3A_472, %add3A_489 : vector<16xf32>
      %add3A_491 = arith.constant 1.000000e+00 : f32
      %add3A_492 = vector.broadcast %add3A_491 : f32 to vector<16xf32>
      %add3A_493 = arith.addf %add3A_492, %mul3A_490 : vector<16xf32>
      %mul3A_494 = arith.mulf %mul3A_475, %add3A_493 : vector<16xf32>
      %convert_element_type3A = arith.sitofp %sub3A_460 : vector<16xi32> to vector<16xf32>
      %mul3A_495 = arith.constant 0.693147182 : f32
      %mul3A_496 = vector.broadcast %mul3A_495 : f32 to vector<16xf32>
      %mul3A_497 = arith.mulf %convert_element_type3A, %mul3A_496 : vector<16xf32>
      %add3A_498 = arith.addf %mul3A_497, %mul3A_494 : vector<16xf32>
      %add3A_499 = arith.addf %scan3A_408, %add3A_498 : vector<16xf32>
      %jit3A_500 = arith.constant -1.000000e+01 : f32
      %jit3A_501 = arith.constant 1.000000e+01 : f32
      %max3A_502 = vector.broadcast %jit3A_500 : f32 to vector<16xf32>
      %max3A_503 = arith.maximumf %max3A_502, %parallel_loop3A_448#1 : vector<16xf32>
      %min3A_504 = vector.broadcast %jit3A_501 : f32 to vector<16xf32>
      %min3A_505 = arith.minimumf %min3A_504, %max3A_503 : vector<16xf32>
      %exp3A_506 = math.exp %min3A_505 : vector<16xf32>
      %add3A_507 = arith.constant 1.000000e+00 : f32
      %add3A_508 = vector.broadcast %add3A_507 : f32 to vector<16xf32>
      %add3A_509 = arith.addf %add3A_508, %exp3A_506 : vector<16xf32>
      %bitcast_convert_type3A_510 = tpu.bitcast %add3A_509 : vector<16xf32> -> vector<16xi32>
      %shift_right_arithmetic3A_511 = arith.constant 23 : i32
      %shift_right_arithmetic3A_512 = vector.broadcast %shift_right_arithmetic3A_511 : i32 to vector<16xi32>
      %shift_right_arithmetic3A_513 = arith.shrsi %bitcast_convert_type3A_510, %shift_right_arithmetic3A_512 : vector<16xi32>
      %sub3A_514 = arith.constant 127 : i32
      %sub3A_515 = vector.broadcast %sub3A_514 : i32 to vector<16xi32>
      %sub3A_516 = arith.subi %shift_right_arithmetic3A_513, %sub3A_515 : vector<16xi32>
      %and3A_517 = arith.constant 8388607 : i32
      %and3A_518 = vector.broadcast %and3A_517 : i32 to vector<16xi32>
      %and3A_519 = arith.andi %bitcast_convert_type3A_510, %and3A_518 : vector<16xi32>
      %or3A_520 = arith.constant 1065353216 : i32
      %or3A_521 = vector.broadcast %or3A_520 : i32 to vector<16xi32>
      %or3A_522 = arith.ori %and3A_519, %or3A_521 : vector<16xi32>
      %bitcast_convert_type3A_523 = tpu.bitcast %or3A_522 : vector<16xi32> -> vector<16xf32>
      %sub3A_524 = arith.constant 1.000000e+00 : f32
      %sub3A_525 = vector.broadcast %sub3A_524 : f32 to vector<16xf32>
      %sub3A_526 = arith.subf %bitcast_convert_type3A_523, %sub3A_525 : vector<16xf32>
      %add3A_527 = arith.constant 1.000000e+00 : f32
      %add3A_528 = vector.broadcast %add3A_527 : f32 to vector<16xf32>
      %add3A_529 = arith.addf %bitcast_convert_type3A_523, %add3A_528 : vector<16xf32>
      %div3A_530 = arith.divf %sub3A_526, %add3A_529 : vector<16xf32>
      %mul3A_531 = arith.mulf %div3A_530, %div3A_530 : vector<16xf32>
      %mul3A_532 = arith.constant 2.000000e+00 : f32
      %mul3A_533 = vector.broadcast %mul3A_532 : f32 to vector<16xf32>
      %mul3A_534 = arith.mulf %mul3A_533, %div3A_530 : vector<16xf32>
      %mul3A_535 = arith.constant 0.111111112 : f32
      %mul3A_536 = vector.broadcast %mul3A_535 : f32 to vector<16xf32>
      %mul3A_537 = arith.mulf %mul3A_531, %mul3A_536 : vector<16xf32>
      %add3A_538 = arith.constant 0.142857149 : f32
      %add3A_539 = vector.broadcast %add3A_538 : f32 to vector<16xf32>
      %add3A_540 = arith.addf %add3A_539, %mul3A_537 : vector<16xf32>
      %mul3A_541 = arith.mulf %mul3A_531, %add3A_540 : vector<16xf32>
      %add3A_542 = arith.constant 2.000000e-01 : f32
      %add3A_543 = vector.broadcast %add3A_542 : f32 to vector<16xf32>
      %add3A_544 = arith.addf %add3A_543, %mul3A_541 : vector<16xf32>
      %mul3A_545 = arith.mulf %mul3A_531, %add3A_544 : vector<16xf32>
      %add3A_546 = arith.constant 0.333333343 : f32
      %add3A_547 = vector.broadcast %add3A_546 : f32 to vector<16xf32>
      %add3A_548 = arith.addf %add3A_547, %mul3A_545 : vector<16xf32>
      %mul3A_549 = arith.mulf %mul3A_531, %add3A_548 : vector<16xf32>
      %add3A_550 = arith.constant 1.000000e+00 : f32
      %add3A_551 = vector.broadcast %add3A_550 : f32 to vector<16xf32>
      %add3A_552 = arith.addf %add3A_551, %mul3A_549 : vector<16xf32>
      %mul3A_553 = arith.mulf %mul3A_534, %add3A_552 : vector<16xf32>
      %convert_element_type3A_554 = arith.sitofp %sub3A_516 : vector<16xi32> to vector<16xf32>
      %mul3A_555 = arith.constant 0.693147182 : f32
      %mul3A_556 = vector.broadcast %mul3A_555 : f32 to vector<16xf32>
      %mul3A_557 = arith.mulf %convert_element_type3A_554, %mul3A_556 : vector<16xf32>
      %add3A_558 = arith.addf %mul3A_557, %mul3A_553 : vector<16xf32>
      %add3A_559 = arith.addf %add3A_499, %add3A_558 : vector<16xf32>
      %jit3A_560 = arith.constant -1.000000e+01 : f32
      %jit3A_561 = arith.constant 1.000000e+01 : f32
      %max3A_562 = vector.broadcast %jit3A_560 : f32 to vector<16xf32>
      %max3A_563 = arith.maximumf %max3A_562, %parallel_loop3A_448#2 : vector<16xf32>
      %min3A_564 = vector.broadcast %jit3A_561 : f32 to vector<16xf32>
      %min3A_565 = arith.minimumf %min3A_564, %max3A_563 : vector<16xf32>
      %exp3A_566 = math.exp %min3A_565 : vector<16xf32>
      %add3A_567 = arith.constant 1.000000e+00 : f32
      %add3A_568 = vector.broadcast %add3A_567 : f32 to vector<16xf32>
      %add3A_569 = arith.addf %add3A_568, %exp3A_566 : vector<16xf32>
      %bitcast_convert_type3A_570 = tpu.bitcast %add3A_569 : vector<16xf32> -> vector<16xi32>
      %shift_right_arithmetic3A_571 = arith.constant 23 : i32
      %shift_right_arithmetic3A_572 = vector.broadcast %shift_right_arithmetic3A_571 : i32 to vector<16xi32>
      %shift_right_arithmetic3A_573 = arith.shrsi %bitcast_convert_type3A_570, %shift_right_arithmetic3A_572 : vector<16xi32>
      %sub3A_574 = arith.constant 127 : i32
      %sub3A_575 = vector.broadcast %sub3A_574 : i32 to vector<16xi32>
      %sub3A_576 = arith.subi %shift_right_arithmetic3A_573, %sub3A_575 : vector<16xi32>
      %and3A_577 = arith.constant 8388607 : i32
      %and3A_578 = vector.broadcast %and3A_577 : i32 to vector<16xi32>
      %and3A_579 = arith.andi %bitcast_convert_type3A_570, %and3A_578 : vector<16xi32>
      %or3A_580 = arith.constant 1065353216 : i32
      %or3A_581 = vector.broadcast %or3A_580 : i32 to vector<16xi32>
      %or3A_582 = arith.ori %and3A_579, %or3A_581 : vector<16xi32>
      %bitcast_convert_type3A_583 = tpu.bitcast %or3A_582 : vector<16xi32> -> vector<16xf32>
      %sub3A_584 = arith.constant 1.000000e+00 : f32
      %sub3A_585 = vector.broadcast %sub3A_584 : f32 to vector<16xf32>
      %sub3A_586 = arith.subf %bitcast_convert_type3A_583, %sub3A_585 : vector<16xf32>
      %add3A_587 = arith.constant 1.000000e+00 : f32
      %add3A_588 = vector.broadcast %add3A_587 : f32 to vector<16xf32>
      %add3A_589 = arith.addf %bitcast_convert_type3A_583, %add3A_588 : vector<16xf32>
      %div3A_590 = arith.divf %sub3A_586, %add3A_589 : vector<16xf32>
      %mul3A_591 = arith.mulf %div3A_590, %div3A_590 : vector<16xf32>
      %mul3A_592 = arith.constant 2.000000e+00 : f32
      %mul3A_593 = vector.broadcast %mul3A_592 : f32 to vector<16xf32>
      %mul3A_594 = arith.mulf %mul3A_593, %div3A_590 : vector<16xf32>
      %mul3A_595 = arith.constant 0.111111112 : f32
      %mul3A_596 = vector.broadcast %mul3A_595 : f32 to vector<16xf32>
      %mul3A_597 = arith.mulf %mul3A_591, %mul3A_596 : vector<16xf32>
      %add3A_598 = arith.constant 0.142857149 : f32
      %add3A_599 = vector.broadcast %add3A_598 : f32 to vector<16xf32>
      %add3A_600 = arith.addf %add3A_599, %mul3A_597 : vector<16xf32>
      %mul3A_601 = arith.mulf %mul3A_591, %add3A_600 : vector<16xf32>
      %add3A_602 = arith.constant 2.000000e-01 : f32
      %add3A_603 = vector.broadcast %add3A_602 : f32 to vector<16xf32>
      %add3A_604 = arith.addf %add3A_603, %mul3A_601 : vector<16xf32>
      %mul3A_605 = arith.mulf %mul3A_591, %add3A_604 : vector<16xf32>
      %add3A_606 = arith.constant 0.333333343 : f32
      %add3A_607 = vector.broadcast %add3A_606 : f32 to vector<16xf32>
      %add3A_608 = arith.addf %add3A_607, %mul3A_605 : vector<16xf32>
      %mul3A_609 = arith.mulf %mul3A_591, %add3A_608 : vector<16xf32>
      %add3A_610 = arith.constant 1.000000e+00 : f32
      %add3A_611 = vector.broadcast %add3A_610 : f32 to vector<16xf32>
      %add3A_612 = arith.addf %add3A_611, %mul3A_609 : vector<16xf32>
      %mul3A_613 = arith.mulf %mul3A_594, %add3A_612 : vector<16xf32>
      %convert_element_type3A_614 = arith.sitofp %sub3A_576 : vector<16xi32> to vector<16xf32>
      %mul3A_615 = arith.constant 0.693147182 : f32
      %mul3A_616 = vector.broadcast %mul3A_615 : f32 to vector<16xf32>
      %mul3A_617 = arith.mulf %convert_element_type3A_614, %mul3A_616 : vector<16xf32>
      %add3A_618 = arith.addf %mul3A_617, %mul3A_613 : vector<16xf32>
      %add3A_619 = arith.addf %add3A_559, %add3A_618 : vector<16xf32>
      %jit3A_620 = arith.constant -1.000000e+01 : f32
      %jit3A_621 = arith.constant 1.000000e+01 : f32
      %max3A_622 = vector.broadcast %jit3A_620 : f32 to vector<16xf32>
      %max3A_623 = arith.maximumf %max3A_622, %parallel_loop3A_448#3 : vector<16xf32>
      %min3A_624 = vector.broadcast %jit3A_621 : f32 to vector<16xf32>
      %min3A_625 = arith.minimumf %min3A_624, %max3A_623 : vector<16xf32>
      %exp3A_626 = math.exp %min3A_625 : vector<16xf32>
      %add3A_627 = arith.constant 1.000000e+00 : f32
      %add3A_628 = vector.broadcast %add3A_627 : f32 to vector<16xf32>
      %add3A_629 = arith.addf %add3A_628, %exp3A_626 : vector<16xf32>
      %bitcast_convert_type3A_630 = tpu.bitcast %add3A_629 : vector<16xf32> -> vector<16xi32>
      %shift_right_arithmetic3A_631 = arith.constant 23 : i32
      %shift_right_arithmetic3A_632 = vector.broadcast %shift_right_arithmetic3A_631 : i32 to vector<16xi32>
      %shift_right_arithmetic3A_633 = arith.shrsi %bitcast_convert_type3A_630, %shift_right_arithmetic3A_632 : vector<16xi32>
      %sub3A_634 = arith.constant 127 : i32
      %sub3A_635 = vector.broadcast %sub3A_634 : i32 to vector<16xi32>
      %sub3A_636 = arith.subi %shift_right_arithmetic3A_633, %sub3A_635 : vector<16xi32>
      %and3A_637 = arith.constant 8388607 : i32
      %and3A_638 = vector.broadcast %and3A_637 : i32 to vector<16xi32>
      %and3A_639 = arith.andi %bitcast_convert_type3A_630, %and3A_638 : vector<16xi32>
      %or3A_640 = arith.constant 1065353216 : i32
      %or3A_641 = vector.broadcast %or3A_640 : i32 to vector<16xi32>
      %or3A_642 = arith.ori %and3A_639, %or3A_641 : vector<16xi32>
      %bitcast_convert_type3A_643 = tpu.bitcast %or3A_642 : vector<16xi32> -> vector<16xf32>
      %sub3A_644 = arith.constant 1.000000e+00 : f32
      %sub3A_645 = vector.broadcast %sub3A_644 : f32 to vector<16xf32>
      %sub3A_646 = arith.subf %bitcast_convert_type3A_643, %sub3A_645 : vector<16xf32>
      %add3A_647 = arith.constant 1.000000e+00 : f32
      %add3A_648 = vector.broadcast %add3A_647 : f32 to vector<16xf32>
      %add3A_649 = arith.addf %bitcast_convert_type3A_643, %add3A_648 : vector<16xf32>
      %div3A_650 = arith.divf %sub3A_646, %add3A_649 : vector<16xf32>
      %mul3A_651 = arith.mulf %div3A_650, %div3A_650 : vector<16xf32>
      %mul3A_652 = arith.constant 2.000000e+00 : f32
      %mul3A_653 = vector.broadcast %mul3A_652 : f32 to vector<16xf32>
      %mul3A_654 = arith.mulf %mul3A_653, %div3A_650 : vector<16xf32>
      %mul3A_655 = arith.constant 0.111111112 : f32
      %mul3A_656 = vector.broadcast %mul3A_655 : f32 to vector<16xf32>
      %mul3A_657 = arith.mulf %mul3A_651, %mul3A_656 : vector<16xf32>
      %add3A_658 = arith.constant 0.142857149 : f32
      %add3A_659 = vector.broadcast %add3A_658 : f32 to vector<16xf32>
      %add3A_660 = arith.addf %add3A_659, %mul3A_657 : vector<16xf32>
      %mul3A_661 = arith.mulf %mul3A_651, %add3A_660 : vector<16xf32>
      %add3A_662 = arith.constant 2.000000e-01 : f32
      %add3A_663 = vector.broadcast %add3A_662 : f32 to vector<16xf32>
      %add3A_664 = arith.addf %add3A_663, %mul3A_661 : vector<16xf32>
      %mul3A_665 = arith.mulf %mul3A_651, %add3A_664 : vector<16xf32>
      %add3A_666 = arith.constant 0.333333343 : f32
      %add3A_667 = vector.broadcast %add3A_666 : f32 to vector<16xf32>
      %add3A_668 = arith.addf %add3A_667, %mul3A_665 : vector<16xf32>
      %mul3A_669 = arith.mulf %mul3A_651, %add3A_668 : vector<16xf32>
      %add3A_670 = arith.constant 1.000000e+00 : f32
      %add3A_671 = vector.broadcast %add3A_670 : f32 to vector<16xf32>
      %add3A_672 = arith.addf %add3A_671, %mul3A_669 : vector<16xf32>
      %mul3A_673 = arith.mulf %mul3A_654, %add3A_672 : vector<16xf32>
      %convert_element_type3A_674 = arith.sitofp %sub3A_636 : vector<16xi32> to vector<16xf32>
      %mul3A_675 = arith.constant 0.693147182 : f32
      %mul3A_676 = vector.broadcast %mul3A_675 : f32 to vector<16xf32>
      %mul3A_677 = arith.mulf %convert_element_type3A_674, %mul3A_676 : vector<16xf32>
      %add3A_678 = arith.addf %mul3A_677, %mul3A_673 : vector<16xf32>
      %add3A_679 = arith.addf %add3A_619, %add3A_678 : vector<16xf32>
      %jit3A_680 = arith.constant -1.000000e+01 : f32
      %jit3A_681 = arith.constant 1.000000e+01 : f32
      %max3A_682 = vector.broadcast %jit3A_680 : f32 to vector<16xf32>
      %max3A_683 = arith.maximumf %max3A_682, %parallel_loop3A_448#4 : vector<16xf32>
      %min3A_684 = vector.broadcast %jit3A_681 : f32 to vector<16xf32>
      %min3A_685 = arith.minimumf %min3A_684, %max3A_683 : vector<16xf32>
      %exp3A_686 = math.exp %min3A_685 : vector<16xf32>
      %add3A_687 = arith.constant 1.000000e+00 : f32
      %add3A_688 = vector.broadcast %add3A_687 : f32 to vector<16xf32>
      %add3A_689 = arith.addf %add3A_688, %exp3A_686 : vector<16xf32>
      %bitcast_convert_type3A_690 = tpu.bitcast %add3A_689 : vector<16xf32> -> vector<16xi32>
      %shift_right_arithmetic3A_691 = arith.constant 23 : i32
      %shift_right_arithmetic3A_692 = vector.broadcast %shift_right_arithmetic3A_691 : i32 to vector<16xi32>
      %shift_right_arithmetic3A_693 = arith.shrsi %bitcast_convert_type3A_690, %shift_right_arithmetic3A_692 : vector<16xi32>
      %sub3A_694 = arith.constant 127 : i32
      %sub3A_695 = vector.broadcast %sub3A_694 : i32 to vector<16xi32>
      %sub3A_696 = arith.subi %shift_right_arithmetic3A_693, %sub3A_695 : vector<16xi32>
      %and3A_697 = arith.constant 8388607 : i32
      %and3A_698 = vector.broadcast %and3A_697 : i32 to vector<16xi32>
      %and3A_699 = arith.andi %bitcast_convert_type3A_690, %and3A_698 : vector<16xi32>
      %or3A_700 = arith.constant 1065353216 : i32
      %or3A_701 = vector.broadcast %or3A_700 : i32 to vector<16xi32>
      %or3A_702 = arith.ori %and3A_699, %or3A_701 : vector<16xi32>
      %bitcast_convert_type3A_703 = tpu.bitcast %or3A_702 : vector<16xi32> -> vector<16xf32>
      %sub3A_704 = arith.constant 1.000000e+00 : f32
      %sub3A_705 = vector.broadcast %sub3A_704 : f32 to vector<16xf32>
      %sub3A_706 = arith.subf %bitcast_convert_type3A_703, %sub3A_705 : vector<16xf32>
      %add3A_707 = arith.constant 1.000000e+00 : f32
      %add3A_708 = vector.broadcast %add3A_707 : f32 to vector<16xf32>
      %add3A_709 = arith.addf %bitcast_convert_type3A_703, %add3A_708 : vector<16xf32>
      %div3A_710 = arith.divf %sub3A_706, %add3A_709 : vector<16xf32>
      %mul3A_711 = arith.mulf %div3A_710, %div3A_710 : vector<16xf32>
      %mul3A_712 = arith.constant 2.000000e+00 : f32
      %mul3A_713 = vector.broadcast %mul3A_712 : f32 to vector<16xf32>
      %mul3A_714 = arith.mulf %mul3A_713, %div3A_710 : vector<16xf32>
      %mul3A_715 = arith.constant 0.111111112 : f32
      %mul3A_716 = vector.broadcast %mul3A_715 : f32 to vector<16xf32>
      %mul3A_717 = arith.mulf %mul3A_711, %mul3A_716 : vector<16xf32>
      %add3A_718 = arith.constant 0.142857149 : f32
      %add3A_719 = vector.broadcast %add3A_718 : f32 to vector<16xf32>
      %add3A_720 = arith.addf %add3A_719, %mul3A_717 : vector<16xf32>
      %mul3A_721 = arith.mulf %mul3A_711, %add3A_720 : vector<16xf32>
      %add3A_722 = arith.constant 2.000000e-01 : f32
      %add3A_723 = vector.broadcast %add3A_722 : f32 to vector<16xf32>
      %add3A_724 = arith.addf %add3A_723, %mul3A_721 : vector<16xf32>
      %mul3A_725 = arith.mulf %mul3A_711, %add3A_724 : vector<16xf32>
      %add3A_726 = arith.constant 0.333333343 : f32
      %add3A_727 = vector.broadcast %add3A_726 : f32 to vector<16xf32>
      %add3A_728 = arith.addf %add3A_727, %mul3A_725 : vector<16xf32>
      %mul3A_729 = arith.mulf %mul3A_711, %add3A_728 : vector<16xf32>
      %add3A_730 = arith.constant 1.000000e+00 : f32
      %add3A_731 = vector.broadcast %add3A_730 : f32 to vector<16xf32>
      %add3A_732 = arith.addf %add3A_731, %mul3A_729 : vector<16xf32>
      %mul3A_733 = arith.mulf %mul3A_714, %add3A_732 : vector<16xf32>
      %convert_element_type3A_734 = arith.sitofp %sub3A_696 : vector<16xi32> to vector<16xf32>
      %mul3A_735 = arith.constant 0.693147182 : f32
      %mul3A_736 = vector.broadcast %mul3A_735 : f32 to vector<16xf32>
      %mul3A_737 = arith.mulf %convert_element_type3A_734, %mul3A_736 : vector<16xf32>
      %add3A_738 = arith.addf %mul3A_737, %mul3A_733 : vector<16xf32>
      %add3A_739 = arith.addf %add3A_679, %add3A_738 : vector<16xf32>
      %jit3A_740 = arith.constant -1.000000e+01 : f32
      %jit3A_741 = arith.constant 1.000000e+01 : f32
      %max3A_742 = vector.broadcast %jit3A_740 : f32 to vector<16xf32>
      %max3A_743 = arith.maximumf %max3A_742, %parallel_loop3A_448#5 : vector<16xf32>
      %min3A_744 = vector.broadcast %jit3A_741 : f32 to vector<16xf32>
      %min3A_745 = arith.minimumf %min3A_744, %max3A_743 : vector<16xf32>
      %exp3A_746 = math.exp %min3A_745 : vector<16xf32>
      %add3A_747 = arith.constant 1.000000e+00 : f32
      %add3A_748 = vector.broadcast %add3A_747 : f32 to vector<16xf32>
      %add3A_749 = arith.addf %add3A_748, %exp3A_746 : vector<16xf32>
      %bitcast_convert_type3A_750 = tpu.bitcast %add3A_749 : vector<16xf32> -> vector<16xi32>
      %shift_right_arithmetic3A_751 = arith.constant 23 : i32
      %shift_right_arithmetic3A_752 = vector.broadcast %shift_right_arithmetic3A_751 : i32 to vector<16xi32>
      %shift_right_arithmetic3A_753 = arith.shrsi %bitcast_convert_type3A_750, %shift_right_arithmetic3A_752 : vector<16xi32>
      %sub3A_754 = arith.constant 127 : i32
      %sub3A_755 = vector.broadcast %sub3A_754 : i32 to vector<16xi32>
      %sub3A_756 = arith.subi %shift_right_arithmetic3A_753, %sub3A_755 : vector<16xi32>
      %and3A_757 = arith.constant 8388607 : i32
      %and3A_758 = vector.broadcast %and3A_757 : i32 to vector<16xi32>
      %and3A_759 = arith.andi %bitcast_convert_type3A_750, %and3A_758 : vector<16xi32>
      %or3A_760 = arith.constant 1065353216 : i32
      %or3A_761 = vector.broadcast %or3A_760 : i32 to vector<16xi32>
      %or3A_762 = arith.ori %and3A_759, %or3A_761 : vector<16xi32>
      %bitcast_convert_type3A_763 = tpu.bitcast %or3A_762 : vector<16xi32> -> vector<16xf32>
      %sub3A_764 = arith.constant 1.000000e+00 : f32
      %sub3A_765 = vector.broadcast %sub3A_764 : f32 to vector<16xf32>
      %sub3A_766 = arith.subf %bitcast_convert_type3A_763, %sub3A_765 : vector<16xf32>
      %add3A_767 = arith.constant 1.000000e+00 : f32
      %add3A_768 = vector.broadcast %add3A_767 : f32 to vector<16xf32>
      %add3A_769 = arith.addf %bitcast_convert_type3A_763, %add3A_768 : vector<16xf32>
      %div3A_770 = arith.divf %sub3A_766, %add3A_769 : vector<16xf32>
      %mul3A_771 = arith.mulf %div3A_770, %div3A_770 : vector<16xf32>
      %mul3A_772 = arith.constant 2.000000e+00 : f32
      %mul3A_773 = vector.broadcast %mul3A_772 : f32 to vector<16xf32>
      %mul3A_774 = arith.mulf %mul3A_773, %div3A_770 : vector<16xf32>
      %mul3A_775 = arith.constant 0.111111112 : f32
      %mul3A_776 = vector.broadcast %mul3A_775 : f32 to vector<16xf32>
      %mul3A_777 = arith.mulf %mul3A_771, %mul3A_776 : vector<16xf32>
      %add3A_778 = arith.constant 0.142857149 : f32
      %add3A_779 = vector.broadcast %add3A_778 : f32 to vector<16xf32>
      %add3A_780 = arith.addf %add3A_779, %mul3A_777 : vector<16xf32>
      %mul3A_781 = arith.mulf %mul3A_771, %add3A_780 : vector<16xf32>
      %add3A_782 = arith.constant 2.000000e-01 : f32
      %add3A_783 = vector.broadcast %add3A_782 : f32 to vector<16xf32>
      %add3A_784 = arith.addf %add3A_783, %mul3A_781 : vector<16xf32>
      %mul3A_785 = arith.mulf %mul3A_771, %add3A_784 : vector<16xf32>
      %add3A_786 = arith.constant 0.333333343 : f32
      %add3A_787 = vector.broadcast %add3A_786 : f32 to vector<16xf32>
      %add3A_788 = arith.addf %add3A_787, %mul3A_785 : vector<16xf32>
      %mul3A_789 = arith.mulf %mul3A_771, %add3A_788 : vector<16xf32>
      %add3A_790 = arith.constant 1.000000e+00 : f32
      %add3A_791 = vector.broadcast %add3A_790 : f32 to vector<16xf32>
      %add3A_792 = arith.addf %add3A_791, %mul3A_789 : vector<16xf32>
      %mul3A_793 = arith.mulf %mul3A_774, %add3A_792 : vector<16xf32>
      %convert_element_type3A_794 = arith.sitofp %sub3A_756 : vector<16xi32> to vector<16xf32>
      %mul3A_795 = arith.constant 0.693147182 : f32
      %mul3A_796 = vector.broadcast %mul3A_795 : f32 to vector<16xf32>
      %mul3A_797 = arith.mulf %convert_element_type3A_794, %mul3A_796 : vector<16xf32>
      %add3A_798 = arith.addf %mul3A_797, %mul3A_793 : vector<16xf32>
      %add3A_799 = arith.addf %add3A_739, %add3A_798 : vector<16xf32>
      scf.yield %add3A_799 : vector<16xf32>
    }
    %scan3A_88 = arith.constant 4 : i32
    %dma_start3A_89 = arith.constant 128 : i32
    %dma_start3A_90 = tpu.memref_slice %arg8[%dma_start3A_89] : memref<512xi32, #tpu.memory_space<vmem>> -> memref<64xi32, #tpu.memory_space<vmem>>
    %dma_start3A_91 = arith.constant 0 : i32
    %dma_start3A_92 = arith.constant 0 : i32
    %dma_start3A_93 = tpu.memref_slice %arg5[%dma_start3A_91, %dma_start3A_92] : memref<1000000x128xf32, #tpu.memory_space<hbm>> -> memref<1000000x128xf32, #tpu.memory_space<hbm>>
    tpu.enqueue_indirect_dma source(%dma_start3A_93 : memref<1000000x128xf32, #tpu.memory_space<hbm>>) target(%arg12 : memref<64x128xf32, #tpu.memory_space<vmem>>) offsets(%dma_start3A_90 : memref<64xi32, #tpu.memory_space<vmem>>) semaphore(%arg17 : memref<!tpu.dma_semaphore, #tpu.memory_space<semaphore_mem>>)
    %dma_start3A_94 = arith.constant 0 : i32
    %dma_start3A_95 = arith.constant 0 : i32
    %dma_start3A_96 = tpu.memref_slice %arg13[%dma_start3A_94, %dma_start3A_95] : memref<384x128xf32, #tpu.memory_space<vmem>> -> memref<64x128xf32, #tpu.memory_space<vmem>>
    %dma_start3A_97 = arith.constant 128 : i32
    %dma_start3A_98 = tpu.memref_slice %arg9[%dma_start3A_97] : memref<512xi32, #tpu.memory_space<vmem>> -> memref<64xi32, #tpu.memory_space<vmem>>
    %dma_start3A_99 = arith.constant 0 : i32
    %dma_start3A_100 = arith.constant 0 : i32
    %dma_start3A_101 = tpu.memref_slice %arg6[%dma_start3A_99, %dma_start3A_100] : memref<1000000x128xf32, #tpu.memory_space<hbm>> -> memref<1000000x128xf32, #tpu.memory_space<hbm>>
    tpu.enqueue_indirect_dma source(%dma_start3A_101 : memref<1000000x128xf32, #tpu.memory_space<hbm>>) target(%dma_start3A_96 : memref<64x128xf32, #tpu.memory_space<vmem>>) offsets(%dma_start3A_98 : memref<64xi32, #tpu.memory_space<vmem>>) semaphore(%arg17 : memref<!tpu.dma_semaphore, #tpu.memory_space<semaphore_mem>>)
    %dma_start3A_102 = arith.constant 64 : i32
    %dma_start3A_103 = arith.constant 0 : i32
    %dma_start3A_104 = tpu.memref_slice %arg13[%dma_start3A_102, %dma_start3A_103] : memref<384x128xf32, #tpu.memory_space<vmem>> -> memref<320x128xf32, #tpu.memory_space<vmem>>
    %dma_start3A_105 = arith.constant 640 : i32
    %dma_start3A_106 = tpu.memref_slice %arg11[%dma_start3A_105] : memref<2560xi32, #tpu.memory_space<vmem>> -> memref<320xi32, #tpu.memory_space<vmem>>
    %dma_start3A_107 = arith.constant 0 : i32
    %dma_start3A_108 = arith.constant 0 : i32
    %dma_start3A_109 = tpu.memref_slice %arg6[%dma_start3A_107, %dma_start3A_108] : memref<1000000x128xf32, #tpu.memory_space<hbm>> -> memref<1000000x128xf32, #tpu.memory_space<hbm>>
    tpu.enqueue_indirect_dma source(%dma_start3A_109 : memref<1000000x128xf32, #tpu.memory_space<hbm>>) target(%dma_start3A_104 : memref<320x128xf32, #tpu.memory_space<vmem>>) offsets(%dma_start3A_106 : memref<320xi32, #tpu.memory_space<vmem>>) semaphore(%arg17 : memref<!tpu.dma_semaphore, #tpu.memory_space<semaphore_mem>>)
    %dma_wait3A_110 = arith.constant 64 : i32
    %dma_wait3A_111 = tpu.memref_slice %arg8[%dma_wait3A_110] : memref<512xi32, #tpu.memory_space<vmem>> -> memref<64xi32, #tpu.memory_space<vmem>>
    %dma_wait3A_112 = arith.constant 0 : i32
    %dma_wait3A_113 = arith.constant 0 : i32
    %dma_wait3A_114 = tpu.memref_slice %arg5[%dma_wait3A_112, %dma_wait3A_113] : memref<1000000x128xf32, #tpu.memory_space<hbm>> -> memref<1000000x128xf32, #tpu.memory_space<hbm>>
    tpu.wait_indirect_dma semaphore(%arg18 : memref<!tpu.dma_semaphore, #tpu.memory_space<semaphore_mem>>) src(%dma_wait3A_114 : memref<1000000x128xf32, #tpu.memory_space<hbm>>) dst(%arg14 : memref<64x128xf32, #tpu.memory_space<vmem>>)
    %dma_wait3A_115 = arith.constant 0 : i32
    %dma_wait3A_116 = arith.constant 0 : i32
    %dma_wait3A_117 = tpu.memref_slice %arg15[%dma_wait3A_115, %dma_wait3A_116] : memref<384x128xf32, #tpu.memory_space<vmem>> -> memref<64x128xf32, #tpu.memory_space<vmem>>
    %dma_wait3A_118 = arith.constant 64 : i32
    %dma_wait3A_119 = tpu.memref_slice %arg9[%dma_wait3A_118] : memref<512xi32, #tpu.memory_space<vmem>> -> memref<64xi32, #tpu.memory_space<vmem>>
    %dma_wait3A_120 = arith.constant 0 : i32
    %dma_wait3A_121 = arith.constant 0 : i32
    %dma_wait3A_122 = tpu.memref_slice %arg6[%dma_wait3A_120, %dma_wait3A_121] : memref<1000000x128xf32, #tpu.memory_space<hbm>> -> memref<1000000x128xf32, #tpu.memory_space<hbm>>
    tpu.wait_indirect_dma semaphore(%arg18 : memref<!tpu.dma_semaphore, #tpu.memory_space<semaphore_mem>>) src(%dma_wait3A_122 : memref<1000000x128xf32, #tpu.memory_space<hbm>>) dst(%dma_wait3A_117 : memref<64x128xf32, #tpu.memory_space<vmem>>)
    %dma_wait3A_123 = arith.constant 64 : i32
    %dma_wait3A_124 = arith.constant 0 : i32
    %dma_wait3A_125 = tpu.memref_slice %arg15[%dma_wait3A_123, %dma_wait3A_124] : memref<384x128xf32, #tpu.memory_space<vmem>> -> memref<320x128xf32, #tpu.memory_space<vmem>>
    %dma_wait3A_126 = arith.constant 320 : i32
    %dma_wait3A_127 = tpu.memref_slice %arg11[%dma_wait3A_126] : memref<2560xi32, #tpu.memory_space<vmem>> -> memref<320xi32, #tpu.memory_space<vmem>>
    %dma_wait3A_128 = arith.constant 0 : i32
    %dma_wait3A_129 = arith.constant 0 : i32
    %dma_wait3A_130 = tpu.memref_slice %arg6[%dma_wait3A_128, %dma_wait3A_129] : memref<1000000x128xf32, #tpu.memory_space<hbm>> -> memref<1000000x128xf32, #tpu.memory_space<hbm>>
    tpu.wait_indirect_dma semaphore(%arg18 : memref<!tpu.dma_semaphore, #tpu.memory_space<semaphore_mem>>) src(%dma_wait3A_130 : memref<1000000x128xf32, #tpu.memory_space<hbm>>) dst(%dma_wait3A_125 : memref<320x128xf32, #tpu.memory_space<vmem>>)
    %scan3A_131 = arith.constant 0 : i32
    %scan3A_132 = arith.constant 4 : i32
    %scan3A_133 = arith.addi %scan3A_131, %scan3A_132 : i32
    %scan3A_134 = arith.constant 1 : i32
    %scan3A_135 = scf.for %scan3A_407 = %scan3A_131 to %scan3A_133 step %scan3A_134 iter_args(%scan3A_408 = %scan3A_87) -> (vector<16xf32>)  : i32 {
      %mul3A_409 = arith.constant 16 : i32
      %mul3A_410 = arith.muli %scan3A_407, %mul3A_409 : i32
      %add3A_411 = vector.broadcast %mul3A_410 : i32 to vector<16xi32>
      %add3A_412 = arith.addi %iota3A_19, %add3A_411 : vector<16xi32>
      %mul3A_413 = arith.constant 5 : i32
      %mul3A_414 = vector.broadcast %mul3A_413 : i32 to vector<16xi32>
      %mul3A_415 = arith.muli %add3A_412, %mul3A_414 : vector<16xi32>
      %add3A_416 = arith.constant 64 : i32
      %add3A_417 = vector.broadcast %add3A_416 : i32 to vector<16xi32>
      %add3A_418 = arith.addi %mul3A_415, %add3A_417 : vector<16xi32>
      %mul3A_419 = arith.constant 5 : i32
      %mul3A_420 = vector.broadcast %mul3A_419 : i32 to vector<16xi32>
      %mul3A_421 = arith.muli %add3A_412, %mul3A_420 : vector<16xi32>
      %add3A_422 = arith.constant 65 : i32
      %add3A_423 = vector.broadcast %add3A_422 : i32 to vector<16xi32>
      %add3A_424 = arith.addi %mul3A_421, %add3A_423 : vector<16xi32>
      %mul3A_425 = arith.constant 5 : i32
      %mul3A_426 = vector.broadcast %mul3A_425 : i32 to vector<16xi32>
      %mul3A_427 = arith.muli %add3A_412, %mul3A_426 : vector<16xi32>
      %add3A_428 = arith.constant 66 : i32
      %add3A_429 = vector.broadcast %add3A_428 : i32 to vector<16xi32>
      %add3A_430 = arith.addi %mul3A_427, %add3A_429 : vector<16xi32>
      %mul3A_431 = arith.constant 5 : i32
      %mul3A_432 = vector.broadcast %mul3A_431 : i32 to vector<16xi32>
      %mul3A_433 = arith.muli %add3A_412, %mul3A_432 : vector<16xi32>
      %add3A_434 = arith.constant 67 : i32
      %add3A_435 = vector.broadcast %add3A_434 : i32 to vector<16xi32>
      %add3A_436 = arith.addi %mul3A_433, %add3A_435 : vector<16xi32>
      %mul3A_437 = arith.constant 5 : i32
      %mul3A_438 = vector.broadcast %mul3A_437 : i32 to vector<16xi32>
      %mul3A_439 = arith.muli %add3A_412, %mul3A_438 : vector<16xi32>
      %add3A_440 = arith.constant 68 : i32
      %add3A_441 = vector.broadcast %add3A_440 : i32 to vector<16xi32>
      %add3A_442 = arith.addi %mul3A_439, %add3A_441 : vector<16xi32>
      %broadcast_in_dim3A_443 = arith.constant 0.000000e+00 : f32
      %broadcast_in_dim3A_444 = vector.broadcast %broadcast_in_dim3A_443 : f32 to vector<16xf32>
      %parallel_loop3A_445 = arith.constant 0 : i32
      %parallel_loop3A_446 = arith.constant 128 : i32
      %parallel_loop3A_447 = arith.constant 1 : i32
      %parallel_loop3A_448:7 = scf.for %parallel_loop3A_800 = %parallel_loop3A_445 to %parallel_loop3A_446 step %parallel_loop3A_447 iter_args(%parallel_loop3A_801 = %broadcast_in_dim3A_444, %parallel_loop3A_802 = %broadcast_in_dim3A_444, %parallel_loop3A_803 = %broadcast_in_dim3A_444, %parallel_loop3A_804 = %broadcast_in_dim3A_444, %parallel_loop3A_805 = %broadcast_in_dim3A_444, %parallel_loop3A_806 = %broadcast_in_dim3A_444, %parallel_loop3A_807 = %iota3A_19) -> (vector<16xf32>, vector<16xf32>, vector<16xf32>, vector<16xf32>, vector<16xf32>, vector<16xf32>, vector<16xi32>)  : i32 {
        %parallel_loop3A_808 = tpu.vector_load_idx %arg14[%add3A_412, %parallel_loop3A_807] : memref<64x128xf32, #tpu.memory_space<vmem>>[vector<16xi32>, vector<16xi32>], vector<16xf32>,
        %parallel_loop3A_809 = tpu.vector_load_idx %arg15[%add3A_412, %parallel_loop3A_807] : memref<384x128xf32, #tpu.memory_space<vmem>>[vector<16xi32>, vector<16xi32>], vector<16xf32>,
        %parallel_loop3A_810 = arith.mulf %parallel_loop3A_808, %parallel_loop3A_809 : vector<16xf32>
        %parallel_loop3A_811 = arith.addf %parallel_loop3A_801, %parallel_loop3A_810 : vector<16xf32>
        %parallel_loop3A_812 = tpu.vector_load_idx %arg15[%add3A_418, %parallel_loop3A_807] : memref<384x128xf32, #tpu.memory_space<vmem>>[vector<16xi32>, vector<16xi32>], vector<16xf32>,
        %parallel_loop3A_813 = arith.mulf %parallel_loop3A_808, %parallel_loop3A_812 : vector<16xf32>
        %parallel_loop3A_814 = arith.addf %parallel_loop3A_802, %parallel_loop3A_813 : vector<16xf32>
        %parallel_loop3A_815 = tpu.vector_load_idx %arg15[%add3A_424, %parallel_loop3A_807] : memref<384x128xf32, #tpu.memory_space<vmem>>[vector<16xi32>, vector<16xi32>], vector<16xf32>,
        %parallel_loop3A_816 = arith.mulf %parallel_loop3A_808, %parallel_loop3A_815 : vector<16xf32>
        %parallel_loop3A_817 = arith.addf %parallel_loop3A_803, %parallel_loop3A_816 : vector<16xf32>
        %parallel_loop3A_818 = tpu.vector_load_idx %arg15[%add3A_430, %parallel_loop3A_807] : memref<384x128xf32, #tpu.memory_space<vmem>>[vector<16xi32>, vector<16xi32>], vector<16xf32>,
        %parallel_loop3A_819 = arith.mulf %parallel_loop3A_808, %parallel_loop3A_818 : vector<16xf32>
        %parallel_loop3A_820 = arith.addf %parallel_loop3A_804, %parallel_loop3A_819 : vector<16xf32>
        %parallel_loop3A_821 = tpu.vector_load_idx %arg15[%add3A_436, %parallel_loop3A_807] : memref<384x128xf32, #tpu.memory_space<vmem>>[vector<16xi32>, vector<16xi32>], vector<16xf32>,
        %parallel_loop3A_822 = arith.mulf %parallel_loop3A_808, %parallel_loop3A_821 : vector<16xf32>
        %parallel_loop3A_823 = arith.addf %parallel_loop3A_805, %parallel_loop3A_822 : vector<16xf32>
        %parallel_loop3A_824 = tpu.vector_load_idx %arg15[%add3A_442, %parallel_loop3A_807] : memref<384x128xf32, #tpu.memory_space<vmem>>[vector<16xi32>, vector<16xi32>], vector<16xf32>,
        %parallel_loop3A_825 = arith.mulf %parallel_loop3A_808, %parallel_loop3A_824 : vector<16xf32>
        %parallel_loop3A_826 = arith.addf %parallel_loop3A_806, %parallel_loop3A_825 : vector<16xf32>
        %parallel_loop3A_827 = arith.constant 1 : i32
        %parallel_loop3A_828 = vector.broadcast %parallel_loop3A_827 : i32 to vector<16xi32>
        %parallel_loop3A_829 = arith.addi %parallel_loop3A_807, %parallel_loop3A_828 : vector<16xi32>
        %parallel_loop3A_830 = arith.constant 127 : i32
        %parallel_loop3A_831 = vector.broadcast %parallel_loop3A_830 : i32 to vector<16xi32>
        %parallel_loop3A_832 = arith.andi %parallel_loop3A_829, %parallel_loop3A_831 : vector<16xi32>
        scf.yield %parallel_loop3A_811, %parallel_loop3A_814, %parallel_loop3A_817, %parallel_loop3A_820, %parallel_loop3A_823, %parallel_loop3A_826, %parallel_loop3A_832 : vector<16xf32>, vector<16xf32>, vector<16xf32>, vector<16xf32>, vector<16xf32>, vector<16xf32>, vector<16xi32>
      } {sc.loop_unroll_factor = 2 : i64, sc.parallel_access}
      %jit3A = arith.constant -1.000000e+01 : f32
      %jit3A_449 = arith.constant 1.000000e+01 : f32
      %max3A = vector.broadcast %jit3A : f32 to vector<16xf32>
      %max3A_450 = arith.maximumf %max3A, %parallel_loop3A_448#0 : vector<16xf32>
      %min3A = vector.broadcast %jit3A_449 : f32 to vector<16xf32>
      %min3A_451 = arith.minimumf %min3A, %max3A_450 : vector<16xf32>
      %neg3A = arith.constant 0.000000e+00 : f32
      %neg3A_452 = vector.broadcast %neg3A : f32 to vector<16xf32>
      %neg3A_453 = arith.subf %neg3A_452, %min3A_451 : vector<16xf32>
      %exp3A = math.exp %neg3A_453 : vector<16xf32>
      %add3A_454 = arith.constant 1.000000e+00 : f32
      %add3A_455 = vector.broadcast %add3A_454 : f32 to vector<16xf32>
      %add3A_456 = arith.addf %add3A_455, %exp3A : vector<16xf32>
      %bitcast_convert_type3A = tpu.bitcast %add3A_456 : vector<16xf32> -> vector<16xi32>
      %shift_right_arithmetic3A = arith.constant 23 : i32
      %shift_right_arithmetic3A_457 = vector.broadcast %shift_right_arithmetic3A : i32 to vector<16xi32>
      %shift_right_arithmetic3A_458 = arith.shrsi %bitcast_convert_type3A, %shift_right_arithmetic3A_457 : vector<16xi32>
      %sub3A = arith.constant 127 : i32
      %sub3A_459 = vector.broadcast %sub3A : i32 to vector<16xi32>
      %sub3A_460 = arith.subi %shift_right_arithmetic3A_458, %sub3A_459 : vector<16xi32>
      %and3A = arith.constant 8388607 : i32
      %and3A_461 = vector.broadcast %and3A : i32 to vector<16xi32>
      %and3A_462 = arith.andi %bitcast_convert_type3A, %and3A_461 : vector<16xi32>
      %or3A = arith.constant 1065353216 : i32
      %or3A_463 = vector.broadcast %or3A : i32 to vector<16xi32>
      %or3A_464 = arith.ori %and3A_462, %or3A_463 : vector<16xi32>
      %bitcast_convert_type3A_465 = tpu.bitcast %or3A_464 : vector<16xi32> -> vector<16xf32>
      %sub3A_466 = arith.constant 1.000000e+00 : f32
      %sub3A_467 = vector.broadcast %sub3A_466 : f32 to vector<16xf32>
      %sub3A_468 = arith.subf %bitcast_convert_type3A_465, %sub3A_467 : vector<16xf32>
      %add3A_469 = arith.constant 1.000000e+00 : f32
      %add3A_470 = vector.broadcast %add3A_469 : f32 to vector<16xf32>
      %add3A_471 = arith.addf %bitcast_convert_type3A_465, %add3A_470 : vector<16xf32>
      %div3A = arith.divf %sub3A_468, %add3A_471 : vector<16xf32>
      %mul3A_472 = arith.mulf %div3A, %div3A : vector<16xf32>
      %mul3A_473 = arith.constant 2.000000e+00 : f32
      %mul3A_474 = vector.broadcast %mul3A_473 : f32 to vector<16xf32>
      %mul3A_475 = arith.mulf %mul3A_474, %div3A : vector<16xf32>
      %mul3A_476 = arith.constant 0.111111112 : f32
      %mul3A_477 = vector.broadcast %mul3A_476 : f32 to vector<16xf32>
      %mul3A_478 = arith.mulf %mul3A_472, %mul3A_477 : vector<16xf32>
      %add3A_479 = arith.constant 0.142857149 : f32
      %add3A_480 = vector.broadcast %add3A_479 : f32 to vector<16xf32>
      %add3A_481 = arith.addf %add3A_480, %mul3A_478 : vector<16xf32>
      %mul3A_482 = arith.mulf %mul3A_472, %add3A_481 : vector<16xf32>
      %add3A_483 = arith.constant 2.000000e-01 : f32
      %add3A_484 = vector.broadcast %add3A_483 : f32 to vector<16xf32>
      %add3A_485 = arith.addf %add3A_484, %mul3A_482 : vector<16xf32>
      %mul3A_486 = arith.mulf %mul3A_472, %add3A_485 : vector<16xf32>
      %add3A_487 = arith.constant 0.333333343 : f32
      %add3A_488 = vector.broadcast %add3A_487 : f32 to vector<16xf32>
      %add3A_489 = arith.addf %add3A_488, %mul3A_486 : vector<16xf32>
      %mul3A_490 = arith.mulf %mul3A_472, %add3A_489 : vector<16xf32>
      %add3A_491 = arith.constant 1.000000e+00 : f32
      %add3A_492 = vector.broadcast %add3A_491 : f32 to vector<16xf32>
      %add3A_493 = arith.addf %add3A_492, %mul3A_490 : vector<16xf32>
      %mul3A_494 = arith.mulf %mul3A_475, %add3A_493 : vector<16xf32>
      %convert_element_type3A = arith.sitofp %sub3A_460 : vector<16xi32> to vector<16xf32>
      %mul3A_495 = arith.constant 0.693147182 : f32
      %mul3A_496 = vector.broadcast %mul3A_495 : f32 to vector<16xf32>
      %mul3A_497 = arith.mulf %convert_element_type3A, %mul3A_496 : vector<16xf32>
      %add3A_498 = arith.addf %mul3A_497, %mul3A_494 : vector<16xf32>
      %add3A_499 = arith.addf %scan3A_408, %add3A_498 : vector<16xf32>
      %jit3A_500 = arith.constant -1.000000e+01 : f32
      %jit3A_501 = arith.constant 1.000000e+01 : f32
      %max3A_502 = vector.broadcast %jit3A_500 : f32 to vector<16xf32>
      %max3A_503 = arith.maximumf %max3A_502, %parallel_loop3A_448#1 : vector<16xf32>
      %min3A_504 = vector.broadcast %jit3A_501 : f32 to vector<16xf32>
      %min3A_505 = arith.minimumf %min3A_504, %max3A_503 : vector<16xf32>
      %exp3A_506 = math.exp %min3A_505 : vector<16xf32>
      %add3A_507 = arith.constant 1.000000e+00 : f32
      %add3A_508 = vector.broadcast %add3A_507 : f32 to vector<16xf32>
      %add3A_509 = arith.addf %add3A_508, %exp3A_506 : vector<16xf32>
      %bitcast_convert_type3A_510 = tpu.bitcast %add3A_509 : vector<16xf32> -> vector<16xi32>
      %shift_right_arithmetic3A_511 = arith.constant 23 : i32
      %shift_right_arithmetic3A_512 = vector.broadcast %shift_right_arithmetic3A_511 : i32 to vector<16xi32>
      %shift_right_arithmetic3A_513 = arith.shrsi %bitcast_convert_type3A_510, %shift_right_arithmetic3A_512 : vector<16xi32>
      %sub3A_514 = arith.constant 127 : i32
      %sub3A_515 = vector.broadcast %sub3A_514 : i32 to vector<16xi32>
      %sub3A_516 = arith.subi %shift_right_arithmetic3A_513, %sub3A_515 : vector<16xi32>
      %and3A_517 = arith.constant 8388607 : i32
      %and3A_518 = vector.broadcast %and3A_517 : i32 to vector<16xi32>
      %and3A_519 = arith.andi %bitcast_convert_type3A_510, %and3A_518 : vector<16xi32>
      %or3A_520 = arith.constant 1065353216 : i32
      %or3A_521 = vector.broadcast %or3A_520 : i32 to vector<16xi32>
      %or3A_522 = arith.ori %and3A_519, %or3A_521 : vector<16xi32>
      %bitcast_convert_type3A_523 = tpu.bitcast %or3A_522 : vector<16xi32> -> vector<16xf32>
      %sub3A_524 = arith.constant 1.000000e+00 : f32
      %sub3A_525 = vector.broadcast %sub3A_524 : f32 to vector<16xf32>
      %sub3A_526 = arith.subf %bitcast_convert_type3A_523, %sub3A_525 : vector<16xf32>
      %add3A_527 = arith.constant 1.000000e+00 : f32
      %add3A_528 = vector.broadcast %add3A_527 : f32 to vector<16xf32>
      %add3A_529 = arith.addf %bitcast_convert_type3A_523, %add3A_528 : vector<16xf32>
      %div3A_530 = arith.divf %sub3A_526, %add3A_529 : vector<16xf32>
      %mul3A_531 = arith.mulf %div3A_530, %div3A_530 : vector<16xf32>
      %mul3A_532 = arith.constant 2.000000e+00 : f32
      %mul3A_533 = vector.broadcast %mul3A_532 : f32 to vector<16xf32>
      %mul3A_534 = arith.mulf %mul3A_533, %div3A_530 : vector<16xf32>
      %mul3A_535 = arith.constant 0.111111112 : f32
      %mul3A_536 = vector.broadcast %mul3A_535 : f32 to vector<16xf32>
      %mul3A_537 = arith.mulf %mul3A_531, %mul3A_536 : vector<16xf32>
      %add3A_538 = arith.constant 0.142857149 : f32
      %add3A_539 = vector.broadcast %add3A_538 : f32 to vector<16xf32>
      %add3A_540 = arith.addf %add3A_539, %mul3A_537 : vector<16xf32>
      %mul3A_541 = arith.mulf %mul3A_531, %add3A_540 : vector<16xf32>
      %add3A_542 = arith.constant 2.000000e-01 : f32
      %add3A_543 = vector.broadcast %add3A_542 : f32 to vector<16xf32>
      %add3A_544 = arith.addf %add3A_543, %mul3A_541 : vector<16xf32>
      %mul3A_545 = arith.mulf %mul3A_531, %add3A_544 : vector<16xf32>
      %add3A_546 = arith.constant 0.333333343 : f32
      %add3A_547 = vector.broadcast %add3A_546 : f32 to vector<16xf32>
      %add3A_548 = arith.addf %add3A_547, %mul3A_545 : vector<16xf32>
      %mul3A_549 = arith.mulf %mul3A_531, %add3A_548 : vector<16xf32>
      %add3A_550 = arith.constant 1.000000e+00 : f32
      %add3A_551 = vector.broadcast %add3A_550 : f32 to vector<16xf32>
      %add3A_552 = arith.addf %add3A_551, %mul3A_549 : vector<16xf32>
      %mul3A_553 = arith.mulf %mul3A_534, %add3A_552 : vector<16xf32>
      %convert_element_type3A_554 = arith.sitofp %sub3A_516 : vector<16xi32> to vector<16xf32>
      %mul3A_555 = arith.constant 0.693147182 : f32
      %mul3A_556 = vector.broadcast %mul3A_555 : f32 to vector<16xf32>
      %mul3A_557 = arith.mulf %convert_element_type3A_554, %mul3A_556 : vector<16xf32>
      %add3A_558 = arith.addf %mul3A_557, %mul3A_553 : vector<16xf32>
      %add3A_559 = arith.addf %add3A_499, %add3A_558 : vector<16xf32>
      %jit3A_560 = arith.constant -1.000000e+01 : f32
      %jit3A_561 = arith.constant 1.000000e+01 : f32
      %max3A_562 = vector.broadcast %jit3A_560 : f32 to vector<16xf32>
      %max3A_563 = arith.maximumf %max3A_562, %parallel_loop3A_448#2 : vector<16xf32>
      %min3A_564 = vector.broadcast %jit3A_561 : f32 to vector<16xf32>
      %min3A_565 = arith.minimumf %min3A_564, %max3A_563 : vector<16xf32>
      %exp3A_566 = math.exp %min3A_565 : vector<16xf32>
      %add3A_567 = arith.constant 1.000000e+00 : f32
      %add3A_568 = vector.broadcast %add3A_567 : f32 to vector<16xf32>
      %add3A_569 = arith.addf %add3A_568, %exp3A_566 : vector<16xf32>
      %bitcast_convert_type3A_570 = tpu.bitcast %add3A_569 : vector<16xf32> -> vector<16xi32>
      %shift_right_arithmetic3A_571 = arith.constant 23 : i32
      %shift_right_arithmetic3A_572 = vector.broadcast %shift_right_arithmetic3A_571 : i32 to vector<16xi32>
      %shift_right_arithmetic3A_573 = arith.shrsi %bitcast_convert_type3A_570, %shift_right_arithmetic3A_572 : vector<16xi32>
      %sub3A_574 = arith.constant 127 : i32
      %sub3A_575 = vector.broadcast %sub3A_574 : i32 to vector<16xi32>
      %sub3A_576 = arith.subi %shift_right_arithmetic3A_573, %sub3A_575 : vector<16xi32>
      %and3A_577 = arith.constant 8388607 : i32
      %and3A_578 = vector.broadcast %and3A_577 : i32 to vector<16xi32>
      %and3A_579 = arith.andi %bitcast_convert_type3A_570, %and3A_578 : vector<16xi32>
      %or3A_580 = arith.constant 1065353216 : i32
      %or3A_581 = vector.broadcast %or3A_580 : i32 to vector<16xi32>
      %or3A_582 = arith.ori %and3A_579, %or3A_581 : vector<16xi32>
      %bitcast_convert_type3A_583 = tpu.bitcast %or3A_582 : vector<16xi32> -> vector<16xf32>
      %sub3A_584 = arith.constant 1.000000e+00 : f32
      %sub3A_585 = vector.broadcast %sub3A_584 : f32 to vector<16xf32>
      %sub3A_586 = arith.subf %bitcast_convert_type3A_583, %sub3A_585 : vector<16xf32>
      %add3A_587 = arith.constant 1.000000e+00 : f32
      %add3A_588 = vector.broadcast %add3A_587 : f32 to vector<16xf32>
      %add3A_589 = arith.addf %bitcast_convert_type3A_583, %add3A_588 : vector<16xf32>
      %div3A_590 = arith.divf %sub3A_586, %add3A_589 : vector<16xf32>
      %mul3A_591 = arith.mulf %div3A_590, %div3A_590 : vector<16xf32>
      %mul3A_592 = arith.constant 2.000000e+00 : f32
      %mul3A_593 = vector.broadcast %mul3A_592 : f32 to vector<16xf32>
      %mul3A_594 = arith.mulf %mul3A_593, %div3A_590 : vector<16xf32>
      %mul3A_595 = arith.constant 0.111111112 : f32
      %mul3A_596 = vector.broadcast %mul3A_595 : f32 to vector<16xf32>
      %mul3A_597 = arith.mulf %mul3A_591, %mul3A_596 : vector<16xf32>
      %add3A_598 = arith.constant 0.142857149 : f32
      %add3A_599 = vector.broadcast %add3A_598 : f32 to vector<16xf32>
      %add3A_600 = arith.addf %add3A_599, %mul3A_597 : vector<16xf32>
      %mul3A_601 = arith.mulf %mul3A_591, %add3A_600 : vector<16xf32>
      %add3A_602 = arith.constant 2.000000e-01 : f32
      %add3A_603 = vector.broadcast %add3A_602 : f32 to vector<16xf32>
      %add3A_604 = arith.addf %add3A_603, %mul3A_601 : vector<16xf32>
      %mul3A_605 = arith.mulf %mul3A_591, %add3A_604 : vector<16xf32>
      %add3A_606 = arith.constant 0.333333343 : f32
      %add3A_607 = vector.broadcast %add3A_606 : f32 to vector<16xf32>
      %add3A_608 = arith.addf %add3A_607, %mul3A_605 : vector<16xf32>
      %mul3A_609 = arith.mulf %mul3A_591, %add3A_608 : vector<16xf32>
      %add3A_610 = arith.constant 1.000000e+00 : f32
      %add3A_611 = vector.broadcast %add3A_610 : f32 to vector<16xf32>
      %add3A_612 = arith.addf %add3A_611, %mul3A_609 : vector<16xf32>
      %mul3A_613 = arith.mulf %mul3A_594, %add3A_612 : vector<16xf32>
      %convert_element_type3A_614 = arith.sitofp %sub3A_576 : vector<16xi32> to vector<16xf32>
      %mul3A_615 = arith.constant 0.693147182 : f32
      %mul3A_616 = vector.broadcast %mul3A_615 : f32 to vector<16xf32>
      %mul3A_617 = arith.mulf %convert_element_type3A_614, %mul3A_616 : vector<16xf32>
      %add3A_618 = arith.addf %mul3A_617, %mul3A_613 : vector<16xf32>
      %add3A_619 = arith.addf %add3A_559, %add3A_618 : vector<16xf32>
      %jit3A_620 = arith.constant -1.000000e+01 : f32
      %jit3A_621 = arith.constant 1.000000e+01 : f32
      %max3A_622 = vector.broadcast %jit3A_620 : f32 to vector<16xf32>
      %max3A_623 = arith.maximumf %max3A_622, %parallel_loop3A_448#3 : vector<16xf32>
      %min3A_624 = vector.broadcast %jit3A_621 : f32 to vector<16xf32>
      %min3A_625 = arith.minimumf %min3A_624, %max3A_623 : vector<16xf32>
      %exp3A_626 = math.exp %min3A_625 : vector<16xf32>
      %add3A_627 = arith.constant 1.000000e+00 : f32
      %add3A_628 = vector.broadcast %add3A_627 : f32 to vector<16xf32>
      %add3A_629 = arith.addf %add3A_628, %exp3A_626 : vector<16xf32>
      %bitcast_convert_type3A_630 = tpu.bitcast %add3A_629 : vector<16xf32> -> vector<16xi32>
      %shift_right_arithmetic3A_631 = arith.constant 23 : i32
      %shift_right_arithmetic3A_632 = vector.broadcast %shift_right_arithmetic3A_631 : i32 to vector<16xi32>
      %shift_right_arithmetic3A_633 = arith.shrsi %bitcast_convert_type3A_630, %shift_right_arithmetic3A_632 : vector<16xi32>
      %sub3A_634 = arith.constant 127 : i32
      %sub3A_635 = vector.broadcast %sub3A_634 : i32 to vector<16xi32>
      %sub3A_636 = arith.subi %shift_right_arithmetic3A_633, %sub3A_635 : vector<16xi32>
      %and3A_637 = arith.constant 8388607 : i32
      %and3A_638 = vector.broadcast %and3A_637 : i32 to vector<16xi32>
      %and3A_639 = arith.andi %bitcast_convert_type3A_630, %and3A_638 : vector<16xi32>
      %or3A_640 = arith.constant 1065353216 : i32
      %or3A_641 = vector.broadcast %or3A_640 : i32 to vector<16xi32>
      %or3A_642 = arith.ori %and3A_639, %or3A_641 : vector<16xi32>
      %bitcast_convert_type3A_643 = tpu.bitcast %or3A_642 : vector<16xi32> -> vector<16xf32>
      %sub3A_644 = arith.constant 1.000000e+00 : f32
      %sub3A_645 = vector.broadcast %sub3A_644 : f32 to vector<16xf32>
      %sub3A_646 = arith.subf %bitcast_convert_type3A_643, %sub3A_645 : vector<16xf32>
      %add3A_647 = arith.constant 1.000000e+00 : f32
      %add3A_648 = vector.broadcast %add3A_647 : f32 to vector<16xf32>
      %add3A_649 = arith.addf %bitcast_convert_type3A_643, %add3A_648 : vector<16xf32>
      %div3A_650 = arith.divf %sub3A_646, %add3A_649 : vector<16xf32>
      %mul3A_651 = arith.mulf %div3A_650, %div3A_650 : vector<16xf32>
      %mul3A_652 = arith.constant 2.000000e+00 : f32
      %mul3A_653 = vector.broadcast %mul3A_652 : f32 to vector<16xf32>
      %mul3A_654 = arith.mulf %mul3A_653, %div3A_650 : vector<16xf32>
      %mul3A_655 = arith.constant 0.111111112 : f32
      %mul3A_656 = vector.broadcast %mul3A_655 : f32 to vector<16xf32>
      %mul3A_657 = arith.mulf %mul3A_651, %mul3A_656 : vector<16xf32>
      %add3A_658 = arith.constant 0.142857149 : f32
      %add3A_659 = vector.broadcast %add3A_658 : f32 to vector<16xf32>
      %add3A_660 = arith.addf %add3A_659, %mul3A_657 : vector<16xf32>
      %mul3A_661 = arith.mulf %mul3A_651, %add3A_660 : vector<16xf32>
      %add3A_662 = arith.constant 2.000000e-01 : f32
      %add3A_663 = vector.broadcast %add3A_662 : f32 to vector<16xf32>
      %add3A_664 = arith.addf %add3A_663, %mul3A_661 : vector<16xf32>
      %mul3A_665 = arith.mulf %mul3A_651, %add3A_664 : vector<16xf32>
      %add3A_666 = arith.constant 0.333333343 : f32
      %add3A_667 = vector.broadcast %add3A_666 : f32 to vector<16xf32>
      %add3A_668 = arith.addf %add3A_667, %mul3A_665 : vector<16xf32>
      %mul3A_669 = arith.mulf %mul3A_651, %add3A_668 : vector<16xf32>
      %add3A_670 = arith.constant 1.000000e+00 : f32
      %add3A_671 = vector.broadcast %add3A_670 : f32 to vector<16xf32>
      %add3A_672 = arith.addf %add3A_671, %mul3A_669 : vector<16xf32>
      %mul3A_673 = arith.mulf %mul3A_654, %add3A_672 : vector<16xf32>
      %convert_element_type3A_674 = arith.sitofp %sub3A_636 : vector<16xi32> to vector<16xf32>
      %mul3A_675 = arith.constant 0.693147182 : f32
      %mul3A_676 = vector.broadcast %mul3A_675 : f32 to vector<16xf32>
      %mul3A_677 = arith.mulf %convert_element_type3A_674, %mul3A_676 : vector<16xf32>
      %add3A_678 = arith.addf %mul3A_677, %mul3A_673 : vector<16xf32>
      %add3A_679 = arith.addf %add3A_619, %add3A_678 : vector<16xf32>
      %jit3A_680 = arith.constant -1.000000e+01 : f32
      %jit3A_681 = arith.constant 1.000000e+01 : f32
      %max3A_682 = vector.broadcast %jit3A_680 : f32 to vector<16xf32>
      %max3A_683 = arith.maximumf %max3A_682, %parallel_loop3A_448#4 : vector<16xf32>
      %min3A_684 = vector.broadcast %jit3A_681 : f32 to vector<16xf32>
      %min3A_685 = arith.minimumf %min3A_684, %max3A_683 : vector<16xf32>
      %exp3A_686 = math.exp %min3A_685 : vector<16xf32>
      %add3A_687 = arith.constant 1.000000e+00 : f32
      %add3A_688 = vector.broadcast %add3A_687 : f32 to vector<16xf32>
      %add3A_689 = arith.addf %add3A_688, %exp3A_686 : vector<16xf32>
      %bitcast_convert_type3A_690 = tpu.bitcast %add3A_689 : vector<16xf32> -> vector<16xi32>
      %shift_right_arithmetic3A_691 = arith.constant 23 : i32
      %shift_right_arithmetic3A_692 = vector.broadcast %shift_right_arithmetic3A_691 : i32 to vector<16xi32>
      %shift_right_arithmetic3A_693 = arith.shrsi %bitcast_convert_type3A_690, %shift_right_arithmetic3A_692 : vector<16xi32>
      %sub3A_694 = arith.constant 127 : i32
      %sub3A_695 = vector.broadcast %sub3A_694 : i32 to vector<16xi32>
      %sub3A_696 = arith.subi %shift_right_arithmetic3A_693, %sub3A_695 : vector<16xi32>
      %and3A_697 = arith.constant 8388607 : i32
      %and3A_698 = vector.broadcast %and3A_697 : i32 to vector<16xi32>
      %and3A_699 = arith.andi %bitcast_convert_type3A_690, %and3A_698 : vector<16xi32>
      %or3A_700 = arith.constant 1065353216 : i32
      %or3A_701 = vector.broadcast %or3A_700 : i32 to vector<16xi32>
      %or3A_702 = arith.ori %and3A_699, %or3A_701 : vector<16xi32>
      %bitcast_convert_type3A_703 = tpu.bitcast %or3A_702 : vector<16xi32> -> vector<16xf32>
      %sub3A_704 = arith.constant 1.000000e+00 : f32
      %sub3A_705 = vector.broadcast %sub3A_704 : f32 to vector<16xf32>
      %sub3A_706 = arith.subf %bitcast_convert_type3A_703, %sub3A_705 : vector<16xf32>
      %add3A_707 = arith.constant 1.000000e+00 : f32
      %add3A_708 = vector.broadcast %add3A_707 : f32 to vector<16xf32>
      %add3A_709 = arith.addf %bitcast_convert_type3A_703, %add3A_708 : vector<16xf32>
      %div3A_710 = arith.divf %sub3A_706, %add3A_709 : vector<16xf32>
      %mul3A_711 = arith.mulf %div3A_710, %div3A_710 : vector<16xf32>
      %mul3A_712 = arith.constant 2.000000e+00 : f32
      %mul3A_713 = vector.broadcast %mul3A_712 : f32 to vector<16xf32>
      %mul3A_714 = arith.mulf %mul3A_713, %div3A_710 : vector<16xf32>
      %mul3A_715 = arith.constant 0.111111112 : f32
      %mul3A_716 = vector.broadcast %mul3A_715 : f32 to vector<16xf32>
      %mul3A_717 = arith.mulf %mul3A_711, %mul3A_716 : vector<16xf32>
      %add3A_718 = arith.constant 0.142857149 : f32
      %add3A_719 = vector.broadcast %add3A_718 : f32 to vector<16xf32>
      %add3A_720 = arith.addf %add3A_719, %mul3A_717 : vector<16xf32>
      %mul3A_721 = arith.mulf %mul3A_711, %add3A_720 : vector<16xf32>
      %add3A_722 = arith.constant 2.000000e-01 : f32
      %add3A_723 = vector.broadcast %add3A_722 : f32 to vector<16xf32>
      %add3A_724 = arith.addf %add3A_723, %mul3A_721 : vector<16xf32>
      %mul3A_725 = arith.mulf %mul3A_711, %add3A_724 : vector<16xf32>
      %add3A_726 = arith.constant 0.333333343 : f32
      %add3A_727 = vector.broadcast %add3A_726 : f32 to vector<16xf32>
      %add3A_728 = arith.addf %add3A_727, %mul3A_725 : vector<16xf32>
      %mul3A_729 = arith.mulf %mul3A_711, %add3A_728 : vector<16xf32>
      %add3A_730 = arith.constant 1.000000e+00 : f32
      %add3A_731 = vector.broadcast %add3A_730 : f32 to vector<16xf32>
      %add3A_732 = arith.addf %add3A_731, %mul3A_729 : vector<16xf32>
      %mul3A_733 = arith.mulf %mul3A_714, %add3A_732 : vector<16xf32>
      %convert_element_type3A_734 = arith.sitofp %sub3A_696 : vector<16xi32> to vector<16xf32>
      %mul3A_735 = arith.constant 0.693147182 : f32
      %mul3A_736 = vector.broadcast %mul3A_735 : f32 to vector<16xf32>
      %mul3A_737 = arith.mulf %convert_element_type3A_734, %mul3A_736 : vector<16xf32>
      %add3A_738 = arith.addf %mul3A_737, %mul3A_733 : vector<16xf32>
      %add3A_739 = arith.addf %add3A_679, %add3A_738 : vector<16xf32>
      %jit3A_740 = arith.constant -1.000000e+01 : f32
      %jit3A_741 = arith.constant 1.000000e+01 : f32
      %max3A_742 = vector.broadcast %jit3A_740 : f32 to vector<16xf32>
      %max3A_743 = arith.maximumf %max3A_742, %parallel_loop3A_448#5 : vector<16xf32>
      %min3A_744 = vector.broadcast %jit3A_741 : f32 to vector<16xf32>
      %min3A_745 = arith.minimumf %min3A_744, %max3A_743 : vector<16xf32>
      %exp3A_746 = math.exp %min3A_745 : vector<16xf32>
      %add3A_747 = arith.constant 1.000000e+00 : f32
      %add3A_748 = vector.broadcast %add3A_747 : f32 to vector<16xf32>
      %add3A_749 = arith.addf %add3A_748, %exp3A_746 : vector<16xf32>
      %bitcast_convert_type3A_750 = tpu.bitcast %add3A_749 : vector<16xf32> -> vector<16xi32>
      %shift_right_arithmetic3A_751 = arith.constant 23 : i32
      %shift_right_arithmetic3A_752 = vector.broadcast %shift_right_arithmetic3A_751 : i32 to vector<16xi32>
      %shift_right_arithmetic3A_753 = arith.shrsi %bitcast_convert_type3A_750, %shift_right_arithmetic3A_752 : vector<16xi32>
      %sub3A_754 = arith.constant 127 : i32
      %sub3A_755 = vector.broadcast %sub3A_754 : i32 to vector<16xi32>
      %sub3A_756 = arith.subi %shift_right_arithmetic3A_753, %sub3A_755 : vector<16xi32>
      %and3A_757 = arith.constant 8388607 : i32
      %and3A_758 = vector.broadcast %and3A_757 : i32 to vector<16xi32>
      %and3A_759 = arith.andi %bitcast_convert_type3A_750, %and3A_758 : vector<16xi32>
      %or3A_760 = arith.constant 1065353216 : i32
      %or3A_761 = vector.broadcast %or3A_760 : i32 to vector<16xi32>
      %or3A_762 = arith.ori %and3A_759, %or3A_761 : vector<16xi32>
      %bitcast_convert_type3A_763 = tpu.bitcast %or3A_762 : vector<16xi32> -> vector<16xf32>
      %sub3A_764 = arith.constant 1.000000e+00 : f32
      %sub3A_765 = vector.broadcast %sub3A_764 : f32 to vector<16xf32>
      %sub3A_766 = arith.subf %bitcast_convert_type3A_763, %sub3A_765 : vector<16xf32>
      %add3A_767 = arith.constant 1.000000e+00 : f32
      %add3A_768 = vector.broadcast %add3A_767 : f32 to vector<16xf32>
      %add3A_769 = arith.addf %bitcast_convert_type3A_763, %add3A_768 : vector<16xf32>
      %div3A_770 = arith.divf %sub3A_766, %add3A_769 : vector<16xf32>
      %mul3A_771 = arith.mulf %div3A_770, %div3A_770 : vector<16xf32>
      %mul3A_772 = arith.constant 2.000000e+00 : f32
      %mul3A_773 = vector.broadcast %mul3A_772 : f32 to vector<16xf32>
      %mul3A_774 = arith.mulf %mul3A_773, %div3A_770 : vector<16xf32>
      %mul3A_775 = arith.constant 0.111111112 : f32
      %mul3A_776 = vector.broadcast %mul3A_775 : f32 to vector<16xf32>
      %mul3A_777 = arith.mulf %mul3A_771, %mul3A_776 : vector<16xf32>
      %add3A_778 = arith.constant 0.142857149 : f32
      %add3A_779 = vector.broadcast %add3A_778 : f32 to vector<16xf32>
      %add3A_780 = arith.addf %add3A_779, %mul3A_777 : vector<16xf32>
      %mul3A_781 = arith.mulf %mul3A_771, %add3A_780 : vector<16xf32>
      %add3A_782 = arith.constant 2.000000e-01 : f32
      %add3A_783 = vector.broadcast %add3A_782 : f32 to vector<16xf32>
      %add3A_784 = arith.addf %add3A_783, %mul3A_781 : vector<16xf32>
      %mul3A_785 = arith.mulf %mul3A_771, %add3A_784 : vector<16xf32>
      %add3A_786 = arith.constant 0.333333343 : f32
      %add3A_787 = vector.broadcast %add3A_786 : f32 to vector<16xf32>
      %add3A_788 = arith.addf %add3A_787, %mul3A_785 : vector<16xf32>
      %mul3A_789 = arith.mulf %mul3A_771, %add3A_788 : vector<16xf32>
      %add3A_790 = arith.constant 1.000000e+00 : f32
      %add3A_791 = vector.broadcast %add3A_790 : f32 to vector<16xf32>
      %add3A_792 = arith.addf %add3A_791, %mul3A_789 : vector<16xf32>
      %mul3A_793 = arith.mulf %mul3A_774, %add3A_792 : vector<16xf32>
      %convert_element_type3A_794 = arith.sitofp %sub3A_756 : vector<16xi32> to vector<16xf32>
      %mul3A_795 = arith.constant 0.693147182 : f32
      %mul3A_796 = vector.broadcast %mul3A_795 : f32 to vector<16xf32>
      %mul3A_797 = arith.mulf %convert_element_type3A_794, %mul3A_796 : vector<16xf32>
      %add3A_798 = arith.addf %mul3A_797, %mul3A_793 : vector<16xf32>
      %add3A_799 = arith.addf %add3A_739, %add3A_798 : vector<16xf32>
      scf.yield %add3A_799 : vector<16xf32>
    }
    %scan3A_136 = arith.constant 4 : i32
    %dma_start3A_137 = arith.constant 192 : i32
    %dma_start3A_138 = tpu.memref_slice %arg8[%dma_start3A_137] : memref<512xi32, #tpu.memory_space<vmem>> -> memref<64xi32, #tpu.memory_space<vmem>>
    %dma_start3A_139 = arith.constant 0 : i32
    %dma_start3A_140 = arith.constant 0 : i32
    %dma_start3A_141 = tpu.memref_slice %arg5[%dma_start3A_139, %dma_start3A_140] : memref<1000000x128xf32, #tpu.memory_space<hbm>> -> memref<1000000x128xf32, #tpu.memory_space<hbm>>
    tpu.enqueue_indirect_dma source(%dma_start3A_141 : memref<1000000x128xf32, #tpu.memory_space<hbm>>) target(%arg14 : memref<64x128xf32, #tpu.memory_space<vmem>>) offsets(%dma_start3A_138 : memref<64xi32, #tpu.memory_space<vmem>>) semaphore(%arg18 : memref<!tpu.dma_semaphore, #tpu.memory_space<semaphore_mem>>)
    %dma_start3A_142 = arith.constant 0 : i32
    %dma_start3A_143 = arith.constant 0 : i32
    %dma_start3A_144 = tpu.memref_slice %arg15[%dma_start3A_142, %dma_start3A_143] : memref<384x128xf32, #tpu.memory_space<vmem>> -> memref<64x128xf32, #tpu.memory_space<vmem>>
    %dma_start3A_145 = arith.constant 192 : i32
    %dma_start3A_146 = tpu.memref_slice %arg9[%dma_start3A_145] : memref<512xi32, #tpu.memory_space<vmem>> -> memref<64xi32, #tpu.memory_space<vmem>>
    %dma_start3A_147 = arith.constant 0 : i32
    %dma_start3A_148 = arith.constant 0 : i32
    %dma_start3A_149 = tpu.memref_slice %arg6[%dma_start3A_147, %dma_start3A_148] : memref<1000000x128xf32, #tpu.memory_space<hbm>> -> memref<1000000x128xf32, #tpu.memory_space<hbm>>
    tpu.enqueue_indirect_dma source(%dma_start3A_149 : memref<1000000x128xf32, #tpu.memory_space<hbm>>) target(%dma_start3A_144 : memref<64x128xf32, #tpu.memory_space<vmem>>) offsets(%dma_start3A_146 : memref<64xi32, #tpu.memory_space<vmem>>) semaphore(%arg18 : memref<!tpu.dma_semaphore, #tpu.memory_space<semaphore_mem>>)
    %dma_start3A_150 = arith.constant 64 : i32
    %dma_start3A_151 = arith.constant 0 : i32
    %dma_start3A_152 = tpu.memref_slice %arg15[%dma_start3A_150, %dma_start3A_151] : memref<384x128xf32, #tpu.memory_space<vmem>> -> memref<320x128xf32, #tpu.memory_space<vmem>>
    %dma_start3A_153 = arith.constant 960 : i32
    %dma_start3A_154 = tpu.memref_slice %arg11[%dma_start3A_153] : memref<2560xi32, #tpu.memory_space<vmem>> -> memref<320xi32, #tpu.memory_space<vmem>>
    %dma_start3A_155 = arith.constant 0 : i32
    %dma_start3A_156 = arith.constant 0 : i32
    %dma_start3A_157 = tpu.memref_slice %arg6[%dma_start3A_155, %dma_start3A_156] : memref<1000000x128xf32, #tpu.memory_space<hbm>> -> memref<1000000x128xf32, #tpu.memory_space<hbm>>
    tpu.enqueue_indirect_dma source(%dma_start3A_157 : memref<1000000x128xf32, #tpu.memory_space<hbm>>) target(%dma_start3A_152 : memref<320x128xf32, #tpu.memory_space<vmem>>) offsets(%dma_start3A_154 : memref<320xi32, #tpu.memory_space<vmem>>) semaphore(%arg18 : memref<!tpu.dma_semaphore, #tpu.memory_space<semaphore_mem>>)
    %dma_wait3A_158 = arith.constant 128 : i32
    %dma_wait3A_159 = tpu.memref_slice %arg8[%dma_wait3A_158] : memref<512xi32, #tpu.memory_space<vmem>> -> memref<64xi32, #tpu.memory_space<vmem>>
    %dma_wait3A_160 = arith.constant 0 : i32
    %dma_wait3A_161 = arith.constant 0 : i32
    %dma_wait3A_162 = tpu.memref_slice %arg5[%dma_wait3A_160, %dma_wait3A_161] : memref<1000000x128xf32, #tpu.memory_space<hbm>> -> memref<1000000x128xf32, #tpu.memory_space<hbm>>
    tpu.wait_indirect_dma semaphore(%arg17 : memref<!tpu.dma_semaphore, #tpu.memory_space<semaphore_mem>>) src(%dma_wait3A_162 : memref<1000000x128xf32, #tpu.memory_space<hbm>>) dst(%arg12 : memref<64x128xf32, #tpu.memory_space<vmem>>)
    %dma_wait3A_163 = arith.constant 0 : i32
    %dma_wait3A_164 = arith.constant 0 : i32
    %dma_wait3A_165 = tpu.memref_slice %arg13[%dma_wait3A_163, %dma_wait3A_164] : memref<384x128xf32, #tpu.memory_space<vmem>> -> memref<64x128xf32, #tpu.memory_space<vmem>>
    %dma_wait3A_166 = arith.constant 128 : i32
    %dma_wait3A_167 = tpu.memref_slice %arg9[%dma_wait3A_166] : memref<512xi32, #tpu.memory_space<vmem>> -> memref<64xi32, #tpu.memory_space<vmem>>
    %dma_wait3A_168 = arith.constant 0 : i32
    %dma_wait3A_169 = arith.constant 0 : i32
    %dma_wait3A_170 = tpu.memref_slice %arg6[%dma_wait3A_168, %dma_wait3A_169] : memref<1000000x128xf32, #tpu.memory_space<hbm>> -> memref<1000000x128xf32, #tpu.memory_space<hbm>>
    tpu.wait_indirect_dma semaphore(%arg17 : memref<!tpu.dma_semaphore, #tpu.memory_space<semaphore_mem>>) src(%dma_wait3A_170 : memref<1000000x128xf32, #tpu.memory_space<hbm>>) dst(%dma_wait3A_165 : memref<64x128xf32, #tpu.memory_space<vmem>>)
    %dma_wait3A_171 = arith.constant 64 : i32
    %dma_wait3A_172 = arith.constant 0 : i32
    %dma_wait3A_173 = tpu.memref_slice %arg13[%dma_wait3A_171, %dma_wait3A_172] : memref<384x128xf32, #tpu.memory_space<vmem>> -> memref<320x128xf32, #tpu.memory_space<vmem>>
    %dma_wait3A_174 = arith.constant 640 : i32
    %dma_wait3A_175 = tpu.memref_slice %arg11[%dma_wait3A_174] : memref<2560xi32, #tpu.memory_space<vmem>> -> memref<320xi32, #tpu.memory_space<vmem>>
    %dma_wait3A_176 = arith.constant 0 : i32
    %dma_wait3A_177 = arith.constant 0 : i32
    %dma_wait3A_178 = tpu.memref_slice %arg6[%dma_wait3A_176, %dma_wait3A_177] : memref<1000000x128xf32, #tpu.memory_space<hbm>> -> memref<1000000x128xf32, #tpu.memory_space<hbm>>
    tpu.wait_indirect_dma semaphore(%arg17 : memref<!tpu.dma_semaphore, #tpu.memory_space<semaphore_mem>>) src(%dma_wait3A_178 : memref<1000000x128xf32, #tpu.memory_space<hbm>>) dst(%dma_wait3A_173 : memref<320x128xf32, #tpu.memory_space<vmem>>)
    %scan3A_179 = arith.constant 0 : i32
    %scan3A_180 = arith.constant 4 : i32
    %scan3A_181 = arith.addi %scan3A_179, %scan3A_180 : i32
    %scan3A_182 = arith.constant 1 : i32
    %scan3A_183 = scf.for %scan3A_407 = %scan3A_179 to %scan3A_181 step %scan3A_182 iter_args(%scan3A_408 = %scan3A_135) -> (vector<16xf32>)  : i32 {
      %mul3A_409 = arith.constant 16 : i32
      %mul3A_410 = arith.muli %scan3A_407, %mul3A_409 : i32
      %add3A_411 = vector.broadcast %mul3A_410 : i32 to vector<16xi32>
      %add3A_412 = arith.addi %iota3A_19, %add3A_411 : vector<16xi32>
      %mul3A_413 = arith.constant 5 : i32
      %mul3A_414 = vector.broadcast %mul3A_413 : i32 to vector<16xi32>
      %mul3A_415 = arith.muli %add3A_412, %mul3A_414 : vector<16xi32>
      %add3A_416 = arith.constant 64 : i32
      %add3A_417 = vector.broadcast %add3A_416 : i32 to vector<16xi32>
      %add3A_418 = arith.addi %mul3A_415, %add3A_417 : vector<16xi32>
      %mul3A_419 = arith.constant 5 : i32
      %mul3A_420 = vector.broadcast %mul3A_419 : i32 to vector<16xi32>
      %mul3A_421 = arith.muli %add3A_412, %mul3A_420 : vector<16xi32>
      %add3A_422 = arith.constant 65 : i32
      %add3A_423 = vector.broadcast %add3A_422 : i32 to vector<16xi32>
      %add3A_424 = arith.addi %mul3A_421, %add3A_423 : vector<16xi32>
      %mul3A_425 = arith.constant 5 : i32
      %mul3A_426 = vector.broadcast %mul3A_425 : i32 to vector<16xi32>
      %mul3A_427 = arith.muli %add3A_412, %mul3A_426 : vector<16xi32>
      %add3A_428 = arith.constant 66 : i32
      %add3A_429 = vector.broadcast %add3A_428 : i32 to vector<16xi32>
      %add3A_430 = arith.addi %mul3A_427, %add3A_429 : vector<16xi32>
      %mul3A_431 = arith.constant 5 : i32
      %mul3A_432 = vector.broadcast %mul3A_431 : i32 to vector<16xi32>
      %mul3A_433 = arith.muli %add3A_412, %mul3A_432 : vector<16xi32>
      %add3A_434 = arith.constant 67 : i32
      %add3A_435 = vector.broadcast %add3A_434 : i32 to vector<16xi32>
      %add3A_436 = arith.addi %mul3A_433, %add3A_435 : vector<16xi32>
      %mul3A_437 = arith.constant 5 : i32
      %mul3A_438 = vector.broadcast %mul3A_437 : i32 to vector<16xi32>
      %mul3A_439 = arith.muli %add3A_412, %mul3A_438 : vector<16xi32>
      %add3A_440 = arith.constant 68 : i32
      %add3A_441 = vector.broadcast %add3A_440 : i32 to vector<16xi32>
      %add3A_442 = arith.addi %mul3A_439, %add3A_441 : vector<16xi32>
      %broadcast_in_dim3A_443 = arith.constant 0.000000e+00 : f32
      %broadcast_in_dim3A_444 = vector.broadcast %broadcast_in_dim3A_443 : f32 to vector<16xf32>
      %parallel_loop3A_445 = arith.constant 0 : i32
      %parallel_loop3A_446 = arith.constant 128 : i32
      %parallel_loop3A_447 = arith.constant 1 : i32
      %parallel_loop3A_448:7 = scf.for %parallel_loop3A_800 = %parallel_loop3A_445 to %parallel_loop3A_446 step %parallel_loop3A_447 iter_args(%parallel_loop3A_801 = %broadcast_in_dim3A_444, %parallel_loop3A_802 = %broadcast_in_dim3A_444, %parallel_loop3A_803 = %broadcast_in_dim3A_444, %parallel_loop3A_804 = %broadcast_in_dim3A_444, %parallel_loop3A_805 = %broadcast_in_dim3A_444, %parallel_loop3A_806 = %broadcast_in_dim3A_444, %parallel_loop3A_807 = %iota3A_19) -> (vector<16xf32>, vector<16xf32>, vector<16xf32>, vector<16xf32>, vector<16xf32>, vector<16xf32>, vector<16xi32>)  : i32 {
        %parallel_loop3A_808 = tpu.vector_load_idx %arg12[%add3A_412, %parallel_loop3A_807] : memref<64x128xf32, #tpu.memory_space<vmem>>[vector<16xi32>, vector<16xi32>], vector<16xf32>,
        %parallel_loop3A_809 = tpu.vector_load_idx %arg13[%add3A_412, %parallel_loop3A_807] : memref<384x128xf32, #tpu.memory_space<vmem>>[vector<16xi32>, vector<16xi32>], vector<16xf32>,
        %parallel_loop3A_810 = arith.mulf %parallel_loop3A_808, %parallel_loop3A_809 : vector<16xf32>
        %parallel_loop3A_811 = arith.addf %parallel_loop3A_801, %parallel_loop3A_810 : vector<16xf32>
        %parallel_loop3A_812 = tpu.vector_load_idx %arg13[%add3A_418, %parallel_loop3A_807] : memref<384x128xf32, #tpu.memory_space<vmem>>[vector<16xi32>, vector<16xi32>], vector<16xf32>,
        %parallel_loop3A_813 = arith.mulf %parallel_loop3A_808, %parallel_loop3A_812 : vector<16xf32>
        %parallel_loop3A_814 = arith.addf %parallel_loop3A_802, %parallel_loop3A_813 : vector<16xf32>
        %parallel_loop3A_815 = tpu.vector_load_idx %arg13[%add3A_424, %parallel_loop3A_807] : memref<384x128xf32, #tpu.memory_space<vmem>>[vector<16xi32>, vector<16xi32>], vector<16xf32>,
        %parallel_loop3A_816 = arith.mulf %parallel_loop3A_808, %parallel_loop3A_815 : vector<16xf32>
        %parallel_loop3A_817 = arith.addf %parallel_loop3A_803, %parallel_loop3A_816 : vector<16xf32>
        %parallel_loop3A_818 = tpu.vector_load_idx %arg13[%add3A_430, %parallel_loop3A_807] : memref<384x128xf32, #tpu.memory_space<vmem>>[vector<16xi32>, vector<16xi32>], vector<16xf32>,
        %parallel_loop3A_819 = arith.mulf %parallel_loop3A_808, %parallel_loop3A_818 : vector<16xf32>
        %parallel_loop3A_820 = arith.addf %parallel_loop3A_804, %parallel_loop3A_819 : vector<16xf32>
        %parallel_loop3A_821 = tpu.vector_load_idx %arg13[%add3A_436, %parallel_loop3A_807] : memref<384x128xf32, #tpu.memory_space<vmem>>[vector<16xi32>, vector<16xi32>], vector<16xf32>,
        %parallel_loop3A_822 = arith.mulf %parallel_loop3A_808, %parallel_loop3A_821 : vector<16xf32>
        %parallel_loop3A_823 = arith.addf %parallel_loop3A_805, %parallel_loop3A_822 : vector<16xf32>
        %parallel_loop3A_824 = tpu.vector_load_idx %arg13[%add3A_442, %parallel_loop3A_807] : memref<384x128xf32, #tpu.memory_space<vmem>>[vector<16xi32>, vector<16xi32>], vector<16xf32>,
        %parallel_loop3A_825 = arith.mulf %parallel_loop3A_808, %parallel_loop3A_824 : vector<16xf32>
        %parallel_loop3A_826 = arith.addf %parallel_loop3A_806, %parallel_loop3A_825 : vector<16xf32>
        %parallel_loop3A_827 = arith.constant 1 : i32
        %parallel_loop3A_828 = vector.broadcast %parallel_loop3A_827 : i32 to vector<16xi32>
        %parallel_loop3A_829 = arith.addi %parallel_loop3A_807, %parallel_loop3A_828 : vector<16xi32>
        %parallel_loop3A_830 = arith.constant 127 : i32
        %parallel_loop3A_831 = vector.broadcast %parallel_loop3A_830 : i32 to vector<16xi32>
        %parallel_loop3A_832 = arith.andi %parallel_loop3A_829, %parallel_loop3A_831 : vector<16xi32>
        scf.yield %parallel_loop3A_811, %parallel_loop3A_814, %parallel_loop3A_817, %parallel_loop3A_820, %parallel_loop3A_823, %parallel_loop3A_826, %parallel_loop3A_832 : vector<16xf32>, vector<16xf32>, vector<16xf32>, vector<16xf32>, vector<16xf32>, vector<16xf32>, vector<16xi32>
      } {sc.loop_unroll_factor = 2 : i64, sc.parallel_access}
      %jit3A = arith.constant -1.000000e+01 : f32
      %jit3A_449 = arith.constant 1.000000e+01 : f32
      %max3A = vector.broadcast %jit3A : f32 to vector<16xf32>
      %max3A_450 = arith.maximumf %max3A, %parallel_loop3A_448#0 : vector<16xf32>
      %min3A = vector.broadcast %jit3A_449 : f32 to vector<16xf32>
      %min3A_451 = arith.minimumf %min3A, %max3A_450 : vector<16xf32>
      %neg3A = arith.constant 0.000000e+00 : f32
      %neg3A_452 = vector.broadcast %neg3A : f32 to vector<16xf32>
      %neg3A_453 = arith.subf %neg3A_452, %min3A_451 : vector<16xf32>
      %exp3A = math.exp %neg3A_453 : vector<16xf32>
      %add3A_454 = arith.constant 1.000000e+00 : f32
      %add3A_455 = vector.broadcast %add3A_454 : f32 to vector<16xf32>
      %add3A_456 = arith.addf %add3A_455, %exp3A : vector<16xf32>
      %bitcast_convert_type3A = tpu.bitcast %add3A_456 : vector<16xf32> -> vector<16xi32>
      %shift_right_arithmetic3A = arith.constant 23 : i32
      %shift_right_arithmetic3A_457 = vector.broadcast %shift_right_arithmetic3A : i32 to vector<16xi32>
      %shift_right_arithmetic3A_458 = arith.shrsi %bitcast_convert_type3A, %shift_right_arithmetic3A_457 : vector<16xi32>
      %sub3A = arith.constant 127 : i32
      %sub3A_459 = vector.broadcast %sub3A : i32 to vector<16xi32>
      %sub3A_460 = arith.subi %shift_right_arithmetic3A_458, %sub3A_459 : vector<16xi32>
      %and3A = arith.constant 8388607 : i32
      %and3A_461 = vector.broadcast %and3A : i32 to vector<16xi32>
      %and3A_462 = arith.andi %bitcast_convert_type3A, %and3A_461 : vector<16xi32>
      %or3A = arith.constant 1065353216 : i32
      %or3A_463 = vector.broadcast %or3A : i32 to vector<16xi32>
      %or3A_464 = arith.ori %and3A_462, %or3A_463 : vector<16xi32>
      %bitcast_convert_type3A_465 = tpu.bitcast %or3A_464 : vector<16xi32> -> vector<16xf32>
      %sub3A_466 = arith.constant 1.000000e+00 : f32
      %sub3A_467 = vector.broadcast %sub3A_466 : f32 to vector<16xf32>
      %sub3A_468 = arith.subf %bitcast_convert_type3A_465, %sub3A_467 : vector<16xf32>
      %add3A_469 = arith.constant 1.000000e+00 : f32
      %add3A_470 = vector.broadcast %add3A_469 : f32 to vector<16xf32>
      %add3A_471 = arith.addf %bitcast_convert_type3A_465, %add3A_470 : vector<16xf32>
      %div3A = arith.divf %sub3A_468, %add3A_471 : vector<16xf32>
      %mul3A_472 = arith.mulf %div3A, %div3A : vector<16xf32>
      %mul3A_473 = arith.constant 2.000000e+00 : f32
      %mul3A_474 = vector.broadcast %mul3A_473 : f32 to vector<16xf32>
      %mul3A_475 = arith.mulf %mul3A_474, %div3A : vector<16xf32>
      %mul3A_476 = arith.constant 0.111111112 : f32
      %mul3A_477 = vector.broadcast %mul3A_476 : f32 to vector<16xf32>
      %mul3A_478 = arith.mulf %mul3A_472, %mul3A_477 : vector<16xf32>
      %add3A_479 = arith.constant 0.142857149 : f32
      %add3A_480 = vector.broadcast %add3A_479 : f32 to vector<16xf32>
      %add3A_481 = arith.addf %add3A_480, %mul3A_478 : vector<16xf32>
      %mul3A_482 = arith.mulf %mul3A_472, %add3A_481 : vector<16xf32>
      %add3A_483 = arith.constant 2.000000e-01 : f32
      %add3A_484 = vector.broadcast %add3A_483 : f32 to vector<16xf32>
      %add3A_485 = arith.addf %add3A_484, %mul3A_482 : vector<16xf32>
      %mul3A_486 = arith.mulf %mul3A_472, %add3A_485 : vector<16xf32>
      %add3A_487 = arith.constant 0.333333343 : f32
      %add3A_488 = vector.broadcast %add3A_487 : f32 to vector<16xf32>
      %add3A_489 = arith.addf %add3A_488, %mul3A_486 : vector<16xf32>
      %mul3A_490 = arith.mulf %mul3A_472, %add3A_489 : vector<16xf32>
      %add3A_491 = arith.constant 1.000000e+00 : f32
      %add3A_492 = vector.broadcast %add3A_491 : f32 to vector<16xf32>
      %add3A_493 = arith.addf %add3A_492, %mul3A_490 : vector<16xf32>
      %mul3A_494 = arith.mulf %mul3A_475, %add3A_493 : vector<16xf32>
      %convert_element_type3A = arith.sitofp %sub3A_460 : vector<16xi32> to vector<16xf32>
      %mul3A_495 = arith.constant 0.693147182 : f32
      %mul3A_496 = vector.broadcast %mul3A_495 : f32 to vector<16xf32>
      %mul3A_497 = arith.mulf %convert_element_type3A, %mul3A_496 : vector<16xf32>
      %add3A_498 = arith.addf %mul3A_497, %mul3A_494 : vector<16xf32>
      %add3A_499 = arith.addf %scan3A_408, %add3A_498 : vector<16xf32>
      %jit3A_500 = arith.constant -1.000000e+01 : f32
      %jit3A_501 = arith.constant 1.000000e+01 : f32
      %max3A_502 = vector.broadcast %jit3A_500 : f32 to vector<16xf32>
      %max3A_503 = arith.maximumf %max3A_502, %parallel_loop3A_448#1 : vector<16xf32>
      %min3A_504 = vector.broadcast %jit3A_501 : f32 to vector<16xf32>
      %min3A_505 = arith.minimumf %min3A_504, %max3A_503 : vector<16xf32>
      %exp3A_506 = math.exp %min3A_505 : vector<16xf32>
      %add3A_507 = arith.constant 1.000000e+00 : f32
      %add3A_508 = vector.broadcast %add3A_507 : f32 to vector<16xf32>
      %add3A_509 = arith.addf %add3A_508, %exp3A_506 : vector<16xf32>
      %bitcast_convert_type3A_510 = tpu.bitcast %add3A_509 : vector<16xf32> -> vector<16xi32>
      %shift_right_arithmetic3A_511 = arith.constant 23 : i32
      %shift_right_arithmetic3A_512 = vector.broadcast %shift_right_arithmetic3A_511 : i32 to vector<16xi32>
      %shift_right_arithmetic3A_513 = arith.shrsi %bitcast_convert_type3A_510, %shift_right_arithmetic3A_512 : vector<16xi32>
      %sub3A_514 = arith.constant 127 : i32
      %sub3A_515 = vector.broadcast %sub3A_514 : i32 to vector<16xi32>
      %sub3A_516 = arith.subi %shift_right_arithmetic3A_513, %sub3A_515 : vector<16xi32>
      %and3A_517 = arith.constant 8388607 : i32
      %and3A_518 = vector.broadcast %and3A_517 : i32 to vector<16xi32>
      %and3A_519 = arith.andi %bitcast_convert_type3A_510, %and3A_518 : vector<16xi32>
      %or3A_520 = arith.constant 1065353216 : i32
      %or3A_521 = vector.broadcast %or3A_520 : i32 to vector<16xi32>
      %or3A_522 = arith.ori %and3A_519, %or3A_521 : vector<16xi32>
      %bitcast_convert_type3A_523 = tpu.bitcast %or3A_522 : vector<16xi32> -> vector<16xf32>
      %sub3A_524 = arith.constant 1.000000e+00 : f32
      %sub3A_525 = vector.broadcast %sub3A_524 : f32 to vector<16xf32>
      %sub3A_526 = arith.subf %bitcast_convert_type3A_523, %sub3A_525 : vector<16xf32>
      %add3A_527 = arith.constant 1.000000e+00 : f32
      %add3A_528 = vector.broadcast %add3A_527 : f32 to vector<16xf32>
      %add3A_529 = arith.addf %bitcast_convert_type3A_523, %add3A_528 : vector<16xf32>
      %div3A_530 = arith.divf %sub3A_526, %add3A_529 : vector<16xf32>
      %mul3A_531 = arith.mulf %div3A_530, %div3A_530 : vector<16xf32>
      %mul3A_532 = arith.constant 2.000000e+00 : f32
      %mul3A_533 = vector.broadcast %mul3A_532 : f32 to vector<16xf32>
      %mul3A_534 = arith.mulf %mul3A_533, %div3A_530 : vector<16xf32>
      %mul3A_535 = arith.constant 0.111111112 : f32
      %mul3A_536 = vector.broadcast %mul3A_535 : f32 to vector<16xf32>
      %mul3A_537 = arith.mulf %mul3A_531, %mul3A_536 : vector<16xf32>
      %add3A_538 = arith.constant 0.142857149 : f32
      %add3A_539 = vector.broadcast %add3A_538 : f32 to vector<16xf32>
      %add3A_540 = arith.addf %add3A_539, %mul3A_537 : vector<16xf32>
      %mul3A_541 = arith.mulf %mul3A_531, %add3A_540 : vector<16xf32>
      %add3A_542 = arith.constant 2.000000e-01 : f32
      %add3A_543 = vector.broadcast %add3A_542 : f32 to vector<16xf32>
      %add3A_544 = arith.addf %add3A_543, %mul3A_541 : vector<16xf32>
      %mul3A_545 = arith.mulf %mul3A_531, %add3A_544 : vector<16xf32>
      %add3A_546 = arith.constant 0.333333343 : f32
      %add3A_547 = vector.broadcast %add3A_546 : f32 to vector<16xf32>
      %add3A_548 = arith.addf %add3A_547, %mul3A_545 : vector<16xf32>
      %mul3A_549 = arith.mulf %mul3A_531, %add3A_548 : vector<16xf32>
      %add3A_550 = arith.constant 1.000000e+00 : f32
      %add3A_551 = vector.broadcast %add3A_550 : f32 to vector<16xf32>
      %add3A_552 = arith.addf %add3A_551, %mul3A_549 : vector<16xf32>
      %mul3A_553 = arith.mulf %mul3A_534, %add3A_552 : vector<16xf32>
      %convert_element_type3A_554 = arith.sitofp %sub3A_516 : vector<16xi32> to vector<16xf32>
      %mul3A_555 = arith.constant 0.693147182 : f32
      %mul3A_556 = vector.broadcast %mul3A_555 : f32 to vector<16xf32>
      %mul3A_557 = arith.mulf %convert_element_type3A_554, %mul3A_556 : vector<16xf32>
      %add3A_558 = arith.addf %mul3A_557, %mul3A_553 : vector<16xf32>
      %add3A_559 = arith.addf %add3A_499, %add3A_558 : vector<16xf32>
      %jit3A_560 = arith.constant -1.000000e+01 : f32
      %jit3A_561 = arith.constant 1.000000e+01 : f32
      %max3A_562 = vector.broadcast %jit3A_560 : f32 to vector<16xf32>
      %max3A_563 = arith.maximumf %max3A_562, %parallel_loop3A_448#2 : vector<16xf32>
      %min3A_564 = vector.broadcast %jit3A_561 : f32 to vector<16xf32>
      %min3A_565 = arith.minimumf %min3A_564, %max3A_563 : vector<16xf32>
      %exp3A_566 = math.exp %min3A_565 : vector<16xf32>
      %add3A_567 = arith.constant 1.000000e+00 : f32
      %add3A_568 = vector.broadcast %add3A_567 : f32 to vector<16xf32>
      %add3A_569 = arith.addf %add3A_568, %exp3A_566 : vector<16xf32>
      %bitcast_convert_type3A_570 = tpu.bitcast %add3A_569 : vector<16xf32> -> vector<16xi32>
      %shift_right_arithmetic3A_571 = arith.constant 23 : i32
      %shift_right_arithmetic3A_572 = vector.broadcast %shift_right_arithmetic3A_571 : i32 to vector<16xi32>
      %shift_right_arithmetic3A_573 = arith.shrsi %bitcast_convert_type3A_570, %shift_right_arithmetic3A_572 : vector<16xi32>
      %sub3A_574 = arith.constant 127 : i32
      %sub3A_575 = vector.broadcast %sub3A_574 : i32 to vector<16xi32>
      %sub3A_576 = arith.subi %shift_right_arithmetic3A_573, %sub3A_575 : vector<16xi32>
      %and3A_577 = arith.constant 8388607 : i32
      %and3A_578 = vector.broadcast %and3A_577 : i32 to vector<16xi32>
      %and3A_579 = arith.andi %bitcast_convert_type3A_570, %and3A_578 : vector<16xi32>
      %or3A_580 = arith.constant 1065353216 : i32
      %or3A_581 = vector.broadcast %or3A_580 : i32 to vector<16xi32>
      %or3A_582 = arith.ori %and3A_579, %or3A_581 : vector<16xi32>
      %bitcast_convert_type3A_583 = tpu.bitcast %or3A_582 : vector<16xi32> -> vector<16xf32>
      %sub3A_584 = arith.constant 1.000000e+00 : f32
      %sub3A_585 = vector.broadcast %sub3A_584 : f32 to vector<16xf32>
      %sub3A_586 = arith.subf %bitcast_convert_type3A_583, %sub3A_585 : vector<16xf32>
      %add3A_587 = arith.constant 1.000000e+00 : f32
      %add3A_588 = vector.broadcast %add3A_587 : f32 to vector<16xf32>
      %add3A_589 = arith.addf %bitcast_convert_type3A_583, %add3A_588 : vector<16xf32>
      %div3A_590 = arith.divf %sub3A_586, %add3A_589 : vector<16xf32>
      %mul3A_591 = arith.mulf %div3A_590, %div3A_590 : vector<16xf32>
      %mul3A_592 = arith.constant 2.000000e+00 : f32
      %mul3A_593 = vector.broadcast %mul3A_592 : f32 to vector<16xf32>
      %mul3A_594 = arith.mulf %mul3A_593, %div3A_590 : vector<16xf32>
      %mul3A_595 = arith.constant 0.111111112 : f32
      %mul3A_596 = vector.broadcast %mul3A_595 : f32 to vector<16xf32>
      %mul3A_597 = arith.mulf %mul3A_591, %mul3A_596 : vector<16xf32>
      %add3A_598 = arith.constant 0.142857149 : f32
      %add3A_599 = vector.broadcast %add3A_598 : f32 to vector<16xf32>
      %add3A_600 = arith.addf %add3A_599, %mul3A_597 : vector<16xf32>
      %mul3A_601 = arith.mulf %mul3A_591, %add3A_600 : vector<16xf32>
      %add3A_602 = arith.constant 2.000000e-01 : f32
      %add3A_603 = vector.broadcast %add3A_602 : f32 to vector<16xf32>
      %add3A_604 = arith.addf %add3A_603, %mul3A_601 : vector<16xf32>
      %mul3A_605 = arith.mulf %mul3A_591, %add3A_604 : vector<16xf32>
      %add3A_606 = arith.constant 0.333333343 : f32
      %add3A_607 = vector.broadcast %add3A_606 : f32 to vector<16xf32>
      %add3A_608 = arith.addf %add3A_607, %mul3A_605 : vector<16xf32>
      %mul3A_609 = arith.mulf %mul3A_591, %add3A_608 : vector<16xf32>
      %add3A_610 = arith.constant 1.000000e+00 : f32
      %add3A_611 = vector.broadcast %add3A_610 : f32 to vector<16xf32>
      %add3A_612 = arith.addf %add3A_611, %mul3A_609 : vector<16xf32>
      %mul3A_613 = arith.mulf %mul3A_594, %add3A_612 : vector<16xf32>
      %convert_element_type3A_614 = arith.sitofp %sub3A_576 : vector<16xi32> to vector<16xf32>
      %mul3A_615 = arith.constant 0.693147182 : f32
      %mul3A_616 = vector.broadcast %mul3A_615 : f32 to vector<16xf32>
      %mul3A_617 = arith.mulf %convert_element_type3A_614, %mul3A_616 : vector<16xf32>
      %add3A_618 = arith.addf %mul3A_617, %mul3A_613 : vector<16xf32>
      %add3A_619 = arith.addf %add3A_559, %add3A_618 : vector<16xf32>
      %jit3A_620 = arith.constant -1.000000e+01 : f32
      %jit3A_621 = arith.constant 1.000000e+01 : f32
      %max3A_622 = vector.broadcast %jit3A_620 : f32 to vector<16xf32>
      %max3A_623 = arith.maximumf %max3A_622, %parallel_loop3A_448#3 : vector<16xf32>
      %min3A_624 = vector.broadcast %jit3A_621 : f32 to vector<16xf32>
      %min3A_625 = arith.minimumf %min3A_624, %max3A_623 : vector<16xf32>
      %exp3A_626 = math.exp %min3A_625 : vector<16xf32>
      %add3A_627 = arith.constant 1.000000e+00 : f32
      %add3A_628 = vector.broadcast %add3A_627 : f32 to vector<16xf32>
      %add3A_629 = arith.addf %add3A_628, %exp3A_626 : vector<16xf32>
      %bitcast_convert_type3A_630 = tpu.bitcast %add3A_629 : vector<16xf32> -> vector<16xi32>
      %shift_right_arithmetic3A_631 = arith.constant 23 : i32
      %shift_right_arithmetic3A_632 = vector.broadcast %shift_right_arithmetic3A_631 : i32 to vector<16xi32>
      %shift_right_arithmetic3A_633 = arith.shrsi %bitcast_convert_type3A_630, %shift_right_arithmetic3A_632 : vector<16xi32>
      %sub3A_634 = arith.constant 127 : i32
      %sub3A_635 = vector.broadcast %sub3A_634 : i32 to vector<16xi32>
      %sub3A_636 = arith.subi %shift_right_arithmetic3A_633, %sub3A_635 : vector<16xi32>
      %and3A_637 = arith.constant 8388607 : i32
      %and3A_638 = vector.broadcast %and3A_637 : i32 to vector<16xi32>
      %and3A_639 = arith.andi %bitcast_convert_type3A_630, %and3A_638 : vector<16xi32>
      %or3A_640 = arith.constant 1065353216 : i32
      %or3A_641 = vector.broadcast %or3A_640 : i32 to vector<16xi32>
      %or3A_642 = arith.ori %and3A_639, %or3A_641 : vector<16xi32>
      %bitcast_convert_type3A_643 = tpu.bitcast %or3A_642 : vector<16xi32> -> vector<16xf32>
      %sub3A_644 = arith.constant 1.000000e+00 : f32
      %sub3A_645 = vector.broadcast %sub3A_644 : f32 to vector<16xf32>
      %sub3A_646 = arith.subf %bitcast_convert_type3A_643, %sub3A_645 : vector<16xf32>
      %add3A_647 = arith.constant 1.000000e+00 : f32
      %add3A_648 = vector.broadcast %add3A_647 : f32 to vector<16xf32>
      %add3A_649 = arith.addf %bitcast_convert_type3A_643, %add3A_648 : vector<16xf32>
      %div3A_650 = arith.divf %sub3A_646, %add3A_649 : vector<16xf32>
      %mul3A_651 = arith.mulf %div3A_650, %div3A_650 : vector<16xf32>
      %mul3A_652 = arith.constant 2.000000e+00 : f32
      %mul3A_653 = vector.broadcast %mul3A_652 : f32 to vector<16xf32>
      %mul3A_654 = arith.mulf %mul3A_653, %div3A_650 : vector<16xf32>
      %mul3A_655 = arith.constant 0.111111112 : f32
      %mul3A_656 = vector.broadcast %mul3A_655 : f32 to vector<16xf32>
      %mul3A_657 = arith.mulf %mul3A_651, %mul3A_656 : vector<16xf32>
      %add3A_658 = arith.constant 0.142857149 : f32
      %add3A_659 = vector.broadcast %add3A_658 : f32 to vector<16xf32>
      %add3A_660 = arith.addf %add3A_659, %mul3A_657 : vector<16xf32>
      %mul3A_661 = arith.mulf %mul3A_651, %add3A_660 : vector<16xf32>
      %add3A_662 = arith.constant 2.000000e-01 : f32
      %add3A_663 = vector.broadcast %add3A_662 : f32 to vector<16xf32>
      %add3A_664 = arith.addf %add3A_663, %mul3A_661 : vector<16xf32>
      %mul3A_665 = arith.mulf %mul3A_651, %add3A_664 : vector<16xf32>
      %add3A_666 = arith.constant 0.333333343 : f32
      %add3A_667 = vector.broadcast %add3A_666 : f32 to vector<16xf32>
      %add3A_668 = arith.addf %add3A_667, %mul3A_665 : vector<16xf32>
      %mul3A_669 = arith.mulf %mul3A_651, %add3A_668 : vector<16xf32>
      %add3A_670 = arith.constant 1.000000e+00 : f32
      %add3A_671 = vector.broadcast %add3A_670 : f32 to vector<16xf32>
      %add3A_672 = arith.addf %add3A_671, %mul3A_669 : vector<16xf32>
      %mul3A_673 = arith.mulf %mul3A_654, %add3A_672 : vector<16xf32>
      %convert_element_type3A_674 = arith.sitofp %sub3A_636 : vector<16xi32> to vector<16xf32>
      %mul3A_675 = arith.constant 0.693147182 : f32
      %mul3A_676 = vector.broadcast %mul3A_675 : f32 to vector<16xf32>
      %mul3A_677 = arith.mulf %convert_element_type3A_674, %mul3A_676 : vector<16xf32>
      %add3A_678 = arith.addf %mul3A_677, %mul3A_673 : vector<16xf32>
      %add3A_679 = arith.addf %add3A_619, %add3A_678 : vector<16xf32>
      %jit3A_680 = arith.constant -1.000000e+01 : f32
      %jit3A_681 = arith.constant 1.000000e+01 : f32
      %max3A_682 = vector.broadcast %jit3A_680 : f32 to vector<16xf32>
      %max3A_683 = arith.maximumf %max3A_682, %parallel_loop3A_448#4 : vector<16xf32>
      %min3A_684 = vector.broadcast %jit3A_681 : f32 to vector<16xf32>
      %min3A_685 = arith.minimumf %min3A_684, %max3A_683 : vector<16xf32>
      %exp3A_686 = math.exp %min3A_685 : vector<16xf32>
      %add3A_687 = arith.constant 1.000000e+00 : f32
      %add3A_688 = vector.broadcast %add3A_687 : f32 to vector<16xf32>
      %add3A_689 = arith.addf %add3A_688, %exp3A_686 : vector<16xf32>
      %bitcast_convert_type3A_690 = tpu.bitcast %add3A_689 : vector<16xf32> -> vector<16xi32>
      %shift_right_arithmetic3A_691 = arith.constant 23 : i32
      %shift_right_arithmetic3A_692 = vector.broadcast %shift_right_arithmetic3A_691 : i32 to vector<16xi32>
      %shift_right_arithmetic3A_693 = arith.shrsi %bitcast_convert_type3A_690, %shift_right_arithmetic3A_692 : vector<16xi32>
      %sub3A_694 = arith.constant 127 : i32
      %sub3A_695 = vector.broadcast %sub3A_694 : i32 to vector<16xi32>
      %sub3A_696 = arith.subi %shift_right_arithmetic3A_693, %sub3A_695 : vector<16xi32>
      %and3A_697 = arith.constant 8388607 : i32
      %and3A_698 = vector.broadcast %and3A_697 : i32 to vector<16xi32>
      %and3A_699 = arith.andi %bitcast_convert_type3A_690, %and3A_698 : vector<16xi32>
      %or3A_700 = arith.constant 1065353216 : i32
      %or3A_701 = vector.broadcast %or3A_700 : i32 to vector<16xi32>
      %or3A_702 = arith.ori %and3A_699, %or3A_701 : vector<16xi32>
      %bitcast_convert_type3A_703 = tpu.bitcast %or3A_702 : vector<16xi32> -> vector<16xf32>
      %sub3A_704 = arith.constant 1.000000e+00 : f32
      %sub3A_705 = vector.broadcast %sub3A_704 : f32 to vector<16xf32>
      %sub3A_706 = arith.subf %bitcast_convert_type3A_703, %sub3A_705 : vector<16xf32>
      %add3A_707 = arith.constant 1.000000e+00 : f32
      %add3A_708 = vector.broadcast %add3A_707 : f32 to vector<16xf32>
      %add3A_709 = arith.addf %bitcast_convert_type3A_703, %add3A_708 : vector<16xf32>
      %div3A_710 = arith.divf %sub3A_706, %add3A_709 : vector<16xf32>
      %mul3A_711 = arith.mulf %div3A_710, %div3A_710 : vector<16xf32>
      %mul3A_712 = arith.constant 2.000000e+00 : f32
      %mul3A_713 = vector.broadcast %mul3A_712 : f32 to vector<16xf32>
      %mul3A_714 = arith.mulf %mul3A_713, %div3A_710 : vector<16xf32>
      %mul3A_715 = arith.constant 0.111111112 : f32
      %mul3A_716 = vector.broadcast %mul3A_715 : f32 to vector<16xf32>
      %mul3A_717 = arith.mulf %mul3A_711, %mul3A_716 : vector<16xf32>
      %add3A_718 = arith.constant 0.142857149 : f32
      %add3A_719 = vector.broadcast %add3A_718 : f32 to vector<16xf32>
      %add3A_720 = arith.addf %add3A_719, %mul3A_717 : vector<16xf32>
      %mul3A_721 = arith.mulf %mul3A_711, %add3A_720 : vector<16xf32>
      %add3A_722 = arith.constant 2.000000e-01 : f32
      %add3A_723 = vector.broadcast %add3A_722 : f32 to vector<16xf32>
      %add3A_724 = arith.addf %add3A_723, %mul3A_721 : vector<16xf32>
      %mul3A_725 = arith.mulf %mul3A_711, %add3A_724 : vector<16xf32>
      %add3A_726 = arith.constant 0.333333343 : f32
      %add3A_727 = vector.broadcast %add3A_726 : f32 to vector<16xf32>
      %add3A_728 = arith.addf %add3A_727, %mul3A_725 : vector<16xf32>
      %mul3A_729 = arith.mulf %mul3A_711, %add3A_728 : vector<16xf32>
      %add3A_730 = arith.constant 1.000000e+00 : f32
      %add3A_731 = vector.broadcast %add3A_730 : f32 to vector<16xf32>
      %add3A_732 = arith.addf %add3A_731, %mul3A_729 : vector<16xf32>
      %mul3A_733 = arith.mulf %mul3A_714, %add3A_732 : vector<16xf32>
      %convert_element_type3A_734 = arith.sitofp %sub3A_696 : vector<16xi32> to vector<16xf32>
      %mul3A_735 = arith.constant 0.693147182 : f32
      %mul3A_736 = vector.broadcast %mul3A_735 : f32 to vector<16xf32>
      %mul3A_737 = arith.mulf %convert_element_type3A_734, %mul3A_736 : vector<16xf32>
      %add3A_738 = arith.addf %mul3A_737, %mul3A_733 : vector<16xf32>
      %add3A_739 = arith.addf %add3A_679, %add3A_738 : vector<16xf32>
      %jit3A_740 = arith.constant -1.000000e+01 : f32
      %jit3A_741 = arith.constant 1.000000e+01 : f32
      %max3A_742 = vector.broadcast %jit3A_740 : f32 to vector<16xf32>
      %max3A_743 = arith.maximumf %max3A_742, %parallel_loop3A_448#5 : vector<16xf32>
      %min3A_744 = vector.broadcast %jit3A_741 : f32 to vector<16xf32>
      %min3A_745 = arith.minimumf %min3A_744, %max3A_743 : vector<16xf32>
      %exp3A_746 = math.exp %min3A_745 : vector<16xf32>
      %add3A_747 = arith.constant 1.000000e+00 : f32
      %add3A_748 = vector.broadcast %add3A_747 : f32 to vector<16xf32>
      %add3A_749 = arith.addf %add3A_748, %exp3A_746 : vector<16xf32>
      %bitcast_convert_type3A_750 = tpu.bitcast %add3A_749 : vector<16xf32> -> vector<16xi32>
      %shift_right_arithmetic3A_751 = arith.constant 23 : i32
      %shift_right_arithmetic3A_752 = vector.broadcast %shift_right_arithmetic3A_751 : i32 to vector<16xi32>
      %shift_right_arithmetic3A_753 = arith.shrsi %bitcast_convert_type3A_750, %shift_right_arithmetic3A_752 : vector<16xi32>
      %sub3A_754 = arith.constant 127 : i32
      %sub3A_755 = vector.broadcast %sub3A_754 : i32 to vector<16xi32>
      %sub3A_756 = arith.subi %shift_right_arithmetic3A_753, %sub3A_755 : vector<16xi32>
      %and3A_757 = arith.constant 8388607 : i32
      %and3A_758 = vector.broadcast %and3A_757 : i32 to vector<16xi32>
      %and3A_759 = arith.andi %bitcast_convert_type3A_750, %and3A_758 : vector<16xi32>
      %or3A_760 = arith.constant 1065353216 : i32
      %or3A_761 = vector.broadcast %or3A_760 : i32 to vector<16xi32>
      %or3A_762 = arith.ori %and3A_759, %or3A_761 : vector<16xi32>
      %bitcast_convert_type3A_763 = tpu.bitcast %or3A_762 : vector<16xi32> -> vector<16xf32>
      %sub3A_764 = arith.constant 1.000000e+00 : f32
      %sub3A_765 = vector.broadcast %sub3A_764 : f32 to vector<16xf32>
      %sub3A_766 = arith.subf %bitcast_convert_type3A_763, %sub3A_765 : vector<16xf32>
      %add3A_767 = arith.constant 1.000000e+00 : f32
      %add3A_768 = vector.broadcast %add3A_767 : f32 to vector<16xf32>
      %add3A_769 = arith.addf %bitcast_convert_type3A_763, %add3A_768 : vector<16xf32>
      %div3A_770 = arith.divf %sub3A_766, %add3A_769 : vector<16xf32>
      %mul3A_771 = arith.mulf %div3A_770, %div3A_770 : vector<16xf32>
      %mul3A_772 = arith.constant 2.000000e+00 : f32
      %mul3A_773 = vector.broadcast %mul3A_772 : f32 to vector<16xf32>
      %mul3A_774 = arith.mulf %mul3A_773, %div3A_770 : vector<16xf32>
      %mul3A_775 = arith.constant 0.111111112 : f32
      %mul3A_776 = vector.broadcast %mul3A_775 : f32 to vector<16xf32>
      %mul3A_777 = arith.mulf %mul3A_771, %mul3A_776 : vector<16xf32>
      %add3A_778 = arith.constant 0.142857149 : f32
      %add3A_779 = vector.broadcast %add3A_778 : f32 to vector<16xf32>
      %add3A_780 = arith.addf %add3A_779, %mul3A_777 : vector<16xf32>
      %mul3A_781 = arith.mulf %mul3A_771, %add3A_780 : vector<16xf32>
      %add3A_782 = arith.constant 2.000000e-01 : f32
      %add3A_783 = vector.broadcast %add3A_782 : f32 to vector<16xf32>
      %add3A_784 = arith.addf %add3A_783, %mul3A_781 : vector<16xf32>
      %mul3A_785 = arith.mulf %mul3A_771, %add3A_784 : vector<16xf32>
      %add3A_786 = arith.constant 0.333333343 : f32
      %add3A_787 = vector.broadcast %add3A_786 : f32 to vector<16xf32>
      %add3A_788 = arith.addf %add3A_787, %mul3A_785 : vector<16xf32>
      %mul3A_789 = arith.mulf %mul3A_771, %add3A_788 : vector<16xf32>
      %add3A_790 = arith.constant 1.000000e+00 : f32
      %add3A_791 = vector.broadcast %add3A_790 : f32 to vector<16xf32>
      %add3A_792 = arith.addf %add3A_791, %mul3A_789 : vector<16xf32>
      %mul3A_793 = arith.mulf %mul3A_774, %add3A_792 : vector<16xf32>
      %convert_element_type3A_794 = arith.sitofp %sub3A_756 : vector<16xi32> to vector<16xf32>
      %mul3A_795 = arith.constant 0.693147182 : f32
      %mul3A_796 = vector.broadcast %mul3A_795 : f32 to vector<16xf32>
      %mul3A_797 = arith.mulf %convert_element_type3A_794, %mul3A_796 : vector<16xf32>
      %add3A_798 = arith.addf %mul3A_797, %mul3A_793 : vector<16xf32>
      %add3A_799 = arith.addf %add3A_739, %add3A_798 : vector<16xf32>
      scf.yield %add3A_799 : vector<16xf32>
    }
    %scan3A_184 = arith.constant 4 : i32
    %dma_start3A_185 = arith.constant 256 : i32
    %dma_start3A_186 = tpu.memref_slice %arg8[%dma_start3A_185] : memref<512xi32, #tpu.memory_space<vmem>> -> memref<64xi32, #tpu.memory_space<vmem>>
    %dma_start3A_187 = arith.constant 0 : i32
    %dma_start3A_188 = arith.constant 0 : i32
    %dma_start3A_189 = tpu.memref_slice %arg5[%dma_start3A_187, %dma_start3A_188] : memref<1000000x128xf32, #tpu.memory_space<hbm>> -> memref<1000000x128xf32, #tpu.memory_space<hbm>>
    tpu.enqueue_indirect_dma source(%dma_start3A_189 : memref<1000000x128xf32, #tpu.memory_space<hbm>>) target(%arg12 : memref<64x128xf32, #tpu.memory_space<vmem>>) offsets(%dma_start3A_186 : memref<64xi32, #tpu.memory_space<vmem>>) semaphore(%arg17 : memref<!tpu.dma_semaphore, #tpu.memory_space<semaphore_mem>>)
    %dma_start3A_190 = arith.constant 0 : i32
    %dma_start3A_191 = arith.constant 0 : i32
    %dma_start3A_192 = tpu.memref_slice %arg13[%dma_start3A_190, %dma_start3A_191] : memref<384x128xf32, #tpu.memory_space<vmem>> -> memref<64x128xf32, #tpu.memory_space<vmem>>
    %dma_start3A_193 = arith.constant 256 : i32
    %dma_start3A_194 = tpu.memref_slice %arg9[%dma_start3A_193] : memref<512xi32, #tpu.memory_space<vmem>> -> memref<64xi32, #tpu.memory_space<vmem>>
    %dma_start3A_195 = arith.constant 0 : i32
    %dma_start3A_196 = arith.constant 0 : i32
    %dma_start3A_197 = tpu.memref_slice %arg6[%dma_start3A_195, %dma_start3A_196] : memref<1000000x128xf32, #tpu.memory_space<hbm>> -> memref<1000000x128xf32, #tpu.memory_space<hbm>>
    tpu.enqueue_indirect_dma source(%dma_start3A_197 : memref<1000000x128xf32, #tpu.memory_space<hbm>>) target(%dma_start3A_192 : memref<64x128xf32, #tpu.memory_space<vmem>>) offsets(%dma_start3A_194 : memref<64xi32, #tpu.memory_space<vmem>>) semaphore(%arg17 : memref<!tpu.dma_semaphore, #tpu.memory_space<semaphore_mem>>)
    %dma_start3A_198 = arith.constant 64 : i32
    %dma_start3A_199 = arith.constant 0 : i32
    %dma_start3A_200 = tpu.memref_slice %arg13[%dma_start3A_198, %dma_start3A_199] : memref<384x128xf32, #tpu.memory_space<vmem>> -> memref<320x128xf32, #tpu.memory_space<vmem>>
    %dma_start3A_201 = arith.constant 1280 : i32
    %dma_start3A_202 = tpu.memref_slice %arg11[%dma_start3A_201] : memref<2560xi32, #tpu.memory_space<vmem>> -> memref<320xi32, #tpu.memory_space<vmem>>
    %dma_start3A_203 = arith.constant 0 : i32
    %dma_start3A_204 = arith.constant 0 : i32
    %dma_start3A_205 = tpu.memref_slice %arg6[%dma_start3A_203, %dma_start3A_204] : memref<1000000x128xf32, #tpu.memory_space<hbm>> -> memref<1000000x128xf32, #tpu.memory_space<hbm>>
    tpu.enqueue_indirect_dma source(%dma_start3A_205 : memref<1000000x128xf32, #tpu.memory_space<hbm>>) target(%dma_start3A_200 : memref<320x128xf32, #tpu.memory_space<vmem>>) offsets(%dma_start3A_202 : memref<320xi32, #tpu.memory_space<vmem>>) semaphore(%arg17 : memref<!tpu.dma_semaphore, #tpu.memory_space<semaphore_mem>>)
    %dma_wait3A_206 = arith.constant 192 : i32
    %dma_wait3A_207 = tpu.memref_slice %arg8[%dma_wait3A_206] : memref<512xi32, #tpu.memory_space<vmem>> -> memref<64xi32, #tpu.memory_space<vmem>>
    %dma_wait3A_208 = arith.constant 0 : i32
    %dma_wait3A_209 = arith.constant 0 : i32
    %dma_wait3A_210 = tpu.memref_slice %arg5[%dma_wait3A_208, %dma_wait3A_209] : memref<1000000x128xf32, #tpu.memory_space<hbm>> -> memref<1000000x128xf32, #tpu.memory_space<hbm>>
    tpu.wait_indirect_dma semaphore(%arg18 : memref<!tpu.dma_semaphore, #tpu.memory_space<semaphore_mem>>) src(%dma_wait3A_210 : memref<1000000x128xf32, #tpu.memory_space<hbm>>) dst(%arg14 : memref<64x128xf32, #tpu.memory_space<vmem>>)
    %dma_wait3A_211 = arith.constant 0 : i32
    %dma_wait3A_212 = arith.constant 0 : i32
    %dma_wait3A_213 = tpu.memref_slice %arg15[%dma_wait3A_211, %dma_wait3A_212] : memref<384x128xf32, #tpu.memory_space<vmem>> -> memref<64x128xf32, #tpu.memory_space<vmem>>
    %dma_wait3A_214 = arith.constant 192 : i32
    %dma_wait3A_215 = tpu.memref_slice %arg9[%dma_wait3A_214] : memref<512xi32, #tpu.memory_space<vmem>> -> memref<64xi32, #tpu.memory_space<vmem>>
    %dma_wait3A_216 = arith.constant 0 : i32
    %dma_wait3A_217 = arith.constant 0 : i32
    %dma_wait3A_218 = tpu.memref_slice %arg6[%dma_wait3A_216, %dma_wait3A_217] : memref<1000000x128xf32, #tpu.memory_space<hbm>> -> memref<1000000x128xf32, #tpu.memory_space<hbm>>
    tpu.wait_indirect_dma semaphore(%arg18 : memref<!tpu.dma_semaphore, #tpu.memory_space<semaphore_mem>>) src(%dma_wait3A_218 : memref<1000000x128xf32, #tpu.memory_space<hbm>>) dst(%dma_wait3A_213 : memref<64x128xf32, #tpu.memory_space<vmem>>)
    %dma_wait3A_219 = arith.constant 64 : i32
    %dma_wait3A_220 = arith.constant 0 : i32
    %dma_wait3A_221 = tpu.memref_slice %arg15[%dma_wait3A_219, %dma_wait3A_220] : memref<384x128xf32, #tpu.memory_space<vmem>> -> memref<320x128xf32, #tpu.memory_space<vmem>>
    %dma_wait3A_222 = arith.constant 960 : i32
    %dma_wait3A_223 = tpu.memref_slice %arg11[%dma_wait3A_222] : memref<2560xi32, #tpu.memory_space<vmem>> -> memref<320xi32, #tpu.memory_space<vmem>>
    %dma_wait3A_224 = arith.constant 0 : i32
    %dma_wait3A_225 = arith.constant 0 : i32
    %dma_wait3A_226 = tpu.memref_slice %arg6[%dma_wait3A_224, %dma_wait3A_225] : memref<1000000x128xf32, #tpu.memory_space<hbm>> -> memref<1000000x128xf32, #tpu.memory_space<hbm>>
    tpu.wait_indirect_dma semaphore(%arg18 : memref<!tpu.dma_semaphore, #tpu.memory_space<semaphore_mem>>) src(%dma_wait3A_226 : memref<1000000x128xf32, #tpu.memory_space<hbm>>) dst(%dma_wait3A_221 : memref<320x128xf32, #tpu.memory_space<vmem>>)
    %scan3A_227 = arith.constant 0 : i32
    %scan3A_228 = arith.constant 4 : i32
    %scan3A_229 = arith.addi %scan3A_227, %scan3A_228 : i32
    %scan3A_230 = arith.constant 1 : i32
    %scan3A_231 = scf.for %scan3A_407 = %scan3A_227 to %scan3A_229 step %scan3A_230 iter_args(%scan3A_408 = %scan3A_183) -> (vector<16xf32>)  : i32 {
      %mul3A_409 = arith.constant 16 : i32
      %mul3A_410 = arith.muli %scan3A_407, %mul3A_409 : i32
      %add3A_411 = vector.broadcast %mul3A_410 : i32 to vector<16xi32>
      %add3A_412 = arith.addi %iota3A_19, %add3A_411 : vector<16xi32>
      %mul3A_413 = arith.constant 5 : i32
      %mul3A_414 = vector.broadcast %mul3A_413 : i32 to vector<16xi32>
      %mul3A_415 = arith.muli %add3A_412, %mul3A_414 : vector<16xi32>
      %add3A_416 = arith.constant 64 : i32
      %add3A_417 = vector.broadcast %add3A_416 : i32 to vector<16xi32>
      %add3A_418 = arith.addi %mul3A_415, %add3A_417 : vector<16xi32>
      %mul3A_419 = arith.constant 5 : i32
      %mul3A_420 = vector.broadcast %mul3A_419 : i32 to vector<16xi32>
      %mul3A_421 = arith.muli %add3A_412, %mul3A_420 : vector<16xi32>
      %add3A_422 = arith.constant 65 : i32
      %add3A_423 = vector.broadcast %add3A_422 : i32 to vector<16xi32>
      %add3A_424 = arith.addi %mul3A_421, %add3A_423 : vector<16xi32>
      %mul3A_425 = arith.constant 5 : i32
      %mul3A_426 = vector.broadcast %mul3A_425 : i32 to vector<16xi32>
      %mul3A_427 = arith.muli %add3A_412, %mul3A_426 : vector<16xi32>
      %add3A_428 = arith.constant 66 : i32
      %add3A_429 = vector.broadcast %add3A_428 : i32 to vector<16xi32>
      %add3A_430 = arith.addi %mul3A_427, %add3A_429 : vector<16xi32>
      %mul3A_431 = arith.constant 5 : i32
      %mul3A_432 = vector.broadcast %mul3A_431 : i32 to vector<16xi32>
      %mul3A_433 = arith.muli %add3A_412, %mul3A_432 : vector<16xi32>
      %add3A_434 = arith.constant 67 : i32
      %add3A_435 = vector.broadcast %add3A_434 : i32 to vector<16xi32>
      %add3A_436 = arith.addi %mul3A_433, %add3A_435 : vector<16xi32>
      %mul3A_437 = arith.constant 5 : i32
      %mul3A_438 = vector.broadcast %mul3A_437 : i32 to vector<16xi32>
      %mul3A_439 = arith.muli %add3A_412, %mul3A_438 : vector<16xi32>
      %add3A_440 = arith.constant 68 : i32
      %add3A_441 = vector.broadcast %add3A_440 : i32 to vector<16xi32>
      %add3A_442 = arith.addi %mul3A_439, %add3A_441 : vector<16xi32>
      %broadcast_in_dim3A_443 = arith.constant 0.000000e+00 : f32
      %broadcast_in_dim3A_444 = vector.broadcast %broadcast_in_dim3A_443 : f32 to vector<16xf32>
      %parallel_loop3A_445 = arith.constant 0 : i32
      %parallel_loop3A_446 = arith.constant 128 : i32
      %parallel_loop3A_447 = arith.constant 1 : i32
      %parallel_loop3A_448:7 = scf.for %parallel_loop3A_800 = %parallel_loop3A_445 to %parallel_loop3A_446 step %parallel_loop3A_447 iter_args(%parallel_loop3A_801 = %broadcast_in_dim3A_444, %parallel_loop3A_802 = %broadcast_in_dim3A_444, %parallel_loop3A_803 = %broadcast_in_dim3A_444, %parallel_loop3A_804 = %broadcast_in_dim3A_444, %parallel_loop3A_805 = %broadcast_in_dim3A_444, %parallel_loop3A_806 = %broadcast_in_dim3A_444, %parallel_loop3A_807 = %iota3A_19) -> (vector<16xf32>, vector<16xf32>, vector<16xf32>, vector<16xf32>, vector<16xf32>, vector<16xf32>, vector<16xi32>)  : i32 {
        %parallel_loop3A_808 = tpu.vector_load_idx %arg14[%add3A_412, %parallel_loop3A_807] : memref<64x128xf32, #tpu.memory_space<vmem>>[vector<16xi32>, vector<16xi32>], vector<16xf32>,
        %parallel_loop3A_809 = tpu.vector_load_idx %arg15[%add3A_412, %parallel_loop3A_807] : memref<384x128xf32, #tpu.memory_space<vmem>>[vector<16xi32>, vector<16xi32>], vector<16xf32>,
        %parallel_loop3A_810 = arith.mulf %parallel_loop3A_808, %parallel_loop3A_809 : vector<16xf32>
        %parallel_loop3A_811 = arith.addf %parallel_loop3A_801, %parallel_loop3A_810 : vector<16xf32>
        %parallel_loop3A_812 = tpu.vector_load_idx %arg15[%add3A_418, %parallel_loop3A_807] : memref<384x128xf32, #tpu.memory_space<vmem>>[vector<16xi32>, vector<16xi32>], vector<16xf32>,
        %parallel_loop3A_813 = arith.mulf %parallel_loop3A_808, %parallel_loop3A_812 : vector<16xf32>
        %parallel_loop3A_814 = arith.addf %parallel_loop3A_802, %parallel_loop3A_813 : vector<16xf32>
        %parallel_loop3A_815 = tpu.vector_load_idx %arg15[%add3A_424, %parallel_loop3A_807] : memref<384x128xf32, #tpu.memory_space<vmem>>[vector<16xi32>, vector<16xi32>], vector<16xf32>,
        %parallel_loop3A_816 = arith.mulf %parallel_loop3A_808, %parallel_loop3A_815 : vector<16xf32>
        %parallel_loop3A_817 = arith.addf %parallel_loop3A_803, %parallel_loop3A_816 : vector<16xf32>
        %parallel_loop3A_818 = tpu.vector_load_idx %arg15[%add3A_430, %parallel_loop3A_807] : memref<384x128xf32, #tpu.memory_space<vmem>>[vector<16xi32>, vector<16xi32>], vector<16xf32>,
        %parallel_loop3A_819 = arith.mulf %parallel_loop3A_808, %parallel_loop3A_818 : vector<16xf32>
        %parallel_loop3A_820 = arith.addf %parallel_loop3A_804, %parallel_loop3A_819 : vector<16xf32>
        %parallel_loop3A_821 = tpu.vector_load_idx %arg15[%add3A_436, %parallel_loop3A_807] : memref<384x128xf32, #tpu.memory_space<vmem>>[vector<16xi32>, vector<16xi32>], vector<16xf32>,
        %parallel_loop3A_822 = arith.mulf %parallel_loop3A_808, %parallel_loop3A_821 : vector<16xf32>
        %parallel_loop3A_823 = arith.addf %parallel_loop3A_805, %parallel_loop3A_822 : vector<16xf32>
        %parallel_loop3A_824 = tpu.vector_load_idx %arg15[%add3A_442, %parallel_loop3A_807] : memref<384x128xf32, #tpu.memory_space<vmem>>[vector<16xi32>, vector<16xi32>], vector<16xf32>,
        %parallel_loop3A_825 = arith.mulf %parallel_loop3A_808, %parallel_loop3A_824 : vector<16xf32>
        %parallel_loop3A_826 = arith.addf %parallel_loop3A_806, %parallel_loop3A_825 : vector<16xf32>
        %parallel_loop3A_827 = arith.constant 1 : i32
        %parallel_loop3A_828 = vector.broadcast %parallel_loop3A_827 : i32 to vector<16xi32>
        %parallel_loop3A_829 = arith.addi %parallel_loop3A_807, %parallel_loop3A_828 : vector<16xi32>
        %parallel_loop3A_830 = arith.constant 127 : i32
        %parallel_loop3A_831 = vector.broadcast %parallel_loop3A_830 : i32 to vector<16xi32>
        %parallel_loop3A_832 = arith.andi %parallel_loop3A_829, %parallel_loop3A_831 : vector<16xi32>
        scf.yield %parallel_loop3A_811, %parallel_loop3A_814, %parallel_loop3A_817, %parallel_loop3A_820, %parallel_loop3A_823, %parallel_loop3A_826, %parallel_loop3A_832 : vector<16xf32>, vector<16xf32>, vector<16xf32>, vector<16xf32>, vector<16xf32>, vector<16xf32>, vector<16xi32>
      } {sc.loop_unroll_factor = 2 : i64, sc.parallel_access}
      %jit3A = arith.constant -1.000000e+01 : f32
      %jit3A_449 = arith.constant 1.000000e+01 : f32
      %max3A = vector.broadcast %jit3A : f32 to vector<16xf32>
      %max3A_450 = arith.maximumf %max3A, %parallel_loop3A_448#0 : vector<16xf32>
      %min3A = vector.broadcast %jit3A_449 : f32 to vector<16xf32>
      %min3A_451 = arith.minimumf %min3A, %max3A_450 : vector<16xf32>
      %neg3A = arith.constant 0.000000e+00 : f32
      %neg3A_452 = vector.broadcast %neg3A : f32 to vector<16xf32>
      %neg3A_453 = arith.subf %neg3A_452, %min3A_451 : vector<16xf32>
      %exp3A = math.exp %neg3A_453 : vector<16xf32>
      %add3A_454 = arith.constant 1.000000e+00 : f32
      %add3A_455 = vector.broadcast %add3A_454 : f32 to vector<16xf32>
      %add3A_456 = arith.addf %add3A_455, %exp3A : vector<16xf32>
      %bitcast_convert_type3A = tpu.bitcast %add3A_456 : vector<16xf32> -> vector<16xi32>
      %shift_right_arithmetic3A = arith.constant 23 : i32
      %shift_right_arithmetic3A_457 = vector.broadcast %shift_right_arithmetic3A : i32 to vector<16xi32>
      %shift_right_arithmetic3A_458 = arith.shrsi %bitcast_convert_type3A, %shift_right_arithmetic3A_457 : vector<16xi32>
      %sub3A = arith.constant 127 : i32
      %sub3A_459 = vector.broadcast %sub3A : i32 to vector<16xi32>
      %sub3A_460 = arith.subi %shift_right_arithmetic3A_458, %sub3A_459 : vector<16xi32>
      %and3A = arith.constant 8388607 : i32
      %and3A_461 = vector.broadcast %and3A : i32 to vector<16xi32>
      %and3A_462 = arith.andi %bitcast_convert_type3A, %and3A_461 : vector<16xi32>
      %or3A = arith.constant 1065353216 : i32
      %or3A_463 = vector.broadcast %or3A : i32 to vector<16xi32>
      %or3A_464 = arith.ori %and3A_462, %or3A_463 : vector<16xi32>
      %bitcast_convert_type3A_465 = tpu.bitcast %or3A_464 : vector<16xi32> -> vector<16xf32>
      %sub3A_466 = arith.constant 1.000000e+00 : f32
      %sub3A_467 = vector.broadcast %sub3A_466 : f32 to vector<16xf32>
      %sub3A_468 = arith.subf %bitcast_convert_type3A_465, %sub3A_467 : vector<16xf32>
      %add3A_469 = arith.constant 1.000000e+00 : f32
      %add3A_470 = vector.broadcast %add3A_469 : f32 to vector<16xf32>
      %add3A_471 = arith.addf %bitcast_convert_type3A_465, %add3A_470 : vector<16xf32>
      %div3A = arith.divf %sub3A_468, %add3A_471 : vector<16xf32>
      %mul3A_472 = arith.mulf %div3A, %div3A : vector<16xf32>
      %mul3A_473 = arith.constant 2.000000e+00 : f32
      %mul3A_474 = vector.broadcast %mul3A_473 : f32 to vector<16xf32>
      %mul3A_475 = arith.mulf %mul3A_474, %div3A : vector<16xf32>
      %mul3A_476 = arith.constant 0.111111112 : f32
      %mul3A_477 = vector.broadcast %mul3A_476 : f32 to vector<16xf32>
      %mul3A_478 = arith.mulf %mul3A_472, %mul3A_477 : vector<16xf32>
      %add3A_479 = arith.constant 0.142857149 : f32
      %add3A_480 = vector.broadcast %add3A_479 : f32 to vector<16xf32>
      %add3A_481 = arith.addf %add3A_480, %mul3A_478 : vector<16xf32>
      %mul3A_482 = arith.mulf %mul3A_472, %add3A_481 : vector<16xf32>
      %add3A_483 = arith.constant 2.000000e-01 : f32
      %add3A_484 = vector.broadcast %add3A_483 : f32 to vector<16xf32>
      %add3A_485 = arith.addf %add3A_484, %mul3A_482 : vector<16xf32>
      %mul3A_486 = arith.mulf %mul3A_472, %add3A_485 : vector<16xf32>
      %add3A_487 = arith.constant 0.333333343 : f32
      %add3A_488 = vector.broadcast %add3A_487 : f32 to vector<16xf32>
      %add3A_489 = arith.addf %add3A_488, %mul3A_486 : vector<16xf32>
      %mul3A_490 = arith.mulf %mul3A_472, %add3A_489 : vector<16xf32>
      %add3A_491 = arith.constant 1.000000e+00 : f32
      %add3A_492 = vector.broadcast %add3A_491 : f32 to vector<16xf32>
      %add3A_493 = arith.addf %add3A_492, %mul3A_490 : vector<16xf32>
      %mul3A_494 = arith.mulf %mul3A_475, %add3A_493 : vector<16xf32>
      %convert_element_type3A = arith.sitofp %sub3A_460 : vector<16xi32> to vector<16xf32>
      %mul3A_495 = arith.constant 0.693147182 : f32
      %mul3A_496 = vector.broadcast %mul3A_495 : f32 to vector<16xf32>
      %mul3A_497 = arith.mulf %convert_element_type3A, %mul3A_496 : vector<16xf32>
      %add3A_498 = arith.addf %mul3A_497, %mul3A_494 : vector<16xf32>
      %add3A_499 = arith.addf %scan3A_408, %add3A_498 : vector<16xf32>
      %jit3A_500 = arith.constant -1.000000e+01 : f32
      %jit3A_501 = arith.constant 1.000000e+01 : f32
      %max3A_502 = vector.broadcast %jit3A_500 : f32 to vector<16xf32>
      %max3A_503 = arith.maximumf %max3A_502, %parallel_loop3A_448#1 : vector<16xf32>
      %min3A_504 = vector.broadcast %jit3A_501 : f32 to vector<16xf32>
      %min3A_505 = arith.minimumf %min3A_504, %max3A_503 : vector<16xf32>
      %exp3A_506 = math.exp %min3A_505 : vector<16xf32>
      %add3A_507 = arith.constant 1.000000e+00 : f32
      %add3A_508 = vector.broadcast %add3A_507 : f32 to vector<16xf32>
      %add3A_509 = arith.addf %add3A_508, %exp3A_506 : vector<16xf32>
      %bitcast_convert_type3A_510 = tpu.bitcast %add3A_509 : vector<16xf32> -> vector<16xi32>
      %shift_right_arithmetic3A_511 = arith.constant 23 : i32
      %shift_right_arithmetic3A_512 = vector.broadcast %shift_right_arithmetic3A_511 : i32 to vector<16xi32>
      %shift_right_arithmetic3A_513 = arith.shrsi %bitcast_convert_type3A_510, %shift_right_arithmetic3A_512 : vector<16xi32>
      %sub3A_514 = arith.constant 127 : i32
      %sub3A_515 = vector.broadcast %sub3A_514 : i32 to vector<16xi32>
      %sub3A_516 = arith.subi %shift_right_arithmetic3A_513, %sub3A_515 : vector<16xi32>
      %and3A_517 = arith.constant 8388607 : i32
      %and3A_518 = vector.broadcast %and3A_517 : i32 to vector<16xi32>
      %and3A_519 = arith.andi %bitcast_convert_type3A_510, %and3A_518 : vector<16xi32>
      %or3A_520 = arith.constant 1065353216 : i32
      %or3A_521 = vector.broadcast %or3A_520 : i32 to vector<16xi32>
      %or3A_522 = arith.ori %and3A_519, %or3A_521 : vector<16xi32>
      %bitcast_convert_type3A_523 = tpu.bitcast %or3A_522 : vector<16xi32> -> vector<16xf32>
      %sub3A_524 = arith.constant 1.000000e+00 : f32
      %sub3A_525 = vector.broadcast %sub3A_524 : f32 to vector<16xf32>
      %sub3A_526 = arith.subf %bitcast_convert_type3A_523, %sub3A_525 : vector<16xf32>
      %add3A_527 = arith.constant 1.000000e+00 : f32
      %add3A_528 = vector.broadcast %add3A_527 : f32 to vector<16xf32>
      %add3A_529 = arith.addf %bitcast_convert_type3A_523, %add3A_528 : vector<16xf32>
      %div3A_530 = arith.divf %sub3A_526, %add3A_529 : vector<16xf32>
      %mul3A_531 = arith.mulf %div3A_530, %div3A_530 : vector<16xf32>
      %mul3A_532 = arith.constant 2.000000e+00 : f32
      %mul3A_533 = vector.broadcast %mul3A_532 : f32 to vector<16xf32>
      %mul3A_534 = arith.mulf %mul3A_533, %div3A_530 : vector<16xf32>
      %mul3A_535 = arith.constant 0.111111112 : f32
      %mul3A_536 = vector.broadcast %mul3A_535 : f32 to vector<16xf32>
      %mul3A_537 = arith.mulf %mul3A_531, %mul3A_536 : vector<16xf32>
      %add3A_538 = arith.constant 0.142857149 : f32
      %add3A_539 = vector.broadcast %add3A_538 : f32 to vector<16xf32>
      %add3A_540 = arith.addf %add3A_539, %mul3A_537 : vector<16xf32>
      %mul3A_541 = arith.mulf %mul3A_531, %add3A_540 : vector<16xf32>
      %add3A_542 = arith.constant 2.000000e-01 : f32
      %add3A_543 = vector.broadcast %add3A_542 : f32 to vector<16xf32>
      %add3A_544 = arith.addf %add3A_543, %mul3A_541 : vector<16xf32>
      %mul3A_545 = arith.mulf %mul3A_531, %add3A_544 : vector<16xf32>
      %add3A_546 = arith.constant 0.333333343 : f32
      %add3A_547 = vector.broadcast %add3A_546 : f32 to vector<16xf32>
      %add3A_548 = arith.addf %add3A_547, %mul3A_545 : vector<16xf32>
      %mul3A_549 = arith.mulf %mul3A_531, %add3A_548 : vector<16xf32>
      %add3A_550 = arith.constant 1.000000e+00 : f32
      %add3A_551 = vector.broadcast %add3A_550 : f32 to vector<16xf32>
      %add3A_552 = arith.addf %add3A_551, %mul3A_549 : vector<16xf32>
      %mul3A_553 = arith.mulf %mul3A_534, %add3A_552 : vector<16xf32>
      %convert_element_type3A_554 = arith.sitofp %sub3A_516 : vector<16xi32> to vector<16xf32>
      %mul3A_555 = arith.constant 0.693147182 : f32
      %mul3A_556 = vector.broadcast %mul3A_555 : f32 to vector<16xf32>
      %mul3A_557 = arith.mulf %convert_element_type3A_554, %mul3A_556 : vector<16xf32>
      %add3A_558 = arith.addf %mul3A_557, %mul3A_553 : vector<16xf32>
      %add3A_559 = arith.addf %add3A_499, %add3A_558 : vector<16xf32>
      %jit3A_560 = arith.constant -1.000000e+01 : f32
      %jit3A_561 = arith.constant 1.000000e+01 : f32
      %max3A_562 = vector.broadcast %jit3A_560 : f32 to vector<16xf32>
      %max3A_563 = arith.maximumf %max3A_562, %parallel_loop3A_448#2 : vector<16xf32>
      %min3A_564 = vector.broadcast %jit3A_561 : f32 to vector<16xf32>
      %min3A_565 = arith.minimumf %min3A_564, %max3A_563 : vector<16xf32>
      %exp3A_566 = math.exp %min3A_565 : vector<16xf32>
      %add3A_567 = arith.constant 1.000000e+00 : f32
      %add3A_568 = vector.broadcast %add3A_567 : f32 to vector<16xf32>
      %add3A_569 = arith.addf %add3A_568, %exp3A_566 : vector<16xf32>
      %bitcast_convert_type3A_570 = tpu.bitcast %add3A_569 : vector<16xf32> -> vector<16xi32>
      %shift_right_arithmetic3A_571 = arith.constant 23 : i32
      %shift_right_arithmetic3A_572 = vector.broadcast %shift_right_arithmetic3A_571 : i32 to vector<16xi32>
      %shift_right_arithmetic3A_573 = arith.shrsi %bitcast_convert_type3A_570, %shift_right_arithmetic3A_572 : vector<16xi32>
      %sub3A_574 = arith.constant 127 : i32
      %sub3A_575 = vector.broadcast %sub3A_574 : i32 to vector<16xi32>
      %sub3A_576 = arith.subi %shift_right_arithmetic3A_573, %sub3A_575 : vector<16xi32>
      %and3A_577 = arith.constant 8388607 : i32
      %and3A_578 = vector.broadcast %and3A_577 : i32 to vector<16xi32>
      %and3A_579 = arith.andi %bitcast_convert_type3A_570, %and3A_578 : vector<16xi32>
      %or3A_580 = arith.constant 1065353216 : i32
      %or3A_581 = vector.broadcast %or3A_580 : i32 to vector<16xi32>
      %or3A_582 = arith.ori %and3A_579, %or3A_581 : vector<16xi32>
      %bitcast_convert_type3A_583 = tpu.bitcast %or3A_582 : vector<16xi32> -> vector<16xf32>
      %sub3A_584 = arith.constant 1.000000e+00 : f32
      %sub3A_585 = vector.broadcast %sub3A_584 : f32 to vector<16xf32>
      %sub3A_586 = arith.subf %bitcast_convert_type3A_583, %sub3A_585 : vector<16xf32>
      %add3A_587 = arith.constant 1.000000e+00 : f32
      %add3A_588 = vector.broadcast %add3A_587 : f32 to vector<16xf32>
      %add3A_589 = arith.addf %bitcast_convert_type3A_583, %add3A_588 : vector<16xf32>
      %div3A_590 = arith.divf %sub3A_586, %add3A_589 : vector<16xf32>
      %mul3A_591 = arith.mulf %div3A_590, %div3A_590 : vector<16xf32>
      %mul3A_592 = arith.constant 2.000000e+00 : f32
      %mul3A_593 = vector.broadcast %mul3A_592 : f32 to vector<16xf32>
      %mul3A_594 = arith.mulf %mul3A_593, %div3A_590 : vector<16xf32>
      %mul3A_595 = arith.constant 0.111111112 : f32
      %mul3A_596 = vector.broadcast %mul3A_595 : f32 to vector<16xf32>
      %mul3A_597 = arith.mulf %mul3A_591, %mul3A_596 : vector<16xf32>
      %add3A_598 = arith.constant 0.142857149 : f32
      %add3A_599 = vector.broadcast %add3A_598 : f32 to vector<16xf32>
      %add3A_600 = arith.addf %add3A_599, %mul3A_597 : vector<16xf32>
      %mul3A_601 = arith.mulf %mul3A_591, %add3A_600 : vector<16xf32>
      %add3A_602 = arith.constant 2.000000e-01 : f32
      %add3A_603 = vector.broadcast %add3A_602 : f32 to vector<16xf32>
      %add3A_604 = arith.addf %add3A_603, %mul3A_601 : vector<16xf32>
      %mul3A_605 = arith.mulf %mul3A_591, %add3A_604 : vector<16xf32>
      %add3A_606 = arith.constant 0.333333343 : f32
      %add3A_607 = vector.broadcast %add3A_606 : f32 to vector<16xf32>
      %add3A_608 = arith.addf %add3A_607, %mul3A_605 : vector<16xf32>
      %mul3A_609 = arith.mulf %mul3A_591, %add3A_608 : vector<16xf32>
      %add3A_610 = arith.constant 1.000000e+00 : f32
      %add3A_611 = vector.broadcast %add3A_610 : f32 to vector<16xf32>
      %add3A_612 = arith.addf %add3A_611, %mul3A_609 : vector<16xf32>
      %mul3A_613 = arith.mulf %mul3A_594, %add3A_612 : vector<16xf32>
      %convert_element_type3A_614 = arith.sitofp %sub3A_576 : vector<16xi32> to vector<16xf32>
      %mul3A_615 = arith.constant 0.693147182 : f32
      %mul3A_616 = vector.broadcast %mul3A_615 : f32 to vector<16xf32>
      %mul3A_617 = arith.mulf %convert_element_type3A_614, %mul3A_616 : vector<16xf32>
      %add3A_618 = arith.addf %mul3A_617, %mul3A_613 : vector<16xf32>
      %add3A_619 = arith.addf %add3A_559, %add3A_618 : vector<16xf32>
      %jit3A_620 = arith.constant -1.000000e+01 : f32
      %jit3A_621 = arith.constant 1.000000e+01 : f32
      %max3A_622 = vector.broadcast %jit3A_620 : f32 to vector<16xf32>
      %max3A_623 = arith.maximumf %max3A_622, %parallel_loop3A_448#3 : vector<16xf32>
      %min3A_624 = vector.broadcast %jit3A_621 : f32 to vector<16xf32>
      %min3A_625 = arith.minimumf %min3A_624, %max3A_623 : vector<16xf32>
      %exp3A_626 = math.exp %min3A_625 : vector<16xf32>
      %add3A_627 = arith.constant 1.000000e+00 : f32
      %add3A_628 = vector.broadcast %add3A_627 : f32 to vector<16xf32>
      %add3A_629 = arith.addf %add3A_628, %exp3A_626 : vector<16xf32>
      %bitcast_convert_type3A_630 = tpu.bitcast %add3A_629 : vector<16xf32> -> vector<16xi32>
      %shift_right_arithmetic3A_631 = arith.constant 23 : i32
      %shift_right_arithmetic3A_632 = vector.broadcast %shift_right_arithmetic3A_631 : i32 to vector<16xi32>
      %shift_right_arithmetic3A_633 = arith.shrsi %bitcast_convert_type3A_630, %shift_right_arithmetic3A_632 : vector<16xi32>
      %sub3A_634 = arith.constant 127 : i32
      %sub3A_635 = vector.broadcast %sub3A_634 : i32 to vector<16xi32>
      %sub3A_636 = arith.subi %shift_right_arithmetic3A_633, %sub3A_635 : vector<16xi32>
      %and3A_637 = arith.constant 8388607 : i32
      %and3A_638 = vector.broadcast %and3A_637 : i32 to vector<16xi32>
      %and3A_639 = arith.andi %bitcast_convert_type3A_630, %and3A_638 : vector<16xi32>
      %or3A_640 = arith.constant 1065353216 : i32
      %or3A_641 = vector.broadcast %or3A_640 : i32 to vector<16xi32>
      %or3A_642 = arith.ori %and3A_639, %or3A_641 : vector<16xi32>
      %bitcast_convert_type3A_643 = tpu.bitcast %or3A_642 : vector<16xi32> -> vector<16xf32>
      %sub3A_644 = arith.constant 1.000000e+00 : f32
      %sub3A_645 = vector.broadcast %sub3A_644 : f32 to vector<16xf32>
      %sub3A_646 = arith.subf %bitcast_convert_type3A_643, %sub3A_645 : vector<16xf32>
      %add3A_647 = arith.constant 1.000000e+00 : f32
      %add3A_648 = vector.broadcast %add3A_647 : f32 to vector<16xf32>
      %add3A_649 = arith.addf %bitcast_convert_type3A_643, %add3A_648 : vector<16xf32>
      %div3A_650 = arith.divf %sub3A_646, %add3A_649 : vector<16xf32>
      %mul3A_651 = arith.mulf %div3A_650, %div3A_650 : vector<16xf32>
      %mul3A_652 = arith.constant 2.000000e+00 : f32
      %mul3A_653 = vector.broadcast %mul3A_652 : f32 to vector<16xf32>
      %mul3A_654 = arith.mulf %mul3A_653, %div3A_650 : vector<16xf32>
      %mul3A_655 = arith.constant 0.111111112 : f32
      %mul3A_656 = vector.broadcast %mul3A_655 : f32 to vector<16xf32>
      %mul3A_657 = arith.mulf %mul3A_651, %mul3A_656 : vector<16xf32>
      %add3A_658 = arith.constant 0.142857149 : f32
      %add3A_659 = vector.broadcast %add3A_658 : f32 to vector<16xf32>
      %add3A_660 = arith.addf %add3A_659, %mul3A_657 : vector<16xf32>
      %mul3A_661 = arith.mulf %mul3A_651, %add3A_660 : vector<16xf32>
      %add3A_662 = arith.constant 2.000000e-01 : f32
      %add3A_663 = vector.broadcast %add3A_662 : f32 to vector<16xf32>
      %add3A_664 = arith.addf %add3A_663, %mul3A_661 : vector<16xf32>
      %mul3A_665 = arith.mulf %mul3A_651, %add3A_664 : vector<16xf32>
      %add3A_666 = arith.constant 0.333333343 : f32
      %add3A_667 = vector.broadcast %add3A_666 : f32 to vector<16xf32>
      %add3A_668 = arith.addf %add3A_667, %mul3A_665 : vector<16xf32>
      %mul3A_669 = arith.mulf %mul3A_651, %add3A_668 : vector<16xf32>
      %add3A_670 = arith.constant 1.000000e+00 : f32
      %add3A_671 = vector.broadcast %add3A_670 : f32 to vector<16xf32>
      %add3A_672 = arith.addf %add3A_671, %mul3A_669 : vector<16xf32>
      %mul3A_673 = arith.mulf %mul3A_654, %add3A_672 : vector<16xf32>
      %convert_element_type3A_674 = arith.sitofp %sub3A_636 : vector<16xi32> to vector<16xf32>
      %mul3A_675 = arith.constant 0.693147182 : f32
      %mul3A_676 = vector.broadcast %mul3A_675 : f32 to vector<16xf32>
      %mul3A_677 = arith.mulf %convert_element_type3A_674, %mul3A_676 : vector<16xf32>
      %add3A_678 = arith.addf %mul3A_677, %mul3A_673 : vector<16xf32>
      %add3A_679 = arith.addf %add3A_619, %add3A_678 : vector<16xf32>
      %jit3A_680 = arith.constant -1.000000e+01 : f32
      %jit3A_681 = arith.constant 1.000000e+01 : f32
      %max3A_682 = vector.broadcast %jit3A_680 : f32 to vector<16xf32>
      %max3A_683 = arith.maximumf %max3A_682, %parallel_loop3A_448#4 : vector<16xf32>
      %min3A_684 = vector.broadcast %jit3A_681 : f32 to vector<16xf32>
      %min3A_685 = arith.minimumf %min3A_684, %max3A_683 : vector<16xf32>
      %exp3A_686 = math.exp %min3A_685 : vector<16xf32>
      %add3A_687 = arith.constant 1.000000e+00 : f32
      %add3A_688 = vector.broadcast %add3A_687 : f32 to vector<16xf32>
      %add3A_689 = arith.addf %add3A_688, %exp3A_686 : vector<16xf32>
      %bitcast_convert_type3A_690 = tpu.bitcast %add3A_689 : vector<16xf32> -> vector<16xi32>
      %shift_right_arithmetic3A_691 = arith.constant 23 : i32
      %shift_right_arithmetic3A_692 = vector.broadcast %shift_right_arithmetic3A_691 : i32 to vector<16xi32>
      %shift_right_arithmetic3A_693 = arith.shrsi %bitcast_convert_type3A_690, %shift_right_arithmetic3A_692 : vector<16xi32>
      %sub3A_694 = arith.constant 127 : i32
      %sub3A_695 = vector.broadcast %sub3A_694 : i32 to vector<16xi32>
      %sub3A_696 = arith.subi %shift_right_arithmetic3A_693, %sub3A_695 : vector<16xi32>
      %and3A_697 = arith.constant 8388607 : i32
      %and3A_698 = vector.broadcast %and3A_697 : i32 to vector<16xi32>
      %and3A_699 = arith.andi %bitcast_convert_type3A_690, %and3A_698 : vector<16xi32>
      %or3A_700 = arith.constant 1065353216 : i32
      %or3A_701 = vector.broadcast %or3A_700 : i32 to vector<16xi32>
      %or3A_702 = arith.ori %and3A_699, %or3A_701 : vector<16xi32>
      %bitcast_convert_type3A_703 = tpu.bitcast %or3A_702 : vector<16xi32> -> vector<16xf32>
      %sub3A_704 = arith.constant 1.000000e+00 : f32
      %sub3A_705 = vector.broadcast %sub3A_704 : f32 to vector<16xf32>
      %sub3A_706 = arith.subf %bitcast_convert_type3A_703, %sub3A_705 : vector<16xf32>
      %add3A_707 = arith.constant 1.000000e+00 : f32
      %add3A_708 = vector.broadcast %add3A_707 : f32 to vector<16xf32>
      %add3A_709 = arith.addf %bitcast_convert_type3A_703, %add3A_708 : vector<16xf32>
      %div3A_710 = arith.divf %sub3A_706, %add3A_709 : vector<16xf32>
      %mul3A_711 = arith.mulf %div3A_710, %div3A_710 : vector<16xf32>
      %mul3A_712 = arith.constant 2.000000e+00 : f32
      %mul3A_713 = vector.broadcast %mul3A_712 : f32 to vector<16xf32>
      %mul3A_714 = arith.mulf %mul3A_713, %div3A_710 : vector<16xf32>
      %mul3A_715 = arith.constant 0.111111112 : f32
      %mul3A_716 = vector.broadcast %mul3A_715 : f32 to vector<16xf32>
      %mul3A_717 = arith.mulf %mul3A_711, %mul3A_716 : vector<16xf32>
      %add3A_718 = arith.constant 0.142857149 : f32
      %add3A_719 = vector.broadcast %add3A_718 : f32 to vector<16xf32>
      %add3A_720 = arith.addf %add3A_719, %mul3A_717 : vector<16xf32>
      %mul3A_721 = arith.mulf %mul3A_711, %add3A_720 : vector<16xf32>
      %add3A_722 = arith.constant 2.000000e-01 : f32
      %add3A_723 = vector.broadcast %add3A_722 : f32 to vector<16xf32>
      %add3A_724 = arith.addf %add3A_723, %mul3A_721 : vector<16xf32>
      %mul3A_725 = arith.mulf %mul3A_711, %add3A_724 : vector<16xf32>
      %add3A_726 = arith.constant 0.333333343 : f32
      %add3A_727 = vector.broadcast %add3A_726 : f32 to vector<16xf32>
      %add3A_728 = arith.addf %add3A_727, %mul3A_725 : vector<16xf32>
      %mul3A_729 = arith.mulf %mul3A_711, %add3A_728 : vector<16xf32>
      %add3A_730 = arith.constant 1.000000e+00 : f32
      %add3A_731 = vector.broadcast %add3A_730 : f32 to vector<16xf32>
      %add3A_732 = arith.addf %add3A_731, %mul3A_729 : vector<16xf32>
      %mul3A_733 = arith.mulf %mul3A_714, %add3A_732 : vector<16xf32>
      %convert_element_type3A_734 = arith.sitofp %sub3A_696 : vector<16xi32> to vector<16xf32>
      %mul3A_735 = arith.constant 0.693147182 : f32
      %mul3A_736 = vector.broadcast %mul3A_735 : f32 to vector<16xf32>
      %mul3A_737 = arith.mulf %convert_element_type3A_734, %mul3A_736 : vector<16xf32>
      %add3A_738 = arith.addf %mul3A_737, %mul3A_733 : vector<16xf32>
      %add3A_739 = arith.addf %add3A_679, %add3A_738 : vector<16xf32>
      %jit3A_740 = arith.constant -1.000000e+01 : f32
      %jit3A_741 = arith.constant 1.000000e+01 : f32
      %max3A_742 = vector.broadcast %jit3A_740 : f32 to vector<16xf32>
      %max3A_743 = arith.maximumf %max3A_742, %parallel_loop3A_448#5 : vector<16xf32>
      %min3A_744 = vector.broadcast %jit3A_741 : f32 to vector<16xf32>
      %min3A_745 = arith.minimumf %min3A_744, %max3A_743 : vector<16xf32>
      %exp3A_746 = math.exp %min3A_745 : vector<16xf32>
      %add3A_747 = arith.constant 1.000000e+00 : f32
      %add3A_748 = vector.broadcast %add3A_747 : f32 to vector<16xf32>
      %add3A_749 = arith.addf %add3A_748, %exp3A_746 : vector<16xf32>
      %bitcast_convert_type3A_750 = tpu.bitcast %add3A_749 : vector<16xf32> -> vector<16xi32>
      %shift_right_arithmetic3A_751 = arith.constant 23 : i32
      %shift_right_arithmetic3A_752 = vector.broadcast %shift_right_arithmetic3A_751 : i32 to vector<16xi32>
      %shift_right_arithmetic3A_753 = arith.shrsi %bitcast_convert_type3A_750, %shift_right_arithmetic3A_752 : vector<16xi32>
      %sub3A_754 = arith.constant 127 : i32
      %sub3A_755 = vector.broadcast %sub3A_754 : i32 to vector<16xi32>
      %sub3A_756 = arith.subi %shift_right_arithmetic3A_753, %sub3A_755 : vector<16xi32>
      %and3A_757 = arith.constant 8388607 : i32
      %and3A_758 = vector.broadcast %and3A_757 : i32 to vector<16xi32>
      %and3A_759 = arith.andi %bitcast_convert_type3A_750, %and3A_758 : vector<16xi32>
      %or3A_760 = arith.constant 1065353216 : i32
      %or3A_761 = vector.broadcast %or3A_760 : i32 to vector<16xi32>
      %or3A_762 = arith.ori %and3A_759, %or3A_761 : vector<16xi32>
      %bitcast_convert_type3A_763 = tpu.bitcast %or3A_762 : vector<16xi32> -> vector<16xf32>
      %sub3A_764 = arith.constant 1.000000e+00 : f32
      %sub3A_765 = vector.broadcast %sub3A_764 : f32 to vector<16xf32>
      %sub3A_766 = arith.subf %bitcast_convert_type3A_763, %sub3A_765 : vector<16xf32>
      %add3A_767 = arith.constant 1.000000e+00 : f32
      %add3A_768 = vector.broadcast %add3A_767 : f32 to vector<16xf32>
      %add3A_769 = arith.addf %bitcast_convert_type3A_763, %add3A_768 : vector<16xf32>
      %div3A_770 = arith.divf %sub3A_766, %add3A_769 : vector<16xf32>
      %mul3A_771 = arith.mulf %div3A_770, %div3A_770 : vector<16xf32>
      %mul3A_772 = arith.constant 2.000000e+00 : f32
      %mul3A_773 = vector.broadcast %mul3A_772 : f32 to vector<16xf32>
      %mul3A_774 = arith.mulf %mul3A_773, %div3A_770 : vector<16xf32>
      %mul3A_775 = arith.constant 0.111111112 : f32
      %mul3A_776 = vector.broadcast %mul3A_775 : f32 to vector<16xf32>
      %mul3A_777 = arith.mulf %mul3A_771, %mul3A_776 : vector<16xf32>
      %add3A_778 = arith.constant 0.142857149 : f32
      %add3A_779 = vector.broadcast %add3A_778 : f32 to vector<16xf32>
      %add3A_780 = arith.addf %add3A_779, %mul3A_777 : vector<16xf32>
      %mul3A_781 = arith.mulf %mul3A_771, %add3A_780 : vector<16xf32>
      %add3A_782 = arith.constant 2.000000e-01 : f32
      %add3A_783 = vector.broadcast %add3A_782 : f32 to vector<16xf32>
      %add3A_784 = arith.addf %add3A_783, %mul3A_781 : vector<16xf32>
      %mul3A_785 = arith.mulf %mul3A_771, %add3A_784 : vector<16xf32>
      %add3A_786 = arith.constant 0.333333343 : f32
      %add3A_787 = vector.broadcast %add3A_786 : f32 to vector<16xf32>
      %add3A_788 = arith.addf %add3A_787, %mul3A_785 : vector<16xf32>
      %mul3A_789 = arith.mulf %mul3A_771, %add3A_788 : vector<16xf32>
      %add3A_790 = arith.constant 1.000000e+00 : f32
      %add3A_791 = vector.broadcast %add3A_790 : f32 to vector<16xf32>
      %add3A_792 = arith.addf %add3A_791, %mul3A_789 : vector<16xf32>
      %mul3A_793 = arith.mulf %mul3A_774, %add3A_792 : vector<16xf32>
      %convert_element_type3A_794 = arith.sitofp %sub3A_756 : vector<16xi32> to vector<16xf32>
      %mul3A_795 = arith.constant 0.693147182 : f32
      %mul3A_796 = vector.broadcast %mul3A_795 : f32 to vector<16xf32>
      %mul3A_797 = arith.mulf %convert_element_type3A_794, %mul3A_796 : vector<16xf32>
      %add3A_798 = arith.addf %mul3A_797, %mul3A_793 : vector<16xf32>
      %add3A_799 = arith.addf %add3A_739, %add3A_798 : vector<16xf32>
      scf.yield %add3A_799 : vector<16xf32>
    }
    %scan3A_232 = arith.constant 4 : i32
    %dma_start3A_233 = arith.constant 320 : i32
    %dma_start3A_234 = tpu.memref_slice %arg8[%dma_start3A_233] : memref<512xi32, #tpu.memory_space<vmem>> -> memref<64xi32, #tpu.memory_space<vmem>>
    %dma_start3A_235 = arith.constant 0 : i32
    %dma_start3A_236 = arith.constant 0 : i32
    %dma_start3A_237 = tpu.memref_slice %arg5[%dma_start3A_235, %dma_start3A_236] : memref<1000000x128xf32, #tpu.memory_space<hbm>> -> memref<1000000x128xf32, #tpu.memory_space<hbm>>
    tpu.enqueue_indirect_dma source(%dma_start3A_237 : memref<1000000x128xf32, #tpu.memory_space<hbm>>) target(%arg14 : memref<64x128xf32, #tpu.memory_space<vmem>>) offsets(%dma_start3A_234 : memref<64xi32, #tpu.memory_space<vmem>>) semaphore(%arg18 : memref<!tpu.dma_semaphore, #tpu.memory_space<semaphore_mem>>)
    %dma_start3A_238 = arith.constant 0 : i32
    %dma_start3A_239 = arith.constant 0 : i32
    %dma_start3A_240 = tpu.memref_slice %arg15[%dma_start3A_238, %dma_start3A_239] : memref<384x128xf32, #tpu.memory_space<vmem>> -> memref<64x128xf32, #tpu.memory_space<vmem>>
    %dma_start3A_241 = arith.constant 320 : i32
    %dma_start3A_242 = tpu.memref_slice %arg9[%dma_start3A_241] : memref<512xi32, #tpu.memory_space<vmem>> -> memref<64xi32, #tpu.memory_space<vmem>>
    %dma_start3A_243 = arith.constant 0 : i32
    %dma_start3A_244 = arith.constant 0 : i32
    %dma_start3A_245 = tpu.memref_slice %arg6[%dma_start3A_243, %dma_start3A_244] : memref<1000000x128xf32, #tpu.memory_space<hbm>> -> memref<1000000x128xf32, #tpu.memory_space<hbm>>
    tpu.enqueue_indirect_dma source(%dma_start3A_245 : memref<1000000x128xf32, #tpu.memory_space<hbm>>) target(%dma_start3A_240 : memref<64x128xf32, #tpu.memory_space<vmem>>) offsets(%dma_start3A_242 : memref<64xi32, #tpu.memory_space<vmem>>) semaphore(%arg18 : memref<!tpu.dma_semaphore, #tpu.memory_space<semaphore_mem>>)
    %dma_start3A_246 = arith.constant 64 : i32
    %dma_start3A_247 = arith.constant 0 : i32
    %dma_start3A_248 = tpu.memref_slice %arg15[%dma_start3A_246, %dma_start3A_247] : memref<384x128xf32, #tpu.memory_space<vmem>> -> memref<320x128xf32, #tpu.memory_space<vmem>>
    %dma_start3A_249 = arith.constant 1600 : i32
    %dma_start3A_250 = tpu.memref_slice %arg11[%dma_start3A_249] : memref<2560xi32, #tpu.memory_space<vmem>> -> memref<320xi32, #tpu.memory_space<vmem>>
    %dma_start3A_251 = arith.constant 0 : i32
    %dma_start3A_252 = arith.constant 0 : i32
    %dma_start3A_253 = tpu.memref_slice %arg6[%dma_start3A_251, %dma_start3A_252] : memref<1000000x128xf32, #tpu.memory_space<hbm>> -> memref<1000000x128xf32, #tpu.memory_space<hbm>>
    tpu.enqueue_indirect_dma source(%dma_start3A_253 : memref<1000000x128xf32, #tpu.memory_space<hbm>>) target(%dma_start3A_248 : memref<320x128xf32, #tpu.memory_space<vmem>>) offsets(%dma_start3A_250 : memref<320xi32, #tpu.memory_space<vmem>>) semaphore(%arg18 : memref<!tpu.dma_semaphore, #tpu.memory_space<semaphore_mem>>)
    %dma_wait3A_254 = arith.constant 256 : i32
    %dma_wait3A_255 = tpu.memref_slice %arg8[%dma_wait3A_254] : memref<512xi32, #tpu.memory_space<vmem>> -> memref<64xi32, #tpu.memory_space<vmem>>
    %dma_wait3A_256 = arith.constant 0 : i32
    %dma_wait3A_257 = arith.constant 0 : i32
    %dma_wait3A_258 = tpu.memref_slice %arg5[%dma_wait3A_256, %dma_wait3A_257] : memref<1000000x128xf32, #tpu.memory_space<hbm>> -> memref<1000000x128xf32, #tpu.memory_space<hbm>>
    tpu.wait_indirect_dma semaphore(%arg17 : memref<!tpu.dma_semaphore, #tpu.memory_space<semaphore_mem>>) src(%dma_wait3A_258 : memref<1000000x128xf32, #tpu.memory_space<hbm>>) dst(%arg12 : memref<64x128xf32, #tpu.memory_space<vmem>>)
    %dma_wait3A_259 = arith.constant 0 : i32
    %dma_wait3A_260 = arith.constant 0 : i32
    %dma_wait3A_261 = tpu.memref_slice %arg13[%dma_wait3A_259, %dma_wait3A_260] : memref<384x128xf32, #tpu.memory_space<vmem>> -> memref<64x128xf32, #tpu.memory_space<vmem>>
    %dma_wait3A_262 = arith.constant 256 : i32
    %dma_wait3A_263 = tpu.memref_slice %arg9[%dma_wait3A_262] : memref<512xi32, #tpu.memory_space<vmem>> -> memref<64xi32, #tpu.memory_space<vmem>>
    %dma_wait3A_264 = arith.constant 0 : i32
    %dma_wait3A_265 = arith.constant 0 : i32
    %dma_wait3A_266 = tpu.memref_slice %arg6[%dma_wait3A_264, %dma_wait3A_265] : memref<1000000x128xf32, #tpu.memory_space<hbm>> -> memref<1000000x128xf32, #tpu.memory_space<hbm>>
    tpu.wait_indirect_dma semaphore(%arg17 : memref<!tpu.dma_semaphore, #tpu.memory_space<semaphore_mem>>) src(%dma_wait3A_266 : memref<1000000x128xf32, #tpu.memory_space<hbm>>) dst(%dma_wait3A_261 : memref<64x128xf32, #tpu.memory_space<vmem>>)
    %dma_wait3A_267 = arith.constant 64 : i32
    %dma_wait3A_268 = arith.constant 0 : i32
    %dma_wait3A_269 = tpu.memref_slice %arg13[%dma_wait3A_267, %dma_wait3A_268] : memref<384x128xf32, #tpu.memory_space<vmem>> -> memref<320x128xf32, #tpu.memory_space<vmem>>
    %dma_wait3A_270 = arith.constant 1280 : i32
    %dma_wait3A_271 = tpu.memref_slice %arg11[%dma_wait3A_270] : memref<2560xi32, #tpu.memory_space<vmem>> -> memref<320xi32, #tpu.memory_space<vmem>>
    %dma_wait3A_272 = arith.constant 0 : i32
    %dma_wait3A_273 = arith.constant 0 : i32
    %dma_wait3A_274 = tpu.memref_slice %arg6[%dma_wait3A_272, %dma_wait3A_273] : memref<1000000x128xf32, #tpu.memory_space<hbm>> -> memref<1000000x128xf32, #tpu.memory_space<hbm>>
    tpu.wait_indirect_dma semaphore(%arg17 : memref<!tpu.dma_semaphore, #tpu.memory_space<semaphore_mem>>) src(%dma_wait3A_274 : memref<1000000x128xf32, #tpu.memory_space<hbm>>) dst(%dma_wait3A_269 : memref<320x128xf32, #tpu.memory_space<vmem>>)
    %scan3A_275 = arith.constant 0 : i32
    %scan3A_276 = arith.constant 4 : i32
    %scan3A_277 = arith.addi %scan3A_275, %scan3A_276 : i32
    %scan3A_278 = arith.constant 1 : i32
    %scan3A_279 = scf.for %scan3A_407 = %scan3A_275 to %scan3A_277 step %scan3A_278 iter_args(%scan3A_408 = %scan3A_231) -> (vector<16xf32>)  : i32 {
      %mul3A_409 = arith.constant 16 : i32
      %mul3A_410 = arith.muli %scan3A_407, %mul3A_409 : i32
      %add3A_411 = vector.broadcast %mul3A_410 : i32 to vector<16xi32>
      %add3A_412 = arith.addi %iota3A_19, %add3A_411 : vector<16xi32>
      %mul3A_413 = arith.constant 5 : i32
      %mul3A_414 = vector.broadcast %mul3A_413 : i32 to vector<16xi32>
      %mul3A_415 = arith.muli %add3A_412, %mul3A_414 : vector<16xi32>
      %add3A_416 = arith.constant 64 : i32
      %add3A_417 = vector.broadcast %add3A_416 : i32 to vector<16xi32>
      %add3A_418 = arith.addi %mul3A_415, %add3A_417 : vector<16xi32>
      %mul3A_419 = arith.constant 5 : i32
      %mul3A_420 = vector.broadcast %mul3A_419 : i32 to vector<16xi32>
      %mul3A_421 = arith.muli %add3A_412, %mul3A_420 : vector<16xi32>
      %add3A_422 = arith.constant 65 : i32
      %add3A_423 = vector.broadcast %add3A_422 : i32 to vector<16xi32>
      %add3A_424 = arith.addi %mul3A_421, %add3A_423 : vector<16xi32>
      %mul3A_425 = arith.constant 5 : i32
      %mul3A_426 = vector.broadcast %mul3A_425 : i32 to vector<16xi32>
      %mul3A_427 = arith.muli %add3A_412, %mul3A_426 : vector<16xi32>
      %add3A_428 = arith.constant 66 : i32
      %add3A_429 = vector.broadcast %add3A_428 : i32 to vector<16xi32>
      %add3A_430 = arith.addi %mul3A_427, %add3A_429 : vector<16xi32>
      %mul3A_431 = arith.constant 5 : i32
      %mul3A_432 = vector.broadcast %mul3A_431 : i32 to vector<16xi32>
      %mul3A_433 = arith.muli %add3A_412, %mul3A_432 : vector<16xi32>
      %add3A_434 = arith.constant 67 : i32
      %add3A_435 = vector.broadcast %add3A_434 : i32 to vector<16xi32>
      %add3A_436 = arith.addi %mul3A_433, %add3A_435 : vector<16xi32>
      %mul3A_437 = arith.constant 5 : i32
      %mul3A_438 = vector.broadcast %mul3A_437 : i32 to vector<16xi32>
      %mul3A_439 = arith.muli %add3A_412, %mul3A_438 : vector<16xi32>
      %add3A_440 = arith.constant 68 : i32
      %add3A_441 = vector.broadcast %add3A_440 : i32 to vector<16xi32>
      %add3A_442 = arith.addi %mul3A_439, %add3A_441 : vector<16xi32>
      %broadcast_in_dim3A_443 = arith.constant 0.000000e+00 : f32
      %broadcast_in_dim3A_444 = vector.broadcast %broadcast_in_dim3A_443 : f32 to vector<16xf32>
      %parallel_loop3A_445 = arith.constant 0 : i32
      %parallel_loop3A_446 = arith.constant 128 : i32
      %parallel_loop3A_447 = arith.constant 1 : i32
      %parallel_loop3A_448:7 = scf.for %parallel_loop3A_800 = %parallel_loop3A_445 to %parallel_loop3A_446 step %parallel_loop3A_447 iter_args(%parallel_loop3A_801 = %broadcast_in_dim3A_444, %parallel_loop3A_802 = %broadcast_in_dim3A_444, %parallel_loop3A_803 = %broadcast_in_dim3A_444, %parallel_loop3A_804 = %broadcast_in_dim3A_444, %parallel_loop3A_805 = %broadcast_in_dim3A_444, %parallel_loop3A_806 = %broadcast_in_dim3A_444, %parallel_loop3A_807 = %iota3A_19) -> (vector<16xf32>, vector<16xf32>, vector<16xf32>, vector<16xf32>, vector<16xf32>, vector<16xf32>, vector<16xi32>)  : i32 {
        %parallel_loop3A_808 = tpu.vector_load_idx %arg12[%add3A_412, %parallel_loop3A_807] : memref<64x128xf32, #tpu.memory_space<vmem>>[vector<16xi32>, vector<16xi32>], vector<16xf32>,
        %parallel_loop3A_809 = tpu.vector_load_idx %arg13[%add3A_412, %parallel_loop3A_807] : memref<384x128xf32, #tpu.memory_space<vmem>>[vector<16xi32>, vector<16xi32>], vector<16xf32>,
        %parallel_loop3A_810 = arith.mulf %parallel_loop3A_808, %parallel_loop3A_809 : vector<16xf32>
        %parallel_loop3A_811 = arith.addf %parallel_loop3A_801, %parallel_loop3A_810 : vector<16xf32>
        %parallel_loop3A_812 = tpu.vector_load_idx %arg13[%add3A_418, %parallel_loop3A_807] : memref<384x128xf32, #tpu.memory_space<vmem>>[vector<16xi32>, vector<16xi32>], vector<16xf32>,
        %parallel_loop3A_813 = arith.mulf %parallel_loop3A_808, %parallel_loop3A_812 : vector<16xf32>
        %parallel_loop3A_814 = arith.addf %parallel_loop3A_802, %parallel_loop3A_813 : vector<16xf32>
        %parallel_loop3A_815 = tpu.vector_load_idx %arg13[%add3A_424, %parallel_loop3A_807] : memref<384x128xf32, #tpu.memory_space<vmem>>[vector<16xi32>, vector<16xi32>], vector<16xf32>,
        %parallel_loop3A_816 = arith.mulf %parallel_loop3A_808, %parallel_loop3A_815 : vector<16xf32>
        %parallel_loop3A_817 = arith.addf %parallel_loop3A_803, %parallel_loop3A_816 : vector<16xf32>
        %parallel_loop3A_818 = tpu.vector_load_idx %arg13[%add3A_430, %parallel_loop3A_807] : memref<384x128xf32, #tpu.memory_space<vmem>>[vector<16xi32>, vector<16xi32>], vector<16xf32>,
        %parallel_loop3A_819 = arith.mulf %parallel_loop3A_808, %parallel_loop3A_818 : vector<16xf32>
        %parallel_loop3A_820 = arith.addf %parallel_loop3A_804, %parallel_loop3A_819 : vector<16xf32>
        %parallel_loop3A_821 = tpu.vector_load_idx %arg13[%add3A_436, %parallel_loop3A_807] : memref<384x128xf32, #tpu.memory_space<vmem>>[vector<16xi32>, vector<16xi32>], vector<16xf32>,
        %parallel_loop3A_822 = arith.mulf %parallel_loop3A_808, %parallel_loop3A_821 : vector<16xf32>
        %parallel_loop3A_823 = arith.addf %parallel_loop3A_805, %parallel_loop3A_822 : vector<16xf32>
        %parallel_loop3A_824 = tpu.vector_load_idx %arg13[%add3A_442, %parallel_loop3A_807] : memref<384x128xf32, #tpu.memory_space<vmem>>[vector<16xi32>, vector<16xi32>], vector<16xf32>,
        %parallel_loop3A_825 = arith.mulf %parallel_loop3A_808, %parallel_loop3A_824 : vector<16xf32>
        %parallel_loop3A_826 = arith.addf %parallel_loop3A_806, %parallel_loop3A_825 : vector<16xf32>
        %parallel_loop3A_827 = arith.constant 1 : i32
        %parallel_loop3A_828 = vector.broadcast %parallel_loop3A_827 : i32 to vector<16xi32>
        %parallel_loop3A_829 = arith.addi %parallel_loop3A_807, %parallel_loop3A_828 : vector<16xi32>
        %parallel_loop3A_830 = arith.constant 127 : i32
        %parallel_loop3A_831 = vector.broadcast %parallel_loop3A_830 : i32 to vector<16xi32>
        %parallel_loop3A_832 = arith.andi %parallel_loop3A_829, %parallel_loop3A_831 : vector<16xi32>
        scf.yield %parallel_loop3A_811, %parallel_loop3A_814, %parallel_loop3A_817, %parallel_loop3A_820, %parallel_loop3A_823, %parallel_loop3A_826, %parallel_loop3A_832 : vector<16xf32>, vector<16xf32>, vector<16xf32>, vector<16xf32>, vector<16xf32>, vector<16xf32>, vector<16xi32>
      } {sc.loop_unroll_factor = 2 : i64, sc.parallel_access}
      %jit3A = arith.constant -1.000000e+01 : f32
      %jit3A_449 = arith.constant 1.000000e+01 : f32
      %max3A = vector.broadcast %jit3A : f32 to vector<16xf32>
      %max3A_450 = arith.maximumf %max3A, %parallel_loop3A_448#0 : vector<16xf32>
      %min3A = vector.broadcast %jit3A_449 : f32 to vector<16xf32>
      %min3A_451 = arith.minimumf %min3A, %max3A_450 : vector<16xf32>
      %neg3A = arith.constant 0.000000e+00 : f32
      %neg3A_452 = vector.broadcast %neg3A : f32 to vector<16xf32>
      %neg3A_453 = arith.subf %neg3A_452, %min3A_451 : vector<16xf32>
      %exp3A = math.exp %neg3A_453 : vector<16xf32>
      %add3A_454 = arith.constant 1.000000e+00 : f32
      %add3A_455 = vector.broadcast %add3A_454 : f32 to vector<16xf32>
      %add3A_456 = arith.addf %add3A_455, %exp3A : vector<16xf32>
      %bitcast_convert_type3A = tpu.bitcast %add3A_456 : vector<16xf32> -> vector<16xi32>
      %shift_right_arithmetic3A = arith.constant 23 : i32
      %shift_right_arithmetic3A_457 = vector.broadcast %shift_right_arithmetic3A : i32 to vector<16xi32>
      %shift_right_arithmetic3A_458 = arith.shrsi %bitcast_convert_type3A, %shift_right_arithmetic3A_457 : vector<16xi32>
      %sub3A = arith.constant 127 : i32
      %sub3A_459 = vector.broadcast %sub3A : i32 to vector<16xi32>
      %sub3A_460 = arith.subi %shift_right_arithmetic3A_458, %sub3A_459 : vector<16xi32>
      %and3A = arith.constant 8388607 : i32
      %and3A_461 = vector.broadcast %and3A : i32 to vector<16xi32>
      %and3A_462 = arith.andi %bitcast_convert_type3A, %and3A_461 : vector<16xi32>
      %or3A = arith.constant 1065353216 : i32
      %or3A_463 = vector.broadcast %or3A : i32 to vector<16xi32>
      %or3A_464 = arith.ori %and3A_462, %or3A_463 : vector<16xi32>
      %bitcast_convert_type3A_465 = tpu.bitcast %or3A_464 : vector<16xi32> -> vector<16xf32>
      %sub3A_466 = arith.constant 1.000000e+00 : f32
      %sub3A_467 = vector.broadcast %sub3A_466 : f32 to vector<16xf32>
      %sub3A_468 = arith.subf %bitcast_convert_type3A_465, %sub3A_467 : vector<16xf32>
      %add3A_469 = arith.constant 1.000000e+00 : f32
      %add3A_470 = vector.broadcast %add3A_469 : f32 to vector<16xf32>
      %add3A_471 = arith.addf %bitcast_convert_type3A_465, %add3A_470 : vector<16xf32>
      %div3A = arith.divf %sub3A_468, %add3A_471 : vector<16xf32>
      %mul3A_472 = arith.mulf %div3A, %div3A : vector<16xf32>
      %mul3A_473 = arith.constant 2.000000e+00 : f32
      %mul3A_474 = vector.broadcast %mul3A_473 : f32 to vector<16xf32>
      %mul3A_475 = arith.mulf %mul3A_474, %div3A : vector<16xf32>
      %mul3A_476 = arith.constant 0.111111112 : f32
      %mul3A_477 = vector.broadcast %mul3A_476 : f32 to vector<16xf32>
      %mul3A_478 = arith.mulf %mul3A_472, %mul3A_477 : vector<16xf32>
      %add3A_479 = arith.constant 0.142857149 : f32
      %add3A_480 = vector.broadcast %add3A_479 : f32 to vector<16xf32>
      %add3A_481 = arith.addf %add3A_480, %mul3A_478 : vector<16xf32>
      %mul3A_482 = arith.mulf %mul3A_472, %add3A_481 : vector<16xf32>
      %add3A_483 = arith.constant 2.000000e-01 : f32
      %add3A_484 = vector.broadcast %add3A_483 : f32 to vector<16xf32>
      %add3A_485 = arith.addf %add3A_484, %mul3A_482 : vector<16xf32>
      %mul3A_486 = arith.mulf %mul3A_472, %add3A_485 : vector<16xf32>
      %add3A_487 = arith.constant 0.333333343 : f32
      %add3A_488 = vector.broadcast %add3A_487 : f32 to vector<16xf32>
      %add3A_489 = arith.addf %add3A_488, %mul3A_486 : vector<16xf32>
      %mul3A_490 = arith.mulf %mul3A_472, %add3A_489 : vector<16xf32>
      %add3A_491 = arith.constant 1.000000e+00 : f32
      %add3A_492 = vector.broadcast %add3A_491 : f32 to vector<16xf32>
      %add3A_493 = arith.addf %add3A_492, %mul3A_490 : vector<16xf32>
      %mul3A_494 = arith.mulf %mul3A_475, %add3A_493 : vector<16xf32>
      %convert_element_type3A = arith.sitofp %sub3A_460 : vector<16xi32> to vector<16xf32>
      %mul3A_495 = arith.constant 0.693147182 : f32
      %mul3A_496 = vector.broadcast %mul3A_495 : f32 to vector<16xf32>
      %mul3A_497 = arith.mulf %convert_element_type3A, %mul3A_496 : vector<16xf32>
      %add3A_498 = arith.addf %mul3A_497, %mul3A_494 : vector<16xf32>
      %add3A_499 = arith.addf %scan3A_408, %add3A_498 : vector<16xf32>
      %jit3A_500 = arith.constant -1.000000e+01 : f32
      %jit3A_501 = arith.constant 1.000000e+01 : f32
      %max3A_502 = vector.broadcast %jit3A_500 : f32 to vector<16xf32>
      %max3A_503 = arith.maximumf %max3A_502, %parallel_loop3A_448#1 : vector<16xf32>
      %min3A_504 = vector.broadcast %jit3A_501 : f32 to vector<16xf32>
      %min3A_505 = arith.minimumf %min3A_504, %max3A_503 : vector<16xf32>
      %exp3A_506 = math.exp %min3A_505 : vector<16xf32>
      %add3A_507 = arith.constant 1.000000e+00 : f32
      %add3A_508 = vector.broadcast %add3A_507 : f32 to vector<16xf32>
      %add3A_509 = arith.addf %add3A_508, %exp3A_506 : vector<16xf32>
      %bitcast_convert_type3A_510 = tpu.bitcast %add3A_509 : vector<16xf32> -> vector<16xi32>
      %shift_right_arithmetic3A_511 = arith.constant 23 : i32
      %shift_right_arithmetic3A_512 = vector.broadcast %shift_right_arithmetic3A_511 : i32 to vector<16xi32>
      %shift_right_arithmetic3A_513 = arith.shrsi %bitcast_convert_type3A_510, %shift_right_arithmetic3A_512 : vector<16xi32>
      %sub3A_514 = arith.constant 127 : i32
      %sub3A_515 = vector.broadcast %sub3A_514 : i32 to vector<16xi32>
      %sub3A_516 = arith.subi %shift_right_arithmetic3A_513, %sub3A_515 : vector<16xi32>
      %and3A_517 = arith.constant 8388607 : i32
      %and3A_518 = vector.broadcast %and3A_517 : i32 to vector<16xi32>
      %and3A_519 = arith.andi %bitcast_convert_type3A_510, %and3A_518 : vector<16xi32>
      %or3A_520 = arith.constant 1065353216 : i32
      %or3A_521 = vector.broadcast %or3A_520 : i32 to vector<16xi32>
      %or3A_522 = arith.ori %and3A_519, %or3A_521 : vector<16xi32>
      %bitcast_convert_type3A_523 = tpu.bitcast %or3A_522 : vector<16xi32> -> vector<16xf32>
      %sub3A_524 = arith.constant 1.000000e+00 : f32
      %sub3A_525 = vector.broadcast %sub3A_524 : f32 to vector<16xf32>
      %sub3A_526 = arith.subf %bitcast_convert_type3A_523, %sub3A_525 : vector<16xf32>
      %add3A_527 = arith.constant 1.000000e+00 : f32
      %add3A_528 = vector.broadcast %add3A_527 : f32 to vector<16xf32>
      %add3A_529 = arith.addf %bitcast_convert_type3A_523, %add3A_528 : vector<16xf32>
      %div3A_530 = arith.divf %sub3A_526, %add3A_529 : vector<16xf32>
      %mul3A_531 = arith.mulf %div3A_530, %div3A_530 : vector<16xf32>
      %mul3A_532 = arith.constant 2.000000e+00 : f32
      %mul3A_533 = vector.broadcast %mul3A_532 : f32 to vector<16xf32>
      %mul3A_534 = arith.mulf %mul3A_533, %div3A_530 : vector<16xf32>
      %mul3A_535 = arith.constant 0.111111112 : f32
      %mul3A_536 = vector.broadcast %mul3A_535 : f32 to vector<16xf32>
      %mul3A_537 = arith.mulf %mul3A_531, %mul3A_536 : vector<16xf32>
      %add3A_538 = arith.constant 0.142857149 : f32
      %add3A_539 = vector.broadcast %add3A_538 : f32 to vector<16xf32>
      %add3A_540 = arith.addf %add3A_539, %mul3A_537 : vector<16xf32>
      %mul3A_541 = arith.mulf %mul3A_531, %add3A_540 : vector<16xf32>
      %add3A_542 = arith.constant 2.000000e-01 : f32
      %add3A_543 = vector.broadcast %add3A_542 : f32 to vector<16xf32>
      %add3A_544 = arith.addf %add3A_543, %mul3A_541 : vector<16xf32>
      %mul3A_545 = arith.mulf %mul3A_531, %add3A_544 : vector<16xf32>
      %add3A_546 = arith.constant 0.333333343 : f32
      %add3A_547 = vector.broadcast %add3A_546 : f32 to vector<16xf32>
      %add3A_548 = arith.addf %add3A_547, %mul3A_545 : vector<16xf32>
      %mul3A_549 = arith.mulf %mul3A_531, %add3A_548 : vector<16xf32>
      %add3A_550 = arith.constant 1.000000e+00 : f32
      %add3A_551 = vector.broadcast %add3A_550 : f32 to vector<16xf32>
      %add3A_552 = arith.addf %add3A_551, %mul3A_549 : vector<16xf32>
      %mul3A_553 = arith.mulf %mul3A_534, %add3A_552 : vector<16xf32>
      %convert_element_type3A_554 = arith.sitofp %sub3A_516 : vector<16xi32> to vector<16xf32>
      %mul3A_555 = arith.constant 0.693147182 : f32
      %mul3A_556 = vector.broadcast %mul3A_555 : f32 to vector<16xf32>
      %mul3A_557 = arith.mulf %convert_element_type3A_554, %mul3A_556 : vector<16xf32>
      %add3A_558 = arith.addf %mul3A_557, %mul3A_553 : vector<16xf32>
      %add3A_559 = arith.addf %add3A_499, %add3A_558 : vector<16xf32>
      %jit3A_560 = arith.constant -1.000000e+01 : f32
      %jit3A_561 = arith.constant 1.000000e+01 : f32
      %max3A_562 = vector.broadcast %jit3A_560 : f32 to vector<16xf32>
      %max3A_563 = arith.maximumf %max3A_562, %parallel_loop3A_448#2 : vector<16xf32>
      %min3A_564 = vector.broadcast %jit3A_561 : f32 to vector<16xf32>
      %min3A_565 = arith.minimumf %min3A_564, %max3A_563 : vector<16xf32>
      %exp3A_566 = math.exp %min3A_565 : vector<16xf32>
      %add3A_567 = arith.constant 1.000000e+00 : f32
      %add3A_568 = vector.broadcast %add3A_567 : f32 to vector<16xf32>
      %add3A_569 = arith.addf %add3A_568, %exp3A_566 : vector<16xf32>
      %bitcast_convert_type3A_570 = tpu.bitcast %add3A_569 : vector<16xf32> -> vector<16xi32>
      %shift_right_arithmetic3A_571 = arith.constant 23 : i32
      %shift_right_arithmetic3A_572 = vector.broadcast %shift_right_arithmetic3A_571 : i32 to vector<16xi32>
      %shift_right_arithmetic3A_573 = arith.shrsi %bitcast_convert_type3A_570, %shift_right_arithmetic3A_572 : vector<16xi32>
      %sub3A_574 = arith.constant 127 : i32
      %sub3A_575 = vector.broadcast %sub3A_574 : i32 to vector<16xi32>
      %sub3A_576 = arith.subi %shift_right_arithmetic3A_573, %sub3A_575 : vector<16xi32>
      %and3A_577 = arith.constant 8388607 : i32
      %and3A_578 = vector.broadcast %and3A_577 : i32 to vector<16xi32>
      %and3A_579 = arith.andi %bitcast_convert_type3A_570, %and3A_578 : vector<16xi32>
      %or3A_580 = arith.constant 1065353216 : i32
      %or3A_581 = vector.broadcast %or3A_580 : i32 to vector<16xi32>
      %or3A_582 = arith.ori %and3A_579, %or3A_581 : vector<16xi32>
      %bitcast_convert_type3A_583 = tpu.bitcast %or3A_582 : vector<16xi32> -> vector<16xf32>
      %sub3A_584 = arith.constant 1.000000e+00 : f32
      %sub3A_585 = vector.broadcast %sub3A_584 : f32 to vector<16xf32>
      %sub3A_586 = arith.subf %bitcast_convert_type3A_583, %sub3A_585 : vector<16xf32>
      %add3A_587 = arith.constant 1.000000e+00 : f32
      %add3A_588 = vector.broadcast %add3A_587 : f32 to vector<16xf32>
      %add3A_589 = arith.addf %bitcast_convert_type3A_583, %add3A_588 : vector<16xf32>
      %div3A_590 = arith.divf %sub3A_586, %add3A_589 : vector<16xf32>
      %mul3A_591 = arith.mulf %div3A_590, %div3A_590 : vector<16xf32>
      %mul3A_592 = arith.constant 2.000000e+00 : f32
      %mul3A_593 = vector.broadcast %mul3A_592 : f32 to vector<16xf32>
      %mul3A_594 = arith.mulf %mul3A_593, %div3A_590 : vector<16xf32>
      %mul3A_595 = arith.constant 0.111111112 : f32
      %mul3A_596 = vector.broadcast %mul3A_595 : f32 to vector<16xf32>
      %mul3A_597 = arith.mulf %mul3A_591, %mul3A_596 : vector<16xf32>
      %add3A_598 = arith.constant 0.142857149 : f32
      %add3A_599 = vector.broadcast %add3A_598 : f32 to vector<16xf32>
      %add3A_600 = arith.addf %add3A_599, %mul3A_597 : vector<16xf32>
      %mul3A_601 = arith.mulf %mul3A_591, %add3A_600 : vector<16xf32>
      %add3A_602 = arith.constant 2.000000e-01 : f32
      %add3A_603 = vector.broadcast %add3A_602 : f32 to vector<16xf32>
      %add3A_604 = arith.addf %add3A_603, %mul3A_601 : vector<16xf32>
      %mul3A_605 = arith.mulf %mul3A_591, %add3A_604 : vector<16xf32>
      %add3A_606 = arith.constant 0.333333343 : f32
      %add3A_607 = vector.broadcast %add3A_606 : f32 to vector<16xf32>
      %add3A_608 = arith.addf %add3A_607, %mul3A_605 : vector<16xf32>
      %mul3A_609 = arith.mulf %mul3A_591, %add3A_608 : vector<16xf32>
      %add3A_610 = arith.constant 1.000000e+00 : f32
      %add3A_611 = vector.broadcast %add3A_610 : f32 to vector<16xf32>
      %add3A_612 = arith.addf %add3A_611, %mul3A_609 : vector<16xf32>
      %mul3A_613 = arith.mulf %mul3A_594, %add3A_612 : vector<16xf32>
      %convert_element_type3A_614 = arith.sitofp %sub3A_576 : vector<16xi32> to vector<16xf32>
      %mul3A_615 = arith.constant 0.693147182 : f32
      %mul3A_616 = vector.broadcast %mul3A_615 : f32 to vector<16xf32>
      %mul3A_617 = arith.mulf %convert_element_type3A_614, %mul3A_616 : vector<16xf32>
      %add3A_618 = arith.addf %mul3A_617, %mul3A_613 : vector<16xf32>
      %add3A_619 = arith.addf %add3A_559, %add3A_618 : vector<16xf32>
      %jit3A_620 = arith.constant -1.000000e+01 : f32
      %jit3A_621 = arith.constant 1.000000e+01 : f32
      %max3A_622 = vector.broadcast %jit3A_620 : f32 to vector<16xf32>
      %max3A_623 = arith.maximumf %max3A_622, %parallel_loop3A_448#3 : vector<16xf32>
      %min3A_624 = vector.broadcast %jit3A_621 : f32 to vector<16xf32>
      %min3A_625 = arith.minimumf %min3A_624, %max3A_623 : vector<16xf32>
      %exp3A_626 = math.exp %min3A_625 : vector<16xf32>
      %add3A_627 = arith.constant 1.000000e+00 : f32
      %add3A_628 = vector.broadcast %add3A_627 : f32 to vector<16xf32>
      %add3A_629 = arith.addf %add3A_628, %exp3A_626 : vector<16xf32>
      %bitcast_convert_type3A_630 = tpu.bitcast %add3A_629 : vector<16xf32> -> vector<16xi32>
      %shift_right_arithmetic3A_631 = arith.constant 23 : i32
      %shift_right_arithmetic3A_632 = vector.broadcast %shift_right_arithmetic3A_631 : i32 to vector<16xi32>
      %shift_right_arithmetic3A_633 = arith.shrsi %bitcast_convert_type3A_630, %shift_right_arithmetic3A_632 : vector<16xi32>
      %sub3A_634 = arith.constant 127 : i32
      %sub3A_635 = vector.broadcast %sub3A_634 : i32 to vector<16xi32>
      %sub3A_636 = arith.subi %shift_right_arithmetic3A_633, %sub3A_635 : vector<16xi32>
      %and3A_637 = arith.constant 8388607 : i32
      %and3A_638 = vector.broadcast %and3A_637 : i32 to vector<16xi32>
      %and3A_639 = arith.andi %bitcast_convert_type3A_630, %and3A_638 : vector<16xi32>
      %or3A_640 = arith.constant 1065353216 : i32
      %or3A_641 = vector.broadcast %or3A_640 : i32 to vector<16xi32>
      %or3A_642 = arith.ori %and3A_639, %or3A_641 : vector<16xi32>
      %bitcast_convert_type3A_643 = tpu.bitcast %or3A_642 : vector<16xi32> -> vector<16xf32>
      %sub3A_644 = arith.constant 1.000000e+00 : f32
      %sub3A_645 = vector.broadcast %sub3A_644 : f32 to vector<16xf32>
      %sub3A_646 = arith.subf %bitcast_convert_type3A_643, %sub3A_645 : vector<16xf32>
      %add3A_647 = arith.constant 1.000000e+00 : f32
      %add3A_648 = vector.broadcast %add3A_647 : f32 to vector<16xf32>
      %add3A_649 = arith.addf %bitcast_convert_type3A_643, %add3A_648 : vector<16xf32>
      %div3A_650 = arith.divf %sub3A_646, %add3A_649 : vector<16xf32>
      %mul3A_651 = arith.mulf %div3A_650, %div3A_650 : vector<16xf32>
      %mul3A_652 = arith.constant 2.000000e+00 : f32
      %mul3A_653 = vector.broadcast %mul3A_652 : f32 to vector<16xf32>
      %mul3A_654 = arith.mulf %mul3A_653, %div3A_650 : vector<16xf32>
      %mul3A_655 = arith.constant 0.111111112 : f32
      %mul3A_656 = vector.broadcast %mul3A_655 : f32 to vector<16xf32>
      %mul3A_657 = arith.mulf %mul3A_651, %mul3A_656 : vector<16xf32>
      %add3A_658 = arith.constant 0.142857149 : f32
      %add3A_659 = vector.broadcast %add3A_658 : f32 to vector<16xf32>
      %add3A_660 = arith.addf %add3A_659, %mul3A_657 : vector<16xf32>
      %mul3A_661 = arith.mulf %mul3A_651, %add3A_660 : vector<16xf32>
      %add3A_662 = arith.constant 2.000000e-01 : f32
      %add3A_663 = vector.broadcast %add3A_662 : f32 to vector<16xf32>
      %add3A_664 = arith.addf %add3A_663, %mul3A_661 : vector<16xf32>
      %mul3A_665 = arith.mulf %mul3A_651, %add3A_664 : vector<16xf32>
      %add3A_666 = arith.constant 0.333333343 : f32
      %add3A_667 = vector.broadcast %add3A_666 : f32 to vector<16xf32>
      %add3A_668 = arith.addf %add3A_667, %mul3A_665 : vector<16xf32>
      %mul3A_669 = arith.mulf %mul3A_651, %add3A_668 : vector<16xf32>
      %add3A_670 = arith.constant 1.000000e+00 : f32
      %add3A_671 = vector.broadcast %add3A_670 : f32 to vector<16xf32>
      %add3A_672 = arith.addf %add3A_671, %mul3A_669 : vector<16xf32>
      %mul3A_673 = arith.mulf %mul3A_654, %add3A_672 : vector<16xf32>
      %convert_element_type3A_674 = arith.sitofp %sub3A_636 : vector<16xi32> to vector<16xf32>
      %mul3A_675 = arith.constant 0.693147182 : f32
      %mul3A_676 = vector.broadcast %mul3A_675 : f32 to vector<16xf32>
      %mul3A_677 = arith.mulf %convert_element_type3A_674, %mul3A_676 : vector<16xf32>
      %add3A_678 = arith.addf %mul3A_677, %mul3A_673 : vector<16xf32>
      %add3A_679 = arith.addf %add3A_619, %add3A_678 : vector<16xf32>
      %jit3A_680 = arith.constant -1.000000e+01 : f32
      %jit3A_681 = arith.constant 1.000000e+01 : f32
      %max3A_682 = vector.broadcast %jit3A_680 : f32 to vector<16xf32>
      %max3A_683 = arith.maximumf %max3A_682, %parallel_loop3A_448#4 : vector<16xf32>
      %min3A_684 = vector.broadcast %jit3A_681 : f32 to vector<16xf32>
      %min3A_685 = arith.minimumf %min3A_684, %max3A_683 : vector<16xf32>
      %exp3A_686 = math.exp %min3A_685 : vector<16xf32>
      %add3A_687 = arith.constant 1.000000e+00 : f32
      %add3A_688 = vector.broadcast %add3A_687 : f32 to vector<16xf32>
      %add3A_689 = arith.addf %add3A_688, %exp3A_686 : vector<16xf32>
      %bitcast_convert_type3A_690 = tpu.bitcast %add3A_689 : vector<16xf32> -> vector<16xi32>
      %shift_right_arithmetic3A_691 = arith.constant 23 : i32
      %shift_right_arithmetic3A_692 = vector.broadcast %shift_right_arithmetic3A_691 : i32 to vector<16xi32>
      %shift_right_arithmetic3A_693 = arith.shrsi %bitcast_convert_type3A_690, %shift_right_arithmetic3A_692 : vector<16xi32>
      %sub3A_694 = arith.constant 127 : i32
      %sub3A_695 = vector.broadcast %sub3A_694 : i32 to vector<16xi32>
      %sub3A_696 = arith.subi %shift_right_arithmetic3A_693, %sub3A_695 : vector<16xi32>
      %and3A_697 = arith.constant 8388607 : i32
      %and3A_698 = vector.broadcast %and3A_697 : i32 to vector<16xi32>
      %and3A_699 = arith.andi %bitcast_convert_type3A_690, %and3A_698 : vector<16xi32>
      %or3A_700 = arith.constant 1065353216 : i32
      %or3A_701 = vector.broadcast %or3A_700 : i32 to vector<16xi32>
      %or3A_702 = arith.ori %and3A_699, %or3A_701 : vector<16xi32>
      %bitcast_convert_type3A_703 = tpu.bitcast %or3A_702 : vector<16xi32> -> vector<16xf32>
      %sub3A_704 = arith.constant 1.000000e+00 : f32
      %sub3A_705 = vector.broadcast %sub3A_704 : f32 to vector<16xf32>
      %sub3A_706 = arith.subf %bitcast_convert_type3A_703, %sub3A_705 : vector<16xf32>
      %add3A_707 = arith.constant 1.000000e+00 : f32
      %add3A_708 = vector.broadcast %add3A_707 : f32 to vector<16xf32>
      %add3A_709 = arith.addf %bitcast_convert_type3A_703, %add3A_708 : vector<16xf32>
      %div3A_710 = arith.divf %sub3A_706, %add3A_709 : vector<16xf32>
      %mul3A_711 = arith.mulf %div3A_710, %div3A_710 : vector<16xf32>
      %mul3A_712 = arith.constant 2.000000e+00 : f32
      %mul3A_713 = vector.broadcast %mul3A_712 : f32 to vector<16xf32>
      %mul3A_714 = arith.mulf %mul3A_713, %div3A_710 : vector<16xf32>
      %mul3A_715 = arith.constant 0.111111112 : f32
      %mul3A_716 = vector.broadcast %mul3A_715 : f32 to vector<16xf32>
      %mul3A_717 = arith.mulf %mul3A_711, %mul3A_716 : vector<16xf32>
      %add3A_718 = arith.constant 0.142857149 : f32
      %add3A_719 = vector.broadcast %add3A_718 : f32 to vector<16xf32>
      %add3A_720 = arith.addf %add3A_719, %mul3A_717 : vector<16xf32>
      %mul3A_721 = arith.mulf %mul3A_711, %add3A_720 : vector<16xf32>
      %add3A_722 = arith.constant 2.000000e-01 : f32
      %add3A_723 = vector.broadcast %add3A_722 : f32 to vector<16xf32>
      %add3A_724 = arith.addf %add3A_723, %mul3A_721 : vector<16xf32>
      %mul3A_725 = arith.mulf %mul3A_711, %add3A_724 : vector<16xf32>
      %add3A_726 = arith.constant 0.333333343 : f32
      %add3A_727 = vector.broadcast %add3A_726 : f32 to vector<16xf32>
      %add3A_728 = arith.addf %add3A_727, %mul3A_725 : vector<16xf32>
      %mul3A_729 = arith.mulf %mul3A_711, %add3A_728 : vector<16xf32>
      %add3A_730 = arith.constant 1.000000e+00 : f32
      %add3A_731 = vector.broadcast %add3A_730 : f32 to vector<16xf32>
      %add3A_732 = arith.addf %add3A_731, %mul3A_729 : vector<16xf32>
      %mul3A_733 = arith.mulf %mul3A_714, %add3A_732 : vector<16xf32>
      %convert_element_type3A_734 = arith.sitofp %sub3A_696 : vector<16xi32> to vector<16xf32>
      %mul3A_735 = arith.constant 0.693147182 : f32
      %mul3A_736 = vector.broadcast %mul3A_735 : f32 to vector<16xf32>
      %mul3A_737 = arith.mulf %convert_element_type3A_734, %mul3A_736 : vector<16xf32>
      %add3A_738 = arith.addf %mul3A_737, %mul3A_733 : vector<16xf32>
      %add3A_739 = arith.addf %add3A_679, %add3A_738 : vector<16xf32>
      %jit3A_740 = arith.constant -1.000000e+01 : f32
      %jit3A_741 = arith.constant 1.000000e+01 : f32
      %max3A_742 = vector.broadcast %jit3A_740 : f32 to vector<16xf32>
      %max3A_743 = arith.maximumf %max3A_742, %parallel_loop3A_448#5 : vector<16xf32>
      %min3A_744 = vector.broadcast %jit3A_741 : f32 to vector<16xf32>
      %min3A_745 = arith.minimumf %min3A_744, %max3A_743 : vector<16xf32>
      %exp3A_746 = math.exp %min3A_745 : vector<16xf32>
      %add3A_747 = arith.constant 1.000000e+00 : f32
      %add3A_748 = vector.broadcast %add3A_747 : f32 to vector<16xf32>
      %add3A_749 = arith.addf %add3A_748, %exp3A_746 : vector<16xf32>
      %bitcast_convert_type3A_750 = tpu.bitcast %add3A_749 : vector<16xf32> -> vector<16xi32>
      %shift_right_arithmetic3A_751 = arith.constant 23 : i32
      %shift_right_arithmetic3A_752 = vector.broadcast %shift_right_arithmetic3A_751 : i32 to vector<16xi32>
      %shift_right_arithmetic3A_753 = arith.shrsi %bitcast_convert_type3A_750, %shift_right_arithmetic3A_752 : vector<16xi32>
      %sub3A_754 = arith.constant 127 : i32
      %sub3A_755 = vector.broadcast %sub3A_754 : i32 to vector<16xi32>
      %sub3A_756 = arith.subi %shift_right_arithmetic3A_753, %sub3A_755 : vector<16xi32>
      %and3A_757 = arith.constant 8388607 : i32
      %and3A_758 = vector.broadcast %and3A_757 : i32 to vector<16xi32>
      %and3A_759 = arith.andi %bitcast_convert_type3A_750, %and3A_758 : vector<16xi32>
      %or3A_760 = arith.constant 1065353216 : i32
      %or3A_761 = vector.broadcast %or3A_760 : i32 to vector<16xi32>
      %or3A_762 = arith.ori %and3A_759, %or3A_761 : vector<16xi32>
      %bitcast_convert_type3A_763 = tpu.bitcast %or3A_762 : vector<16xi32> -> vector<16xf32>
      %sub3A_764 = arith.constant 1.000000e+00 : f32
      %sub3A_765 = vector.broadcast %sub3A_764 : f32 to vector<16xf32>
      %sub3A_766 = arith.subf %bitcast_convert_type3A_763, %sub3A_765 : vector<16xf32>
      %add3A_767 = arith.constant 1.000000e+00 : f32
      %add3A_768 = vector.broadcast %add3A_767 : f32 to vector<16xf32>
      %add3A_769 = arith.addf %bitcast_convert_type3A_763, %add3A_768 : vector<16xf32>
      %div3A_770 = arith.divf %sub3A_766, %add3A_769 : vector<16xf32>
      %mul3A_771 = arith.mulf %div3A_770, %div3A_770 : vector<16xf32>
      %mul3A_772 = arith.constant 2.000000e+00 : f32
      %mul3A_773 = vector.broadcast %mul3A_772 : f32 to vector<16xf32>
      %mul3A_774 = arith.mulf %mul3A_773, %div3A_770 : vector<16xf32>
      %mul3A_775 = arith.constant 0.111111112 : f32
      %mul3A_776 = vector.broadcast %mul3A_775 : f32 to vector<16xf32>
      %mul3A_777 = arith.mulf %mul3A_771, %mul3A_776 : vector<16xf32>
      %add3A_778 = arith.constant 0.142857149 : f32
      %add3A_779 = vector.broadcast %add3A_778 : f32 to vector<16xf32>
      %add3A_780 = arith.addf %add3A_779, %mul3A_777 : vector<16xf32>
      %mul3A_781 = arith.mulf %mul3A_771, %add3A_780 : vector<16xf32>
      %add3A_782 = arith.constant 2.000000e-01 : f32
      %add3A_783 = vector.broadcast %add3A_782 : f32 to vector<16xf32>
      %add3A_784 = arith.addf %add3A_783, %mul3A_781 : vector<16xf32>
      %mul3A_785 = arith.mulf %mul3A_771, %add3A_784 : vector<16xf32>
      %add3A_786 = arith.constant 0.333333343 : f32
      %add3A_787 = vector.broadcast %add3A_786 : f32 to vector<16xf32>
      %add3A_788 = arith.addf %add3A_787, %mul3A_785 : vector<16xf32>
      %mul3A_789 = arith.mulf %mul3A_771, %add3A_788 : vector<16xf32>
      %add3A_790 = arith.constant 1.000000e+00 : f32
      %add3A_791 = vector.broadcast %add3A_790 : f32 to vector<16xf32>
      %add3A_792 = arith.addf %add3A_791, %mul3A_789 : vector<16xf32>
      %mul3A_793 = arith.mulf %mul3A_774, %add3A_792 : vector<16xf32>
      %convert_element_type3A_794 = arith.sitofp %sub3A_756 : vector<16xi32> to vector<16xf32>
      %mul3A_795 = arith.constant 0.693147182 : f32
      %mul3A_796 = vector.broadcast %mul3A_795 : f32 to vector<16xf32>
      %mul3A_797 = arith.mulf %convert_element_type3A_794, %mul3A_796 : vector<16xf32>
      %add3A_798 = arith.addf %mul3A_797, %mul3A_793 : vector<16xf32>
      %add3A_799 = arith.addf %add3A_739, %add3A_798 : vector<16xf32>
      scf.yield %add3A_799 : vector<16xf32>
    }
    %scan3A_280 = arith.constant 4 : i32
    %dma_start3A_281 = arith.constant 384 : i32
    %dma_start3A_282 = tpu.memref_slice %arg8[%dma_start3A_281] : memref<512xi32, #tpu.memory_space<vmem>> -> memref<64xi32, #tpu.memory_space<vmem>>
    %dma_start3A_283 = arith.constant 0 : i32
    %dma_start3A_284 = arith.constant 0 : i32
    %dma_start3A_285 = tpu.memref_slice %arg5[%dma_start3A_283, %dma_start3A_284] : memref<1000000x128xf32, #tpu.memory_space<hbm>> -> memref<1000000x128xf32, #tpu.memory_space<hbm>>
    tpu.enqueue_indirect_dma source(%dma_start3A_285 : memref<1000000x128xf32, #tpu.memory_space<hbm>>) target(%arg12 : memref<64x128xf32, #tpu.memory_space<vmem>>) offsets(%dma_start3A_282 : memref<64xi32, #tpu.memory_space<vmem>>) semaphore(%arg17 : memref<!tpu.dma_semaphore, #tpu.memory_space<semaphore_mem>>)
    %dma_start3A_286 = arith.constant 0 : i32
    %dma_start3A_287 = arith.constant 0 : i32
    %dma_start3A_288 = tpu.memref_slice %arg13[%dma_start3A_286, %dma_start3A_287] : memref<384x128xf32, #tpu.memory_space<vmem>> -> memref<64x128xf32, #tpu.memory_space<vmem>>
    %dma_start3A_289 = arith.constant 384 : i32
    %dma_start3A_290 = tpu.memref_slice %arg9[%dma_start3A_289] : memref<512xi32, #tpu.memory_space<vmem>> -> memref<64xi32, #tpu.memory_space<vmem>>
    %dma_start3A_291 = arith.constant 0 : i32
    %dma_start3A_292 = arith.constant 0 : i32
    %dma_start3A_293 = tpu.memref_slice %arg6[%dma_start3A_291, %dma_start3A_292] : memref<1000000x128xf32, #tpu.memory_space<hbm>> -> memref<1000000x128xf32, #tpu.memory_space<hbm>>
    tpu.enqueue_indirect_dma source(%dma_start3A_293 : memref<1000000x128xf32, #tpu.memory_space<hbm>>) target(%dma_start3A_288 : memref<64x128xf32, #tpu.memory_space<vmem>>) offsets(%dma_start3A_290 : memref<64xi32, #tpu.memory_space<vmem>>) semaphore(%arg17 : memref<!tpu.dma_semaphore, #tpu.memory_space<semaphore_mem>>)
    %dma_start3A_294 = arith.constant 64 : i32
    %dma_start3A_295 = arith.constant 0 : i32
    %dma_start3A_296 = tpu.memref_slice %arg13[%dma_start3A_294, %dma_start3A_295] : memref<384x128xf32, #tpu.memory_space<vmem>> -> memref<320x128xf32, #tpu.memory_space<vmem>>
    %dma_start3A_297 = arith.constant 1920 : i32
    %dma_start3A_298 = tpu.memref_slice %arg11[%dma_start3A_297] : memref<2560xi32, #tpu.memory_space<vmem>> -> memref<320xi32, #tpu.memory_space<vmem>>
    %dma_start3A_299 = arith.constant 0 : i32
    %dma_start3A_300 = arith.constant 0 : i32
    %dma_start3A_301 = tpu.memref_slice %arg6[%dma_start3A_299, %dma_start3A_300] : memref<1000000x128xf32, #tpu.memory_space<hbm>> -> memref<1000000x128xf32, #tpu.memory_space<hbm>>
    tpu.enqueue_indirect_dma source(%dma_start3A_301 : memref<1000000x128xf32, #tpu.memory_space<hbm>>) target(%dma_start3A_296 : memref<320x128xf32, #tpu.memory_space<vmem>>) offsets(%dma_start3A_298 : memref<320xi32, #tpu.memory_space<vmem>>) semaphore(%arg17 : memref<!tpu.dma_semaphore, #tpu.memory_space<semaphore_mem>>)
    %dma_wait3A_302 = arith.constant 320 : i32
    %dma_wait3A_303 = tpu.memref_slice %arg8[%dma_wait3A_302] : memref<512xi32, #tpu.memory_space<vmem>> -> memref<64xi32, #tpu.memory_space<vmem>>
    %dma_wait3A_304 = arith.constant 0 : i32
    %dma_wait3A_305 = arith.constant 0 : i32
    %dma_wait3A_306 = tpu.memref_slice %arg5[%dma_wait3A_304, %dma_wait3A_305] : memref<1000000x128xf32, #tpu.memory_space<hbm>> -> memref<1000000x128xf32, #tpu.memory_space<hbm>>
    tpu.wait_indirect_dma semaphore(%arg18 : memref<!tpu.dma_semaphore, #tpu.memory_space<semaphore_mem>>) src(%dma_wait3A_306 : memref<1000000x128xf32, #tpu.memory_space<hbm>>) dst(%arg14 : memref<64x128xf32, #tpu.memory_space<vmem>>)
    %dma_wait3A_307 = arith.constant 0 : i32
    %dma_wait3A_308 = arith.constant 0 : i32
    %dma_wait3A_309 = tpu.memref_slice %arg15[%dma_wait3A_307, %dma_wait3A_308] : memref<384x128xf32, #tpu.memory_space<vmem>> -> memref<64x128xf32, #tpu.memory_space<vmem>>
    %dma_wait3A_310 = arith.constant 320 : i32
    %dma_wait3A_311 = tpu.memref_slice %arg9[%dma_wait3A_310] : memref<512xi32, #tpu.memory_space<vmem>> -> memref<64xi32, #tpu.memory_space<vmem>>
    %dma_wait3A_312 = arith.constant 0 : i32
    %dma_wait3A_313 = arith.constant 0 : i32
    %dma_wait3A_314 = tpu.memref_slice %arg6[%dma_wait3A_312, %dma_wait3A_313] : memref<1000000x128xf32, #tpu.memory_space<hbm>> -> memref<1000000x128xf32, #tpu.memory_space<hbm>>
    tpu.wait_indirect_dma semaphore(%arg18 : memref<!tpu.dma_semaphore, #tpu.memory_space<semaphore_mem>>) src(%dma_wait3A_314 : memref<1000000x128xf32, #tpu.memory_space<hbm>>) dst(%dma_wait3A_309 : memref<64x128xf32, #tpu.memory_space<vmem>>)
    %dma_wait3A_315 = arith.constant 64 : i32
    %dma_wait3A_316 = arith.constant 0 : i32
    %dma_wait3A_317 = tpu.memref_slice %arg15[%dma_wait3A_315, %dma_wait3A_316] : memref<384x128xf32, #tpu.memory_space<vmem>> -> memref<320x128xf32, #tpu.memory_space<vmem>>
    %dma_wait3A_318 = arith.constant 1600 : i32
    %dma_wait3A_319 = tpu.memref_slice %arg11[%dma_wait3A_318] : memref<2560xi32, #tpu.memory_space<vmem>> -> memref<320xi32, #tpu.memory_space<vmem>>
    %dma_wait3A_320 = arith.constant 0 : i32
    %dma_wait3A_321 = arith.constant 0 : i32
    %dma_wait3A_322 = tpu.memref_slice %arg6[%dma_wait3A_320, %dma_wait3A_321] : memref<1000000x128xf32, #tpu.memory_space<hbm>> -> memref<1000000x128xf32, #tpu.memory_space<hbm>>
    tpu.wait_indirect_dma semaphore(%arg18 : memref<!tpu.dma_semaphore, #tpu.memory_space<semaphore_mem>>) src(%dma_wait3A_322 : memref<1000000x128xf32, #tpu.memory_space<hbm>>) dst(%dma_wait3A_317 : memref<320x128xf32, #tpu.memory_space<vmem>>)
    %scan3A_323 = arith.constant 0 : i32
    %scan3A_324 = arith.constant 4 : i32
    %scan3A_325 = arith.addi %scan3A_323, %scan3A_324 : i32
    %scan3A_326 = arith.constant 1 : i32
    %scan3A_327 = scf.for %scan3A_407 = %scan3A_323 to %scan3A_325 step %scan3A_326 iter_args(%scan3A_408 = %scan3A_279) -> (vector<16xf32>)  : i32 {
      %mul3A_409 = arith.constant 16 : i32
      %mul3A_410 = arith.muli %scan3A_407, %mul3A_409 : i32
      %add3A_411 = vector.broadcast %mul3A_410 : i32 to vector<16xi32>
      %add3A_412 = arith.addi %iota3A_19, %add3A_411 : vector<16xi32>
      %mul3A_413 = arith.constant 5 : i32
      %mul3A_414 = vector.broadcast %mul3A_413 : i32 to vector<16xi32>
      %mul3A_415 = arith.muli %add3A_412, %mul3A_414 : vector<16xi32>
      %add3A_416 = arith.constant 64 : i32
      %add3A_417 = vector.broadcast %add3A_416 : i32 to vector<16xi32>
      %add3A_418 = arith.addi %mul3A_415, %add3A_417 : vector<16xi32>
      %mul3A_419 = arith.constant 5 : i32
      %mul3A_420 = vector.broadcast %mul3A_419 : i32 to vector<16xi32>
      %mul3A_421 = arith.muli %add3A_412, %mul3A_420 : vector<16xi32>
      %add3A_422 = arith.constant 65 : i32
      %add3A_423 = vector.broadcast %add3A_422 : i32 to vector<16xi32>
      %add3A_424 = arith.addi %mul3A_421, %add3A_423 : vector<16xi32>
      %mul3A_425 = arith.constant 5 : i32
      %mul3A_426 = vector.broadcast %mul3A_425 : i32 to vector<16xi32>
      %mul3A_427 = arith.muli %add3A_412, %mul3A_426 : vector<16xi32>
      %add3A_428 = arith.constant 66 : i32
      %add3A_429 = vector.broadcast %add3A_428 : i32 to vector<16xi32>
      %add3A_430 = arith.addi %mul3A_427, %add3A_429 : vector<16xi32>
      %mul3A_431 = arith.constant 5 : i32
      %mul3A_432 = vector.broadcast %mul3A_431 : i32 to vector<16xi32>
      %mul3A_433 = arith.muli %add3A_412, %mul3A_432 : vector<16xi32>
      %add3A_434 = arith.constant 67 : i32
      %add3A_435 = vector.broadcast %add3A_434 : i32 to vector<16xi32>
      %add3A_436 = arith.addi %mul3A_433, %add3A_435 : vector<16xi32>
      %mul3A_437 = arith.constant 5 : i32
      %mul3A_438 = vector.broadcast %mul3A_437 : i32 to vector<16xi32>
      %mul3A_439 = arith.muli %add3A_412, %mul3A_438 : vector<16xi32>
      %add3A_440 = arith.constant 68 : i32
      %add3A_441 = vector.broadcast %add3A_440 : i32 to vector<16xi32>
      %add3A_442 = arith.addi %mul3A_439, %add3A_441 : vector<16xi32>
      %broadcast_in_dim3A_443 = arith.constant 0.000000e+00 : f32
      %broadcast_in_dim3A_444 = vector.broadcast %broadcast_in_dim3A_443 : f32 to vector<16xf32>
      %parallel_loop3A_445 = arith.constant 0 : i32
      %parallel_loop3A_446 = arith.constant 128 : i32
      %parallel_loop3A_447 = arith.constant 1 : i32
      %parallel_loop3A_448:7 = scf.for %parallel_loop3A_800 = %parallel_loop3A_445 to %parallel_loop3A_446 step %parallel_loop3A_447 iter_args(%parallel_loop3A_801 = %broadcast_in_dim3A_444, %parallel_loop3A_802 = %broadcast_in_dim3A_444, %parallel_loop3A_803 = %broadcast_in_dim3A_444, %parallel_loop3A_804 = %broadcast_in_dim3A_444, %parallel_loop3A_805 = %broadcast_in_dim3A_444, %parallel_loop3A_806 = %broadcast_in_dim3A_444, %parallel_loop3A_807 = %iota3A_19) -> (vector<16xf32>, vector<16xf32>, vector<16xf32>, vector<16xf32>, vector<16xf32>, vector<16xf32>, vector<16xi32>)  : i32 {
        %parallel_loop3A_808 = tpu.vector_load_idx %arg14[%add3A_412, %parallel_loop3A_807] : memref<64x128xf32, #tpu.memory_space<vmem>>[vector<16xi32>, vector<16xi32>], vector<16xf32>,
        %parallel_loop3A_809 = tpu.vector_load_idx %arg15[%add3A_412, %parallel_loop3A_807] : memref<384x128xf32, #tpu.memory_space<vmem>>[vector<16xi32>, vector<16xi32>], vector<16xf32>,
        %parallel_loop3A_810 = arith.mulf %parallel_loop3A_808, %parallel_loop3A_809 : vector<16xf32>
        %parallel_loop3A_811 = arith.addf %parallel_loop3A_801, %parallel_loop3A_810 : vector<16xf32>
        %parallel_loop3A_812 = tpu.vector_load_idx %arg15[%add3A_418, %parallel_loop3A_807] : memref<384x128xf32, #tpu.memory_space<vmem>>[vector<16xi32>, vector<16xi32>], vector<16xf32>,
        %parallel_loop3A_813 = arith.mulf %parallel_loop3A_808, %parallel_loop3A_812 : vector<16xf32>
        %parallel_loop3A_814 = arith.addf %parallel_loop3A_802, %parallel_loop3A_813 : vector<16xf32>
        %parallel_loop3A_815 = tpu.vector_load_idx %arg15[%add3A_424, %parallel_loop3A_807] : memref<384x128xf32, #tpu.memory_space<vmem>>[vector<16xi32>, vector<16xi32>], vector<16xf32>,
        %parallel_loop3A_816 = arith.mulf %parallel_loop3A_808, %parallel_loop3A_815 : vector<16xf32>
        %parallel_loop3A_817 = arith.addf %parallel_loop3A_803, %parallel_loop3A_816 : vector<16xf32>
        %parallel_loop3A_818 = tpu.vector_load_idx %arg15[%add3A_430, %parallel_loop3A_807] : memref<384x128xf32, #tpu.memory_space<vmem>>[vector<16xi32>, vector<16xi32>], vector<16xf32>,
        %parallel_loop3A_819 = arith.mulf %parallel_loop3A_808, %parallel_loop3A_818 : vector<16xf32>
        %parallel_loop3A_820 = arith.addf %parallel_loop3A_804, %parallel_loop3A_819 : vector<16xf32>
        %parallel_loop3A_821 = tpu.vector_load_idx %arg15[%add3A_436, %parallel_loop3A_807] : memref<384x128xf32, #tpu.memory_space<vmem>>[vector<16xi32>, vector<16xi32>], vector<16xf32>,
        %parallel_loop3A_822 = arith.mulf %parallel_loop3A_808, %parallel_loop3A_821 : vector<16xf32>
        %parallel_loop3A_823 = arith.addf %parallel_loop3A_805, %parallel_loop3A_822 : vector<16xf32>
        %parallel_loop3A_824 = tpu.vector_load_idx %arg15[%add3A_442, %parallel_loop3A_807] : memref<384x128xf32, #tpu.memory_space<vmem>>[vector<16xi32>, vector<16xi32>], vector<16xf32>,
        %parallel_loop3A_825 = arith.mulf %parallel_loop3A_808, %parallel_loop3A_824 : vector<16xf32>
        %parallel_loop3A_826 = arith.addf %parallel_loop3A_806, %parallel_loop3A_825 : vector<16xf32>
        %parallel_loop3A_827 = arith.constant 1 : i32
        %parallel_loop3A_828 = vector.broadcast %parallel_loop3A_827 : i32 to vector<16xi32>
        %parallel_loop3A_829 = arith.addi %parallel_loop3A_807, %parallel_loop3A_828 : vector<16xi32>
        %parallel_loop3A_830 = arith.constant 127 : i32
        %parallel_loop3A_831 = vector.broadcast %parallel_loop3A_830 : i32 to vector<16xi32>
        %parallel_loop3A_832 = arith.andi %parallel_loop3A_829, %parallel_loop3A_831 : vector<16xi32>
        scf.yield %parallel_loop3A_811, %parallel_loop3A_814, %parallel_loop3A_817, %parallel_loop3A_820, %parallel_loop3A_823, %parallel_loop3A_826, %parallel_loop3A_832 : vector<16xf32>, vector<16xf32>, vector<16xf32>, vector<16xf32>, vector<16xf32>, vector<16xf32>, vector<16xi32>
      } {sc.loop_unroll_factor = 2 : i64, sc.parallel_access}
      %jit3A = arith.constant -1.000000e+01 : f32
      %jit3A_449 = arith.constant 1.000000e+01 : f32
      %max3A = vector.broadcast %jit3A : f32 to vector<16xf32>
      %max3A_450 = arith.maximumf %max3A, %parallel_loop3A_448#0 : vector<16xf32>
      %min3A = vector.broadcast %jit3A_449 : f32 to vector<16xf32>
      %min3A_451 = arith.minimumf %min3A, %max3A_450 : vector<16xf32>
      %neg3A = arith.constant 0.000000e+00 : f32
      %neg3A_452 = vector.broadcast %neg3A : f32 to vector<16xf32>
      %neg3A_453 = arith.subf %neg3A_452, %min3A_451 : vector<16xf32>
      %exp3A = math.exp %neg3A_453 : vector<16xf32>
      %add3A_454 = arith.constant 1.000000e+00 : f32
      %add3A_455 = vector.broadcast %add3A_454 : f32 to vector<16xf32>
      %add3A_456 = arith.addf %add3A_455, %exp3A : vector<16xf32>
      %bitcast_convert_type3A = tpu.bitcast %add3A_456 : vector<16xf32> -> vector<16xi32>
      %shift_right_arithmetic3A = arith.constant 23 : i32
      %shift_right_arithmetic3A_457 = vector.broadcast %shift_right_arithmetic3A : i32 to vector<16xi32>
      %shift_right_arithmetic3A_458 = arith.shrsi %bitcast_convert_type3A, %shift_right_arithmetic3A_457 : vector<16xi32>
      %sub3A = arith.constant 127 : i32
      %sub3A_459 = vector.broadcast %sub3A : i32 to vector<16xi32>
      %sub3A_460 = arith.subi %shift_right_arithmetic3A_458, %sub3A_459 : vector<16xi32>
      %and3A = arith.constant 8388607 : i32
      %and3A_461 = vector.broadcast %and3A : i32 to vector<16xi32>
      %and3A_462 = arith.andi %bitcast_convert_type3A, %and3A_461 : vector<16xi32>
      %or3A = arith.constant 1065353216 : i32
      %or3A_463 = vector.broadcast %or3A : i32 to vector<16xi32>
      %or3A_464 = arith.ori %and3A_462, %or3A_463 : vector<16xi32>
      %bitcast_convert_type3A_465 = tpu.bitcast %or3A_464 : vector<16xi32> -> vector<16xf32>
      %sub3A_466 = arith.constant 1.000000e+00 : f32
      %sub3A_467 = vector.broadcast %sub3A_466 : f32 to vector<16xf32>
      %sub3A_468 = arith.subf %bitcast_convert_type3A_465, %sub3A_467 : vector<16xf32>
      %add3A_469 = arith.constant 1.000000e+00 : f32
      %add3A_470 = vector.broadcast %add3A_469 : f32 to vector<16xf32>
      %add3A_471 = arith.addf %bitcast_convert_type3A_465, %add3A_470 : vector<16xf32>
      %div3A = arith.divf %sub3A_468, %add3A_471 : vector<16xf32>
      %mul3A_472 = arith.mulf %div3A, %div3A : vector<16xf32>
      %mul3A_473 = arith.constant 2.000000e+00 : f32
      %mul3A_474 = vector.broadcast %mul3A_473 : f32 to vector<16xf32>
      %mul3A_475 = arith.mulf %mul3A_474, %div3A : vector<16xf32>
      %mul3A_476 = arith.constant 0.111111112 : f32
      %mul3A_477 = vector.broadcast %mul3A_476 : f32 to vector<16xf32>
      %mul3A_478 = arith.mulf %mul3A_472, %mul3A_477 : vector<16xf32>
      %add3A_479 = arith.constant 0.142857149 : f32
      %add3A_480 = vector.broadcast %add3A_479 : f32 to vector<16xf32>
      %add3A_481 = arith.addf %add3A_480, %mul3A_478 : vector<16xf32>
      %mul3A_482 = arith.mulf %mul3A_472, %add3A_481 : vector<16xf32>
      %add3A_483 = arith.constant 2.000000e-01 : f32
      %add3A_484 = vector.broadcast %add3A_483 : f32 to vector<16xf32>
      %add3A_485 = arith.addf %add3A_484, %mul3A_482 : vector<16xf32>
      %mul3A_486 = arith.mulf %mul3A_472, %add3A_485 : vector<16xf32>
      %add3A_487 = arith.constant 0.333333343 : f32
      %add3A_488 = vector.broadcast %add3A_487 : f32 to vector<16xf32>
      %add3A_489 = arith.addf %add3A_488, %mul3A_486 : vector<16xf32>
      %mul3A_490 = arith.mulf %mul3A_472, %add3A_489 : vector<16xf32>
      %add3A_491 = arith.constant 1.000000e+00 : f32
      %add3A_492 = vector.broadcast %add3A_491 : f32 to vector<16xf32>
      %add3A_493 = arith.addf %add3A_492, %mul3A_490 : vector<16xf32>
      %mul3A_494 = arith.mulf %mul3A_475, %add3A_493 : vector<16xf32>
      %convert_element_type3A = arith.sitofp %sub3A_460 : vector<16xi32> to vector<16xf32>
      %mul3A_495 = arith.constant 0.693147182 : f32
      %mul3A_496 = vector.broadcast %mul3A_495 : f32 to vector<16xf32>
      %mul3A_497 = arith.mulf %convert_element_type3A, %mul3A_496 : vector<16xf32>
      %add3A_498 = arith.addf %mul3A_497, %mul3A_494 : vector<16xf32>
      %add3A_499 = arith.addf %scan3A_408, %add3A_498 : vector<16xf32>
      %jit3A_500 = arith.constant -1.000000e+01 : f32
      %jit3A_501 = arith.constant 1.000000e+01 : f32
      %max3A_502 = vector.broadcast %jit3A_500 : f32 to vector<16xf32>
      %max3A_503 = arith.maximumf %max3A_502, %parallel_loop3A_448#1 : vector<16xf32>
      %min3A_504 = vector.broadcast %jit3A_501 : f32 to vector<16xf32>
      %min3A_505 = arith.minimumf %min3A_504, %max3A_503 : vector<16xf32>
      %exp3A_506 = math.exp %min3A_505 : vector<16xf32>
      %add3A_507 = arith.constant 1.000000e+00 : f32
      %add3A_508 = vector.broadcast %add3A_507 : f32 to vector<16xf32>
      %add3A_509 = arith.addf %add3A_508, %exp3A_506 : vector<16xf32>
      %bitcast_convert_type3A_510 = tpu.bitcast %add3A_509 : vector<16xf32> -> vector<16xi32>
      %shift_right_arithmetic3A_511 = arith.constant 23 : i32
      %shift_right_arithmetic3A_512 = vector.broadcast %shift_right_arithmetic3A_511 : i32 to vector<16xi32>
      %shift_right_arithmetic3A_513 = arith.shrsi %bitcast_convert_type3A_510, %shift_right_arithmetic3A_512 : vector<16xi32>
      %sub3A_514 = arith.constant 127 : i32
      %sub3A_515 = vector.broadcast %sub3A_514 : i32 to vector<16xi32>
      %sub3A_516 = arith.subi %shift_right_arithmetic3A_513, %sub3A_515 : vector<16xi32>
      %and3A_517 = arith.constant 8388607 : i32
      %and3A_518 = vector.broadcast %and3A_517 : i32 to vector<16xi32>
      %and3A_519 = arith.andi %bitcast_convert_type3A_510, %and3A_518 : vector<16xi32>
      %or3A_520 = arith.constant 1065353216 : i32
      %or3A_521 = vector.broadcast %or3A_520 : i32 to vector<16xi32>
      %or3A_522 = arith.ori %and3A_519, %or3A_521 : vector<16xi32>
      %bitcast_convert_type3A_523 = tpu.bitcast %or3A_522 : vector<16xi32> -> vector<16xf32>
      %sub3A_524 = arith.constant 1.000000e+00 : f32
      %sub3A_525 = vector.broadcast %sub3A_524 : f32 to vector<16xf32>
      %sub3A_526 = arith.subf %bitcast_convert_type3A_523, %sub3A_525 : vector<16xf32>
      %add3A_527 = arith.constant 1.000000e+00 : f32
      %add3A_528 = vector.broadcast %add3A_527 : f32 to vector<16xf32>
      %add3A_529 = arith.addf %bitcast_convert_type3A_523, %add3A_528 : vector<16xf32>
      %div3A_530 = arith.divf %sub3A_526, %add3A_529 : vector<16xf32>
      %mul3A_531 = arith.mulf %div3A_530, %div3A_530 : vector<16xf32>
      %mul3A_532 = arith.constant 2.000000e+00 : f32
      %mul3A_533 = vector.broadcast %mul3A_532 : f32 to vector<16xf32>
      %mul3A_534 = arith.mulf %mul3A_533, %div3A_530 : vector<16xf32>
      %mul3A_535 = arith.constant 0.111111112 : f32
      %mul3A_536 = vector.broadcast %mul3A_535 : f32 to vector<16xf32>
      %mul3A_537 = arith.mulf %mul3A_531, %mul3A_536 : vector<16xf32>
      %add3A_538 = arith.constant 0.142857149 : f32
      %add3A_539 = vector.broadcast %add3A_538 : f32 to vector<16xf32>
      %add3A_540 = arith.addf %add3A_539, %mul3A_537 : vector<16xf32>
      %mul3A_541 = arith.mulf %mul3A_531, %add3A_540 : vector<16xf32>
      %add3A_542 = arith.constant 2.000000e-01 : f32
      %add3A_543 = vector.broadcast %add3A_542 : f32 to vector<16xf32>
      %add3A_544 = arith.addf %add3A_543, %mul3A_541 : vector<16xf32>
      %mul3A_545 = arith.mulf %mul3A_531, %add3A_544 : vector<16xf32>
      %add3A_546 = arith.constant 0.333333343 : f32
      %add3A_547 = vector.broadcast %add3A_546 : f32 to vector<16xf32>
      %add3A_548 = arith.addf %add3A_547, %mul3A_545 : vector<16xf32>
      %mul3A_549 = arith.mulf %mul3A_531, %add3A_548 : vector<16xf32>
      %add3A_550 = arith.constant 1.000000e+00 : f32
      %add3A_551 = vector.broadcast %add3A_550 : f32 to vector<16xf32>
      %add3A_552 = arith.addf %add3A_551, %mul3A_549 : vector<16xf32>
      %mul3A_553 = arith.mulf %mul3A_534, %add3A_552 : vector<16xf32>
      %convert_element_type3A_554 = arith.sitofp %sub3A_516 : vector<16xi32> to vector<16xf32>
      %mul3A_555 = arith.constant 0.693147182 : f32
      %mul3A_556 = vector.broadcast %mul3A_555 : f32 to vector<16xf32>
      %mul3A_557 = arith.mulf %convert_element_type3A_554, %mul3A_556 : vector<16xf32>
      %add3A_558 = arith.addf %mul3A_557, %mul3A_553 : vector<16xf32>
      %add3A_559 = arith.addf %add3A_499, %add3A_558 : vector<16xf32>
      %jit3A_560 = arith.constant -1.000000e+01 : f32
      %jit3A_561 = arith.constant 1.000000e+01 : f32
      %max3A_562 = vector.broadcast %jit3A_560 : f32 to vector<16xf32>
      %max3A_563 = arith.maximumf %max3A_562, %parallel_loop3A_448#2 : vector<16xf32>
      %min3A_564 = vector.broadcast %jit3A_561 : f32 to vector<16xf32>
      %min3A_565 = arith.minimumf %min3A_564, %max3A_563 : vector<16xf32>
      %exp3A_566 = math.exp %min3A_565 : vector<16xf32>
      %add3A_567 = arith.constant 1.000000e+00 : f32
      %add3A_568 = vector.broadcast %add3A_567 : f32 to vector<16xf32>
      %add3A_569 = arith.addf %add3A_568, %exp3A_566 : vector<16xf32>
      %bitcast_convert_type3A_570 = tpu.bitcast %add3A_569 : vector<16xf32> -> vector<16xi32>
      %shift_right_arithmetic3A_571 = arith.constant 23 : i32
      %shift_right_arithmetic3A_572 = vector.broadcast %shift_right_arithmetic3A_571 : i32 to vector<16xi32>
      %shift_right_arithmetic3A_573 = arith.shrsi %bitcast_convert_type3A_570, %shift_right_arithmetic3A_572 : vector<16xi32>
      %sub3A_574 = arith.constant 127 : i32
      %sub3A_575 = vector.broadcast %sub3A_574 : i32 to vector<16xi32>
      %sub3A_576 = arith.subi %shift_right_arithmetic3A_573, %sub3A_575 : vector<16xi32>
      %and3A_577 = arith.constant 8388607 : i32
      %and3A_578 = vector.broadcast %and3A_577 : i32 to vector<16xi32>
      %and3A_579 = arith.andi %bitcast_convert_type3A_570, %and3A_578 : vector<16xi32>
      %or3A_580 = arith.constant 1065353216 : i32
      %or3A_581 = vector.broadcast %or3A_580 : i32 to vector<16xi32>
      %or3A_582 = arith.ori %and3A_579, %or3A_581 : vector<16xi32>
      %bitcast_convert_type3A_583 = tpu.bitcast %or3A_582 : vector<16xi32> -> vector<16xf32>
      %sub3A_584 = arith.constant 1.000000e+00 : f32
      %sub3A_585 = vector.broadcast %sub3A_584 : f32 to vector<16xf32>
      %sub3A_586 = arith.subf %bitcast_convert_type3A_583, %sub3A_585 : vector<16xf32>
      %add3A_587 = arith.constant 1.000000e+00 : f32
      %add3A_588 = vector.broadcast %add3A_587 : f32 to vector<16xf32>
      %add3A_589 = arith.addf %bitcast_convert_type3A_583, %add3A_588 : vector<16xf32>
      %div3A_590 = arith.divf %sub3A_586, %add3A_589 : vector<16xf32>
      %mul3A_591 = arith.mulf %div3A_590, %div3A_590 : vector<16xf32>
      %mul3A_592 = arith.constant 2.000000e+00 : f32
      %mul3A_593 = vector.broadcast %mul3A_592 : f32 to vector<16xf32>
      %mul3A_594 = arith.mulf %mul3A_593, %div3A_590 : vector<16xf32>
      %mul3A_595 = arith.constant 0.111111112 : f32
      %mul3A_596 = vector.broadcast %mul3A_595 : f32 to vector<16xf32>
      %mul3A_597 = arith.mulf %mul3A_591, %mul3A_596 : vector<16xf32>
      %add3A_598 = arith.constant 0.142857149 : f32
      %add3A_599 = vector.broadcast %add3A_598 : f32 to vector<16xf32>
      %add3A_600 = arith.addf %add3A_599, %mul3A_597 : vector<16xf32>
      %mul3A_601 = arith.mulf %mul3A_591, %add3A_600 : vector<16xf32>
      %add3A_602 = arith.constant 2.000000e-01 : f32
      %add3A_603 = vector.broadcast %add3A_602 : f32 to vector<16xf32>
      %add3A_604 = arith.addf %add3A_603, %mul3A_601 : vector<16xf32>
      %mul3A_605 = arith.mulf %mul3A_591, %add3A_604 : vector<16xf32>
      %add3A_606 = arith.constant 0.333333343 : f32
      %add3A_607 = vector.broadcast %add3A_606 : f32 to vector<16xf32>
      %add3A_608 = arith.addf %add3A_607, %mul3A_605 : vector<16xf32>
      %mul3A_609 = arith.mulf %mul3A_591, %add3A_608 : vector<16xf32>
      %add3A_610 = arith.constant 1.000000e+00 : f32
      %add3A_611 = vector.broadcast %add3A_610 : f32 to vector<16xf32>
      %add3A_612 = arith.addf %add3A_611, %mul3A_609 : vector<16xf32>
      %mul3A_613 = arith.mulf %mul3A_594, %add3A_612 : vector<16xf32>
      %convert_element_type3A_614 = arith.sitofp %sub3A_576 : vector<16xi32> to vector<16xf32>
      %mul3A_615 = arith.constant 0.693147182 : f32
      %mul3A_616 = vector.broadcast %mul3A_615 : f32 to vector<16xf32>
      %mul3A_617 = arith.mulf %convert_element_type3A_614, %mul3A_616 : vector<16xf32>
      %add3A_618 = arith.addf %mul3A_617, %mul3A_613 : vector<16xf32>
      %add3A_619 = arith.addf %add3A_559, %add3A_618 : vector<16xf32>
      %jit3A_620 = arith.constant -1.000000e+01 : f32
      %jit3A_621 = arith.constant 1.000000e+01 : f32
      %max3A_622 = vector.broadcast %jit3A_620 : f32 to vector<16xf32>
      %max3A_623 = arith.maximumf %max3A_622, %parallel_loop3A_448#3 : vector<16xf32>
      %min3A_624 = vector.broadcast %jit3A_621 : f32 to vector<16xf32>
      %min3A_625 = arith.minimumf %min3A_624, %max3A_623 : vector<16xf32>
      %exp3A_626 = math.exp %min3A_625 : vector<16xf32>
      %add3A_627 = arith.constant 1.000000e+00 : f32
      %add3A_628 = vector.broadcast %add3A_627 : f32 to vector<16xf32>
      %add3A_629 = arith.addf %add3A_628, %exp3A_626 : vector<16xf32>
      %bitcast_convert_type3A_630 = tpu.bitcast %add3A_629 : vector<16xf32> -> vector<16xi32>
      %shift_right_arithmetic3A_631 = arith.constant 23 : i32
      %shift_right_arithmetic3A_632 = vector.broadcast %shift_right_arithmetic3A_631 : i32 to vector<16xi32>
      %shift_right_arithmetic3A_633 = arith.shrsi %bitcast_convert_type3A_630, %shift_right_arithmetic3A_632 : vector<16xi32>
      %sub3A_634 = arith.constant 127 : i32
      %sub3A_635 = vector.broadcast %sub3A_634 : i32 to vector<16xi32>
      %sub3A_636 = arith.subi %shift_right_arithmetic3A_633, %sub3A_635 : vector<16xi32>
      %and3A_637 = arith.constant 8388607 : i32
      %and3A_638 = vector.broadcast %and3A_637 : i32 to vector<16xi32>
      %and3A_639 = arith.andi %bitcast_convert_type3A_630, %and3A_638 : vector<16xi32>
      %or3A_640 = arith.constant 1065353216 : i32
      %or3A_641 = vector.broadcast %or3A_640 : i32 to vector<16xi32>
      %or3A_642 = arith.ori %and3A_639, %or3A_641 : vector<16xi32>
      %bitcast_convert_type3A_643 = tpu.bitcast %or3A_642 : vector<16xi32> -> vector<16xf32>
      %sub3A_644 = arith.constant 1.000000e+00 : f32
      %sub3A_645 = vector.broadcast %sub3A_644 : f32 to vector<16xf32>
      %sub3A_646 = arith.subf %bitcast_convert_type3A_643, %sub3A_645 : vector<16xf32>
      %add3A_647 = arith.constant 1.000000e+00 : f32
      %add3A_648 = vector.broadcast %add3A_647 : f32 to vector<16xf32>
      %add3A_649 = arith.addf %bitcast_convert_type3A_643, %add3A_648 : vector<16xf32>
      %div3A_650 = arith.divf %sub3A_646, %add3A_649 : vector<16xf32>
      %mul3A_651 = arith.mulf %div3A_650, %div3A_650 : vector<16xf32>
      %mul3A_652 = arith.constant 2.000000e+00 : f32
      %mul3A_653 = vector.broadcast %mul3A_652 : f32 to vector<16xf32>
      %mul3A_654 = arith.mulf %mul3A_653, %div3A_650 : vector<16xf32>
      %mul3A_655 = arith.constant 0.111111112 : f32
      %mul3A_656 = vector.broadcast %mul3A_655 : f32 to vector<16xf32>
      %mul3A_657 = arith.mulf %mul3A_651, %mul3A_656 : vector<16xf32>
      %add3A_658 = arith.constant 0.142857149 : f32
      %add3A_659 = vector.broadcast %add3A_658 : f32 to vector<16xf32>
      %add3A_660 = arith.addf %add3A_659, %mul3A_657 : vector<16xf32>
      %mul3A_661 = arith.mulf %mul3A_651, %add3A_660 : vector<16xf32>
      %add3A_662 = arith.constant 2.000000e-01 : f32
      %add3A_663 = vector.broadcast %add3A_662 : f32 to vector<16xf32>
      %add3A_664 = arith.addf %add3A_663, %mul3A_661 : vector<16xf32>
      %mul3A_665 = arith.mulf %mul3A_651, %add3A_664 : vector<16xf32>
      %add3A_666 = arith.constant 0.333333343 : f32
      %add3A_667 = vector.broadcast %add3A_666 : f32 to vector<16xf32>
      %add3A_668 = arith.addf %add3A_667, %mul3A_665 : vector<16xf32>
      %mul3A_669 = arith.mulf %mul3A_651, %add3A_668 : vector<16xf32>
      %add3A_670 = arith.constant 1.000000e+00 : f32
      %add3A_671 = vector.broadcast %add3A_670 : f32 to vector<16xf32>
      %add3A_672 = arith.addf %add3A_671, %mul3A_669 : vector<16xf32>
      %mul3A_673 = arith.mulf %mul3A_654, %add3A_672 : vector<16xf32>
      %convert_element_type3A_674 = arith.sitofp %sub3A_636 : vector<16xi32> to vector<16xf32>
      %mul3A_675 = arith.constant 0.693147182 : f32
      %mul3A_676 = vector.broadcast %mul3A_675 : f32 to vector<16xf32>
      %mul3A_677 = arith.mulf %convert_element_type3A_674, %mul3A_676 : vector<16xf32>
      %add3A_678 = arith.addf %mul3A_677, %mul3A_673 : vector<16xf32>
      %add3A_679 = arith.addf %add3A_619, %add3A_678 : vector<16xf32>
      %jit3A_680 = arith.constant -1.000000e+01 : f32
      %jit3A_681 = arith.constant 1.000000e+01 : f32
      %max3A_682 = vector.broadcast %jit3A_680 : f32 to vector<16xf32>
      %max3A_683 = arith.maximumf %max3A_682, %parallel_loop3A_448#4 : vector<16xf32>
      %min3A_684 = vector.broadcast %jit3A_681 : f32 to vector<16xf32>
      %min3A_685 = arith.minimumf %min3A_684, %max3A_683 : vector<16xf32>
      %exp3A_686 = math.exp %min3A_685 : vector<16xf32>
      %add3A_687 = arith.constant 1.000000e+00 : f32
      %add3A_688 = vector.broadcast %add3A_687 : f32 to vector<16xf32>
      %add3A_689 = arith.addf %add3A_688, %exp3A_686 : vector<16xf32>
      %bitcast_convert_type3A_690 = tpu.bitcast %add3A_689 : vector<16xf32> -> vector<16xi32>
      %shift_right_arithmetic3A_691 = arith.constant 23 : i32
      %shift_right_arithmetic3A_692 = vector.broadcast %shift_right_arithmetic3A_691 : i32 to vector<16xi32>
      %shift_right_arithmetic3A_693 = arith.shrsi %bitcast_convert_type3A_690, %shift_right_arithmetic3A_692 : vector<16xi32>
      %sub3A_694 = arith.constant 127 : i32
      %sub3A_695 = vector.broadcast %sub3A_694 : i32 to vector<16xi32>
      %sub3A_696 = arith.subi %shift_right_arithmetic3A_693, %sub3A_695 : vector<16xi32>
      %and3A_697 = arith.constant 8388607 : i32
      %and3A_698 = vector.broadcast %and3A_697 : i32 to vector<16xi32>
      %and3A_699 = arith.andi %bitcast_convert_type3A_690, %and3A_698 : vector<16xi32>
      %or3A_700 = arith.constant 1065353216 : i32
      %or3A_701 = vector.broadcast %or3A_700 : i32 to vector<16xi32>
      %or3A_702 = arith.ori %and3A_699, %or3A_701 : vector<16xi32>
      %bitcast_convert_type3A_703 = tpu.bitcast %or3A_702 : vector<16xi32> -> vector<16xf32>
      %sub3A_704 = arith.constant 1.000000e+00 : f32
      %sub3A_705 = vector.broadcast %sub3A_704 : f32 to vector<16xf32>
      %sub3A_706 = arith.subf %bitcast_convert_type3A_703, %sub3A_705 : vector<16xf32>
      %add3A_707 = arith.constant 1.000000e+00 : f32
      %add3A_708 = vector.broadcast %add3A_707 : f32 to vector<16xf32>
      %add3A_709 = arith.addf %bitcast_convert_type3A_703, %add3A_708 : vector<16xf32>
      %div3A_710 = arith.divf %sub3A_706, %add3A_709 : vector<16xf32>
      %mul3A_711 = arith.mulf %div3A_710, %div3A_710 : vector<16xf32>
      %mul3A_712 = arith.constant 2.000000e+00 : f32
      %mul3A_713 = vector.broadcast %mul3A_712 : f32 to vector<16xf32>
      %mul3A_714 = arith.mulf %mul3A_713, %div3A_710 : vector<16xf32>
      %mul3A_715 = arith.constant 0.111111112 : f32
      %mul3A_716 = vector.broadcast %mul3A_715 : f32 to vector<16xf32>
      %mul3A_717 = arith.mulf %mul3A_711, %mul3A_716 : vector<16xf32>
      %add3A_718 = arith.constant 0.142857149 : f32
      %add3A_719 = vector.broadcast %add3A_718 : f32 to vector<16xf32>
      %add3A_720 = arith.addf %add3A_719, %mul3A_717 : vector<16xf32>
      %mul3A_721 = arith.mulf %mul3A_711, %add3A_720 : vector<16xf32>
      %add3A_722 = arith.constant 2.000000e-01 : f32
      %add3A_723 = vector.broadcast %add3A_722 : f32 to vector<16xf32>
      %add3A_724 = arith.addf %add3A_723, %mul3A_721 : vector<16xf32>
      %mul3A_725 = arith.mulf %mul3A_711, %add3A_724 : vector<16xf32>
      %add3A_726 = arith.constant 0.333333343 : f32
      %add3A_727 = vector.broadcast %add3A_726 : f32 to vector<16xf32>
      %add3A_728 = arith.addf %add3A_727, %mul3A_725 : vector<16xf32>
      %mul3A_729 = arith.mulf %mul3A_711, %add3A_728 : vector<16xf32>
      %add3A_730 = arith.constant 1.000000e+00 : f32
      %add3A_731 = vector.broadcast %add3A_730 : f32 to vector<16xf32>
      %add3A_732 = arith.addf %add3A_731, %mul3A_729 : vector<16xf32>
      %mul3A_733 = arith.mulf %mul3A_714, %add3A_732 : vector<16xf32>
      %convert_element_type3A_734 = arith.sitofp %sub3A_696 : vector<16xi32> to vector<16xf32>
      %mul3A_735 = arith.constant 0.693147182 : f32
      %mul3A_736 = vector.broadcast %mul3A_735 : f32 to vector<16xf32>
      %mul3A_737 = arith.mulf %convert_element_type3A_734, %mul3A_736 : vector<16xf32>
      %add3A_738 = arith.addf %mul3A_737, %mul3A_733 : vector<16xf32>
      %add3A_739 = arith.addf %add3A_679, %add3A_738 : vector<16xf32>
      %jit3A_740 = arith.constant -1.000000e+01 : f32
      %jit3A_741 = arith.constant 1.000000e+01 : f32
      %max3A_742 = vector.broadcast %jit3A_740 : f32 to vector<16xf32>
      %max3A_743 = arith.maximumf %max3A_742, %parallel_loop3A_448#5 : vector<16xf32>
      %min3A_744 = vector.broadcast %jit3A_741 : f32 to vector<16xf32>
      %min3A_745 = arith.minimumf %min3A_744, %max3A_743 : vector<16xf32>
      %exp3A_746 = math.exp %min3A_745 : vector<16xf32>
      %add3A_747 = arith.constant 1.000000e+00 : f32
      %add3A_748 = vector.broadcast %add3A_747 : f32 to vector<16xf32>
      %add3A_749 = arith.addf %add3A_748, %exp3A_746 : vector<16xf32>
      %bitcast_convert_type3A_750 = tpu.bitcast %add3A_749 : vector<16xf32> -> vector<16xi32>
      %shift_right_arithmetic3A_751 = arith.constant 23 : i32
      %shift_right_arithmetic3A_752 = vector.broadcast %shift_right_arithmetic3A_751 : i32 to vector<16xi32>
      %shift_right_arithmetic3A_753 = arith.shrsi %bitcast_convert_type3A_750, %shift_right_arithmetic3A_752 : vector<16xi32>
      %sub3A_754 = arith.constant 127 : i32
      %sub3A_755 = vector.broadcast %sub3A_754 : i32 to vector<16xi32>
      %sub3A_756 = arith.subi %shift_right_arithmetic3A_753, %sub3A_755 : vector<16xi32>
      %and3A_757 = arith.constant 8388607 : i32
      %and3A_758 = vector.broadcast %and3A_757 : i32 to vector<16xi32>
      %and3A_759 = arith.andi %bitcast_convert_type3A_750, %and3A_758 : vector<16xi32>
      %or3A_760 = arith.constant 1065353216 : i32
      %or3A_761 = vector.broadcast %or3A_760 : i32 to vector<16xi32>
      %or3A_762 = arith.ori %and3A_759, %or3A_761 : vector<16xi32>
      %bitcast_convert_type3A_763 = tpu.bitcast %or3A_762 : vector<16xi32> -> vector<16xf32>
      %sub3A_764 = arith.constant 1.000000e+00 : f32
      %sub3A_765 = vector.broadcast %sub3A_764 : f32 to vector<16xf32>
      %sub3A_766 = arith.subf %bitcast_convert_type3A_763, %sub3A_765 : vector<16xf32>
      %add3A_767 = arith.constant 1.000000e+00 : f32
      %add3A_768 = vector.broadcast %add3A_767 : f32 to vector<16xf32>
      %add3A_769 = arith.addf %bitcast_convert_type3A_763, %add3A_768 : vector<16xf32>
      %div3A_770 = arith.divf %sub3A_766, %add3A_769 : vector<16xf32>
      %mul3A_771 = arith.mulf %div3A_770, %div3A_770 : vector<16xf32>
      %mul3A_772 = arith.constant 2.000000e+00 : f32
      %mul3A_773 = vector.broadcast %mul3A_772 : f32 to vector<16xf32>
      %mul3A_774 = arith.mulf %mul3A_773, %div3A_770 : vector<16xf32>
      %mul3A_775 = arith.constant 0.111111112 : f32
      %mul3A_776 = vector.broadcast %mul3A_775 : f32 to vector<16xf32>
      %mul3A_777 = arith.mulf %mul3A_771, %mul3A_776 : vector<16xf32>
      %add3A_778 = arith.constant 0.142857149 : f32
      %add3A_779 = vector.broadcast %add3A_778 : f32 to vector<16xf32>
      %add3A_780 = arith.addf %add3A_779, %mul3A_777 : vector<16xf32>
      %mul3A_781 = arith.mulf %mul3A_771, %add3A_780 : vector<16xf32>
      %add3A_782 = arith.constant 2.000000e-01 : f32
      %add3A_783 = vector.broadcast %add3A_782 : f32 to vector<16xf32>
      %add3A_784 = arith.addf %add3A_783, %mul3A_781 : vector<16xf32>
      %mul3A_785 = arith.mulf %mul3A_771, %add3A_784 : vector<16xf32>
      %add3A_786 = arith.constant 0.333333343 : f32
      %add3A_787 = vector.broadcast %add3A_786 : f32 to vector<16xf32>
      %add3A_788 = arith.addf %add3A_787, %mul3A_785 : vector<16xf32>
      %mul3A_789 = arith.mulf %mul3A_771, %add3A_788 : vector<16xf32>
      %add3A_790 = arith.constant 1.000000e+00 : f32
      %add3A_791 = vector.broadcast %add3A_790 : f32 to vector<16xf32>
      %add3A_792 = arith.addf %add3A_791, %mul3A_789 : vector<16xf32>
      %mul3A_793 = arith.mulf %mul3A_774, %add3A_792 : vector<16xf32>
      %convert_element_type3A_794 = arith.sitofp %sub3A_756 : vector<16xi32> to vector<16xf32>
      %mul3A_795 = arith.constant 0.693147182 : f32
      %mul3A_796 = vector.broadcast %mul3A_795 : f32 to vector<16xf32>
      %mul3A_797 = arith.mulf %convert_element_type3A_794, %mul3A_796 : vector<16xf32>
      %add3A_798 = arith.addf %mul3A_797, %mul3A_793 : vector<16xf32>
      %add3A_799 = arith.addf %add3A_739, %add3A_798 : vector<16xf32>
      scf.yield %add3A_799 : vector<16xf32>
    }
    %scan3A_328 = arith.constant 4 : i32
    %dma_start3A_329 = arith.constant 448 : i32
    %dma_start3A_330 = tpu.memref_slice %arg8[%dma_start3A_329] : memref<512xi32, #tpu.memory_space<vmem>> -> memref<64xi32, #tpu.memory_space<vmem>>
    %dma_start3A_331 = arith.constant 0 : i32
    %dma_start3A_332 = arith.constant 0 : i32
    %dma_start3A_333 = tpu.memref_slice %arg5[%dma_start3A_331, %dma_start3A_332] : memref<1000000x128xf32, #tpu.memory_space<hbm>> -> memref<1000000x128xf32, #tpu.memory_space<hbm>>
    tpu.enqueue_indirect_dma source(%dma_start3A_333 : memref<1000000x128xf32, #tpu.memory_space<hbm>>) target(%arg14 : memref<64x128xf32, #tpu.memory_space<vmem>>) offsets(%dma_start3A_330 : memref<64xi32, #tpu.memory_space<vmem>>) semaphore(%arg18 : memref<!tpu.dma_semaphore, #tpu.memory_space<semaphore_mem>>)
    %dma_start3A_334 = arith.constant 0 : i32
    %dma_start3A_335 = arith.constant 0 : i32
    %dma_start3A_336 = tpu.memref_slice %arg15[%dma_start3A_334, %dma_start3A_335] : memref<384x128xf32, #tpu.memory_space<vmem>> -> memref<64x128xf32, #tpu.memory_space<vmem>>
    %dma_start3A_337 = arith.constant 448 : i32
    %dma_start3A_338 = tpu.memref_slice %arg9[%dma_start3A_337] : memref<512xi32, #tpu.memory_space<vmem>> -> memref<64xi32, #tpu.memory_space<vmem>>
    %dma_start3A_339 = arith.constant 0 : i32
    %dma_start3A_340 = arith.constant 0 : i32
    %dma_start3A_341 = tpu.memref_slice %arg6[%dma_start3A_339, %dma_start3A_340] : memref<1000000x128xf32, #tpu.memory_space<hbm>> -> memref<1000000x128xf32, #tpu.memory_space<hbm>>
    tpu.enqueue_indirect_dma source(%dma_start3A_341 : memref<1000000x128xf32, #tpu.memory_space<hbm>>) target(%dma_start3A_336 : memref<64x128xf32, #tpu.memory_space<vmem>>) offsets(%dma_start3A_338 : memref<64xi32, #tpu.memory_space<vmem>>) semaphore(%arg18 : memref<!tpu.dma_semaphore, #tpu.memory_space<semaphore_mem>>)
    %dma_start3A_342 = arith.constant 64 : i32
    %dma_start3A_343 = arith.constant 0 : i32
    %dma_start3A_344 = tpu.memref_slice %arg15[%dma_start3A_342, %dma_start3A_343] : memref<384x128xf32, #tpu.memory_space<vmem>> -> memref<320x128xf32, #tpu.memory_space<vmem>>
    %dma_start3A_345 = arith.constant 2240 : i32
    %dma_start3A_346 = tpu.memref_slice %arg11[%dma_start3A_345] : memref<2560xi32, #tpu.memory_space<vmem>> -> memref<320xi32, #tpu.memory_space<vmem>>
    %dma_start3A_347 = arith.constant 0 : i32
    %dma_start3A_348 = arith.constant 0 : i32
    %dma_start3A_349 = tpu.memref_slice %arg6[%dma_start3A_347, %dma_start3A_348] : memref<1000000x128xf32, #tpu.memory_space<hbm>> -> memref<1000000x128xf32, #tpu.memory_space<hbm>>
    tpu.enqueue_indirect_dma source(%dma_start3A_349 : memref<1000000x128xf32, #tpu.memory_space<hbm>>) target(%dma_start3A_344 : memref<320x128xf32, #tpu.memory_space<vmem>>) offsets(%dma_start3A_346 : memref<320xi32, #tpu.memory_space<vmem>>) semaphore(%arg18 : memref<!tpu.dma_semaphore, #tpu.memory_space<semaphore_mem>>)
    %dma_wait3A_350 = arith.constant 384 : i32
    %dma_wait3A_351 = tpu.memref_slice %arg8[%dma_wait3A_350] : memref<512xi32, #tpu.memory_space<vmem>> -> memref<64xi32, #tpu.memory_space<vmem>>
    %dma_wait3A_352 = arith.constant 0 : i32
    %dma_wait3A_353 = arith.constant 0 : i32
    %dma_wait3A_354 = tpu.memref_slice %arg5[%dma_wait3A_352, %dma_wait3A_353] : memref<1000000x128xf32, #tpu.memory_space<hbm>> -> memref<1000000x128xf32, #tpu.memory_space<hbm>>
    tpu.wait_indirect_dma semaphore(%arg17 : memref<!tpu.dma_semaphore, #tpu.memory_space<semaphore_mem>>) src(%dma_wait3A_354 : memref<1000000x128xf32, #tpu.memory_space<hbm>>) dst(%arg12 : memref<64x128xf32, #tpu.memory_space<vmem>>)
    %dma_wait3A_355 = arith.constant 0 : i32
    %dma_wait3A_356 = arith.constant 0 : i32
    %dma_wait3A_357 = tpu.memref_slice %arg13[%dma_wait3A_355, %dma_wait3A_356] : memref<384x128xf32, #tpu.memory_space<vmem>> -> memref<64x128xf32, #tpu.memory_space<vmem>>
    %dma_wait3A_358 = arith.constant 384 : i32
    %dma_wait3A_359 = tpu.memref_slice %arg9[%dma_wait3A_358] : memref<512xi32, #tpu.memory_space<vmem>> -> memref<64xi32, #tpu.memory_space<vmem>>
    %dma_wait3A_360 = arith.constant 0 : i32
    %dma_wait3A_361 = arith.constant 0 : i32
    %dma_wait3A_362 = tpu.memref_slice %arg6[%dma_wait3A_360, %dma_wait3A_361] : memref<1000000x128xf32, #tpu.memory_space<hbm>> -> memref<1000000x128xf32, #tpu.memory_space<hbm>>
    tpu.wait_indirect_dma semaphore(%arg17 : memref<!tpu.dma_semaphore, #tpu.memory_space<semaphore_mem>>) src(%dma_wait3A_362 : memref<1000000x128xf32, #tpu.memory_space<hbm>>) dst(%dma_wait3A_357 : memref<64x128xf32, #tpu.memory_space<vmem>>)
    %dma_wait3A_363 = arith.constant 64 : i32
    %dma_wait3A_364 = arith.constant 0 : i32
    %dma_wait3A_365 = tpu.memref_slice %arg13[%dma_wait3A_363, %dma_wait3A_364] : memref<384x128xf32, #tpu.memory_space<vmem>> -> memref<320x128xf32, #tpu.memory_space<vmem>>
    %dma_wait3A_366 = arith.constant 1920 : i32
    %dma_wait3A_367 = tpu.memref_slice %arg11[%dma_wait3A_366] : memref<2560xi32, #tpu.memory_space<vmem>> -> memref<320xi32, #tpu.memory_space<vmem>>
    %dma_wait3A_368 = arith.constant 0 : i32
    %dma_wait3A_369 = arith.constant 0 : i32
    %dma_wait3A_370 = tpu.memref_slice %arg6[%dma_wait3A_368, %dma_wait3A_369] : memref<1000000x128xf32, #tpu.memory_space<hbm>> -> memref<1000000x128xf32, #tpu.memory_space<hbm>>
    tpu.wait_indirect_dma semaphore(%arg17 : memref<!tpu.dma_semaphore, #tpu.memory_space<semaphore_mem>>) src(%dma_wait3A_370 : memref<1000000x128xf32, #tpu.memory_space<hbm>>) dst(%dma_wait3A_365 : memref<320x128xf32, #tpu.memory_space<vmem>>)
    %scan3A_371 = arith.constant 0 : i32
    %scan3A_372 = arith.constant 4 : i32
    %scan3A_373 = arith.addi %scan3A_371, %scan3A_372 : i32
    %scan3A_374 = arith.constant 1 : i32
    %scan3A_375 = scf.for %scan3A_407 = %scan3A_371 to %scan3A_373 step %scan3A_374 iter_args(%scan3A_408 = %scan3A_327) -> (vector<16xf32>)  : i32 {
      %mul3A_409 = arith.constant 16 : i32
      %mul3A_410 = arith.muli %scan3A_407, %mul3A_409 : i32
      %add3A_411 = vector.broadcast %mul3A_410 : i32 to vector<16xi32>
      %add3A_412 = arith.addi %iota3A_19, %add3A_411 : vector<16xi32>
      %mul3A_413 = arith.constant 5 : i32
      %mul3A_414 = vector.broadcast %mul3A_413 : i32 to vector<16xi32>
      %mul3A_415 = arith.muli %add3A_412, %mul3A_414 : vector<16xi32>
      %add3A_416 = arith.constant 64 : i32
      %add3A_417 = vector.broadcast %add3A_416 : i32 to vector<16xi32>
      %add3A_418 = arith.addi %mul3A_415, %add3A_417 : vector<16xi32>
      %mul3A_419 = arith.constant 5 : i32
      %mul3A_420 = vector.broadcast %mul3A_419 : i32 to vector<16xi32>
      %mul3A_421 = arith.muli %add3A_412, %mul3A_420 : vector<16xi32>
      %add3A_422 = arith.constant 65 : i32
      %add3A_423 = vector.broadcast %add3A_422 : i32 to vector<16xi32>
      %add3A_424 = arith.addi %mul3A_421, %add3A_423 : vector<16xi32>
      %mul3A_425 = arith.constant 5 : i32
      %mul3A_426 = vector.broadcast %mul3A_425 : i32 to vector<16xi32>
      %mul3A_427 = arith.muli %add3A_412, %mul3A_426 : vector<16xi32>
      %add3A_428 = arith.constant 66 : i32
      %add3A_429 = vector.broadcast %add3A_428 : i32 to vector<16xi32>
      %add3A_430 = arith.addi %mul3A_427, %add3A_429 : vector<16xi32>
      %mul3A_431 = arith.constant 5 : i32
      %mul3A_432 = vector.broadcast %mul3A_431 : i32 to vector<16xi32>
      %mul3A_433 = arith.muli %add3A_412, %mul3A_432 : vector<16xi32>
      %add3A_434 = arith.constant 67 : i32
      %add3A_435 = vector.broadcast %add3A_434 : i32 to vector<16xi32>
      %add3A_436 = arith.addi %mul3A_433, %add3A_435 : vector<16xi32>
      %mul3A_437 = arith.constant 5 : i32
      %mul3A_438 = vector.broadcast %mul3A_437 : i32 to vector<16xi32>
      %mul3A_439 = arith.muli %add3A_412, %mul3A_438 : vector<16xi32>
      %add3A_440 = arith.constant 68 : i32
      %add3A_441 = vector.broadcast %add3A_440 : i32 to vector<16xi32>
      %add3A_442 = arith.addi %mul3A_439, %add3A_441 : vector<16xi32>
      %broadcast_in_dim3A_443 = arith.constant 0.000000e+00 : f32
      %broadcast_in_dim3A_444 = vector.broadcast %broadcast_in_dim3A_443 : f32 to vector<16xf32>
      %parallel_loop3A_445 = arith.constant 0 : i32
      %parallel_loop3A_446 = arith.constant 128 : i32
      %parallel_loop3A_447 = arith.constant 1 : i32
      %parallel_loop3A_448:7 = scf.for %parallel_loop3A_800 = %parallel_loop3A_445 to %parallel_loop3A_446 step %parallel_loop3A_447 iter_args(%parallel_loop3A_801 = %broadcast_in_dim3A_444, %parallel_loop3A_802 = %broadcast_in_dim3A_444, %parallel_loop3A_803 = %broadcast_in_dim3A_444, %parallel_loop3A_804 = %broadcast_in_dim3A_444, %parallel_loop3A_805 = %broadcast_in_dim3A_444, %parallel_loop3A_806 = %broadcast_in_dim3A_444, %parallel_loop3A_807 = %iota3A_19) -> (vector<16xf32>, vector<16xf32>, vector<16xf32>, vector<16xf32>, vector<16xf32>, vector<16xf32>, vector<16xi32>)  : i32 {
        %parallel_loop3A_808 = tpu.vector_load_idx %arg12[%add3A_412, %parallel_loop3A_807] : memref<64x128xf32, #tpu.memory_space<vmem>>[vector<16xi32>, vector<16xi32>], vector<16xf32>,
        %parallel_loop3A_809 = tpu.vector_load_idx %arg13[%add3A_412, %parallel_loop3A_807] : memref<384x128xf32, #tpu.memory_space<vmem>>[vector<16xi32>, vector<16xi32>], vector<16xf32>,
        %parallel_loop3A_810 = arith.mulf %parallel_loop3A_808, %parallel_loop3A_809 : vector<16xf32>
        %parallel_loop3A_811 = arith.addf %parallel_loop3A_801, %parallel_loop3A_810 : vector<16xf32>
        %parallel_loop3A_812 = tpu.vector_load_idx %arg13[%add3A_418, %parallel_loop3A_807] : memref<384x128xf32, #tpu.memory_space<vmem>>[vector<16xi32>, vector<16xi32>], vector<16xf32>,
        %parallel_loop3A_813 = arith.mulf %parallel_loop3A_808, %parallel_loop3A_812 : vector<16xf32>
        %parallel_loop3A_814 = arith.addf %parallel_loop3A_802, %parallel_loop3A_813 : vector<16xf32>
        %parallel_loop3A_815 = tpu.vector_load_idx %arg13[%add3A_424, %parallel_loop3A_807] : memref<384x128xf32, #tpu.memory_space<vmem>>[vector<16xi32>, vector<16xi32>], vector<16xf32>,
        %parallel_loop3A_816 = arith.mulf %parallel_loop3A_808, %parallel_loop3A_815 : vector<16xf32>
        %parallel_loop3A_817 = arith.addf %parallel_loop3A_803, %parallel_loop3A_816 : vector<16xf32>
        %parallel_loop3A_818 = tpu.vector_load_idx %arg13[%add3A_430, %parallel_loop3A_807] : memref<384x128xf32, #tpu.memory_space<vmem>>[vector<16xi32>, vector<16xi32>], vector<16xf32>,
        %parallel_loop3A_819 = arith.mulf %parallel_loop3A_808, %parallel_loop3A_818 : vector<16xf32>
        %parallel_loop3A_820 = arith.addf %parallel_loop3A_804, %parallel_loop3A_819 : vector<16xf32>
        %parallel_loop3A_821 = tpu.vector_load_idx %arg13[%add3A_436, %parallel_loop3A_807] : memref<384x128xf32, #tpu.memory_space<vmem>>[vector<16xi32>, vector<16xi32>], vector<16xf32>,
        %parallel_loop3A_822 = arith.mulf %parallel_loop3A_808, %parallel_loop3A_821 : vector<16xf32>
        %parallel_loop3A_823 = arith.addf %parallel_loop3A_805, %parallel_loop3A_822 : vector<16xf32>
        %parallel_loop3A_824 = tpu.vector_load_idx %arg13[%add3A_442, %parallel_loop3A_807] : memref<384x128xf32, #tpu.memory_space<vmem>>[vector<16xi32>, vector<16xi32>], vector<16xf32>,
        %parallel_loop3A_825 = arith.mulf %parallel_loop3A_808, %parallel_loop3A_824 : vector<16xf32>
        %parallel_loop3A_826 = arith.addf %parallel_loop3A_806, %parallel_loop3A_825 : vector<16xf32>
        %parallel_loop3A_827 = arith.constant 1 : i32
        %parallel_loop3A_828 = vector.broadcast %parallel_loop3A_827 : i32 to vector<16xi32>
        %parallel_loop3A_829 = arith.addi %parallel_loop3A_807, %parallel_loop3A_828 : vector<16xi32>
        %parallel_loop3A_830 = arith.constant 127 : i32
        %parallel_loop3A_831 = vector.broadcast %parallel_loop3A_830 : i32 to vector<16xi32>
        %parallel_loop3A_832 = arith.andi %parallel_loop3A_829, %parallel_loop3A_831 : vector<16xi32>
        scf.yield %parallel_loop3A_811, %parallel_loop3A_814, %parallel_loop3A_817, %parallel_loop3A_820, %parallel_loop3A_823, %parallel_loop3A_826, %parallel_loop3A_832 : vector<16xf32>, vector<16xf32>, vector<16xf32>, vector<16xf32>, vector<16xf32>, vector<16xf32>, vector<16xi32>
      } {sc.loop_unroll_factor = 2 : i64, sc.parallel_access}
      %jit3A = arith.constant -1.000000e+01 : f32
      %jit3A_449 = arith.constant 1.000000e+01 : f32
      %max3A = vector.broadcast %jit3A : f32 to vector<16xf32>
      %max3A_450 = arith.maximumf %max3A, %parallel_loop3A_448#0 : vector<16xf32>
      %min3A = vector.broadcast %jit3A_449 : f32 to vector<16xf32>
      %min3A_451 = arith.minimumf %min3A, %max3A_450 : vector<16xf32>
      %neg3A = arith.constant 0.000000e+00 : f32
      %neg3A_452 = vector.broadcast %neg3A : f32 to vector<16xf32>
      %neg3A_453 = arith.subf %neg3A_452, %min3A_451 : vector<16xf32>
      %exp3A = math.exp %neg3A_453 : vector<16xf32>
      %add3A_454 = arith.constant 1.000000e+00 : f32
      %add3A_455 = vector.broadcast %add3A_454 : f32 to vector<16xf32>
      %add3A_456 = arith.addf %add3A_455, %exp3A : vector<16xf32>
      %bitcast_convert_type3A = tpu.bitcast %add3A_456 : vector<16xf32> -> vector<16xi32>
      %shift_right_arithmetic3A = arith.constant 23 : i32
      %shift_right_arithmetic3A_457 = vector.broadcast %shift_right_arithmetic3A : i32 to vector<16xi32>
      %shift_right_arithmetic3A_458 = arith.shrsi %bitcast_convert_type3A, %shift_right_arithmetic3A_457 : vector<16xi32>
      %sub3A = arith.constant 127 : i32
      %sub3A_459 = vector.broadcast %sub3A : i32 to vector<16xi32>
      %sub3A_460 = arith.subi %shift_right_arithmetic3A_458, %sub3A_459 : vector<16xi32>
      %and3A = arith.constant 8388607 : i32
      %and3A_461 = vector.broadcast %and3A : i32 to vector<16xi32>
      %and3A_462 = arith.andi %bitcast_convert_type3A, %and3A_461 : vector<16xi32>
      %or3A = arith.constant 1065353216 : i32
      %or3A_463 = vector.broadcast %or3A : i32 to vector<16xi32>
      %or3A_464 = arith.ori %and3A_462, %or3A_463 : vector<16xi32>
      %bitcast_convert_type3A_465 = tpu.bitcast %or3A_464 : vector<16xi32> -> vector<16xf32>
      %sub3A_466 = arith.constant 1.000000e+00 : f32
      %sub3A_467 = vector.broadcast %sub3A_466 : f32 to vector<16xf32>
      %sub3A_468 = arith.subf %bitcast_convert_type3A_465, %sub3A_467 : vector<16xf32>
      %add3A_469 = arith.constant 1.000000e+00 : f32
      %add3A_470 = vector.broadcast %add3A_469 : f32 to vector<16xf32>
      %add3A_471 = arith.addf %bitcast_convert_type3A_465, %add3A_470 : vector<16xf32>
      %div3A = arith.divf %sub3A_468, %add3A_471 : vector<16xf32>
      %mul3A_472 = arith.mulf %div3A, %div3A : vector<16xf32>
      %mul3A_473 = arith.constant 2.000000e+00 : f32
      %mul3A_474 = vector.broadcast %mul3A_473 : f32 to vector<16xf32>
      %mul3A_475 = arith.mulf %mul3A_474, %div3A : vector<16xf32>
      %mul3A_476 = arith.constant 0.111111112 : f32
      %mul3A_477 = vector.broadcast %mul3A_476 : f32 to vector<16xf32>
      %mul3A_478 = arith.mulf %mul3A_472, %mul3A_477 : vector<16xf32>
      %add3A_479 = arith.constant 0.142857149 : f32
      %add3A_480 = vector.broadcast %add3A_479 : f32 to vector<16xf32>
      %add3A_481 = arith.addf %add3A_480, %mul3A_478 : vector<16xf32>
      %mul3A_482 = arith.mulf %mul3A_472, %add3A_481 : vector<16xf32>
      %add3A_483 = arith.constant 2.000000e-01 : f32
      %add3A_484 = vector.broadcast %add3A_483 : f32 to vector<16xf32>
      %add3A_485 = arith.addf %add3A_484, %mul3A_482 : vector<16xf32>
      %mul3A_486 = arith.mulf %mul3A_472, %add3A_485 : vector<16xf32>
      %add3A_487 = arith.constant 0.333333343 : f32
      %add3A_488 = vector.broadcast %add3A_487 : f32 to vector<16xf32>
      %add3A_489 = arith.addf %add3A_488, %mul3A_486 : vector<16xf32>
      %mul3A_490 = arith.mulf %mul3A_472, %add3A_489 : vector<16xf32>
      %add3A_491 = arith.constant 1.000000e+00 : f32
      %add3A_492 = vector.broadcast %add3A_491 : f32 to vector<16xf32>
      %add3A_493 = arith.addf %add3A_492, %mul3A_490 : vector<16xf32>
      %mul3A_494 = arith.mulf %mul3A_475, %add3A_493 : vector<16xf32>
      %convert_element_type3A = arith.sitofp %sub3A_460 : vector<16xi32> to vector<16xf32>
      %mul3A_495 = arith.constant 0.693147182 : f32
      %mul3A_496 = vector.broadcast %mul3A_495 : f32 to vector<16xf32>
      %mul3A_497 = arith.mulf %convert_element_type3A, %mul3A_496 : vector<16xf32>
      %add3A_498 = arith.addf %mul3A_497, %mul3A_494 : vector<16xf32>
      %add3A_499 = arith.addf %scan3A_408, %add3A_498 : vector<16xf32>
      %jit3A_500 = arith.constant -1.000000e+01 : f32
      %jit3A_501 = arith.constant 1.000000e+01 : f32
      %max3A_502 = vector.broadcast %jit3A_500 : f32 to vector<16xf32>
      %max3A_503 = arith.maximumf %max3A_502, %parallel_loop3A_448#1 : vector<16xf32>
      %min3A_504 = vector.broadcast %jit3A_501 : f32 to vector<16xf32>
      %min3A_505 = arith.minimumf %min3A_504, %max3A_503 : vector<16xf32>
      %exp3A_506 = math.exp %min3A_505 : vector<16xf32>
      %add3A_507 = arith.constant 1.000000e+00 : f32
      %add3A_508 = vector.broadcast %add3A_507 : f32 to vector<16xf32>
      %add3A_509 = arith.addf %add3A_508, %exp3A_506 : vector<16xf32>
      %bitcast_convert_type3A_510 = tpu.bitcast %add3A_509 : vector<16xf32> -> vector<16xi32>
      %shift_right_arithmetic3A_511 = arith.constant 23 : i32
      %shift_right_arithmetic3A_512 = vector.broadcast %shift_right_arithmetic3A_511 : i32 to vector<16xi32>
      %shift_right_arithmetic3A_513 = arith.shrsi %bitcast_convert_type3A_510, %shift_right_arithmetic3A_512 : vector<16xi32>
      %sub3A_514 = arith.constant 127 : i32
      %sub3A_515 = vector.broadcast %sub3A_514 : i32 to vector<16xi32>
      %sub3A_516 = arith.subi %shift_right_arithmetic3A_513, %sub3A_515 : vector<16xi32>
      %and3A_517 = arith.constant 8388607 : i32
      %and3A_518 = vector.broadcast %and3A_517 : i32 to vector<16xi32>
      %and3A_519 = arith.andi %bitcast_convert_type3A_510, %and3A_518 : vector<16xi32>
      %or3A_520 = arith.constant 1065353216 : i32
      %or3A_521 = vector.broadcast %or3A_520 : i32 to vector<16xi32>
      %or3A_522 = arith.ori %and3A_519, %or3A_521 : vector<16xi32>
      %bitcast_convert_type3A_523 = tpu.bitcast %or3A_522 : vector<16xi32> -> vector<16xf32>
      %sub3A_524 = arith.constant 1.000000e+00 : f32
      %sub3A_525 = vector.broadcast %sub3A_524 : f32 to vector<16xf32>
      %sub3A_526 = arith.subf %bitcast_convert_type3A_523, %sub3A_525 : vector<16xf32>
      %add3A_527 = arith.constant 1.000000e+00 : f32
      %add3A_528 = vector.broadcast %add3A_527 : f32 to vector<16xf32>
      %add3A_529 = arith.addf %bitcast_convert_type3A_523, %add3A_528 : vector<16xf32>
      %div3A_530 = arith.divf %sub3A_526, %add3A_529 : vector<16xf32>
      %mul3A_531 = arith.mulf %div3A_530, %div3A_530 : vector<16xf32>
      %mul3A_532 = arith.constant 2.000000e+00 : f32
      %mul3A_533 = vector.broadcast %mul3A_532 : f32 to vector<16xf32>
      %mul3A_534 = arith.mulf %mul3A_533, %div3A_530 : vector<16xf32>
      %mul3A_535 = arith.constant 0.111111112 : f32
      %mul3A_536 = vector.broadcast %mul3A_535 : f32 to vector<16xf32>
      %mul3A_537 = arith.mulf %mul3A_531, %mul3A_536 : vector<16xf32>
      %add3A_538 = arith.constant 0.142857149 : f32
      %add3A_539 = vector.broadcast %add3A_538 : f32 to vector<16xf32>
      %add3A_540 = arith.addf %add3A_539, %mul3A_537 : vector<16xf32>
      %mul3A_541 = arith.mulf %mul3A_531, %add3A_540 : vector<16xf32>
      %add3A_542 = arith.constant 2.000000e-01 : f32
      %add3A_543 = vector.broadcast %add3A_542 : f32 to vector<16xf32>
      %add3A_544 = arith.addf %add3A_543, %mul3A_541 : vector<16xf32>
      %mul3A_545 = arith.mulf %mul3A_531, %add3A_544 : vector<16xf32>
      %add3A_546 = arith.constant 0.333333343 : f32
      %add3A_547 = vector.broadcast %add3A_546 : f32 to vector<16xf32>
      %add3A_548 = arith.addf %add3A_547, %mul3A_545 : vector<16xf32>
      %mul3A_549 = arith.mulf %mul3A_531, %add3A_548 : vector<16xf32>
      %add3A_550 = arith.constant 1.000000e+00 : f32
      %add3A_551 = vector.broadcast %add3A_550 : f32 to vector<16xf32>
      %add3A_552 = arith.addf %add3A_551, %mul3A_549 : vector<16xf32>
      %mul3A_553 = arith.mulf %mul3A_534, %add3A_552 : vector<16xf32>
      %convert_element_type3A_554 = arith.sitofp %sub3A_516 : vector<16xi32> to vector<16xf32>
      %mul3A_555 = arith.constant 0.693147182 : f32
      %mul3A_556 = vector.broadcast %mul3A_555 : f32 to vector<16xf32>
      %mul3A_557 = arith.mulf %convert_element_type3A_554, %mul3A_556 : vector<16xf32>
      %add3A_558 = arith.addf %mul3A_557, %mul3A_553 : vector<16xf32>
      %add3A_559 = arith.addf %add3A_499, %add3A_558 : vector<16xf32>
      %jit3A_560 = arith.constant -1.000000e+01 : f32
      %jit3A_561 = arith.constant 1.000000e+01 : f32
      %max3A_562 = vector.broadcast %jit3A_560 : f32 to vector<16xf32>
      %max3A_563 = arith.maximumf %max3A_562, %parallel_loop3A_448#2 : vector<16xf32>
      %min3A_564 = vector.broadcast %jit3A_561 : f32 to vector<16xf32>
      %min3A_565 = arith.minimumf %min3A_564, %max3A_563 : vector<16xf32>
      %exp3A_566 = math.exp %min3A_565 : vector<16xf32>
      %add3A_567 = arith.constant 1.000000e+00 : f32
      %add3A_568 = vector.broadcast %add3A_567 : f32 to vector<16xf32>
      %add3A_569 = arith.addf %add3A_568, %exp3A_566 : vector<16xf32>
      %bitcast_convert_type3A_570 = tpu.bitcast %add3A_569 : vector<16xf32> -> vector<16xi32>
      %shift_right_arithmetic3A_571 = arith.constant 23 : i32
      %shift_right_arithmetic3A_572 = vector.broadcast %shift_right_arithmetic3A_571 : i32 to vector<16xi32>
      %shift_right_arithmetic3A_573 = arith.shrsi %bitcast_convert_type3A_570, %shift_right_arithmetic3A_572 : vector<16xi32>
      %sub3A_574 = arith.constant 127 : i32
      %sub3A_575 = vector.broadcast %sub3A_574 : i32 to vector<16xi32>
      %sub3A_576 = arith.subi %shift_right_arithmetic3A_573, %sub3A_575 : vector<16xi32>
      %and3A_577 = arith.constant 8388607 : i32
      %and3A_578 = vector.broadcast %and3A_577 : i32 to vector<16xi32>
      %and3A_579 = arith.andi %bitcast_convert_type3A_570, %and3A_578 : vector<16xi32>
      %or3A_580 = arith.constant 1065353216 : i32
      %or3A_581 = vector.broadcast %or3A_580 : i32 to vector<16xi32>
      %or3A_582 = arith.ori %and3A_579, %or3A_581 : vector<16xi32>
      %bitcast_convert_type3A_583 = tpu.bitcast %or3A_582 : vector<16xi32> -> vector<16xf32>
      %sub3A_584 = arith.constant 1.000000e+00 : f32
      %sub3A_585 = vector.broadcast %sub3A_584 : f32 to vector<16xf32>
      %sub3A_586 = arith.subf %bitcast_convert_type3A_583, %sub3A_585 : vector<16xf32>
      %add3A_587 = arith.constant 1.000000e+00 : f32
      %add3A_588 = vector.broadcast %add3A_587 : f32 to vector<16xf32>
      %add3A_589 = arith.addf %bitcast_convert_type3A_583, %add3A_588 : vector<16xf32>
      %div3A_590 = arith.divf %sub3A_586, %add3A_589 : vector<16xf32>
      %mul3A_591 = arith.mulf %div3A_590, %div3A_590 : vector<16xf32>
      %mul3A_592 = arith.constant 2.000000e+00 : f32
      %mul3A_593 = vector.broadcast %mul3A_592 : f32 to vector<16xf32>
      %mul3A_594 = arith.mulf %mul3A_593, %div3A_590 : vector<16xf32>
      %mul3A_595 = arith.constant 0.111111112 : f32
      %mul3A_596 = vector.broadcast %mul3A_595 : f32 to vector<16xf32>
      %mul3A_597 = arith.mulf %mul3A_591, %mul3A_596 : vector<16xf32>
      %add3A_598 = arith.constant 0.142857149 : f32
      %add3A_599 = vector.broadcast %add3A_598 : f32 to vector<16xf32>
      %add3A_600 = arith.addf %add3A_599, %mul3A_597 : vector<16xf32>
      %mul3A_601 = arith.mulf %mul3A_591, %add3A_600 : vector<16xf32>
      %add3A_602 = arith.constant 2.000000e-01 : f32
      %add3A_603 = vector.broadcast %add3A_602 : f32 to vector<16xf32>
      %add3A_604 = arith.addf %add3A_603, %mul3A_601 : vector<16xf32>
      %mul3A_605 = arith.mulf %mul3A_591, %add3A_604 : vector<16xf32>
      %add3A_606 = arith.constant 0.333333343 : f32
      %add3A_607 = vector.broadcast %add3A_606 : f32 to vector<16xf32>
      %add3A_608 = arith.addf %add3A_607, %mul3A_605 : vector<16xf32>
      %mul3A_609 = arith.mulf %mul3A_591, %add3A_608 : vector<16xf32>
      %add3A_610 = arith.constant 1.000000e+00 : f32
      %add3A_611 = vector.broadcast %add3A_610 : f32 to vector<16xf32>
      %add3A_612 = arith.addf %add3A_611, %mul3A_609 : vector<16xf32>
      %mul3A_613 = arith.mulf %mul3A_594, %add3A_612 : vector<16xf32>
      %convert_element_type3A_614 = arith.sitofp %sub3A_576 : vector<16xi32> to vector<16xf32>
      %mul3A_615 = arith.constant 0.693147182 : f32
      %mul3A_616 = vector.broadcast %mul3A_615 : f32 to vector<16xf32>
      %mul3A_617 = arith.mulf %convert_element_type3A_614, %mul3A_616 : vector<16xf32>
      %add3A_618 = arith.addf %mul3A_617, %mul3A_613 : vector<16xf32>
      %add3A_619 = arith.addf %add3A_559, %add3A_618 : vector<16xf32>
      %jit3A_620 = arith.constant -1.000000e+01 : f32
      %jit3A_621 = arith.constant 1.000000e+01 : f32
      %max3A_622 = vector.broadcast %jit3A_620 : f32 to vector<16xf32>
      %max3A_623 = arith.maximumf %max3A_622, %parallel_loop3A_448#3 : vector<16xf32>
      %min3A_624 = vector.broadcast %jit3A_621 : f32 to vector<16xf32>
      %min3A_625 = arith.minimumf %min3A_624, %max3A_623 : vector<16xf32>
      %exp3A_626 = math.exp %min3A_625 : vector<16xf32>
      %add3A_627 = arith.constant 1.000000e+00 : f32
      %add3A_628 = vector.broadcast %add3A_627 : f32 to vector<16xf32>
      %add3A_629 = arith.addf %add3A_628, %exp3A_626 : vector<16xf32>
      %bitcast_convert_type3A_630 = tpu.bitcast %add3A_629 : vector<16xf32> -> vector<16xi32>
      %shift_right_arithmetic3A_631 = arith.constant 23 : i32
      %shift_right_arithmetic3A_632 = vector.broadcast %shift_right_arithmetic3A_631 : i32 to vector<16xi32>
      %shift_right_arithmetic3A_633 = arith.shrsi %bitcast_convert_type3A_630, %shift_right_arithmetic3A_632 : vector<16xi32>
      %sub3A_634 = arith.constant 127 : i32
      %sub3A_635 = vector.broadcast %sub3A_634 : i32 to vector<16xi32>
      %sub3A_636 = arith.subi %shift_right_arithmetic3A_633, %sub3A_635 : vector<16xi32>
      %and3A_637 = arith.constant 8388607 : i32
      %and3A_638 = vector.broadcast %and3A_637 : i32 to vector<16xi32>
      %and3A_639 = arith.andi %bitcast_convert_type3A_630, %and3A_638 : vector<16xi32>
      %or3A_640 = arith.constant 1065353216 : i32
      %or3A_641 = vector.broadcast %or3A_640 : i32 to vector<16xi32>
      %or3A_642 = arith.ori %and3A_639, %or3A_641 : vector<16xi32>
      %bitcast_convert_type3A_643 = tpu.bitcast %or3A_642 : vector<16xi32> -> vector<16xf32>
      %sub3A_644 = arith.constant 1.000000e+00 : f32
      %sub3A_645 = vector.broadcast %sub3A_644 : f32 to vector<16xf32>
      %sub3A_646 = arith.subf %bitcast_convert_type3A_643, %sub3A_645 : vector<16xf32>
      %add3A_647 = arith.constant 1.000000e+00 : f32
      %add3A_648 = vector.broadcast %add3A_647 : f32 to vector<16xf32>
      %add3A_649 = arith.addf %bitcast_convert_type3A_643, %add3A_648 : vector<16xf32>
      %div3A_650 = arith.divf %sub3A_646, %add3A_649 : vector<16xf32>
      %mul3A_651 = arith.mulf %div3A_650, %div3A_650 : vector<16xf32>
      %mul3A_652 = arith.constant 2.000000e+00 : f32
      %mul3A_653 = vector.broadcast %mul3A_652 : f32 to vector<16xf32>
      %mul3A_654 = arith.mulf %mul3A_653, %div3A_650 : vector<16xf32>
      %mul3A_655 = arith.constant 0.111111112 : f32
      %mul3A_656 = vector.broadcast %mul3A_655 : f32 to vector<16xf32>
      %mul3A_657 = arith.mulf %mul3A_651, %mul3A_656 : vector<16xf32>
      %add3A_658 = arith.constant 0.142857149 : f32
      %add3A_659 = vector.broadcast %add3A_658 : f32 to vector<16xf32>
      %add3A_660 = arith.addf %add3A_659, %mul3A_657 : vector<16xf32>
      %mul3A_661 = arith.mulf %mul3A_651, %add3A_660 : vector<16xf32>
      %add3A_662 = arith.constant 2.000000e-01 : f32
      %add3A_663 = vector.broadcast %add3A_662 : f32 to vector<16xf32>
      %add3A_664 = arith.addf %add3A_663, %mul3A_661 : vector<16xf32>
      %mul3A_665 = arith.mulf %mul3A_651, %add3A_664 : vector<16xf32>
      %add3A_666 = arith.constant 0.333333343 : f32
      %add3A_667 = vector.broadcast %add3A_666 : f32 to vector<16xf32>
      %add3A_668 = arith.addf %add3A_667, %mul3A_665 : vector<16xf32>
      %mul3A_669 = arith.mulf %mul3A_651, %add3A_668 : vector<16xf32>
      %add3A_670 = arith.constant 1.000000e+00 : f32
      %add3A_671 = vector.broadcast %add3A_670 : f32 to vector<16xf32>
      %add3A_672 = arith.addf %add3A_671, %mul3A_669 : vector<16xf32>
      %mul3A_673 = arith.mulf %mul3A_654, %add3A_672 : vector<16xf32>
      %convert_element_type3A_674 = arith.sitofp %sub3A_636 : vector<16xi32> to vector<16xf32>
      %mul3A_675 = arith.constant 0.693147182 : f32
      %mul3A_676 = vector.broadcast %mul3A_675 : f32 to vector<16xf32>
      %mul3A_677 = arith.mulf %convert_element_type3A_674, %mul3A_676 : vector<16xf32>
      %add3A_678 = arith.addf %mul3A_677, %mul3A_673 : vector<16xf32>
      %add3A_679 = arith.addf %add3A_619, %add3A_678 : vector<16xf32>
      %jit3A_680 = arith.constant -1.000000e+01 : f32
      %jit3A_681 = arith.constant 1.000000e+01 : f32
      %max3A_682 = vector.broadcast %jit3A_680 : f32 to vector<16xf32>
      %max3A_683 = arith.maximumf %max3A_682, %parallel_loop3A_448#4 : vector<16xf32>
      %min3A_684 = vector.broadcast %jit3A_681 : f32 to vector<16xf32>
      %min3A_685 = arith.minimumf %min3A_684, %max3A_683 : vector<16xf32>
      %exp3A_686 = math.exp %min3A_685 : vector<16xf32>
      %add3A_687 = arith.constant 1.000000e+00 : f32
      %add3A_688 = vector.broadcast %add3A_687 : f32 to vector<16xf32>
      %add3A_689 = arith.addf %add3A_688, %exp3A_686 : vector<16xf32>
      %bitcast_convert_type3A_690 = tpu.bitcast %add3A_689 : vector<16xf32> -> vector<16xi32>
      %shift_right_arithmetic3A_691 = arith.constant 23 : i32
      %shift_right_arithmetic3A_692 = vector.broadcast %shift_right_arithmetic3A_691 : i32 to vector<16xi32>
      %shift_right_arithmetic3A_693 = arith.shrsi %bitcast_convert_type3A_690, %shift_right_arithmetic3A_692 : vector<16xi32>
      %sub3A_694 = arith.constant 127 : i32
      %sub3A_695 = vector.broadcast %sub3A_694 : i32 to vector<16xi32>
      %sub3A_696 = arith.subi %shift_right_arithmetic3A_693, %sub3A_695 : vector<16xi32>
      %and3A_697 = arith.constant 8388607 : i32
      %and3A_698 = vector.broadcast %and3A_697 : i32 to vector<16xi32>
      %and3A_699 = arith.andi %bitcast_convert_type3A_690, %and3A_698 : vector<16xi32>
      %or3A_700 = arith.constant 1065353216 : i32
      %or3A_701 = vector.broadcast %or3A_700 : i32 to vector<16xi32>
      %or3A_702 = arith.ori %and3A_699, %or3A_701 : vector<16xi32>
      %bitcast_convert_type3A_703 = tpu.bitcast %or3A_702 : vector<16xi32> -> vector<16xf32>
      %sub3A_704 = arith.constant 1.000000e+00 : f32
      %sub3A_705 = vector.broadcast %sub3A_704 : f32 to vector<16xf32>
      %sub3A_706 = arith.subf %bitcast_convert_type3A_703, %sub3A_705 : vector<16xf32>
      %add3A_707 = arith.constant 1.000000e+00 : f32
      %add3A_708 = vector.broadcast %add3A_707 : f32 to vector<16xf32>
      %add3A_709 = arith.addf %bitcast_convert_type3A_703, %add3A_708 : vector<16xf32>
      %div3A_710 = arith.divf %sub3A_706, %add3A_709 : vector<16xf32>
      %mul3A_711 = arith.mulf %div3A_710, %div3A_710 : vector<16xf32>
      %mul3A_712 = arith.constant 2.000000e+00 : f32
      %mul3A_713 = vector.broadcast %mul3A_712 : f32 to vector<16xf32>
      %mul3A_714 = arith.mulf %mul3A_713, %div3A_710 : vector<16xf32>
      %mul3A_715 = arith.constant 0.111111112 : f32
      %mul3A_716 = vector.broadcast %mul3A_715 : f32 to vector<16xf32>
      %mul3A_717 = arith.mulf %mul3A_711, %mul3A_716 : vector<16xf32>
      %add3A_718 = arith.constant 0.142857149 : f32
      %add3A_719 = vector.broadcast %add3A_718 : f32 to vector<16xf32>
      %add3A_720 = arith.addf %add3A_719, %mul3A_717 : vector<16xf32>
      %mul3A_721 = arith.mulf %mul3A_711, %add3A_720 : vector<16xf32>
      %add3A_722 = arith.constant 2.000000e-01 : f32
      %add3A_723 = vector.broadcast %add3A_722 : f32 to vector<16xf32>
      %add3A_724 = arith.addf %add3A_723, %mul3A_721 : vector<16xf32>
      %mul3A_725 = arith.mulf %mul3A_711, %add3A_724 : vector<16xf32>
      %add3A_726 = arith.constant 0.333333343 : f32
      %add3A_727 = vector.broadcast %add3A_726 : f32 to vector<16xf32>
      %add3A_728 = arith.addf %add3A_727, %mul3A_725 : vector<16xf32>
      %mul3A_729 = arith.mulf %mul3A_711, %add3A_728 : vector<16xf32>
      %add3A_730 = arith.constant 1.000000e+00 : f32
      %add3A_731 = vector.broadcast %add3A_730 : f32 to vector<16xf32>
      %add3A_732 = arith.addf %add3A_731, %mul3A_729 : vector<16xf32>
      %mul3A_733 = arith.mulf %mul3A_714, %add3A_732 : vector<16xf32>
      %convert_element_type3A_734 = arith.sitofp %sub3A_696 : vector<16xi32> to vector<16xf32>
      %mul3A_735 = arith.constant 0.693147182 : f32
      %mul3A_736 = vector.broadcast %mul3A_735 : f32 to vector<16xf32>
      %mul3A_737 = arith.mulf %convert_element_type3A_734, %mul3A_736 : vector<16xf32>
      %add3A_738 = arith.addf %mul3A_737, %mul3A_733 : vector<16xf32>
      %add3A_739 = arith.addf %add3A_679, %add3A_738 : vector<16xf32>
      %jit3A_740 = arith.constant -1.000000e+01 : f32
      %jit3A_741 = arith.constant 1.000000e+01 : f32
      %max3A_742 = vector.broadcast %jit3A_740 : f32 to vector<16xf32>
      %max3A_743 = arith.maximumf %max3A_742, %parallel_loop3A_448#5 : vector<16xf32>
      %min3A_744 = vector.broadcast %jit3A_741 : f32 to vector<16xf32>
      %min3A_745 = arith.minimumf %min3A_744, %max3A_743 : vector<16xf32>
      %exp3A_746 = math.exp %min3A_745 : vector<16xf32>
      %add3A_747 = arith.constant 1.000000e+00 : f32
      %add3A_748 = vector.broadcast %add3A_747 : f32 to vector<16xf32>
      %add3A_749 = arith.addf %add3A_748, %exp3A_746 : vector<16xf32>
      %bitcast_convert_type3A_750 = tpu.bitcast %add3A_749 : vector<16xf32> -> vector<16xi32>
      %shift_right_arithmetic3A_751 = arith.constant 23 : i32
      %shift_right_arithmetic3A_752 = vector.broadcast %shift_right_arithmetic3A_751 : i32 to vector<16xi32>
      %shift_right_arithmetic3A_753 = arith.shrsi %bitcast_convert_type3A_750, %shift_right_arithmetic3A_752 : vector<16xi32>
      %sub3A_754 = arith.constant 127 : i32
      %sub3A_755 = vector.broadcast %sub3A_754 : i32 to vector<16xi32>
      %sub3A_756 = arith.subi %shift_right_arithmetic3A_753, %sub3A_755 : vector<16xi32>
      %and3A_757 = arith.constant 8388607 : i32
      %and3A_758 = vector.broadcast %and3A_757 : i32 to vector<16xi32>
      %and3A_759 = arith.andi %bitcast_convert_type3A_750, %and3A_758 : vector<16xi32>
      %or3A_760 = arith.constant 1065353216 : i32
      %or3A_761 = vector.broadcast %or3A_760 : i32 to vector<16xi32>
      %or3A_762 = arith.ori %and3A_759, %or3A_761 : vector<16xi32>
      %bitcast_convert_type3A_763 = tpu.bitcast %or3A_762 : vector<16xi32> -> vector<16xf32>
      %sub3A_764 = arith.constant 1.000000e+00 : f32
      %sub3A_765 = vector.broadcast %sub3A_764 : f32 to vector<16xf32>
      %sub3A_766 = arith.subf %bitcast_convert_type3A_763, %sub3A_765 : vector<16xf32>
      %add3A_767 = arith.constant 1.000000e+00 : f32
      %add3A_768 = vector.broadcast %add3A_767 : f32 to vector<16xf32>
      %add3A_769 = arith.addf %bitcast_convert_type3A_763, %add3A_768 : vector<16xf32>
      %div3A_770 = arith.divf %sub3A_766, %add3A_769 : vector<16xf32>
      %mul3A_771 = arith.mulf %div3A_770, %div3A_770 : vector<16xf32>
      %mul3A_772 = arith.constant 2.000000e+00 : f32
      %mul3A_773 = vector.broadcast %mul3A_772 : f32 to vector<16xf32>
      %mul3A_774 = arith.mulf %mul3A_773, %div3A_770 : vector<16xf32>
      %mul3A_775 = arith.constant 0.111111112 : f32
      %mul3A_776 = vector.broadcast %mul3A_775 : f32 to vector<16xf32>
      %mul3A_777 = arith.mulf %mul3A_771, %mul3A_776 : vector<16xf32>
      %add3A_778 = arith.constant 0.142857149 : f32
      %add3A_779 = vector.broadcast %add3A_778 : f32 to vector<16xf32>
      %add3A_780 = arith.addf %add3A_779, %mul3A_777 : vector<16xf32>
      %mul3A_781 = arith.mulf %mul3A_771, %add3A_780 : vector<16xf32>
      %add3A_782 = arith.constant 2.000000e-01 : f32
      %add3A_783 = vector.broadcast %add3A_782 : f32 to vector<16xf32>
      %add3A_784 = arith.addf %add3A_783, %mul3A_781 : vector<16xf32>
      %mul3A_785 = arith.mulf %mul3A_771, %add3A_784 : vector<16xf32>
      %add3A_786 = arith.constant 0.333333343 : f32
      %add3A_787 = vector.broadcast %add3A_786 : f32 to vector<16xf32>
      %add3A_788 = arith.addf %add3A_787, %mul3A_785 : vector<16xf32>
      %mul3A_789 = arith.mulf %mul3A_771, %add3A_788 : vector<16xf32>
      %add3A_790 = arith.constant 1.000000e+00 : f32
      %add3A_791 = vector.broadcast %add3A_790 : f32 to vector<16xf32>
      %add3A_792 = arith.addf %add3A_791, %mul3A_789 : vector<16xf32>
      %mul3A_793 = arith.mulf %mul3A_774, %add3A_792 : vector<16xf32>
      %convert_element_type3A_794 = arith.sitofp %sub3A_756 : vector<16xi32> to vector<16xf32>
      %mul3A_795 = arith.constant 0.693147182 : f32
      %mul3A_796 = vector.broadcast %mul3A_795 : f32 to vector<16xf32>
      %mul3A_797 = arith.mulf %convert_element_type3A_794, %mul3A_796 : vector<16xf32>
      %add3A_798 = arith.addf %mul3A_797, %mul3A_793 : vector<16xf32>
      %add3A_799 = arith.addf %add3A_739, %add3A_798 : vector<16xf32>
      scf.yield %add3A_799 : vector<16xf32>
    }
    %scan3A_376 = arith.constant 4 : i32
    %dma_wait3A_377 = arith.constant 448 : i32
    %dma_wait3A_378 = tpu.memref_slice %arg8[%dma_wait3A_377] : memref<512xi32, #tpu.memory_space<vmem>> -> memref<64xi32, #tpu.memory_space<vmem>>
    %dma_wait3A_379 = arith.constant 0 : i32
    %dma_wait3A_380 = arith.constant 0 : i32
    %dma_wait3A_381 = tpu.memref_slice %arg5[%dma_wait3A_379, %dma_wait3A_380] : memref<1000000x128xf32, #tpu.memory_space<hbm>> -> memref<1000000x128xf32, #tpu.memory_space<hbm>>
    tpu.wait_indirect_dma semaphore(%arg18 : memref<!tpu.dma_semaphore, #tpu.memory_space<semaphore_mem>>) src(%dma_wait3A_381 : memref<1000000x128xf32, #tpu.memory_space<hbm>>) dst(%arg14 : memref<64x128xf32, #tpu.memory_space<vmem>>)
    %dma_wait3A_382 = arith.constant 0 : i32
    %dma_wait3A_383 = arith.constant 0 : i32
    %dma_wait3A_384 = tpu.memref_slice %arg15[%dma_wait3A_382, %dma_wait3A_383] : memref<384x128xf32, #tpu.memory_space<vmem>> -> memref<64x128xf32, #tpu.memory_space<vmem>>
    %dma_wait3A_385 = arith.constant 448 : i32
    %dma_wait3A_386 = tpu.memref_slice %arg9[%dma_wait3A_385] : memref<512xi32, #tpu.memory_space<vmem>> -> memref<64xi32, #tpu.memory_space<vmem>>
    %dma_wait3A_387 = arith.constant 0 : i32
    %dma_wait3A_388 = arith.constant 0 : i32
    %dma_wait3A_389 = tpu.memref_slice %arg6[%dma_wait3A_387, %dma_wait3A_388] : memref<1000000x128xf32, #tpu.memory_space<hbm>> -> memref<1000000x128xf32, #tpu.memory_space<hbm>>
    tpu.wait_indirect_dma semaphore(%arg18 : memref<!tpu.dma_semaphore, #tpu.memory_space<semaphore_mem>>) src(%dma_wait3A_389 : memref<1000000x128xf32, #tpu.memory_space<hbm>>) dst(%dma_wait3A_384 : memref<64x128xf32, #tpu.memory_space<vmem>>)
    %dma_wait3A_390 = arith.constant 64 : i32
    %dma_wait3A_391 = arith.constant 0 : i32
    %dma_wait3A_392 = tpu.memref_slice %arg15[%dma_wait3A_390, %dma_wait3A_391] : memref<384x128xf32, #tpu.memory_space<vmem>> -> memref<320x128xf32, #tpu.memory_space<vmem>>
    %dma_wait3A_393 = arith.constant 2240 : i32
    %dma_wait3A_394 = tpu.memref_slice %arg11[%dma_wait3A_393] : memref<2560xi32, #tpu.memory_space<vmem>> -> memref<320xi32, #tpu.memory_space<vmem>>
    %dma_wait3A_395 = arith.constant 0 : i32
    %dma_wait3A_396 = arith.constant 0 : i32
    %dma_wait3A_397 = tpu.memref_slice %arg6[%dma_wait3A_395, %dma_wait3A_396] : memref<1000000x128xf32, #tpu.memory_space<hbm>> -> memref<1000000x128xf32, #tpu.memory_space<hbm>>
    tpu.wait_indirect_dma semaphore(%arg18 : memref<!tpu.dma_semaphore, #tpu.memory_space<semaphore_mem>>) src(%dma_wait3A_397 : memref<1000000x128xf32, #tpu.memory_space<hbm>>) dst(%dma_wait3A_392 : memref<320x128xf32, #tpu.memory_space<vmem>>)
    %scan3A_398 = arith.constant 0 : i32
    %scan3A_399 = arith.constant 4 : i32
    %scan3A_400 = arith.addi %scan3A_398, %scan3A_399 : i32
    %scan3A_401 = arith.constant 1 : i32
    %scan3A_402 = scf.for %scan3A_407 = %scan3A_398 to %scan3A_400 step %scan3A_401 iter_args(%scan3A_408 = %scan3A_375) -> (vector<16xf32>)  : i32 {
      %mul3A_409 = arith.constant 16 : i32
      %mul3A_410 = arith.muli %scan3A_407, %mul3A_409 : i32
      %add3A_411 = vector.broadcast %mul3A_410 : i32 to vector<16xi32>
      %add3A_412 = arith.addi %iota3A_19, %add3A_411 : vector<16xi32>
      %mul3A_413 = arith.constant 5 : i32
      %mul3A_414 = vector.broadcast %mul3A_413 : i32 to vector<16xi32>
      %mul3A_415 = arith.muli %add3A_412, %mul3A_414 : vector<16xi32>
      %add3A_416 = arith.constant 64 : i32
      %add3A_417 = vector.broadcast %add3A_416 : i32 to vector<16xi32>
      %add3A_418 = arith.addi %mul3A_415, %add3A_417 : vector<16xi32>
      %mul3A_419 = arith.constant 5 : i32
      %mul3A_420 = vector.broadcast %mul3A_419 : i32 to vector<16xi32>
      %mul3A_421 = arith.muli %add3A_412, %mul3A_420 : vector<16xi32>
      %add3A_422 = arith.constant 65 : i32
      %add3A_423 = vector.broadcast %add3A_422 : i32 to vector<16xi32>
      %add3A_424 = arith.addi %mul3A_421, %add3A_423 : vector<16xi32>
      %mul3A_425 = arith.constant 5 : i32
      %mul3A_426 = vector.broadcast %mul3A_425 : i32 to vector<16xi32>
      %mul3A_427 = arith.muli %add3A_412, %mul3A_426 : vector<16xi32>
      %add3A_428 = arith.constant 66 : i32
      %add3A_429 = vector.broadcast %add3A_428 : i32 to vector<16xi32>
      %add3A_430 = arith.addi %mul3A_427, %add3A_429 : vector<16xi32>
      %mul3A_431 = arith.constant 5 : i32
      %mul3A_432 = vector.broadcast %mul3A_431 : i32 to vector<16xi32>
      %mul3A_433 = arith.muli %add3A_412, %mul3A_432 : vector<16xi32>
      %add3A_434 = arith.constant 67 : i32
      %add3A_435 = vector.broadcast %add3A_434 : i32 to vector<16xi32>
      %add3A_436 = arith.addi %mul3A_433, %add3A_435 : vector<16xi32>
      %mul3A_437 = arith.constant 5 : i32
      %mul3A_438 = vector.broadcast %mul3A_437 : i32 to vector<16xi32>
      %mul3A_439 = arith.muli %add3A_412, %mul3A_438 : vector<16xi32>
      %add3A_440 = arith.constant 68 : i32
      %add3A_441 = vector.broadcast %add3A_440 : i32 to vector<16xi32>
      %add3A_442 = arith.addi %mul3A_439, %add3A_441 : vector<16xi32>
      %broadcast_in_dim3A_443 = arith.constant 0.000000e+00 : f32
      %broadcast_in_dim3A_444 = vector.broadcast %broadcast_in_dim3A_443 : f32 to vector<16xf32>
      %parallel_loop3A_445 = arith.constant 0 : i32
      %parallel_loop3A_446 = arith.constant 128 : i32
      %parallel_loop3A_447 = arith.constant 1 : i32
      %parallel_loop3A_448:7 = scf.for %parallel_loop3A_800 = %parallel_loop3A_445 to %parallel_loop3A_446 step %parallel_loop3A_447 iter_args(%parallel_loop3A_801 = %broadcast_in_dim3A_444, %parallel_loop3A_802 = %broadcast_in_dim3A_444, %parallel_loop3A_803 = %broadcast_in_dim3A_444, %parallel_loop3A_804 = %broadcast_in_dim3A_444, %parallel_loop3A_805 = %broadcast_in_dim3A_444, %parallel_loop3A_806 = %broadcast_in_dim3A_444, %parallel_loop3A_807 = %iota3A_19) -> (vector<16xf32>, vector<16xf32>, vector<16xf32>, vector<16xf32>, vector<16xf32>, vector<16xf32>, vector<16xi32>)  : i32 {
        %parallel_loop3A_808 = tpu.vector_load_idx %arg14[%add3A_412, %parallel_loop3A_807] : memref<64x128xf32, #tpu.memory_space<vmem>>[vector<16xi32>, vector<16xi32>], vector<16xf32>,
        %parallel_loop3A_809 = tpu.vector_load_idx %arg15[%add3A_412, %parallel_loop3A_807] : memref<384x128xf32, #tpu.memory_space<vmem>>[vector<16xi32>, vector<16xi32>], vector<16xf32>,
        %parallel_loop3A_810 = arith.mulf %parallel_loop3A_808, %parallel_loop3A_809 : vector<16xf32>
        %parallel_loop3A_811 = arith.addf %parallel_loop3A_801, %parallel_loop3A_810 : vector<16xf32>
        %parallel_loop3A_812 = tpu.vector_load_idx %arg15[%add3A_418, %parallel_loop3A_807] : memref<384x128xf32, #tpu.memory_space<vmem>>[vector<16xi32>, vector<16xi32>], vector<16xf32>,
        %parallel_loop3A_813 = arith.mulf %parallel_loop3A_808, %parallel_loop3A_812 : vector<16xf32>
        %parallel_loop3A_814 = arith.addf %parallel_loop3A_802, %parallel_loop3A_813 : vector<16xf32>
        %parallel_loop3A_815 = tpu.vector_load_idx %arg15[%add3A_424, %parallel_loop3A_807] : memref<384x128xf32, #tpu.memory_space<vmem>>[vector<16xi32>, vector<16xi32>], vector<16xf32>,
        %parallel_loop3A_816 = arith.mulf %parallel_loop3A_808, %parallel_loop3A_815 : vector<16xf32>
        %parallel_loop3A_817 = arith.addf %parallel_loop3A_803, %parallel_loop3A_816 : vector<16xf32>
        %parallel_loop3A_818 = tpu.vector_load_idx %arg15[%add3A_430, %parallel_loop3A_807] : memref<384x128xf32, #tpu.memory_space<vmem>>[vector<16xi32>, vector<16xi32>], vector<16xf32>,
        %parallel_loop3A_819 = arith.mulf %parallel_loop3A_808, %parallel_loop3A_818 : vector<16xf32>
        %parallel_loop3A_820 = arith.addf %parallel_loop3A_804, %parallel_loop3A_819 : vector<16xf32>
        %parallel_loop3A_821 = tpu.vector_load_idx %arg15[%add3A_436, %parallel_loop3A_807] : memref<384x128xf32, #tpu.memory_space<vmem>>[vector<16xi32>, vector<16xi32>], vector<16xf32>,
        %parallel_loop3A_822 = arith.mulf %parallel_loop3A_808, %parallel_loop3A_821 : vector<16xf32>
        %parallel_loop3A_823 = arith.addf %parallel_loop3A_805, %parallel_loop3A_822 : vector<16xf32>
        %parallel_loop3A_824 = tpu.vector_load_idx %arg15[%add3A_442, %parallel_loop3A_807] : memref<384x128xf32, #tpu.memory_space<vmem>>[vector<16xi32>, vector<16xi32>], vector<16xf32>,
        %parallel_loop3A_825 = arith.mulf %parallel_loop3A_808, %parallel_loop3A_824 : vector<16xf32>
        %parallel_loop3A_826 = arith.addf %parallel_loop3A_806, %parallel_loop3A_825 : vector<16xf32>
        %parallel_loop3A_827 = arith.constant 1 : i32
        %parallel_loop3A_828 = vector.broadcast %parallel_loop3A_827 : i32 to vector<16xi32>
        %parallel_loop3A_829 = arith.addi %parallel_loop3A_807, %parallel_loop3A_828 : vector<16xi32>
        %parallel_loop3A_830 = arith.constant 127 : i32
        %parallel_loop3A_831 = vector.broadcast %parallel_loop3A_830 : i32 to vector<16xi32>
        %parallel_loop3A_832 = arith.andi %parallel_loop3A_829, %parallel_loop3A_831 : vector<16xi32>
        scf.yield %parallel_loop3A_811, %parallel_loop3A_814, %parallel_loop3A_817, %parallel_loop3A_820, %parallel_loop3A_823, %parallel_loop3A_826, %parallel_loop3A_832 : vector<16xf32>, vector<16xf32>, vector<16xf32>, vector<16xf32>, vector<16xf32>, vector<16xf32>, vector<16xi32>
      } {sc.loop_unroll_factor = 2 : i64, sc.parallel_access}
      %jit3A = arith.constant -1.000000e+01 : f32
      %jit3A_449 = arith.constant 1.000000e+01 : f32
      %max3A = vector.broadcast %jit3A : f32 to vector<16xf32>
      %max3A_450 = arith.maximumf %max3A, %parallel_loop3A_448#0 : vector<16xf32>
      %min3A = vector.broadcast %jit3A_449 : f32 to vector<16xf32>
      %min3A_451 = arith.minimumf %min3A, %max3A_450 : vector<16xf32>
      %neg3A = arith.constant 0.000000e+00 : f32
      %neg3A_452 = vector.broadcast %neg3A : f32 to vector<16xf32>
      %neg3A_453 = arith.subf %neg3A_452, %min3A_451 : vector<16xf32>
      %exp3A = math.exp %neg3A_453 : vector<16xf32>
      %add3A_454 = arith.constant 1.000000e+00 : f32
      %add3A_455 = vector.broadcast %add3A_454 : f32 to vector<16xf32>
      %add3A_456 = arith.addf %add3A_455, %exp3A : vector<16xf32>
      %bitcast_convert_type3A = tpu.bitcast %add3A_456 : vector<16xf32> -> vector<16xi32>
      %shift_right_arithmetic3A = arith.constant 23 : i32
      %shift_right_arithmetic3A_457 = vector.broadcast %shift_right_arithmetic3A : i32 to vector<16xi32>
      %shift_right_arithmetic3A_458 = arith.shrsi %bitcast_convert_type3A, %shift_right_arithmetic3A_457 : vector<16xi32>
      %sub3A = arith.constant 127 : i32
      %sub3A_459 = vector.broadcast %sub3A : i32 to vector<16xi32>
      %sub3A_460 = arith.subi %shift_right_arithmetic3A_458, %sub3A_459 : vector<16xi32>
      %and3A = arith.constant 8388607 : i32
      %and3A_461 = vector.broadcast %and3A : i32 to vector<16xi32>
      %and3A_462 = arith.andi %bitcast_convert_type3A, %and3A_461 : vector<16xi32>
      %or3A = arith.constant 1065353216 : i32
      %or3A_463 = vector.broadcast %or3A : i32 to vector<16xi32>
      %or3A_464 = arith.ori %and3A_462, %or3A_463 : vector<16xi32>
      %bitcast_convert_type3A_465 = tpu.bitcast %or3A_464 : vector<16xi32> -> vector<16xf32>
      %sub3A_466 = arith.constant 1.000000e+00 : f32
      %sub3A_467 = vector.broadcast %sub3A_466 : f32 to vector<16xf32>
      %sub3A_468 = arith.subf %bitcast_convert_type3A_465, %sub3A_467 : vector<16xf32>
      %add3A_469 = arith.constant 1.000000e+00 : f32
      %add3A_470 = vector.broadcast %add3A_469 : f32 to vector<16xf32>
      %add3A_471 = arith.addf %bitcast_convert_type3A_465, %add3A_470 : vector<16xf32>
      %div3A = arith.divf %sub3A_468, %add3A_471 : vector<16xf32>
      %mul3A_472 = arith.mulf %div3A, %div3A : vector<16xf32>
      %mul3A_473 = arith.constant 2.000000e+00 : f32
      %mul3A_474 = vector.broadcast %mul3A_473 : f32 to vector<16xf32>
      %mul3A_475 = arith.mulf %mul3A_474, %div3A : vector<16xf32>
      %mul3A_476 = arith.constant 0.111111112 : f32
      %mul3A_477 = vector.broadcast %mul3A_476 : f32 to vector<16xf32>
      %mul3A_478 = arith.mulf %mul3A_472, %mul3A_477 : vector<16xf32>
      %add3A_479 = arith.constant 0.142857149 : f32
      %add3A_480 = vector.broadcast %add3A_479 : f32 to vector<16xf32>
      %add3A_481 = arith.addf %add3A_480, %mul3A_478 : vector<16xf32>
      %mul3A_482 = arith.mulf %mul3A_472, %add3A_481 : vector<16xf32>
      %add3A_483 = arith.constant 2.000000e-01 : f32
      %add3A_484 = vector.broadcast %add3A_483 : f32 to vector<16xf32>
      %add3A_485 = arith.addf %add3A_484, %mul3A_482 : vector<16xf32>
      %mul3A_486 = arith.mulf %mul3A_472, %add3A_485 : vector<16xf32>
      %add3A_487 = arith.constant 0.333333343 : f32
      %add3A_488 = vector.broadcast %add3A_487 : f32 to vector<16xf32>
      %add3A_489 = arith.addf %add3A_488, %mul3A_486 : vector<16xf32>
      %mul3A_490 = arith.mulf %mul3A_472, %add3A_489 : vector<16xf32>
      %add3A_491 = arith.constant 1.000000e+00 : f32
      %add3A_492 = vector.broadcast %add3A_491 : f32 to vector<16xf32>
      %add3A_493 = arith.addf %add3A_492, %mul3A_490 : vector<16xf32>
      %mul3A_494 = arith.mulf %mul3A_475, %add3A_493 : vector<16xf32>
      %convert_element_type3A = arith.sitofp %sub3A_460 : vector<16xi32> to vector<16xf32>
      %mul3A_495 = arith.constant 0.693147182 : f32
      %mul3A_496 = vector.broadcast %mul3A_495 : f32 to vector<16xf32>
      %mul3A_497 = arith.mulf %convert_element_type3A, %mul3A_496 : vector<16xf32>
      %add3A_498 = arith.addf %mul3A_497, %mul3A_494 : vector<16xf32>
      %add3A_499 = arith.addf %scan3A_408, %add3A_498 : vector<16xf32>
      %jit3A_500 = arith.constant -1.000000e+01 : f32
      %jit3A_501 = arith.constant 1.000000e+01 : f32
      %max3A_502 = vector.broadcast %jit3A_500 : f32 to vector<16xf32>
      %max3A_503 = arith.maximumf %max3A_502, %parallel_loop3A_448#1 : vector<16xf32>
      %min3A_504 = vector.broadcast %jit3A_501 : f32 to vector<16xf32>
      %min3A_505 = arith.minimumf %min3A_504, %max3A_503 : vector<16xf32>
      %exp3A_506 = math.exp %min3A_505 : vector<16xf32>
      %add3A_507 = arith.constant 1.000000e+00 : f32
      %add3A_508 = vector.broadcast %add3A_507 : f32 to vector<16xf32>
      %add3A_509 = arith.addf %add3A_508, %exp3A_506 : vector<16xf32>
      %bitcast_convert_type3A_510 = tpu.bitcast %add3A_509 : vector<16xf32> -> vector<16xi32>
      %shift_right_arithmetic3A_511 = arith.constant 23 : i32
      %shift_right_arithmetic3A_512 = vector.broadcast %shift_right_arithmetic3A_511 : i32 to vector<16xi32>
      %shift_right_arithmetic3A_513 = arith.shrsi %bitcast_convert_type3A_510, %shift_right_arithmetic3A_512 : vector<16xi32>
      %sub3A_514 = arith.constant 127 : i32
      %sub3A_515 = vector.broadcast %sub3A_514 : i32 to vector<16xi32>
      %sub3A_516 = arith.subi %shift_right_arithmetic3A_513, %sub3A_515 : vector<16xi32>
      %and3A_517 = arith.constant 8388607 : i32
      %and3A_518 = vector.broadcast %and3A_517 : i32 to vector<16xi32>
      %and3A_519 = arith.andi %bitcast_convert_type3A_510, %and3A_518 : vector<16xi32>
      %or3A_520 = arith.constant 1065353216 : i32
      %or3A_521 = vector.broadcast %or3A_520 : i32 to vector<16xi32>
      %or3A_522 = arith.ori %and3A_519, %or3A_521 : vector<16xi32>
      %bitcast_convert_type3A_523 = tpu.bitcast %or3A_522 : vector<16xi32> -> vector<16xf32>
      %sub3A_524 = arith.constant 1.000000e+00 : f32
      %sub3A_525 = vector.broadcast %sub3A_524 : f32 to vector<16xf32>
      %sub3A_526 = arith.subf %bitcast_convert_type3A_523, %sub3A_525 : vector<16xf32>
      %add3A_527 = arith.constant 1.000000e+00 : f32
      %add3A_528 = vector.broadcast %add3A_527 : f32 to vector<16xf32>
      %add3A_529 = arith.addf %bitcast_convert_type3A_523, %add3A_528 : vector<16xf32>
      %div3A_530 = arith.divf %sub3A_526, %add3A_529 : vector<16xf32>
      %mul3A_531 = arith.mulf %div3A_530, %div3A_530 : vector<16xf32>
      %mul3A_532 = arith.constant 2.000000e+00 : f32
      %mul3A_533 = vector.broadcast %mul3A_532 : f32 to vector<16xf32>
      %mul3A_534 = arith.mulf %mul3A_533, %div3A_530 : vector<16xf32>
      %mul3A_535 = arith.constant 0.111111112 : f32
      %mul3A_536 = vector.broadcast %mul3A_535 : f32 to vector<16xf32>
      %mul3A_537 = arith.mulf %mul3A_531, %mul3A_536 : vector<16xf32>
      %add3A_538 = arith.constant 0.142857149 : f32
      %add3A_539 = vector.broadcast %add3A_538 : f32 to vector<16xf32>
      %add3A_540 = arith.addf %add3A_539, %mul3A_537 : vector<16xf32>
      %mul3A_541 = arith.mulf %mul3A_531, %add3A_540 : vector<16xf32>
      %add3A_542 = arith.constant 2.000000e-01 : f32
      %add3A_543 = vector.broadcast %add3A_542 : f32 to vector<16xf32>
      %add3A_544 = arith.addf %add3A_543, %mul3A_541 : vector<16xf32>
      %mul3A_545 = arith.mulf %mul3A_531, %add3A_544 : vector<16xf32>
      %add3A_546 = arith.constant 0.333333343 : f32
      %add3A_547 = vector.broadcast %add3A_546 : f32 to vector<16xf32>
      %add3A_548 = arith.addf %add3A_547, %mul3A_545 : vector<16xf32>
      %mul3A_549 = arith.mulf %mul3A_531, %add3A_548 : vector<16xf32>
      %add3A_550 = arith.constant 1.000000e+00 : f32
      %add3A_551 = vector.broadcast %add3A_550 : f32 to vector<16xf32>
      %add3A_552 = arith.addf %add3A_551, %mul3A_549 : vector<16xf32>
      %mul3A_553 = arith.mulf %mul3A_534, %add3A_552 : vector<16xf32>
      %convert_element_type3A_554 = arith.sitofp %sub3A_516 : vector<16xi32> to vector<16xf32>
      %mul3A_555 = arith.constant 0.693147182 : f32
      %mul3A_556 = vector.broadcast %mul3A_555 : f32 to vector<16xf32>
      %mul3A_557 = arith.mulf %convert_element_type3A_554, %mul3A_556 : vector<16xf32>
      %add3A_558 = arith.addf %mul3A_557, %mul3A_553 : vector<16xf32>
      %add3A_559 = arith.addf %add3A_499, %add3A_558 : vector<16xf32>
      %jit3A_560 = arith.constant -1.000000e+01 : f32
      %jit3A_561 = arith.constant 1.000000e+01 : f32
      %max3A_562 = vector.broadcast %jit3A_560 : f32 to vector<16xf32>
      %max3A_563 = arith.maximumf %max3A_562, %parallel_loop3A_448#2 : vector<16xf32>
      %min3A_564 = vector.broadcast %jit3A_561 : f32 to vector<16xf32>
      %min3A_565 = arith.minimumf %min3A_564, %max3A_563 : vector<16xf32>
      %exp3A_566 = math.exp %min3A_565 : vector<16xf32>
      %add3A_567 = arith.constant 1.000000e+00 : f32
      %add3A_568 = vector.broadcast %add3A_567 : f32 to vector<16xf32>
      %add3A_569 = arith.addf %add3A_568, %exp3A_566 : vector<16xf32>
      %bitcast_convert_type3A_570 = tpu.bitcast %add3A_569 : vector<16xf32> -> vector<16xi32>
      %shift_right_arithmetic3A_571 = arith.constant 23 : i32
      %shift_right_arithmetic3A_572 = vector.broadcast %shift_right_arithmetic3A_571 : i32 to vector<16xi32>
      %shift_right_arithmetic3A_573 = arith.shrsi %bitcast_convert_type3A_570, %shift_right_arithmetic3A_572 : vector<16xi32>
      %sub3A_574 = arith.constant 127 : i32
      %sub3A_575 = vector.broadcast %sub3A_574 : i32 to vector<16xi32>
      %sub3A_576 = arith.subi %shift_right_arithmetic3A_573, %sub3A_575 : vector<16xi32>
      %and3A_577 = arith.constant 8388607 : i32
      %and3A_578 = vector.broadcast %and3A_577 : i32 to vector<16xi32>
      %and3A_579 = arith.andi %bitcast_convert_type3A_570, %and3A_578 : vector<16xi32>
      %or3A_580 = arith.constant 1065353216 : i32
      %or3A_581 = vector.broadcast %or3A_580 : i32 to vector<16xi32>
      %or3A_582 = arith.ori %and3A_579, %or3A_581 : vector<16xi32>
      %bitcast_convert_type3A_583 = tpu.bitcast %or3A_582 : vector<16xi32> -> vector<16xf32>
      %sub3A_584 = arith.constant 1.000000e+00 : f32
      %sub3A_585 = vector.broadcast %sub3A_584 : f32 to vector<16xf32>
      %sub3A_586 = arith.subf %bitcast_convert_type3A_583, %sub3A_585 : vector<16xf32>
      %add3A_587 = arith.constant 1.000000e+00 : f32
      %add3A_588 = vector.broadcast %add3A_587 : f32 to vector<16xf32>
      %add3A_589 = arith.addf %bitcast_convert_type3A_583, %add3A_588 : vector<16xf32>
      %div3A_590 = arith.divf %sub3A_586, %add3A_589 : vector<16xf32>
      %mul3A_591 = arith.mulf %div3A_590, %div3A_590 : vector<16xf32>
      %mul3A_592 = arith.constant 2.000000e+00 : f32
      %mul3A_593 = vector.broadcast %mul3A_592 : f32 to vector<16xf32>
      %mul3A_594 = arith.mulf %mul3A_593, %div3A_590 : vector<16xf32>
      %mul3A_595 = arith.constant 0.111111112 : f32
      %mul3A_596 = vector.broadcast %mul3A_595 : f32 to vector<16xf32>
      %mul3A_597 = arith.mulf %mul3A_591, %mul3A_596 : vector<16xf32>
      %add3A_598 = arith.constant 0.142857149 : f32
      %add3A_599 = vector.broadcast %add3A_598 : f32 to vector<16xf32>
      %add3A_600 = arith.addf %add3A_599, %mul3A_597 : vector<16xf32>
      %mul3A_601 = arith.mulf %mul3A_591, %add3A_600 : vector<16xf32>
      %add3A_602 = arith.constant 2.000000e-01 : f32
      %add3A_603 = vector.broadcast %add3A_602 : f32 to vector<16xf32>
      %add3A_604 = arith.addf %add3A_603, %mul3A_601 : vector<16xf32>
      %mul3A_605 = arith.mulf %mul3A_591, %add3A_604 : vector<16xf32>
      %add3A_606 = arith.constant 0.333333343 : f32
      %add3A_607 = vector.broadcast %add3A_606 : f32 to vector<16xf32>
      %add3A_608 = arith.addf %add3A_607, %mul3A_605 : vector<16xf32>
      %mul3A_609 = arith.mulf %mul3A_591, %add3A_608 : vector<16xf32>
      %add3A_610 = arith.constant 1.000000e+00 : f32
      %add3A_611 = vector.broadcast %add3A_610 : f32 to vector<16xf32>
      %add3A_612 = arith.addf %add3A_611, %mul3A_609 : vector<16xf32>
      %mul3A_613 = arith.mulf %mul3A_594, %add3A_612 : vector<16xf32>
      %convert_element_type3A_614 = arith.sitofp %sub3A_576 : vector<16xi32> to vector<16xf32>
      %mul3A_615 = arith.constant 0.693147182 : f32
      %mul3A_616 = vector.broadcast %mul3A_615 : f32 to vector<16xf32>
      %mul3A_617 = arith.mulf %convert_element_type3A_614, %mul3A_616 : vector<16xf32>
      %add3A_618 = arith.addf %mul3A_617, %mul3A_613 : vector<16xf32>
      %add3A_619 = arith.addf %add3A_559, %add3A_618 : vector<16xf32>
      %jit3A_620 = arith.constant -1.000000e+01 : f32
      %jit3A_621 = arith.constant 1.000000e+01 : f32
      %max3A_622 = vector.broadcast %jit3A_620 : f32 to vector<16xf32>
      %max3A_623 = arith.maximumf %max3A_622, %parallel_loop3A_448#3 : vector<16xf32>
      %min3A_624 = vector.broadcast %jit3A_621 : f32 to vector<16xf32>
      %min3A_625 = arith.minimumf %min3A_624, %max3A_623 : vector<16xf32>
      %exp3A_626 = math.exp %min3A_625 : vector<16xf32>
      %add3A_627 = arith.constant 1.000000e+00 : f32
      %add3A_628 = vector.broadcast %add3A_627 : f32 to vector<16xf32>
      %add3A_629 = arith.addf %add3A_628, %exp3A_626 : vector<16xf32>
      %bitcast_convert_type3A_630 = tpu.bitcast %add3A_629 : vector<16xf32> -> vector<16xi32>
      %shift_right_arithmetic3A_631 = arith.constant 23 : i32
      %shift_right_arithmetic3A_632 = vector.broadcast %shift_right_arithmetic3A_631 : i32 to vector<16xi32>
      %shift_right_arithmetic3A_633 = arith.shrsi %bitcast_convert_type3A_630, %shift_right_arithmetic3A_632 : vector<16xi32>
      %sub3A_634 = arith.constant 127 : i32
      %sub3A_635 = vector.broadcast %sub3A_634 : i32 to vector<16xi32>
      %sub3A_636 = arith.subi %shift_right_arithmetic3A_633, %sub3A_635 : vector<16xi32>
      %and3A_637 = arith.constant 8388607 : i32
      %and3A_638 = vector.broadcast %and3A_637 : i32 to vector<16xi32>
      %and3A_639 = arith.andi %bitcast_convert_type3A_630, %and3A_638 : vector<16xi32>
      %or3A_640 = arith.constant 1065353216 : i32
      %or3A_641 = vector.broadcast %or3A_640 : i32 to vector<16xi32>
      %or3A_642 = arith.ori %and3A_639, %or3A_641 : vector<16xi32>
      %bitcast_convert_type3A_643 = tpu.bitcast %or3A_642 : vector<16xi32> -> vector<16xf32>
      %sub3A_644 = arith.constant 1.000000e+00 : f32
      %sub3A_645 = vector.broadcast %sub3A_644 : f32 to vector<16xf32>
      %sub3A_646 = arith.subf %bitcast_convert_type3A_643, %sub3A_645 : vector<16xf32>
      %add3A_647 = arith.constant 1.000000e+00 : f32
      %add3A_648 = vector.broadcast %add3A_647 : f32 to vector<16xf32>
      %add3A_649 = arith.addf %bitcast_convert_type3A_643, %add3A_648 : vector<16xf32>
      %div3A_650 = arith.divf %sub3A_646, %add3A_649 : vector<16xf32>
      %mul3A_651 = arith.mulf %div3A_650, %div3A_650 : vector<16xf32>
      %mul3A_652 = arith.constant 2.000000e+00 : f32
      %mul3A_653 = vector.broadcast %mul3A_652 : f32 to vector<16xf32>
      %mul3A_654 = arith.mulf %mul3A_653, %div3A_650 : vector<16xf32>
      %mul3A_655 = arith.constant 0.111111112 : f32
      %mul3A_656 = vector.broadcast %mul3A_655 : f32 to vector<16xf32>
      %mul3A_657 = arith.mulf %mul3A_651, %mul3A_656 : vector<16xf32>
      %add3A_658 = arith.constant 0.142857149 : f32
      %add3A_659 = vector.broadcast %add3A_658 : f32 to vector<16xf32>
      %add3A_660 = arith.addf %add3A_659, %mul3A_657 : vector<16xf32>
      %mul3A_661 = arith.mulf %mul3A_651, %add3A_660 : vector<16xf32>
      %add3A_662 = arith.constant 2.000000e-01 : f32
      %add3A_663 = vector.broadcast %add3A_662 : f32 to vector<16xf32>
      %add3A_664 = arith.addf %add3A_663, %mul3A_661 : vector<16xf32>
      %mul3A_665 = arith.mulf %mul3A_651, %add3A_664 : vector<16xf32>
      %add3A_666 = arith.constant 0.333333343 : f32
      %add3A_667 = vector.broadcast %add3A_666 : f32 to vector<16xf32>
      %add3A_668 = arith.addf %add3A_667, %mul3A_665 : vector<16xf32>
      %mul3A_669 = arith.mulf %mul3A_651, %add3A_668 : vector<16xf32>
      %add3A_670 = arith.constant 1.000000e+00 : f32
      %add3A_671 = vector.broadcast %add3A_670 : f32 to vector<16xf32>
      %add3A_672 = arith.addf %add3A_671, %mul3A_669 : vector<16xf32>
      %mul3A_673 = arith.mulf %mul3A_654, %add3A_672 : vector<16xf32>
      %convert_element_type3A_674 = arith.sitofp %sub3A_636 : vector<16xi32> to vector<16xf32>
      %mul3A_675 = arith.constant 0.693147182 : f32
      %mul3A_676 = vector.broadcast %mul3A_675 : f32 to vector<16xf32>
      %mul3A_677 = arith.mulf %convert_element_type3A_674, %mul3A_676 : vector<16xf32>
      %add3A_678 = arith.addf %mul3A_677, %mul3A_673 : vector<16xf32>
      %add3A_679 = arith.addf %add3A_619, %add3A_678 : vector<16xf32>
      %jit3A_680 = arith.constant -1.000000e+01 : f32
      %jit3A_681 = arith.constant 1.000000e+01 : f32
      %max3A_682 = vector.broadcast %jit3A_680 : f32 to vector<16xf32>
      %max3A_683 = arith.maximumf %max3A_682, %parallel_loop3A_448#4 : vector<16xf32>
      %min3A_684 = vector.broadcast %jit3A_681 : f32 to vector<16xf32>
      %min3A_685 = arith.minimumf %min3A_684, %max3A_683 : vector<16xf32>
      %exp3A_686 = math.exp %min3A_685 : vector<16xf32>
      %add3A_687 = arith.constant 1.000000e+00 : f32
      %add3A_688 = vector.broadcast %add3A_687 : f32 to vector<16xf32>
      %add3A_689 = arith.addf %add3A_688, %exp3A_686 : vector<16xf32>
      %bitcast_convert_type3A_690 = tpu.bitcast %add3A_689 : vector<16xf32> -> vector<16xi32>
      %shift_right_arithmetic3A_691 = arith.constant 23 : i32
      %shift_right_arithmetic3A_692 = vector.broadcast %shift_right_arithmetic3A_691 : i32 to vector<16xi32>
      %shift_right_arithmetic3A_693 = arith.shrsi %bitcast_convert_type3A_690, %shift_right_arithmetic3A_692 : vector<16xi32>
      %sub3A_694 = arith.constant 127 : i32
      %sub3A_695 = vector.broadcast %sub3A_694 : i32 to vector<16xi32>
      %sub3A_696 = arith.subi %shift_right_arithmetic3A_693, %sub3A_695 : vector<16xi32>
      %and3A_697 = arith.constant 8388607 : i32
      %and3A_698 = vector.broadcast %and3A_697 : i32 to vector<16xi32>
      %and3A_699 = arith.andi %bitcast_convert_type3A_690, %and3A_698 : vector<16xi32>
      %or3A_700 = arith.constant 1065353216 : i32
      %or3A_701 = vector.broadcast %or3A_700 : i32 to vector<16xi32>
      %or3A_702 = arith.ori %and3A_699, %or3A_701 : vector<16xi32>
      %bitcast_convert_type3A_703 = tpu.bitcast %or3A_702 : vector<16xi32> -> vector<16xf32>
      %sub3A_704 = arith.constant 1.000000e+00 : f32
      %sub3A_705 = vector.broadcast %sub3A_704 : f32 to vector<16xf32>
      %sub3A_706 = arith.subf %bitcast_convert_type3A_703, %sub3A_705 : vector<16xf32>
      %add3A_707 = arith.constant 1.000000e+00 : f32
      %add3A_708 = vector.broadcast %add3A_707 : f32 to vector<16xf32>
      %add3A_709 = arith.addf %bitcast_convert_type3A_703, %add3A_708 : vector<16xf32>
      %div3A_710 = arith.divf %sub3A_706, %add3A_709 : vector<16xf32>
      %mul3A_711 = arith.mulf %div3A_710, %div3A_710 : vector<16xf32>
      %mul3A_712 = arith.constant 2.000000e+00 : f32
      %mul3A_713 = vector.broadcast %mul3A_712 : f32 to vector<16xf32>
      %mul3A_714 = arith.mulf %mul3A_713, %div3A_710 : vector<16xf32>
      %mul3A_715 = arith.constant 0.111111112 : f32
      %mul3A_716 = vector.broadcast %mul3A_715 : f32 to vector<16xf32>
      %mul3A_717 = arith.mulf %mul3A_711, %mul3A_716 : vector<16xf32>
      %add3A_718 = arith.constant 0.142857149 : f32
      %add3A_719 = vector.broadcast %add3A_718 : f32 to vector<16xf32>
      %add3A_720 = arith.addf %add3A_719, %mul3A_717 : vector<16xf32>
      %mul3A_721 = arith.mulf %mul3A_711, %add3A_720 : vector<16xf32>
      %add3A_722 = arith.constant 2.000000e-01 : f32
      %add3A_723 = vector.broadcast %add3A_722 : f32 to vector<16xf32>
      %add3A_724 = arith.addf %add3A_723, %mul3A_721 : vector<16xf32>
      %mul3A_725 = arith.mulf %mul3A_711, %add3A_724 : vector<16xf32>
      %add3A_726 = arith.constant 0.333333343 : f32
      %add3A_727 = vector.broadcast %add3A_726 : f32 to vector<16xf32>
      %add3A_728 = arith.addf %add3A_727, %mul3A_725 : vector<16xf32>
      %mul3A_729 = arith.mulf %mul3A_711, %add3A_728 : vector<16xf32>
      %add3A_730 = arith.constant 1.000000e+00 : f32
      %add3A_731 = vector.broadcast %add3A_730 : f32 to vector<16xf32>
      %add3A_732 = arith.addf %add3A_731, %mul3A_729 : vector<16xf32>
      %mul3A_733 = arith.mulf %mul3A_714, %add3A_732 : vector<16xf32>
      %convert_element_type3A_734 = arith.sitofp %sub3A_696 : vector<16xi32> to vector<16xf32>
      %mul3A_735 = arith.constant 0.693147182 : f32
      %mul3A_736 = vector.broadcast %mul3A_735 : f32 to vector<16xf32>
      %mul3A_737 = arith.mulf %convert_element_type3A_734, %mul3A_736 : vector<16xf32>
      %add3A_738 = arith.addf %mul3A_737, %mul3A_733 : vector<16xf32>
      %add3A_739 = arith.addf %add3A_679, %add3A_738 : vector<16xf32>
      %jit3A_740 = arith.constant -1.000000e+01 : f32
      %jit3A_741 = arith.constant 1.000000e+01 : f32
      %max3A_742 = vector.broadcast %jit3A_740 : f32 to vector<16xf32>
      %max3A_743 = arith.maximumf %max3A_742, %parallel_loop3A_448#5 : vector<16xf32>
      %min3A_744 = vector.broadcast %jit3A_741 : f32 to vector<16xf32>
      %min3A_745 = arith.minimumf %min3A_744, %max3A_743 : vector<16xf32>
      %exp3A_746 = math.exp %min3A_745 : vector<16xf32>
      %add3A_747 = arith.constant 1.000000e+00 : f32
      %add3A_748 = vector.broadcast %add3A_747 : f32 to vector<16xf32>
      %add3A_749 = arith.addf %add3A_748, %exp3A_746 : vector<16xf32>
      %bitcast_convert_type3A_750 = tpu.bitcast %add3A_749 : vector<16xf32> -> vector<16xi32>
      %shift_right_arithmetic3A_751 = arith.constant 23 : i32
      %shift_right_arithmetic3A_752 = vector.broadcast %shift_right_arithmetic3A_751 : i32 to vector<16xi32>
      %shift_right_arithmetic3A_753 = arith.shrsi %bitcast_convert_type3A_750, %shift_right_arithmetic3A_752 : vector<16xi32>
      %sub3A_754 = arith.constant 127 : i32
      %sub3A_755 = vector.broadcast %sub3A_754 : i32 to vector<16xi32>
      %sub3A_756 = arith.subi %shift_right_arithmetic3A_753, %sub3A_755 : vector<16xi32>
      %and3A_757 = arith.constant 8388607 : i32
      %and3A_758 = vector.broadcast %and3A_757 : i32 to vector<16xi32>
      %and3A_759 = arith.andi %bitcast_convert_type3A_750, %and3A_758 : vector<16xi32>
      %or3A_760 = arith.constant 1065353216 : i32
      %or3A_761 = vector.broadcast %or3A_760 : i32 to vector<16xi32>
      %or3A_762 = arith.ori %and3A_759, %or3A_761 : vector<16xi32>
      %bitcast_convert_type3A_763 = tpu.bitcast %or3A_762 : vector<16xi32> -> vector<16xf32>
      %sub3A_764 = arith.constant 1.000000e+00 : f32
      %sub3A_765 = vector.broadcast %sub3A_764 : f32 to vector<16xf32>
      %sub3A_766 = arith.subf %bitcast_convert_type3A_763, %sub3A_765 : vector<16xf32>
      %add3A_767 = arith.constant 1.000000e+00 : f32
      %add3A_768 = vector.broadcast %add3A_767 : f32 to vector<16xf32>
      %add3A_769 = arith.addf %bitcast_convert_type3A_763, %add3A_768 : vector<16xf32>
      %div3A_770 = arith.divf %sub3A_766, %add3A_769 : vector<16xf32>
      %mul3A_771 = arith.mulf %div3A_770, %div3A_770 : vector<16xf32>
      %mul3A_772 = arith.constant 2.000000e+00 : f32
      %mul3A_773 = vector.broadcast %mul3A_772 : f32 to vector<16xf32>
      %mul3A_774 = arith.mulf %mul3A_773, %div3A_770 : vector<16xf32>
      %mul3A_775 = arith.constant 0.111111112 : f32
      %mul3A_776 = vector.broadcast %mul3A_775 : f32 to vector<16xf32>
      %mul3A_777 = arith.mulf %mul3A_771, %mul3A_776 : vector<16xf32>
      %add3A_778 = arith.constant 0.142857149 : f32
      %add3A_779 = vector.broadcast %add3A_778 : f32 to vector<16xf32>
      %add3A_780 = arith.addf %add3A_779, %mul3A_777 : vector<16xf32>
      %mul3A_781 = arith.mulf %mul3A_771, %add3A_780 : vector<16xf32>
      %add3A_782 = arith.constant 2.000000e-01 : f32
      %add3A_783 = vector.broadcast %add3A_782 : f32 to vector<16xf32>
      %add3A_784 = arith.addf %add3A_783, %mul3A_781 : vector<16xf32>
      %mul3A_785 = arith.mulf %mul3A_771, %add3A_784 : vector<16xf32>
      %add3A_786 = arith.constant 0.333333343 : f32
      %add3A_787 = vector.broadcast %add3A_786 : f32 to vector<16xf32>
      %add3A_788 = arith.addf %add3A_787, %mul3A_785 : vector<16xf32>
      %mul3A_789 = arith.mulf %mul3A_771, %add3A_788 : vector<16xf32>
      %add3A_790 = arith.constant 1.000000e+00 : f32
      %add3A_791 = vector.broadcast %add3A_790 : f32 to vector<16xf32>
      %add3A_792 = arith.addf %add3A_791, %mul3A_789 : vector<16xf32>
      %mul3A_793 = arith.mulf %mul3A_774, %add3A_792 : vector<16xf32>
      %convert_element_type3A_794 = arith.sitofp %sub3A_756 : vector<16xi32> to vector<16xf32>
      %mul3A_795 = arith.constant 0.693147182 : f32
      %mul3A_796 = vector.broadcast %mul3A_795 : f32 to vector<16xf32>
      %mul3A_797 = arith.mulf %convert_element_type3A_794, %mul3A_796 : vector<16xf32>
      %add3A_798 = arith.addf %mul3A_797, %mul3A_793 : vector<16xf32>
      %add3A_799 = arith.addf %add3A_739, %add3A_798 : vector<16xf32>
      scf.yield %add3A_799 : vector<16xf32>
    }
    %scan3A_403 = arith.constant 4 : i32
    %swap3A = arith.constant 0 : index
    %swap3A_404 = tpu.vector_load %arg16[%swap3A] {strides = array<i32>} : memref<16xf32, #tpu.memory_space<vmem>>, vector<16xf32>,
    tpu.vector_store %arg16[%swap3A], %scan3A_402 {strides = array<i32>} : memref<16xf32, #tpu.memory_space<vmem>>, vector<16xf32>,
    %mul3A_405 = arith.constant 16 : i32
    %mul3A_406 = arith.muli %add3A, %mul3A_405 : i32
    "tpu.region"() ({
      %run_scoped3A = tpu.sem_alloc : memref<!tpu.dma_semaphore, #tpu.memory_space<semaphore_mem>>
      %dma_start3A_407 = tpu.memref_slice %arg7[%mul3A_406] : memref<512xf32, #tpu.memory_space<hbm>> -> memref<16xf32, #tpu.memory_space<hbm>>
      %dma_start3A_408 = tpu.memref_slice %arg7[%mul3A_406] : memref<512xf32, #tpu.memory_space<hbm>> -> memref<16xf32, #tpu.memory_space<hbm>>
      tpu.enqueue_dma source(%arg16 : memref<16xf32, #tpu.memory_space<vmem>>) target(%dma_start3A_408 : memref<16xf32, #tpu.memory_space<hbm>>) target_semaphore(%run_scoped3A : memref<!tpu.dma_semaphore, #tpu.memory_space<semaphore_mem>>)
      %dma_wait3A_409 = tpu.memref_slice %arg7[%mul3A_406] : memref<512xf32, #tpu.memory_space<hbm>> -> memref<16xf32, #tpu.memory_space<hbm>>
      %dma_wait3A_410 = tpu.memref_slice %arg7[%mul3A_406] : memref<512xf32, #tpu.memory_space<hbm>> -> memref<16xf32, #tpu.memory_space<hbm>>
      tpu.wait_dma2 semaphore(%run_scoped3A : memref<!tpu.dma_semaphore, #tpu.memory_space<semaphore_mem>>) src(%arg16 : memref<16xf32, #tpu.memory_space<vmem>>) dst(%dma_wait3A_410 : memref<16xf32, #tpu.memory_space<hbm>>)
      tpu.yield
    }) : () -> ()
    return
  }
}

</mosaic_0001>

<sc_bundles>
// kernel: kernel.3.cloned.1.call-start
scs
__scs_entry_jumppad:
0x0: {  	(pc) =	sbr.rel $0x88, $3  }
0x1: {  	(tag) =	ssettag $0x0;
	lr =	simm.s32 $0x1  }
0x2: {  	[smem:$0x3F9C] =	sst lr;
	_ =	strace $0xD0000000  }
0x3: {  	_ = 	snop  }
0x4: {  	_ = 	snop  }
0x5: {  	_ = 	snop  }
0x6: {  	_ = 	snop  }
0x7: {  	_ = 	snop  }
__scs_overlays_trampoline_lowered:
0x8: {  	[smem:$0x3FAB] =	sst s0  }
0x9: {  	[smem:$0x3FAC] =	sst s1  }
0xa: {  	[smem:$0x3FAD] =	sst s2  }
0xb: {  	[smem:$0x3FAE] =	sst s3  }
0xc: {  	[smem:$0x3FAF] =	sst s4  }
0xd: {  	[smem:$0x3FB0] =	sst s5  }
0xe: {  	[smem:$0x3FB1] =	sst s6  }
0xf: {  	[smem:$0x3FB2] =	sst s7  }
0x10: {  	[smem:$0x3FB3] =	sst s8  }
0x11: {  	[smem:$0x3FB4] =	sst s9;
	s0 =	simm.s32 @!p0 $0x0  }
0x12: {  	s1 =	sld [smem:$0x3F9A];
	s0 =	simm.s32 @p0 $0x1  }
0x13: {  	[smem:$0x3FB5] =	sst s0;
	s0 =	simm.s32 @!p1 $0x0  }
0x14: {  	s2 =	sld [smem:$0x3F99];
	s0 =	simm.s32 @p1 $0x1  }
0x15: {  	[smem:$0x3FB6] =	sst s0;
	s0 =	simm.s32 @!p2 $0x0  }
0x16: {  	s3 =	sld [smem:$0x3FDB];
	s0 =	simm.s32 @p2 $0x1  }
0x17: {  	s4 =	simm.s32 $0x1BF5;
	[smem:$0x3FB8] =	sst s0  }
0x18: {  	s0 =	sld [smem:$0x3F9B];
	_ =	swait.ge [sflag:s4], $0x0  }
0x19: {  	s7 =	sld [smem:$0x3F9C]  }
0x1a: {  	s8 =	sadd.s32 $0xFFFFE003, lr  }
0x1b: {  	s9 =	sadd.s32 $0xFFFFFEF7, lr;
	s5 =	simm.s32 $0xFFFFFFFF;
	p2 =	slt.u32 s8, $0xFFFFF086  }
0x1c: {  	p1 =	slt.u32 s9, $0xF7A;
	s5 =	simm.s32 @!p2 $0x0  }
0x1d: {  	s5 =	simm.s32 @p1 $0x1;
	p0 =	seq.s32 s7, s2  }
0x1e: {  	s7 =	smul.u32 @!p0 $0xF7A, s2;
	p2 =	seq.s32 @!p0 s5, $0x0  }
0x1f: {  	s9 =	smul.u32 $0xF7A, s1;
	s8 =	simm.s32 @!p0 $0x1BF5;
	p2 =	por !p2, p0  }
0x20: {  	[sflag:s8] =	ssyncset.s32 @!p0 $0xFFFFF086;
	s6 =	sadd.s32 @!p0 s3, s7;
	s7 =	simm.s32 @!p0 $0x108  }
0x21: {  	s3 =	sadd.s32 s3, s9;
	s6 =	sadd.s32 @!p0 $0x88, s6;
	s7 =	simm.s32 @p2 $0x1082  }
0x22: {  	[simem:s7], [sflag:s8] =	dma.local @!p0 [hbm:s6], $0xF7A  }
0x23: {  	s9 =	sor.u32 $0xD0000000, s2;
	s6 =	simm.s32 $0x108;
	_ =	swait.ge @!p0 [sflag:s8], $0x0  }
0x24: {  	s3 =	sadd.s32 $0x88, s3;
	s6 =	simm.s32 @!p1 $0x1082;
	[sflag:s4] =	ssyncset.s32 $0xFFFFF086  }
0x25: {  	[simem:s6], [sflag:s4] =	dma.local [hbm:s3], $0xF7A  }
0x26: {  	[smem:$0x3F9C] =	sst s1;
	(tag) =	ssettag s2;
	_ =	strace s9  }
0x27: {  	s1 =	sld [smem:$0x3FAC]  }
0x28: {  	s2 =	sld [smem:$0x3FAD]  }
0x29: {  	s4 =	sld [smem:$0x3FAF]  }
0x2a: {  	p0 =	seq.s32 s5, $0x0;
	s5 =	sld [smem:$0x3FB0]  }
0x2b: {  	s6 =	sld [smem:$0x3FB1]  }
0x2c: {  	s7 =	sld [smem:$0x3FB2]  }
0x2d: {  	s3 =	simm.s32 $0x108;
	s8 =	sld [smem:$0x3FB3]  }
0x2e: {  	s3 =	simm.s32 @!p0 $0x1082;
	s9 =	sld [smem:$0x3FB4]  }
0x2f: {  	lr =	sadd.s32 s0, s3;
	s0 =	sld [smem:$0x3FAB]  }
0x30: {  	s3 =	sld [smem:$0x3FAE]  }
0x31: {  	[smem:$0x3FB7] =	sst s10  }
0x32: {  	s10 =	sld [smem:$0x3FB5];
	_ =	sdelay $0x3  }
0x33: {  	p0 =	seq.s32 s10, $0x1;
	s10 =	sld [smem:$0x3FB7];
	_ =	sdelay $0x3  }
0x34: {  	[smem:$0x3FB7] =	sst s10  }
0x35: {  	s10 =	sld [smem:$0x3FB6];
	_ =	sdelay $0x3  }
0x36: {  	p1 =	seq.s32 s10, $0x1;
	s10 =	sld [smem:$0x3FB7];
	_ =	sdelay $0x3  }
0x37: {  	[smem:$0x3FB7] =	sst s10  }
0x38: {  	s10 =	sld [smem:$0x3FB8]  }
0x39: {  	_ = 	snop;
	(pc) =	sbr.ind lr, $3  }
0x3a: {  	_ = 	snop  }
0x3b: {  	_ = 	snop  }
0x3c: {  	p2 =	seq.s32 s10, $0x1;
	s10 =	sld [smem:$0x3FB7]  }
0x3d: {  	_ =	shalt  }
0x3e: {  	_ =	shalt  }
0x3f: {  	_ =	shalt  }
0x40: {  	_ =	shalt  }
0x41: {  	_ =	shalt  }
0x42: {  	_ =	shalt  }
0x43: {  	_ =	shalt  }
0x44: {  	_ =	shalt  }
0x45: {  	_ =	shalt  }
0x46: {  	_ =	shalt  }
0x47: {  	_ =	shalt  }
0x48: {  	_ =	shalt  }
0x49: {  	_ =	shalt  }
0x4a: {  	_ =	shalt  }
0x4b: {  	_ =	shalt  }
0x4c: {  	_ =	shalt  }
0x4d: {  	_ =	shalt  }
0x4e: {  	_ =	shalt  }
0x4f: {  	_ =	shalt  }
0x50: {  	_ =	shalt  }
0x51: {  	_ =	shalt  }
0x52: {  	_ =	shalt  }
0x53: {  	_ =	shalt  }
0x54: {  	_ =	shalt  }
0x55: {  	_ =	shalt  }
0x56: {  	_ =	shalt  }
0x57: {  	_ =	shalt  }
0x58: {  	_ =	shalt  }
0x59: {  	_ =	shalt  }
0x5a: {  	_ =	shalt  }
0x5b: {  	_ =	shalt  }
0x5c: {  	_ =	shalt  }
0x5d: {  	_ =	shalt  }
0x5e: {  	_ =	shalt  }
0x5f: {  	_ =	shalt  }
0x60: {  	_ =	shalt  }
0x61: {  	_ =	shalt  }
0x62: {  	_ =	shalt  }
0x63: {  	_ =	shalt  }
0x64: {  	_ =	shalt  }
0x65: {  	_ =	shalt  }
0x66: {  	_ =	shalt  }
0x67: {  	_ =	shalt  }
0x68: {  	_ =	shalt  }
0x69: {  	_ =	shalt  }
0x6a: {  	_ =	shalt  }
0x6b: {  	_ =	shalt  }
0x6c: {  	_ =	shalt  }
0x6d: {  	_ =	shalt  }
0x6e: {  	_ =	shalt  }
0x6f: {  	_ =	shalt  }
0x70: {  	_ =	shalt  }
0x71: {  	_ =	shalt  }
0x72: {  	_ =	shalt  }
0x73: {  	_ =	shalt  }
0x74: {  	_ =	shalt  }
0x75: {  	_ =	shalt  }
0x76: {  	_ =	shalt  }
0x77: {  	_ =	shalt  }
0x78: {  	_ =	shalt  }
0x79: {  	_ =	shalt  }
0x7a: {  	_ =	shalt  }
0x7b: {  	_ =	shalt  }
0x7c: {  	_ =	shalt  }
0x7d: {  	_ =	shalt  }
0x7e: {  	_ =	shalt  }
0x7f: {  	_ =	shalt  }
0x80: {  	_ =	shalt  }
0x81: {  	_ =	shalt  }
0x82: {  	_ =	shalt  }
0x83: {  	_ =	shalt  }
0x84: {  	_ =	shalt  }
0x85: {  	_ =	shalt  }
0x86: {  	_ =	shalt  }
0x87: {  	_ =	shalt  }
.Lfunc_end0:
.L_simem_size_0:
called_computation_lowered:
.L_overlay_start_0:
0x88: {  	s2 =	sld [smem:$0x3FD9]  }
0x89: {  	s3 =	sld [smem:$0x3FFE];
	_ =	sdelay $0x1  }
0x8a: {  	s1 =	srdreg.scid  }
0x8b: {  	s0 =	sand.u32 $0x1, s1  }
0x8c: {  	s17 =	sshll.u32 s0, $0xA;
	s2 =	sadd.s32 s3, s2  }
0x8d: {  	s2 =	sadd.s32 s2, s17  }
0x8e: {  	[smem:$0x3FC3] =	sst s2  }
0x8f: {  	_ = 	snop  }
0x90: {  	s2 =	sld [smem:$0x3FC9]  }
0x91: {  	s18 =	sld [smem:$0x3FC8]  }
0x92: {  	s4 =	sld [smem:$0x3FC7]  }
0x93: {  	s5 =	sld [smem:$0x3FC6]  }
0x94: {  	s6 =	sld [smem:$0x3FC5];
	(tm) =	ssettm $0x1  }
0x95: {  	s7 =	sld [smem:$0x3FFB];
	_ =	sdelay $0x3  }
0x96: {  	_ =	strace s7  }
0x97: {  	s7 =	sld [smem:$0x3FFC];
	_ =	sdelay $0x3  }
0x98: {  	_ =	strace s7  }
0x99: {  	s7 =	sld [smem:$0x3FFD];
	_ =	sdelay $0x3  }
0x9a: {  	_ =	strace s7  }
0x9b: {  	_ =	strace $0x8FFFFFFF  }
0x9c: {  	s19 =	sld [smem:$0x3FDB];
	_ =	sdelay $0x1  }
0x9d: {  	s8 =	simm.s32 $_scs_section_size  }
0x9e: {  	s9 =	simm.s32 $_size__tile_overlayer_lowered;
	s10 =	simm.s32 $_tile_overlayer_lowered  }
0x9f: {  	s22 =	simm.s32 $0x1BFF;
	s21 =	sshll.u32 s10, $0x1;
	s7 =	sadd.s32 s8, s19  }
0xa0: {  	s11 =	simm.s32 $0x0;
	s20 =	sshll.u32 s9, $0x1;
	s9 =	sadd.s32 s21, s7  }
0xa1: {  	[timem:s11], [sflag:s22] =	dma.local [hbm:s9], s20  }
0xa2: {  	_ =	swait.ge [sflag:s22], s20  }
0xa3: {  	s8 =	ssub.s32 $0x0, s20;
	[sflag:s22] =	ssyncset.done $0x0  }
0xa4: {  	[sflag:s22] =	ssyncadd.s32 s8;
	_ =	sdelay $0x1  }
0xa5: {  	s23 =	simm.s32 $0x1B8B  }
0xa6: {  	_ =	swait.ge [sflag:s23], $0x1  }
0xa7: {  	[sflag:s23] =	ssyncset.done $0x0  }
0xa8: {  	s25 =	simm.s32 $0x1B8E;
	s24 =	sld [smem:$0x3FFE];
	[sflag:s23] =	ssyncadd.s32 $0xFFFFFFFF  }
0xa9: {  	s26 =	simm.s32 $execute0_lowered;
	[smem:$0x3FD2] =	sst s25  }
0xaa: {  	s9 =	sshll.u32 s26, $0x1;
	_ =	strace $0x80000046;
	[dreg:$0x1] =	wrdreg $0xFFFFFFFF  }
0xab: {  	s28 =	simm.s32 $_size_execute0_lowered;
	s7 =	sadd.s32 s7, s9;
	[dreg:$0x0] =	wrdreg $0x0  }
0xac: {  	s9 =	sshll.u32 s28, $0x1;
	[dreg:$0x2] =	wrdreg s7  }
0xad: {  	[dreg:$0x3] =	wrdreg s9  }
0xae: {  	[dreg:$0x4] =	wrdreg $0xC0  }
0xaf: {  	_ =	task [dreg:s11], $0x5FFFF  }
0xb0: {  	[dreg:$0x1] =	wrdreg $0xFFFFFFFF  }
0xb1: {  	[dreg:$0x0] =	wrdreg $0x60  }
0xb2: {  	[dreg:$0x2] =	wrdreg s2  }
0xb3: {  	[dreg:$0x3] =	wrdreg s18  }
0xb4: {  	[dreg:$0x4] =	wrdreg s4  }
0xb5: {  	[dreg:$0x5] =	wrdreg s5  }
0xb6: {  	[dreg:$0x6] =	wrdreg s6  }
0xb7: {  	[dreg:$0x7] =	wrdreg s24  }
0xb8: {  	[dreg:$0x8] =	wrdreg $0x9  }
0xb9: {  	_ =	task.clear_ibuf [dreg:s11], $0x9FFFF;
	_ =	strace $0x90000046  }
0xba: {  	s29 =	simm.s32 $0x9;
	_ =	strace $0x80000048  }
0xbb: {  	_ =	swait.ge [sflag:s29], $0x1  }
0xbc: {  	[sflag:s29] =	ssyncadd.s32 $0xFFFFFFFF  }
0xbd: {  	_ =	strace $0x90000048  }
0xbe: {  	_ =	sfence  }
0xbf: {  	s30 =	sld [smem:$0x0];
	_ =	sdelay $0x2  }
0xc0: {  	s31 =	sshll.u32 s1, $0xD;
	s1 =	sshrl.u32 s1, $0x2  }
0xc1: {  	s3 =	sand.u32 $0x4000, s31;
	s1 =	sadd.s32 s1, s30  }
0xc2: {  	s0 =	sor.u32 s3, s0;
	s1 =	sshll.u32 s1, $0x11  }
0xc3: {  	s0 =	sor.u32 s1, s0  }
0xc4: {  	s0 =	sadd.s32 $0x8F2B, s0  }
0xc5: {  	[sflag:s0] =	ssyncadd.remote.s32 $0x1  }
0xc6: {  	_ =	sfence.sel $0xFFFF  }
0xc7: {  	[dreg:$0x0] =	wrdreg $0xFFFFFFFF;
	(pc) =	sbr.abs _section_cstart, $3  }
0xc8: {  	[dreg:$0x1] =	wrdreg $0xFFFFFFFF  }
0xc9: {  	_ =	task.clear_ibuf [dreg:s11], $0x2FFFF;
	_ =	strace $0x9FFFFFFF  }
0xca: {  	(tm) =	ssettm $0x7FFFFFFF  }
0xcb: {  	_ =	shalt  }
tec
execute0_lowered:
.L_overlay_start_1:
0x0: {  	(tag) =	ssettag $0x1  }
0x1: {  	s0 =	rddreg [dreg:$0x0]  }
0x2: {  	s2 =	rddreg [dreg:$0x1]  }
0x3: {  	s7 =	rddreg [dreg:$0x2]  }
0x4: {  	s1 =	rddreg [dreg:$0x3]  }
0x5: {  	s3 =	rddreg [dreg:$0x4]  }
0x6: {  	s8 =	rddreg [dreg:$0x5];
	s4 =	srdreg.scid  }
0x7: {  	s9 =	stileid.u32;
	s12 =	simm.s32 $0x1;
	s13 =	simm.s32 $0x40  }
0x8: {  	s14 =	simm.s32 $0x1E00;
	s15 =	simm.s32 $0x3E00;
	s16 =	simm.s32 $0x140  }
0x9: {  	s18 =	simm.s32 $0x5E00;
	s19 =	simm.s32 $0xFE00;
	s21 =	simm.s32 $0x11E00  }
0xa: {  	s23 =	simm.s32 $0x13E00;
	s28 =	simm.s32 $0x2;
	s29 =	simm.s32 $0x1C0  }
0xb: {  	s30 =	simm.s32 $0x3C0;
	s31 =	simm.s32 $0x1CC0;
	s17 =	simm.s32 $0x0  }
0xc: {  	s5 =	sand.u32 $0x1, s4;
	s4 =	simm.s32 $0x0;
	s9 =	sshll.u32 s9, $0x1  }
0xd: {  	s6 =	ssub.s32 $0x2, s5;
	[smem:$0x7FF] =	sst s4;
	s9 =	sor.u32 s5, s9  }
0xe: {  	s10 =	sshrl.u32 s6, $0x1;
	_ =	strace $0x80000047;
	s25 =	sshll.u32 s9, $0x6  }
0xf: {  	s11 =	sshll.u32 s9, $0x9;
	s26 =	sshll.u32 s9, $0x1;
	s10 =	ssub.s32 s6, s10  }
0x10: {  	s5 =	sadd.s32 s0, s25;
	s6 =	sadd.s32 s2, s25;
	s7 =	sadd.s32 s7, s11  }
0x11: {  	s8 =	sadd.s32 s8, s26;
	s11 =	simm.s32 $0x400;
	s0 =	simm.s32 $0x1DE00  }
0x12: {  	v0 =	vlaneseq.u32;
	v1 =	vimm.s32 $0x0;
	s2 =	simm.s32 $0x3;
	s9 =	smax.u32 s10, $0x1;
	s10 =	simm.s32 $0x200  }
.LBB2_1:
0x13: {  	v2 =	vor.u32 s4, v0;
	s20 =	simm.s32 $0x10  }
0x14: {  	s24 =	simm.s32 $0x20;
	s22 =	simm.s32 $0x30;
	v12 =	vmov s4;
	v3 =	vmulhi.u32 $0xCCCCCCCD, v2;
	v4 =	vor.u32 s20, v0  }
0x15: {  	v6 =	vor.u32 s24, v0;
	v7 =	vor.u32 s22, v0;
	v5 =	vmulhi.u32 $0xCCCCCCCD, v4  }
0x16: {  	s26 =	simm.s32 $0x70;
	v13 =	vsub.s32 $0x0, v2;
	vm0 =	veq.s32 v12, v0;
	s20 =	simm.s32 $0x40;
	v8 =	vmulhi.u32 $0xCCCCCCCD, v6  }
0x17: {  	v51 =	vor.u32 s26, v0;
	v11 =	vmulhi.u32 $0xCCCCCCCD, v7;
	v49 =	vmov s20  }
0x18: {  	v52 =	vmulhi.u32 $0xCCCCCCCD, v51;
	v3 =	vshrl.u32 v3, $0x2;
	vm14 =	veq.s32 v49, v0  }
0x19: {  	v9 =	vmul.u32 $0xFFFFFFFB, v3;
	v10 =	vshrl.u32 v5, $0x2;
	v14 =	vshrl.u32 v8, $0x2  }
0x1a: {  	v5 =	vshll.u32 v5, $0x1;
	v8 =	vshll.u32 v8, $0x1;
	v56 =	vshrl.u32 v52, $0x2  }
0x1b: {  	v41 =	vmul.u32 $0xFFFFFFFB, v10;
	v42 =	vmul.u32 $0xFFFFFFFB, v14;
	v5 =	vand.u32 $0x7FFFFC00, v5  }
0x1c: {  	v57 =	vmul.u32 $0xFFFFFFFB, v56;
	vm1 =	vne.s32 v9, v13;
	v9 =	vshrl.u32 v11, $0x2  }
0x1d: {  	v11 =	vshll.u32 v11, $0x1;
	vm0 =	vmand vm0, vm1;
	v16 =	vmul.u32 $0xFFFFFFFB, v9  }
0x1e: {  	v4 =	vadd.s32 v4, v41;
	v6 =	vadd.s32 v6, v42;
	v15 =	vsel vm0, $0xFFFFFFFF, v1  }
0x1f: {  	v9 =	vand.u32 $0x7F, v9;
	v44 =	vshll.u32 v4, $0x9;
	v3 =	vadd.s32 v15, v3  }
0x20: {  	v45 =	vshll.u32 v6, $0x9;
	v4 =	vshll.u32 v4, $0x7;
	v43 =	vmul.u32 $0xFFFFFFFB, v3  }
0x21: {  	v7 =	vadd.s32 v7, v16;
	v46 =	vand.u32 $0xFFFFF000, v44;
	v15 =	vand.u32 $0xFFFFF000, v45  }
0x22: {  	v4 =	vand.u32 $0x380, v4;
	v16 =	vshll.u32 v7, $0x9;
	v2 =	vadd.s32 v2, v43  }
0x23: {  	v17 =	vshll.u32 v3, $0x3;
	v3 =	vand.u32 $0x7F, v3;
	v47 =	vshll.u32 v2, $0x9  }
0x24: {  	v17 =	vand.u32 $0xFFFFFC00, v17;
	v2 =	vshll.u32 v2, $0x7;
	v13 =	vand.u32 $0xFFFFF000, v47  }
0x25: {  	v5 =	vadd.s32 v5, v46;
	v2 =	vand.u32 $0x380, v2;
	v13 =	vadd.s32 v17, v13  }
0x26: {  	[tilespmem:s4], [sflag:$0x1] =	stream.linear.gather [hbm4b:s5+s4], $0x200, $0x38;
	v16 =	vand.u32 $0xFFFFF000, v16;
	v4 =	vor.u32 v4, v5;
	v2 =	vor.u32 v2, v13;
	[tilespmem:$0x1DE80] =	vst v63  }
0x27: {  	v5 =	vor.u32 s20, v0;
	v2 =	vor.u32 v3, v2;
	v3 =	vshll.u32 v6, $0x7  }
0x28: {  	[tilespmem:s10], [sflag:$0x1] =	stream.linear.gather [hbm4b:s6+s4], $0x200, $0x38;
	v6 =	vshll.u32 v7, $0x7;
	v7 =	vand.u32 $0x7FFFFC00, v8;
	v8 =	vand.u32 $0x7FFFFC00, v11;
	[tilespmem:$0x1DE80] =	vst v63  }
0x29: {  	v7 =	vadd.s32 v7, v15;
	v8 =	vadd.s32 v8, v16;
	v3 =	vand.u32 $0x380, v3  }
0x2a: {  	[tilespmem:s11], [sflag:$0x1] =	stream.linear.gather [hbm4b:s7+s4], $0x1000, $0x38;
	v6 =	vand.u32 $0x380, v6;
	v3 =	vor.u32 v3, v7;
	v7 =	vmulhi.u32 $0xCCCCCCCD, v5;
	[tilespmem:$0x1DE80] =	vst v63  }
0x2b: {  	_ =	swait.ge [sflag:s12], $0x200;
	v50 =	vsub.s32 $0x0, v5;
	v13 =	vshll.u32 v52, $0x1;
	v6 =	vor.u32 v6, v8  }
0x2c: {  	s25 =	simm.s32 $0x50;
	[sflag:s12] =	ssyncset.done $0x0;
	v8 =	vand.u32 $0x7F, v10;
	v10 =	vand.u32 $0x7F, v14;
	v7 =	vshrl.u32 v7, $0x2  }
0x2d: {  	s24 =	simm.s32 $0x60;
	[sflag:s12] =	ssyncadd.s32 $0xFFFFFE00;
	v4 =	vor.u32 v8, v4;
	v8 =	vor.u32 s25, v0;
	v11 =	vmul.u32 $0xFFFFFFFB, v7  }
0x2e: {  	_ =	swait.ge [sflag:s12], $0x200;
	v3 =	vor.u32 v10, v3;
	v10 =	vor.u32 s24, v0;
	v48 =	vmulhi.u32 $0xCCCCCCCD, v8  }
0x2f: {  	[sflag:s12] =	ssyncset.done $0x0;
	v6 =	vor.u32 v9, v6;
	v9 =	vmulhi.u32 $0xCCCCCCCD, v10;
	vm15 =	vne.s32 v11, v50  }
0x30: {  	[sflag:s12] =	ssyncadd.s32 $0xFFFFFE00;
	v13 =	vand.u32 $0x7FFFFC00, v13;
	v15 =	vadd.s32 v51, v57;
	vm0 =	vmand vm14, vm15  }
0x31: {  	_ =	swait.ge [sflag:s12], $0x1000;
	v54 =	vshrl.u32 v9, $0x2;
	v12 =	vshll.u32 v48, $0x1;
	v53 =	vsel vm0, $0xFFFFFFFF, v1  }
0x32: {  	[sflag:s12] =	ssyncset.done $0x0;
	v9 =	vshll.u32 v9, $0x1;
	v11 =	vshrl.u32 v48, $0x2;
	v7 =	vadd.s32 v53, v7  }
0x33: {  	[sflag:s12] =	ssyncadd.s32 $0xFFFFF000;
	v18 =	vmul.u32 $0xFFFFFFFB, v54;
	v55 =	vmul.u32 $0xFFFFFFFB, v11;
	v19 =	vmul.u32 $0xFFFFFFFB, v7  }
0x34: {  	v62 =	vshll.u32 v15, $0x9;
	v2 =	vld.idx.msk [tilespmem:v2+s11+$0x0], $0xffff;
	v12 =	vand.u32 $0x7FFFFC00, v12;
	v9 =	vand.u32 $0x7FFFFC00, v9  }
0x35: {  	v4 =	vld.idx.msk [tilespmem:v4+s11+$0x0], $0xffff;
	v10 =	vadd.s32 v10, v18;
	v8 =	vadd.s32 v8, v55;
	v5 =	vadd.s32 v5, v19  }
0x36: {  	v6 =	vld.idx.msk [tilespmem:v6+s11+$0x0], $0xffff;
	v58 =	vshll.u32 v8, $0x9;
	v60 =	vshll.u32 v7, $0x3;
	v59 =	vshll.u32 v5, $0x9  }
0x37: {  	v19 =	vand.u32 $0xFFFFFC00, v60;
	v5 =	vshll.u32 v5, $0x7;
	v17 =	vand.u32 $0xFFFFF000, v59  }
0x38: {  	s20 =	simm.s32 $0x1420;
	v7 =	vand.u32 $0x7F, v7;
	v5 =	vand.u32 $0x380, v5;
	v17 =	vadd.s32 v19, v17  }
0x39: {  	[tilespmem:s20+$0xFFFFFFE0] =	vst v2;
	v8 =	vshll.u32 v8, $0x7;
	v18 =	vand.u32 $0xFFFFF000, v58;
	v5 =	vor.u32 v5, v17  }
0x3a: {  	v3 =	vld.idx.msk [tilespmem:v3+s11+$0x0], $0xffff;
	v2 =	vadd.s32 v12, v18;
	[tilespmem:s20+$0xFFFFFFF0] =	vst v4;
	v4 =	vand.u32 $0x380, v8;
	v7 =	vor.u32 v7, v5  }
0x3b: {  	v61 =	vshll.u32 v10, $0x9;
	[tilespmem:s20+$0x10] =	vst v6;
	v6 =	vand.u32 $0x7F, v56;
	v4 =	vor.u32 v4, v2  }
0x3c: {  	v19 =	vand.u32 $0xFFFFF000, v61;
	v17 =	vand.u32 $0xFFFFF000, v62;
	v5 =	vshll.u32 v10, $0x7  }
0x3d: {  	v9 =	vadd.s32 v9, v19;
	v10 =	vshll.u32 v15, $0x7;
	v5 =	vand.u32 $0x380, v5  }
0x3e: {  	v63 =	vadd.s32 v13, v17;
	v8 =	vand.u32 $0x380, v10;
	v5 =	vor.u32 v5, v9  }
0x3f: {  	s22 =	simm.s32 $0x4;
	s24 =	simm.s32 $0x80;
	[tilespmem:s20+$0x0] =	vst v3;
	v3 =	vor.u32 v8, v63;
	v8 =	vand.u32 $0x7F, v54;
	v2 =	vld.idx.msk [tilespmem:v7+s11+$0x0], $0xffff;
	v7 =	vand.u32 $0x7F, v11  }
.LBB2_2:
0x40: {  	v9 =	vor.u32 s24, v0;
	s25 =	sadd.s32 $0x10, s24;
	s26 =	sadd.s32 $0x20, s24;
	s22 =	sadd.s32 $0x4, s22;
	v4 =	vor.u32 v7, v4;
	v5 =	vor.u32 v8, v5  }
0x41: {  	v7 =	vmulhi.u32 $0xCCCCCCCD, v9;
	v8 =	vor.u32 s25, v0;
	v10 =	vor.u32 s26, v0;
	s25 =	sadd.s32 $0x30, s24;
	p0 =	slt.u32 s22, $0x9C  }
0x42: {  	v3 =	vor.u32 v6, v3;
	v11 =	vmulhi.u32 $0xCCCCCCCD, v8;
	v12 =	vor.u32 s25, v0  }
0x43: {  	v6 =	vshrl.u32 v7, $0x2;
	v7 =	vmulhi.u32 $0xCCCCCCCD, v10  }
0x44: {  	s20 =	sadd.s32 $0x40, s20;
	v15 =	vmulhi.u32 $0xCCCCCCCD, v12;
	v13 =	vmul.u32 $0xFFFFFFFB, v6;
	v14 =	vshrl.u32 v11, $0x2  }
0x45: {  	v16 =	vmov s24;
	v17 =	vsub.s32 $0x0, v9;
	v18 =	vshrl.u32 v7, $0x2;
	[tilespmem:s20+$0xFFFFFFE0] =	vst v2;
	v2 =	vld.idx.msk [tilespmem:v4+s11+$0x0], $0xffff  }
0x46: {  	vm0 =	veq.s32 v16, v0;
	vm1 =	vne.s32 v13, v17;
	v13 =	vshrl.u32 v15, $0x2;
	v4 =	vld.idx.msk [tilespmem:v5+s11+$0x0], $0xffff  }
0x47: {  	v5 =	vmul.u32 $0xFFFFFFFB, v14;
	v16 =	vmul.u32 $0xFFFFFFFB, v18;
	vm0 =	vmand vm0, vm1;
	v3 =	vld.idx.msk [tilespmem:v3+s11+$0x0], $0xffff  }
0x48: {  	v11 =	vshll.u32 v11, $0x1;
	v19 =	vmul.u32 $0xFFFFFFFB, v13;
	v17 =	vsel vm0, $0xFFFFFFFF, v1  }
0x49: {  	v5 =	vadd.s32 v8, v5;
	v8 =	vadd.s32 v10, v16;
	v6 =	vadd.s32 v17, v6  }
0x4a: {  	v16 =	vshll.u32 v5, $0x9;
	v12 =	vadd.s32 v12, v19;
	v10 =	vmul.u32 $0xFFFFFFFB, v6  }
0x4b: {  	v7 =	vshll.u32 v7, $0x1;
	v17 =	vshll.u32 v8, $0x9;
	v19 =	vshll.u32 v12, $0x9;
	[tilespmem:s20+$0xFFFFFFF0] =	vst v2  }
0x4c: {  	v2 =	vadd.s32 v9, v10;
	v9 =	vand.u32 $0xFFFFF000, v16;
	v10 =	vshll.u32 v15, $0x1;
	[tilespmem:s20+$0x0] =	vst v4  }
0x4d: {  	v15 =	vshll.u32 v6, $0x3;
	v16 =	vand.u32 $0xFFFFF000, v17;
	v4 =	vshll.u32 v2, $0x9;
	[tilespmem:s20+$0x10] =	vst v3  }
0x4e: {  	v2 =	vshll.u32 v2, $0x7;
	v3 =	vand.u32 $0xFFFFF000, v4;
	v4 =	vand.u32 $0xFFFFFC00, v15  }
0x4f: {  	v2 =	vand.u32 $0x380, v2;
	v3 =	vadd.s32 v4, v3;
	v4 =	vand.u32 $0xFFFFF000, v19  }
0x50: {  	v6 =	vand.u32 $0x7F, v6;
	v2 =	vor.u32 v2, v3;
	v3 =	vshll.u32 v5, $0x7  }
0x51: {  	v5 =	vshll.u32 v8, $0x7;
	v2 =	vor.u32 v6, v2;
	v6 =	vshll.u32 v12, $0x7  }
.Ltmp0:
0x52: {  	v7 =	vand.u32 $0x7FFFFC00, v7;
	v10 =	vand.u32 $0x7FFFFC00, v10;
	v8 =	vand.u32 $0x7FFFFC00, v11;
	(pc) =	sbr.rel @p0 .LBB2_2-.Ltmp0, $4  }
0x53: {  	v7 =	vadd.s32 v7, v16;
	v8 =	vadd.s32 v8, v9;
	v9 =	vadd.s32 v10, v4  }
0x54: {  	v3 =	vand.u32 $0x380, v3;
	v5 =	vand.u32 $0x380, v5;
	v6 =	vand.u32 $0x380, v6  }
0x55: {  	v4 =	vor.u32 v3, v8;
	v5 =	vor.u32 v5, v7;
	v3 =	vor.u32 v6, v9  }
0x56: {  	s24 =	sadd.s32 $0x40, s24;
	v7 =	vand.u32 $0x7F, v14;
	v8 =	vand.u32 $0x7F, v18;
	v6 =	vand.u32 $0x7F, v13;
	v2 =	vld.idx.msk [tilespmem:v2+s11+$0x0], $0xffff  }
0x57: {  	v4 =	vor.u32 v7, v4  }
0x58: {  	v5 =	vor.u32 v8, v5  }
0x59: {  	v3 =	vor.u32 v6, v3;
	_ =	sdelay $0x2  }
0x5a: {  	v4 =	vld.idx.msk [tilespmem:v4+s11+$0x0], $0xffff  }
0x5b: {  	v5 =	vld.idx.msk [tilespmem:v5+s11+$0x0], $0xffff  }
0x5c: {  	v3 =	vld.idx.msk [tilespmem:v3+s11+$0x0], $0xffff  }
0x5d: {  	s20 =	sadd.s32 $0x40, s20  }
0x5e: {  	[tilespmem:s20+$0xFFFFFFE0] =	vst v2  }
0x5f: {  	[tilespmem:s20+$0xFFFFFFF0] =	vst v4  }
0x60: {  	[tilespmem:s20+$0x0] =	vst v5  }
0x61: {  	[tilespmem:s20+$0x10] =	vst v3;
	s20 =	simm.s32 $0x0  }
0x62: {  	[tilespmem:s14], [sflag:$0x1] =	stream.indirect.gather [hbm4b:s1+s13], $0x80, s20, s13, $0xb8;
	[tilespmem:$0x1DE80] =	vst v63  }
0x63: {  	_ = 	snop  }
0x64: {  	[tilespmem:s15], [sflag:$0x1] =	stream.indirect.gather [hbm4b:s3+s13], $0x80, s10, s13, $0xb8;
	[tilespmem:$0x1DE80] =	vst v63  }
0x65: {  	s22 =	simm.s32 $0x1400  }
0x66: {  	[tilespmem:s18], [sflag:$0x1] =	stream.indirect.gather [hbm4b:s3+s16], $0x80, s22, s16, $0xb8;
	[tilespmem:$0x1DE80] =	vst v63  }
0x67: {  	_ = 	snop  }
0x68: {  	[tilespmem:s19], [sflag:$0x2] =	stream.indirect.gather [hbm4b:s1+s13], $0x80, s13, s13, $0xb8;
	[tilespmem:$0x1DE80] =	vst v63  }
0x69: {  	s25 =	simm.s32 $0x240  }
0x6a: {  	[tilespmem:s21], [sflag:$0x2] =	stream.indirect.gather [hbm4b:s3+s13], $0x80, s25, s13, $0xb8;
	[tilespmem:$0x1DE80] =	vst v63  }
0x6b: {  	s26 =	simm.s32 $0x1540  }
0x6c: {  	[tilespmem:s23], [sflag:$0x2] =	stream.indirect.gather [hbm4b:s3+s16], $0x80, s26, s16, $0xb8;
	[tilespmem:$0x1DE80] =	vst v63  }
0x6d: {  	_ =	swait.ge [sflag:s12], $0x2000  }
0x6e: {  	[sflag:s12] =	ssyncset.done $0x0  }
0x6f: {  	[sflag:s12] =	ssyncadd.s32 $0xFFFFE000  }
0x70: {  	_ =	swait.ge [sflag:s12], $0x2000  }
0x71: {  	[sflag:s12] =	ssyncset.done $0x0  }
0x72: {  	[sflag:s12] =	ssyncadd.s32 $0xFFFFE000  }
0x73: {  	_ =	swait.ge [sflag:s12], $0xA000  }
0x74: {  	[sflag:s12] =	ssyncset.done $0x0  }
0x75: {  	v2 =	vimm.f32 $0.0e+00;
	v3 =	vimm.f32 $0.0e+00;
	[sflag:s12] =	ssyncadd.s32 $0xFFFF6000  }
.LBB2_4:
0x76: {  	s22 =	sshll.u32 s20, $0x4;
	v7 =	vlaneseq.u32  }
0x77: {  	v4 =	vor.u32 s22, v7  }
0x78: {  	v8 =	vmul.u32 $0x280, v4;
	v19 =	vshll.u32 v4, $0x7  }
0x79: {  	v10 =	vor.u32 v19, v7  }
0x7a: {  	v6 =	vadd.s32 $0x2100, v8  }
0x7b: {  	v4 =	vadd.s32 $0x2200, v8;
	v9 =	vor.u32 v6, v7  }
0x7c: {  	v5 =	vadd.s32 $0x2180, v8;
	v18 =	vadd.s32 $0x2000, v8;
	v12 =	vor.u32 v4, v7  }
0x7d: {  	v11 =	vadd.s32 $0x2080, v8;
	v8 =	vadd.s32 $0x1, v7;
	v14 =	vor.u32 v5, v7  }
0x7e: {  	v15 =	vor.u32 v18, v7;
	v8 =	vand.u32 $0x7F, v8;
	v13 =	vld.idx.msk [tilespmem:v10+s14+$0x0], $0xffff  }
0x7f: {  	v17 =	vor.u32 v18, v8;
	v24 =	vld.idx.msk [tilespmem:v10+s15+$0x0], $0xffff  }
0x80: {  	v22 =	vor.u32 v4, v8;
	v16 =	vld.idx.msk [tilespmem:v9+s15+$0x0], $0xffff  }
0x81: {  	v9 =	vor.u32 v11, v7;
	v12 =	vld.idx.msk [tilespmem:v12+s15+$0x0], $0xffff  }
0x82: {  	v26 =	vor.u32 v11, v8;
	v14 =	vld.idx.msk [tilespmem:v14+s15+$0x0], $0xffff  }
0x83: {  	v30 =	vor.u32 v19, v8;
	v15 =	vld.idx.msk [tilespmem:v15+s15+$0x0], $0xffff  }
0x84: {  	v28 =	vimm.f32 $0.0e+00;
	v10 =	vor.u32 v6, v8;
	v7 =	vadd.s32 $0x2, v7;
	v25 =	vld.idx.msk [tilespmem:v17+s15+$0x0], $0xffff  }
0x85: {  	v32 =	vimm.f32 $0.0e+00;
	v29 =	vand.u32 $0x7F, v7;
	v7 =	vld.idx.msk [tilespmem:v22+s15+$0x0], $0xffff;
	v22 =	vimm.f32 $0.0e+00  }
0x86: {  	v21 =	vor.u32 v6, v29;
	v36 =	vadd.s32 $0x1, v29;
	v23 =	vld.idx.msk [tilespmem:v9+s15+$0x0], $0xffff;
	v9 =	vor.u32 v5, v8  }
0x87: {  	v26 =	vld.idx.msk [tilespmem:v26+s15+$0x0], $0xffff;
	v34 =	vor.u32 v19, v29;
	v17 =	vor.u32 v5, v29;
	v31 =	vor.u32 v18, v29  }
0x88: {  	v35 =	vld.idx.msk [tilespmem:v30+s15+$0x0], $0xffff;
	v27 =	vor.u32 v11, v29;
	v20 =	vmul.f32 v16, v13;
	v8 =	vmul.f32 v12, v13  }
0x89: {  	v16 =	vld.idx.msk [tilespmem:v10+s15+$0x0], $0xffff;
	v14 =	vmul.f32 v14, v13;
	v12 =	vor.u32 v4, v29;
	v33 =	vmul.f32 v15, v13  }
0x8a: {  	s22 =	simm.s32 $0x2;
	v10 =	vld.idx.msk [tilespmem:v30+s14+$0x0], $0xffff;
	v30 =	vimm.f32 $0.0e+00;
	v15 =	vimm.f32 $0.0e+00;
	v8 =	vadd.f32 v8, v3  }
.LBB2_5:
0x8b: {  	s22 =	sadd.s32 $0x2, s22;
	v36 =	vand.u32 $0x7F, v36;
	v23 =	vmul.f32 v23, v13;
	v20 =	vadd.f32 v20, v22;
	v22 =	vld.idx.msk [tilespmem:v9+s15+$0x0], $0xffff  }
0x8c: {  	v39 =	vmul.f32 v24, v13;
	p0 =	slt.u32 s22, $0x7E;
	v21 =	vld.idx.msk [tilespmem:v21+s15+$0x0], $0xffff;
	v37 =	vor.u32 v18, v36;
	v38 =	vor.u32 v6, v36  }
0x8d: {  	v40 =	vor.u32 v19, v36;
	v9 =	vor.u32 v5, v36;
	v13 =	vld.idx.msk [tilespmem:v34+s14+$0x0], $0xffff;
	v28 =	vadd.f32 v23, v28  }
0x8e: {  	v32 =	vadd.f32 v39, v32;
	v23 =	vadd.f32 v33, v30;
	v24 =	vld.idx.msk [tilespmem:v34+s15+$0x0], $0xffff;
	v34 =	vor.u32 v4, v36  }
0x8f: {  	v33 =	vor.u32 v11, v36;
	v25 =	vmul.f32 v25, v10;
	v26 =	vmul.f32 v26, v10;
	v12 =	vld.idx.msk [tilespmem:v12+s15+$0x0], $0xffff  }
0x90: {  	v14 =	vadd.f32 v14, v15;
	v16 =	vmul.f32 v16, v10;
	v15 =	vmul.f32 v35, v10;
	v17 =	vld.idx.msk [tilespmem:v17+s15+$0x0], $0xffff  }
0x91: {  	v7 =	vmul.f32 v7, v10;
	v30 =	vadd.f32 v25, v23;
	v35 =	vld.idx.msk [tilespmem:v31+s15+$0x0], $0xffff;
	v31 =	vmul.f32 v22, v10  }
0x92: {  	v10 =	vadd.s32 $0x2, v29;
	v32 =	vadd.f32 v15, v32;
	v22 =	vadd.f32 v16, v20;
	v23 =	vld.idx.msk [tilespmem:v27+s15+$0x0], $0xffff  }
0x93: {  	v8 =	vadd.f32 v7, v8;
	v20 =	vmul.f32 v21, v13;
	v25 =	vld.idx.msk [tilespmem:v37+s15+$0x0], $0xffff;
	v15 =	vadd.f32 v31, v14  }
.Ltmp1:
0x94: {  	v28 =	vadd.f32 v26, v28;
	v29 =	vand.u32 $0x7F, v10;
	v16 =	vld.idx.msk [tilespmem:v38+s15+$0x0], $0xffff;
	(pc) =	sbr.rel @p0 .LBB2_5-.Ltmp1, $4  }
0x95: {  	v21 =	vor.u32 v6, v29;
	v36 =	vadd.s32 $0x1, v29;
	v10 =	vmul.f32 v12, v13;
	v7 =	vld.idx.msk [tilespmem:v34+s15+$0x0], $0xffff  }
0x96: {  	v34 =	vor.u32 v19, v29;
	v14 =	vmul.f32 v17, v13;
	v26 =	vld.idx.msk [tilespmem:v33+s15+$0x0], $0xffff  }
0x97: {  	v12 =	vor.u32 v4, v29;
	v17 =	vor.u32 v5, v29;
	v8 =	vadd.f32 v10, v8;
	v10 =	vld.idx.msk [tilespmem:v40+s14+$0x0], $0xffff  }
0x98: {  	v31 =	vor.u32 v18, v29;
	v27 =	vor.u32 v11, v29;
	v33 =	vmul.f32 v35, v13;
	v35 =	vld.idx.msk [tilespmem:v40+s15+$0x0], $0xffff  }
0x99: {  	v29 =	vand.u32 $0x7F, v36  }
0x9a: {  	v19 =	vor.u32 v19, v29;
	_ =	sdelay $0x2  }
0x9b: {  	v41 =	vld.idx.msk [tilespmem:v34+s14+$0x0], $0xffff  }
0x9c: {  	v42 =	vld.idx.msk [tilespmem:v34+s15+$0x0], $0xffff  }
0x9d: {  	v24 =	vmul.f32 v24, v13;
	v37 =	vld.idx.msk [tilespmem:v19+s14+$0x0], $0xffff  }
0x9e: {  	v19 =	vld.idx.msk [tilespmem:v19+s15+$0x0], $0xffff  }
0x9f: {  	v24 =	vadd.f32 v24, v32;
	v43 =	vmul.f32 v35, v10;
	_ =	sdelay $0x1  }
0xa0: {  	v44 =	vmul.f32 v42, v41;
	v24 =	vadd.f32 v43, v24;
	_ =	sdelay $0x1  }
0xa1: {  	v24 =	vadd.f32 v44, v24;
	v19 =	vmul.f32 v19, v37;
	_ =	sdelay $0x1  }
0xa2: {  	v19 =	vadd.f32 v19, v24;
	_ =	sdelay $0x1  }
0xa3: {  	v19 =	vmax.f32 v19, $-1.000000000e+01  }
0xa4: {  	v19 =	vmin.f32 v19, $1.000000000e+01  }
0xa5: {  	v19 =	vsub.f32 $0.0e+00, v19;
	_ =	sdelay $0x1  }
0xa6: {  	v19 =	vmul.f32 $1.442695020e+00, v19  }
0xa7: {  	v18 =	vor.u32 v18, v29  }
0xa8: {  	(erf) = vpow2.f32 v19;
	_ =	sdelay $0x1  }
0xa9: {  	v45 =	vld.idx.msk [tilespmem:v31+s15+$0x0], $0xffff;
	_ =	sdelay $0x1  }
0xaa: {  	v18 =	vld.idx.msk [tilespmem:v18+s15+$0x0], $0xffff  }
0xab: {  	v46 =	vadd.f32 v33, v30;
	v25 =	vmul.f32 v25, v10;
	_ =	sdelay $0x1  }
0xac: {  	v24 =	vadd.f32 v25, v46;
	v19 =	vmul.f32 v45, v41;
	_ =	sdelay $0x1  }
0xad: {  	v18 =	vmul.f32 v18, v37;
	v19 =	vadd.f32 v19, v24;
	v47 =	vpop (erf)  }
0xae: {  	v24 =	vadd.f32 $1.000000000e+00, v47  }
0xaf: {  	v18 =	vadd.f32 v18, v19  }
0xb0: {  	v48 =	vand.u32 $0x7FFFFF, v24  }
0xb1: {  	v18 =	vmax.f32 v18, $-1.000000000e+01;
	v19 =	vor.u32 $0x3F800000, v48  }
0xb2: {  	v18 =	vmin.f32 v18, $1.000000000e+01;
	v49 =	vadd.f32 $1.000000000e+00, v19  }
0xb3: {  	v18 =	vmul.f32 $1.442695020e+00, v18  }
0xb4: {  	v11 =	vor.u32 v11, v29;
	(erf) = vrcp.f32 v49  }
0xb5: {  	(erf) = vpow2.f32 v18;
	_ =	sdelay $0x1  }
0xb6: {  	v50 =	vld.idx.msk [tilespmem:v27+s15+$0x0], $0xffff  }
0xb7: {  	v51 =	vmul.f32 v23, v13  }
0xb8: {  	v11 =	vld.idx.msk [tilespmem:v11+s15+$0x0], $0xffff  }
0xb9: {  	v13 =	vadd.f32 v51, v28;
	v52 =	vmul.f32 v26, v10;
	_ =	sdelay $0x1  }
0xba: {  	v13 =	vadd.f32 v52, v13;
	v18 =	vmul.f32 v50, v41  }
0xbb: {  	v53 =	vpop (erf)  }
0xbc: {  	v11 =	vmul.f32 v11, v37;
	v13 =	vadd.f32 v18, v13;
	v54 =	vpop (erf)  }
0xbd: {  	v18 =	vadd.f32 $1.000000000e+00, v54  }
0xbe: {  	v11 =	vadd.f32 v11, v13  }
0xbf: {  	v55 =	vand.u32 $0x7FFFFF, v18  }
0xc0: {  	v11 =	vmax.f32 v11, $-1.000000000e+01;
	v13 =	vor.u32 $0x3F800000, v55  }
0xc1: {  	v11 =	vmin.f32 v11, $1.000000000e+01;
	v56 =	vadd.f32 $1.000000000e+00, v13  }
0xc2: {  	v11 =	vmul.f32 $1.442695020e+00, v11  }
0xc3: {  	v6 =	vor.u32 v6, v29;
	(erf) = vrcp.f32 v56  }
0xc4: {  	(erf) = vpow2.f32 v11;
	_ =	sdelay $0x1  }
0xc5: {  	v57 =	vld.idx.msk [tilespmem:v21+s15+$0x0], $0xffff;
	_ =	sdelay $0x1  }
0xc6: {  	v6 =	vld.idx.msk [tilespmem:v6+s15+$0x0], $0xffff  }
0xc7: {  	v20 =	vadd.f32 v20, v22;
	v16 =	vmul.f32 v16, v10;
	_ =	sdelay $0x1  }
0xc8: {  	v16 =	vadd.f32 v16, v20;
	v11 =	vmul.f32 v57, v41  }
0xc9: {  	v58 =	vpop (erf)  }
0xca: {  	v6 =	vmul.f32 v6, v37;
	v11 =	vadd.f32 v11, v16;
	v59 =	vpop (erf)  }
0xcb: {  	v16 =	vadd.f32 $1.000000000e+00, v59  }
0xcc: {  	v6 =	vadd.f32 v6, v11  }
0xcd: {  	v60 =	vand.u32 $0x7FFFFF, v16  }
0xce: {  	v6 =	vmax.f32 v6, $-1.000000000e+01;
	v11 =	vor.u32 $0x3F800000, v60  }
0xcf: {  	v6 =	vmin.f32 v6, $1.000000000e+01;
	v61 =	vadd.f32 $1.000000000e+00, v11  }
0xd0: {  	v6 =	vmul.f32 $1.442695020e+00, v6  }
0xd1: {  	v5 =	vor.u32 v5, v29;
	(erf) = vrcp.f32 v61  }
0xd2: {  	v9 =	vld.idx.msk [tilespmem:v9+s15+$0x0], $0xffff;
	(erf) = vpow2.f32 v6;
	_ =	sdelay $0x1  }
0xd3: {  	v62 =	vld.idx.msk [tilespmem:v17+s15+$0x0], $0xffff;
	_ =	sdelay $0x1  }
0xd4: {  	v5 =	vld.idx.msk [tilespmem:v5+s15+$0x0], $0xffff  }
0xd5: {  	v14 =	vadd.f32 v14, v15;
	v9 =	vmul.f32 v9, v10;
	_ =	sdelay $0x1  }
0xd6: {  	v9 =	vadd.f32 v9, v14;
	v6 =	vmul.f32 v62, v41  }
0xd7: {  	v63 =	vpop (erf)  }
0xd8: {  	v5 =	vmul.f32 v5, v37;
	v6 =	vadd.f32 v6, v9;
	v25 =	vpop (erf)  }
0xd9: {  	v9 =	vadd.f32 $1.000000000e+00, v25  }
0xda: {  	v5 =	vadd.f32 v5, v6  }
0xdb: {  	v26 =	vand.u32 $0x7FFFFF, v9  }
0xdc: {  	v5 =	vmax.f32 v5, $-1.000000000e+01;
	v6 =	vor.u32 $0x3F800000, v26  }
0xdd: {  	v5 =	vmin.f32 v5, $1.000000000e+01;
	v27 =	vadd.f32 $1.000000000e+00, v6  }
0xde: {  	v5 =	vmul.f32 $1.442695020e+00, v5  }
0xdf: {  	v4 =	vor.u32 v4, v29;
	(erf) = vrcp.f32 v27  }
0xe0: {  	(erf) = vpow2.f32 v5;
	_ =	sdelay $0x1  }
0xe1: {  	v5 =	vld.idx.msk [tilespmem:v12+s15+$0x0], $0xffff;
	_ =	sdelay $0x1  }
0xe2: {  	v4 =	vld.idx.msk [tilespmem:v4+s15+$0x0], $0xffff  }
0xe3: {  	v7 =	vmul.f32 v7, v10;
	_ =	sdelay $0x1  }
0xe4: {  	v7 =	vadd.f32 v7, v8;
	v5 =	vmul.f32 v5, v41  }
0xe5: {  	v28 =	vpop (erf)  }
0xe6: {  	v4 =	vmul.f32 v4, v37;
	v5 =	vadd.f32 v5, v7;
	v29 =	vpop (erf)  }
0xe7: {  	v7 =	vadd.f32 $1.000000000e+00, v29  }
0xe8: {  	v4 =	vadd.f32 v4, v5  }
0xe9: {  	v5 =	vand.u32 $0x7FFFFF, v7  }
0xea: {  	v4 =	vmax.f32 v4, $-1.000000000e+01;
	v5 =	vor.u32 $0x3F800000, v5  }
0xeb: {  	v4 =	vmin.f32 v4, $1.000000000e+01;
	v31 =	vadd.f32 $1.000000000e+00, v5  }
0xec: {  	v4 =	vmul.f32 $1.442695020e+00, v4  }
0xed: {  	(erf) = vrcp.f32 v31  }
0xee: {  	(erf) = vpow2.f32 v4  }
0xef: {  	v13 =	vadd.f32 $-1.000000000e+00, v13;
	_ =	sdelay $0x1  }
0xf0: {  	v13 =	vmul.f32 v58, v13;
	_ =	sdelay $0x1  }
0xf1: {  	v30 =	vadd.f32 $-1.000000000e+00, v19;
	v33 =	vmul.f32 v13, v13;
	_ =	sdelay $0x1  }
0xf2: {  	v10 =	vmul.f32 v53, v30;
	v35 =	vmul.f32 $1.111111120e-01, v33  }
0xf3: {  	v37 =	vshra.s32 v24, $0x17;
	v34 =	vpop (erf)  }
0xf4: {  	v21 =	vadd.s32 $0xFFFFFF81, v37;
	v32 =	vmul.f32 v10, v10;
	v19 =	vadd.f32 $1.428571490e-01, v35;
	v36 =	vpop (erf)  }
0xf5: {  	v21 =	vcvt.s32.f32 v21;
	v20 =	vadd.f32 $1.000000000e+00, v36  }
0xf6: {  	v44 =	vshra.s32 v18, $0x17;
	v19 =	vmul.f32 v19, v33;
	v4 =	vmul.f32 $1.111111120e-01, v32  }
0xf7: {  	v42 =	vmul.f32 $6.931471820e-01, v21;
	v8 =	vadd.s32 $0xFFFFFF81, v44;
	v38 =	vand.u32 $0x7FFFFF, v20  }
0xf8: {  	v19 =	vadd.f32 $2.000000030e-01, v19;
	v4 =	vadd.f32 $1.428571490e-01, v4;
	v14 =	vor.u32 $0x3F800000, v38  }
0xf9: {  	v8 =	vcvt.s32.f32 v8;
	v11 =	vadd.f32 $-1.000000000e+00, v11;
	v40 =	vadd.f32 $1.000000000e+00, v14  }
0xfa: {  	v19 =	vmul.f32 v19, v33;
	v4 =	vmul.f32 v4, v32  }
0xfb: {  	v10 =	vadd.f32 v10, v10;
	v11 =	vmul.f32 v63, v11;
	(erf) = vrcp.f32 v40  }
0xfc: {  	v8 =	vmul.f32 $6.931471820e-01, v8;
	v6 =	vadd.f32 $-1.000000000e+00, v6;
	v4 =	vadd.f32 $2.000000030e-01, v4  }
0xfd: {  	v16 =	vshra.s32 v16, $0x17;
	v19 =	vadd.f32 $3.333333430e-01, v19;
	v39 =	vmul.f32 v11, v11  }
0xfe: {  	v16 =	vadd.s32 $0xFFFFFF81, v16;
	v6 =	vmul.f32 v28, v6;
	v4 =	vmul.f32 v4, v32  }
0xff: {  	v13 =	vadd.f32 v13, v13;
	v16 =	vcvt.s32.f32 v16;
	v15 =	vmul.f32 v19, v33  }
0x100: {  	v41 =	vmul.f32 $1.111111120e-01, v39;
	v46 =	vmul.f32 v6, v6;
	v4 =	vadd.f32 $3.333333430e-01, v4  }
0x101: {  	v55 =	vmul.f32 $6.931471820e-01, v16;
	v15 =	vadd.f32 $1.000000000e+00, v15;
	v5 =	vadd.f32 $-1.000000000e+00, v5  }
0x102: {  	v43 =	vadd.f32 $1.428571490e-01, v41;
	v47 =	vmul.f32 $1.111111120e-01, v46;
	v4 =	vmul.f32 v4, v32  }
0x103: {  	v13 =	vmul.f32 v15, v13;
	v5 =	vmul.f32 v34, v5;
	v14 =	vadd.f32 $-1.000000000e+00, v14  }
0x104: {  	v45 =	vmul.f32 v43, v39;
	v48 =	vadd.f32 $1.428571490e-01, v47;
	v4 =	vadd.f32 $1.000000000e+00, v4;
	v49 =	vpop (erf)  }
0x105: {  	v17 =	vmul.f32 v5, v5;
	v14 =	vmul.f32 v49, v14  }
0x106: {  	v11 =	vadd.f32 v11, v11;
	v15 =	vmul.f32 v48, v46;
	v4 =	vmul.f32 v4, v10  }
0x107: {  	v50 =	vmul.f32 $1.111111120e-01, v17;
	v10 =	vadd.f32 $2.000000030e-01, v45;
	v51 =	vmul.f32 v14, v14  }
0x108: {  	v9 =	vshra.s32 v9, $0x17;
	v15 =	vadd.f32 $2.000000030e-01, v15;
	v4 =	vadd.f32 v4, v42  }
0x109: {  	v19 =	vadd.f32 $1.428571490e-01, v50;
	v10 =	vmul.f32 v10, v39;
	v52 =	vmul.f32 $1.111111120e-01, v51  }
0x10a: {  	v9 =	vadd.s32 $0xFFFFFF81, v9;
	v2 =	vadd.f32 v4, v2;
	v4 =	vmul.f32 v15, v46  }
0x10b: {  	v53 =	vmul.f32 v19, v17;
	v10 =	vadd.f32 $3.333333430e-01, v10;
	v54 =	vadd.f32 $1.428571490e-01, v52  }
0x10c: {  	v8 =	vadd.f32 v13, v8;
	v9 =	vcvt.s32.f32 v9;
	v4 =	vadd.f32 $3.333333430e-01, v4  }
0x10d: {  	v15 =	vadd.f32 $2.000000030e-01, v53;
	v10 =	vmul.f32 v10, v39;
	v56 =	vmul.f32 v54, v51  }
0x10e: {  	v9 =	vmul.f32 $6.931471820e-01, v9;
	v2 =	vadd.f32 v2, v8;
	v4 =	vmul.f32 v4, v46  }
0x10f: {  	v57 =	vmul.f32 v15, v17;
	v10 =	vadd.f32 $1.000000000e+00, v10;
	v8 =	vadd.f32 $2.000000030e-01, v56  }
0x110: {  	v6 =	vadd.f32 v6, v6;
	v58 =	vshra.s32 v7, $0x17;
	v4 =	vadd.f32 $1.000000000e+00, v4  }
0x111: {  	v10 =	vmul.f32 v10, v11;
	v11 =	vadd.f32 $3.333333430e-01, v57;
	v8 =	vmul.f32 v8, v51  }
0x112: {  	v5 =	vadd.f32 v5, v5;
	v60 =	vshra.s32 v20, $0x17;
	v4 =	vmul.f32 v4, v6  }
0x113: {  	v59 =	vmul.f32 v11, v17;
	v6 =	vadd.s32 $0xFFFFFF81, v58;
	v8 =	vadd.f32 $3.333333430e-01, v8  }
0x114: {  	v61 =	vadd.s32 $0xFFFFFF81, v60;
	v10 =	vadd.f32 v10, v55;
	v6 =	vcvt.s32.f32 v6  }
0x115: {  	v62 =	vadd.f32 v14, v14;
	v7 =	vadd.f32 $1.000000000e+00, v59;
	v8 =	vmul.f32 v8, v51  }
0x116: {  	v2 =	vadd.f32 v2, v10;
	v4 =	vadd.f32 v4, v9;
	v6 =	vmul.f32 $6.931471820e-01, v6  }
0x117: {  	s20 =	sadd.s32 $0x1, s20;
	v5 =	vmul.f32 v7, v5;
	v7 =	vcvt.s32.f32 v61;
	v8 =	vadd.f32 $1.000000000e+00, v8  }
0x118: {  	p0 =	sne.s32 s20, $0x4;
	v2 =	vadd.f32 v2, v4  }
.Ltmp2:
0x119: {  	v4 =	vadd.f32 v5, v6;
	v63 =	vmul.f32 $6.931471820e-01, v7;
	v5 =	vmul.f32 v8, v62;
	(pc) =	sbr.rel @p0 .LBB2_4-.Ltmp2, $3  }
0x11a: {  	_ = 	snop  }
0x11b: {  	v2 =	vadd.f32 v2, v4;
	v4 =	vadd.f32 v5, v63;
	_ =	sdelay $0x1  }
0x11c: {  	v2 =	vadd.f32 v2, v4  }
0x11d: {  	s20 =	simm.s32 $0x80  }
0x11e: {  	[tilespmem:s14], [sflag:$0x1] =	stream.indirect.gather [hbm4b:s1+s13], $0x80, s20, s13, $0xb8;
	[tilespmem:$0x1DE80] =	vst v63  }
0x11f: {  	s25 =	simm.s32 $0x280  }
0x120: {  	[tilespmem:s15], [sflag:$0x1] =	stream.indirect.gather [hbm4b:s3+s13], $0x80, s25, s13, $0xb8;
	[tilespmem:$0x1DE80] =	vst v63  }
0x121: {  	s26 =	simm.s32 $0x1680  }
0x122: {  	[tilespmem:s18], [sflag:$0x1] =	stream.indirect.gather [hbm4b:s3+s16], $0x80, s26, s16, $0xb8;
	[tilespmem:$0x1DE80] =	vst v63  }
0x123: {  	_ =	swait.ge [sflag:s28], $0x2000  }
0x124: {  	[sflag:s28] =	ssyncset.done $0x0  }
0x125: {  	[sflag:s28] =	ssyncadd.s32 $0xFFFFE000  }
0x126: {  	_ =	swait.ge [sflag:s28], $0x2000  }
0x127: {  	[sflag:s28] =	ssyncset.done $0x0  }
0x128: {  	[sflag:s28] =	ssyncadd.s32 $0xFFFFE000  }
0x129: {  	_ =	swait.ge [sflag:s28], $0xA000  }
0x12a: {  	[sflag:s28] =	ssyncset.done $0x0  }
0x12b: {  	s20 =	simm.s32 $0x0;
	[sflag:s28] =	ssyncadd.s32 $0xFFFF6000  }
.LBB2_8:
0x12c: {  	s22 =	sshll.u32 s20, $0x4;
	v6 =	vlaneseq.u32  }
0x12d: {  	v3 =	vor.u32 s22, v6  }
0x12e: {  	v7 =	vmul.u32 $0x280, v3;
	v19 =	vshll.u32 v3, $0x7  }
0x12f: {  	v9 =	vor.u32 v19, v6  }
0x130: {  	v5 =	vadd.s32 $0x2100, v7  }
0x131: {  	v3 =	vadd.s32 $0x2200, v7;
	v8 =	vor.u32 v5, v6  }
0x132: {  	v4 =	vadd.s32 $0x2180, v7;
	v17 =	vadd.s32 $0x2000, v7;
	v11 =	vor.u32 v3, v6  }
0x133: {  	v10 =	vadd.s32 $0x2080, v7;
	v7 =	vadd.s32 $0x1, v6;
	v13 =	vor.u32 v4, v6  }
0x134: {  	v14 =	vor.u32 v17, v6;
	v7 =	vand.u32 $0x7F, v7;
	v12 =	vld.idx.msk [tilespmem:v9+s19+$0x0], $0xffff  }
0x135: {  	v16 =	vor.u32 v17, v7;
	v23 =	vld.idx.msk [tilespmem:v9+s21+$0x0], $0xffff  }
0x136: {  	v25 =	vor.u32 v3, v7;
	v15 =	vld.idx.msk [tilespmem:v8+s21+$0x0], $0xffff  }
0x137: {  	v8 =	vor.u32 v10, v6;
	v11 =	vld.idx.msk [tilespmem:v11+s21+$0x0], $0xffff  }
0x138: {  	v26 =	vor.u32 v10, v7;
	v13 =	vld.idx.msk [tilespmem:v13+s21+$0x0], $0xffff  }
0x139: {  	v28 =	vor.u32 v19, v7;
	v14 =	vld.idx.msk [tilespmem:v14+s21+$0x0], $0xffff  }
0x13a: {  	v18 =	vimm.f32 $0.0e+00;
	v9 =	vor.u32 v5, v7;
	v6 =	vadd.s32 $0x2, v6;
	v24 =	vld.idx.msk [tilespmem:v16+s21+$0x0], $0xffff  }
0x13b: {  	v27 =	vimm.f32 $0.0e+00;
	v31 =	vimm.f32 $0.0e+00;
	v29 =	vand.u32 $0x7F, v6;
	v6 =	vld.idx.msk [tilespmem:v25+s21+$0x0], $0xffff  }
0x13c: {  	v21 =	vor.u32 v5, v29;
	v35 =	vadd.s32 $0x1, v29;
	v22 =	vld.idx.msk [tilespmem:v8+s21+$0x0], $0xffff;
	v8 =	vor.u32 v4, v7  }
0x13d: {  	v25 =	vld.idx.msk [tilespmem:v26+s21+$0x0], $0xffff;
	v33 =	vor.u32 v19, v29;
	v16 =	vor.u32 v4, v29;
	v30 =	vor.u32 v17, v29  }
0x13e: {  	v34 =	vld.idx.msk [tilespmem:v28+s21+$0x0], $0xffff;
	v26 =	vor.u32 v10, v29;
	v20 =	vmul.f32 v15, v12;
	v7 =	vmul.f32 v11, v12  }
0x13f: {  	v15 =	vld.idx.msk [tilespmem:v9+s21+$0x0], $0xffff;
	v13 =	vmul.f32 v13, v12;
	v11 =	vor.u32 v3, v29;
	v32 =	vmul.f32 v14, v12  }
0x140: {  	s22 =	simm.s32 $0x2;
	v9 =	vld.idx.msk [tilespmem:v28+s19+$0x0], $0xffff;
	v28 =	vimm.f32 $0.0e+00;
	v14 =	vimm.f32 $0.0e+00;
	v7 =	vadd.f32 v7, v18  }
.LBB2_9:
0x141: {  	s22 =	sadd.s32 $0x2, s22;
	v35 =	vand.u32 $0x7F, v35;
	v22 =	vmul.f32 v22, v12;
	v18 =	vadd.f32 v20, v18;
	v20 =	vld.idx.msk [tilespmem:v8+s21+$0x0], $0xffff  }
0x142: {  	v38 =	vmul.f32 v23, v12;
	p0 =	slt.u32 s22, $0x7E;
	v21 =	vld.idx.msk [tilespmem:v21+s21+$0x0], $0xffff;
	v36 =	vor.u32 v17, v35;
	v37 =	vor.u32 v5, v35  }
0x143: {  	v39 =	vor.u32 v19, v35;
	v8 =	vor.u32 v4, v35;
	v12 =	vld.idx.msk [tilespmem:v33+s19+$0x0], $0xffff;
	v27 =	vadd.f32 v22, v27  }
0x144: {  	v31 =	vadd.f32 v38, v31;
	v22 =	vadd.f32 v32, v28;
	v23 =	vld.idx.msk [tilespmem:v33+s21+$0x0], $0xffff;
	v33 =	vor.u32 v3, v35  }
0x145: {  	v32 =	vor.u32 v10, v35;
	v24 =	vmul.f32 v24, v9;
	v25 =	vmul.f32 v25, v9;
	v11 =	vld.idx.msk [tilespmem:v11+s21+$0x0], $0xffff  }
0x146: {  	v13 =	vadd.f32 v13, v14;
	v15 =	vmul.f32 v15, v9;
	v14 =	vmul.f32 v34, v9;
	v16 =	vld.idx.msk [tilespmem:v16+s21+$0x0], $0xffff  }
0x147: {  	v6 =	vmul.f32 v6, v9;
	v28 =	vadd.f32 v24, v22;
	v34 =	vld.idx.msk [tilespmem:v30+s21+$0x0], $0xffff;
	v30 =	vmul.f32 v20, v9  }
0x148: {  	v18 =	vadd.f32 v15, v18;
	v9 =	vadd.s32 $0x2, v29;
	v31 =	vadd.f32 v14, v31;
	v22 =	vld.idx.msk [tilespmem:v26+s21+$0x0], $0xffff  }
0x149: {  	v7 =	vadd.f32 v6, v7;
	v20 =	vmul.f32 v21, v12;
	v24 =	vld.idx.msk [tilespmem:v36+s21+$0x0], $0xffff;
	v14 =	vadd.f32 v30, v13  }
.Ltmp3:
0x14a: {  	v27 =	vadd.f32 v25, v27;
	v29 =	vand.u32 $0x7F, v9;
	v15 =	vld.idx.msk [tilespmem:v37+s21+$0x0], $0xffff;
	(pc) =	sbr.rel @p0 .LBB2_9-.Ltmp3, $4  }
0x14b: {  	v21 =	vor.u32 v5, v29;
	v35 =	vadd.s32 $0x1, v29;
	v9 =	vmul.f32 v11, v12;
	v6 =	vld.idx.msk [tilespmem:v33+s21+$0x0], $0xffff  }
0x14c: {  	v33 =	vor.u32 v19, v29;
	v13 =	vmul.f32 v16, v12;
	v25 =	vld.idx.msk [tilespmem:v32+s21+$0x0], $0xffff  }
0x14d: {  	v11 =	vor.u32 v3, v29;
	v16 =	vor.u32 v4, v29;
	v7 =	vadd.f32 v9, v7;
	v9 =	vld.idx.msk [tilespmem:v39+s19+$0x0], $0xffff  }
0x14e: {  	v30 =	vor.u32 v17, v29;
	v26 =	vor.u32 v10, v29;
	v32 =	vmul.f32 v34, v12;
	v34 =	vld.idx.msk [tilespmem:v39+s21+$0x0], $0xffff  }
0x14f: {  	v29 =	vand.u32 $0x7F, v35  }
0x150: {  	v19 =	vor.u32 v19, v29;
	_ =	sdelay $0x2  }
0x151: {  	v41 =	vld.idx.msk [tilespmem:v33+s19+$0x0], $0xffff  }
0x152: {  	v42 =	vld.idx.msk [tilespmem:v33+s21+$0x0], $0xffff  }
0x153: {  	v23 =	vmul.f32 v23, v12;
	v36 =	vld.idx.msk [tilespmem:v19+s19+$0x0], $0xffff  }
0x154: {  	v19 =	vld.idx.msk [tilespmem:v19+s21+$0x0], $0xffff  }
0x155: {  	v23 =	vadd.f32 v23, v31;
	v43 =	vmul.f32 v34, v9;
	_ =	sdelay $0x1  }
0x156: {  	v44 =	vmul.f32 v42, v41;
	v23 =	vadd.f32 v43, v23;
	_ =	sdelay $0x1  }
0x157: {  	v23 =	vadd.f32 v44, v23;
	v19 =	vmul.f32 v19, v36;
	_ =	sdelay $0x1  }
0x158: {  	v19 =	vadd.f32 v19, v23;
	_ =	sdelay $0x1  }
0x159: {  	v19 =	vmax.f32 v19, $-1.000000000e+01  }
0x15a: {  	v19 =	vmin.f32 v19, $1.000000000e+01  }
0x15b: {  	v19 =	vsub.f32 $0.0e+00, v19;
	_ =	sdelay $0x1  }
0x15c: {  	v19 =	vmul.f32 $1.442695020e+00, v19  }
0x15d: {  	v17 =	vor.u32 v17, v29  }
0x15e: {  	(erf) = vpow2.f32 v19;
	_ =	sdelay $0x1  }
0x15f: {  	v45 =	vld.idx.msk [tilespmem:v30+s21+$0x0], $0xffff;
	_ =	sdelay $0x1  }
0x160: {  	v17 =	vld.idx.msk [tilespmem:v17+s21+$0x0], $0xffff  }
0x161: {  	v46 =	vadd.f32 v32, v28;
	v24 =	vmul.f32 v24, v9;
	_ =	sdelay $0x1  }
0x162: {  	v23 =	vadd.f32 v24, v46;
	v19 =	vmul.f32 v45, v41;
	_ =	sdelay $0x1  }
0x163: {  	v17 =	vmul.f32 v17, v36;
	v19 =	vadd.f32 v19, v23;
	v47 =	vpop (erf)  }
0x164: {  	v23 =	vadd.f32 $1.000000000e+00, v47  }
0x165: {  	v17 =	vadd.f32 v17, v19  }
0x166: {  	v48 =	vand.u32 $0x7FFFFF, v23  }
0x167: {  	v17 =	vmax.f32 v17, $-1.000000000e+01;
	v19 =	vor.u32 $0x3F800000, v48  }
0x168: {  	v17 =	vmin.f32 v17, $1.000000000e+01;
	v49 =	vadd.f32 $1.000000000e+00, v19  }
0x169: {  	v17 =	vmul.f32 $1.442695020e+00, v17  }
0x16a: {  	v10 =	vor.u32 v10, v29;
	(erf) = vrcp.f32 v49  }
0x16b: {  	(erf) = vpow2.f32 v17;
	_ =	sdelay $0x1  }
0x16c: {  	v50 =	vld.idx.msk [tilespmem:v26+s21+$0x0], $0xffff  }
0x16d: {  	v51 =	vmul.f32 v22, v12  }
0x16e: {  	v10 =	vld.idx.msk [tilespmem:v10+s21+$0x0], $0xffff  }
0x16f: {  	v12 =	vadd.f32 v51, v27;
	v52 =	vmul.f32 v25, v9;
	_ =	sdelay $0x1  }
0x170: {  	v12 =	vadd.f32 v52, v12;
	v17 =	vmul.f32 v50, v41  }
0x171: {  	v53 =	vpop (erf)  }
0x172: {  	v10 =	vmul.f32 v10, v36;
	v12 =	vadd.f32 v17, v12;
	v54 =	vpop (erf)  }
0x173: {  	v17 =	vadd.f32 $1.000000000e+00, v54  }
0x174: {  	v10 =	vadd.f32 v10, v12  }
0x175: {  	v55 =	vand.u32 $0x7FFFFF, v17  }
0x176: {  	v10 =	vmax.f32 v10, $-1.000000000e+01;
	v12 =	vor.u32 $0x3F800000, v55  }
0x177: {  	v10 =	vmin.f32 v10, $1.000000000e+01;
	v56 =	vadd.f32 $1.000000000e+00, v12  }
0x178: {  	v10 =	vmul.f32 $1.442695020e+00, v10  }
0x179: {  	v5 =	vor.u32 v5, v29;
	(erf) = vrcp.f32 v56  }
0x17a: {  	(erf) = vpow2.f32 v10;
	_ =	sdelay $0x1  }
0x17b: {  	v57 =	vld.idx.msk [tilespmem:v21+s21+$0x0], $0xffff;
	_ =	sdelay $0x1  }
0x17c: {  	v5 =	vld.idx.msk [tilespmem:v5+s21+$0x0], $0xffff  }
0x17d: {  	v18 =	vadd.f32 v20, v18;
	v15 =	vmul.f32 v15, v9;
	_ =	sdelay $0x1  }
0x17e: {  	v15 =	vadd.f32 v15, v18;
	v10 =	vmul.f32 v57, v41  }
0x17f: {  	v58 =	vpop (erf)  }
0x180: {  	v5 =	vmul.f32 v5, v36;
	v10 =	vadd.f32 v10, v15;
	v59 =	vpop (erf)  }
0x181: {  	v15 =	vadd.f32 $1.000000000e+00, v59  }
0x182: {  	v5 =	vadd.f32 v5, v10  }
0x183: {  	v60 =	vand.u32 $0x7FFFFF, v15  }
0x184: {  	v5 =	vmax.f32 v5, $-1.000000000e+01;
	v10 =	vor.u32 $0x3F800000, v60  }
0x185: {  	v5 =	vmin.f32 v5, $1.000000000e+01;
	v61 =	vadd.f32 $1.000000000e+00, v10  }
0x186: {  	v5 =	vmul.f32 $1.442695020e+00, v5  }
0x187: {  	v4 =	vor.u32 v4, v29;
	(erf) = vrcp.f32 v61  }
0x188: {  	v8 =	vld.idx.msk [tilespmem:v8+s21+$0x0], $0xffff;
	(erf) = vpow2.f32 v5;
	_ =	sdelay $0x1  }
0x189: {  	v62 =	vld.idx.msk [tilespmem:v16+s21+$0x0], $0xffff;
	_ =	sdelay $0x1  }
0x18a: {  	v4 =	vld.idx.msk [tilespmem:v4+s21+$0x0], $0xffff  }
0x18b: {  	v13 =	vadd.f32 v13, v14;
	v8 =	vmul.f32 v8, v9;
	_ =	sdelay $0x1  }
0x18c: {  	v8 =	vadd.f32 v8, v13;
	v5 =	vmul.f32 v62, v41  }
0x18d: {  	v63 =	vpop (erf)  }
0x18e: {  	v4 =	vmul.f32 v4, v36;
	v5 =	vadd.f32 v5, v8;
	v20 =	vpop (erf)  }
0x18f: {  	v8 =	vadd.f32 $1.000000000e+00, v20  }
0x190: {  	v4 =	vadd.f32 v4, v5  }
0x191: {  	v21 =	vand.u32 $0x7FFFFF, v8  }
0x192: {  	v4 =	vmax.f32 v4, $-1.000000000e+01;
	v5 =	vor.u32 $0x3F800000, v21  }
0x193: {  	v4 =	vmin.f32 v4, $1.000000000e+01;
	v24 =	vadd.f32 $1.000000000e+00, v5  }
0x194: {  	v4 =	vmul.f32 $1.442695020e+00, v4  }
0x195: {  	v3 =	vor.u32 v3, v29;
	(erf) = vrcp.f32 v24  }
0x196: {  	(erf) = vpow2.f32 v4;
	_ =	sdelay $0x1  }
0x197: {  	v25 =	vld.idx.msk [tilespmem:v11+s21+$0x0], $0xffff;
	_ =	sdelay $0x1  }
0x198: {  	v3 =	vld.idx.msk [tilespmem:v3+s21+$0x0], $0xffff  }
0x199: {  	v6 =	vmul.f32 v6, v9;
	_ =	sdelay $0x1  }
0x19a: {  	v6 =	vadd.f32 v6, v7;
	v4 =	vmul.f32 v25, v41  }
0x19b: {  	v26 =	vpop (erf)  }
0x19c: {  	v3 =	vmul.f32 v3, v36;
	v4 =	vadd.f32 v4, v6;
	v27 =	vpop (erf)  }
0x19d: {  	v6 =	vadd.f32 $1.000000000e+00, v27  }
0x19e: {  	v3 =	vadd.f32 v3, v4  }
0x19f: {  	v28 =	vand.u32 $0x7FFFFF, v6  }
0x1a0: {  	v3 =	vmax.f32 v3, $-1.000000000e+01;
	v4 =	vor.u32 $0x3F800000, v28  }
0x1a1: {  	v3 =	vmin.f32 v3, $1.000000000e+01;
	v30 =	vadd.f32 $1.000000000e+00, v4  }
0x1a2: {  	v3 =	vmul.f32 $1.442695020e+00, v3  }
0x1a3: {  	(erf) = vrcp.f32 v30  }
0x1a4: {  	v12 =	vadd.f32 $-1.000000000e+00, v12;
	(erf) = vpow2.f32 v3;
	_ =	sdelay $0x1  }
0x1a5: {  	v12 =	vmul.f32 v58, v12;
	_ =	sdelay $0x1  }
0x1a6: {  	v32 =	vmul.f32 v12, v12  }
0x1a7: {  	v29 =	vadd.f32 $-1.000000000e+00, v19  }
0x1a8: {  	v34 =	vmul.f32 $1.111111120e-01, v32  }
0x1a9: {  	v9 =	vmul.f32 v53, v29  }
0x1aa: {  	v18 =	vadd.f32 $1.428571490e-01, v34;
	v33 =	vpop (erf)  }
0x1ab: {  	v31 =	vmul.f32 v9, v9;
	v35 =	vpop (erf)  }
0x1ac: {  	v43 =	vshra.s32 v17, $0x17;
	v18 =	vmul.f32 v18, v32;
	v19 =	vadd.f32 $1.000000000e+00, v35  }
0x1ad: {  	v36 =	vshra.s32 v23, $0x17;
	v7 =	vadd.s32 $0xFFFFFF81, v43;
	v3 =	vmul.f32 $1.111111120e-01, v31  }
0x1ae: {  	v7 =	vcvt.s32.f32 v7;
	v18 =	vadd.f32 $2.000000030e-01, v18;
	v37 =	vand.u32 $0x7FFFFF, v19  }
0x1af: {  	v15 =	vshra.s32 v15, $0x17;
	v3 =	vadd.f32 $1.428571490e-01, v3;
	v13 =	vor.u32 $0x3F800000, v37  }
0x1b0: {  	v10 =	vadd.f32 $-1.000000000e+00, v10;
	v18 =	vmul.f32 v18, v32;
	v39 =	vadd.f32 $1.000000000e+00, v13  }
0x1b1: {  	v7 =	vmul.f32 $6.931471820e-01, v7;
	v15 =	vadd.s32 $0xFFFFFF81, v15;
	v3 =	vmul.f32 v3, v31  }
0x1b2: {  	v18 =	vadd.f32 $3.333333430e-01, v18;
	v10 =	vmul.f32 v63, v10;
	(erf) = vrcp.f32 v39  }
0x1b3: {  	v15 =	vcvt.s32.f32 v15;
	v5 =	vadd.f32 $-1.000000000e+00, v5;
	v3 =	vadd.f32 $2.000000030e-01, v3  }
0x1b4: {  	v9 =	vadd.f32 v9, v9;
	v14 =	vmul.f32 v18, v32;
	v38 =	vmul.f32 v10, v10  }
0x1b5: {  	v12 =	vadd.f32 v12, v12;
	v5 =	vmul.f32 v26, v5;
	v3 =	vmul.f32 v3, v31  }
0x1b6: {  	v54 =	vmul.f32 $6.931471820e-01, v15;
	v20 =	vadd.s32 $0xFFFFFF81, v36;
	v14 =	vadd.f32 $1.000000000e+00, v14  }
0x1b7: {  	v40 =	vmul.f32 $1.111111120e-01, v38;
	v45 =	vmul.f32 v5, v5;
	v3 =	vadd.f32 $3.333333430e-01, v3  }
0x1b8: {  	v20 =	vcvt.s32.f32 v20;
	v12 =	vmul.f32 v14, v12;
	v4 =	vadd.f32 $-1.000000000e+00, v4  }
0x1b9: {  	v42 =	vadd.f32 $1.428571490e-01, v40;
	v46 =	vmul.f32 $1.111111120e-01, v45;
	v3 =	vmul.f32 v3, v31  }
0x1ba: {  	v41 =	vmul.f32 $6.931471820e-01, v20;
	v4 =	vmul.f32 v33, v4;
	v13 =	vadd.f32 $-1.000000000e+00, v13  }
0x1bb: {  	v44 =	vmul.f32 v42, v38;
	v47 =	vadd.f32 $1.428571490e-01, v46;
	v3 =	vadd.f32 $1.000000000e+00, v3;
	v48 =	vpop (erf)  }
0x1bc: {  	v16 =	vmul.f32 v4, v4;
	v13 =	vmul.f32 v48, v13  }
0x1bd: {  	v10 =	vadd.f32 v10, v10;
	v14 =	vmul.f32 v47, v45;
	v3 =	vmul.f32 v3, v9  }
0x1be: {  	v49 =	vmul.f32 $1.111111120e-01, v16;
	v9 =	vadd.f32 $2.000000030e-01, v44;
	v50 =	vmul.f32 v13, v13  }
0x1bf: {  	v8 =	vshra.s32 v8, $0x17;
	v14 =	vadd.f32 $2.000000030e-01, v14;
	v3 =	vadd.f32 v3, v41  }
0x1c0: {  	v18 =	vadd.f32 $1.428571490e-01, v49;
	v9 =	vmul.f32 v9, v38;
	v51 =	vmul.f32 $1.111111120e-01, v50  }
0x1c1: {  	v8 =	vadd.s32 $0xFFFFFF81, v8;
	v2 =	vadd.f32 v3, v2;
	v3 =	vmul.f32 v14, v45  }
0x1c2: {  	v52 =	vmul.f32 v18, v16;
	v9 =	vadd.f32 $3.333333430e-01, v9;
	v53 =	vadd.f32 $1.428571490e-01, v51  }
0x1c3: {  	v7 =	vadd.f32 v12, v7;
	v8 =	vcvt.s32.f32 v8;
	v3 =	vadd.f32 $3.333333430e-01, v3  }
0x1c4: {  	v14 =	vadd.f32 $2.000000030e-01, v52;
	v9 =	vmul.f32 v9, v38;
	v55 =	vmul.f32 v53, v50  }
0x1c5: {  	v8 =	vmul.f32 $6.931471820e-01, v8;
	v2 =	vadd.f32 v2, v7;
	v3 =	vmul.f32 v3, v45  }
0x1c6: {  	v56 =	vmul.f32 v14, v16;
	v9 =	vadd.f32 $1.000000000e+00, v9;
	v7 =	vadd.f32 $2.000000030e-01, v55  }
0x1c7: {  	v5 =	vadd.f32 v5, v5;
	v57 =	vshra.s32 v6, $0x17;
	v3 =	vadd.f32 $1.000000000e+00, v3  }
0x1c8: {  	v9 =	vmul.f32 v9, v10;
	v10 =	vadd.f32 $3.333333430e-01, v56;
	v7 =	vmul.f32 v7, v50  }
0x1c9: {  	v4 =	vadd.f32 v4, v4;
	v59 =	vshra.s32 v19, $0x17;
	v3 =	vmul.f32 v3, v5  }
0x1ca: {  	v58 =	vmul.f32 v10, v16;
	v5 =	vadd.s32 $0xFFFFFF81, v57;
	v7 =	vadd.f32 $3.333333430e-01, v7  }
0x1cb: {  	v60 =	vadd.s32 $0xFFFFFF81, v59;
	v9 =	vadd.f32 v9, v54;
	v5 =	vcvt.s32.f32 v5  }
0x1cc: {  	v61 =	vadd.f32 v13, v13;
	v6 =	vadd.f32 $1.000000000e+00, v58;
	v7 =	vmul.f32 v7, v50  }
0x1cd: {  	v2 =	vadd.f32 v2, v9;
	v3 =	vadd.f32 v3, v8;
	v5 =	vmul.f32 $6.931471820e-01, v5  }
0x1ce: {  	s20 =	sadd.s32 $0x1, s20;
	v4 =	vmul.f32 v6, v4;
	v6 =	vcvt.s32.f32 v60;
	v7 =	vadd.f32 $1.000000000e+00, v7  }
0x1cf: {  	p0 =	sne.s32 s20, $0x4;
	v2 =	vadd.f32 v2, v3  }
.Ltmp4:
0x1d0: {  	v3 =	vadd.f32 v4, v5;
	v63 =	vmul.f32 $6.931471820e-01, v6;
	v62 =	vmul.f32 v7, v61;
	(pc) =	sbr.rel @p0 .LBB2_8-.Ltmp4, $3  }
0x1d1: {  	_ = 	snop  }
0x1d2: {  	v2 =	vadd.f32 v2, v3;
	v3 =	vadd.f32 v62, v63;
	_ =	sdelay $0x1  }
0x1d3: {  	v2 =	vadd.f32 v2, v3  }
0x1d4: {  	s20 =	simm.s32 $0xC0  }
0x1d5: {  	[tilespmem:s19], [sflag:$0x2] =	stream.indirect.gather [hbm4b:s1+s13], $0x80, s20, s13, $0xb8;
	[tilespmem:$0x1DE80] =	vst v63  }
0x1d6: {  	s25 =	simm.s32 $0x2C0  }
0x1d7: {  	[tilespmem:s21], [sflag:$0x2] =	stream.indirect.gather [hbm4b:s3+s13], $0x80, s25, s13, $0xb8;
	[tilespmem:$0x1DE80] =	vst v63  }
0x1d8: {  	s26 =	simm.s32 $0x17C0  }
0x1d9: {  	[tilespmem:s23], [sflag:$0x2] =	stream.indirect.gather [hbm4b:s3+s16], $0x80, s26, s16, $0xb8;
	[tilespmem:$0x1DE80] =	vst v63  }
0x1da: {  	_ =	swait.ge [sflag:s12], $0x2000  }
0x1db: {  	[sflag:s12] =	ssyncset.done $0x0  }
0x1dc: {  	[sflag:s12] =	ssyncadd.s32 $0xFFFFE000  }
0x1dd: {  	_ =	swait.ge [sflag:s12], $0x2000  }
0x1de: {  	[sflag:s12] =	ssyncset.done $0x0  }
0x1df: {  	[sflag:s12] =	ssyncadd.s32 $0xFFFFE000  }
0x1e0: {  	_ =	swait.ge [sflag:s12], $0xA000  }
0x1e1: {  	[sflag:s12] =	ssyncset.done $0x0  }
0x1e2: {  	s20 =	simm.s32 $0x0;
	[sflag:s12] =	ssyncadd.s32 $0xFFFF6000  }
.LBB2_12:
0x1e3: {  	s22 =	sshll.u32 s20, $0x4;
	v6 =	vlaneseq.u32  }
0x1e4: {  	v3 =	vor.u32 s22, v6  }
0x1e5: {  	v7 =	vmul.u32 $0x280, v3;
	v19 =	vshll.u32 v3, $0x7  }
0x1e6: {  	v9 =	vor.u32 v19, v6  }
0x1e7: {  	v5 =	vadd.s32 $0x2100, v7  }
0x1e8: {  	v3 =	vadd.s32 $0x2200, v7;
	v8 =	vor.u32 v5, v6  }
0x1e9: {  	v4 =	vadd.s32 $0x2180, v7;
	v17 =	vadd.s32 $0x2000, v7;
	v11 =	vor.u32 v3, v6  }
0x1ea: {  	v10 =	vadd.s32 $0x2080, v7;
	v7 =	vadd.s32 $0x1, v6;
	v13 =	vor.u32 v4, v6  }
0x1eb: {  	v14 =	vor.u32 v17, v6;
	v7 =	vand.u32 $0x7F, v7;
	v12 =	vld.idx.msk [tilespmem:v9+s14+$0x0], $0xffff  }
0x1ec: {  	v16 =	vor.u32 v17, v7;
	v23 =	vld.idx.msk [tilespmem:v9+s15+$0x0], $0xffff  }
0x1ed: {  	v25 =	vor.u32 v3, v7;
	v15 =	vld.idx.msk [tilespmem:v8+s15+$0x0], $0xffff  }
0x1ee: {  	v8 =	vor.u32 v10, v6;
	v11 =	vld.idx.msk [tilespmem:v11+s15+$0x0], $0xffff  }
0x1ef: {  	v26 =	vor.u32 v10, v7;
	v13 =	vld.idx.msk [tilespmem:v13+s15+$0x0], $0xffff  }
0x1f0: {  	v28 =	vor.u32 v19, v7;
	v14 =	vld.idx.msk [tilespmem:v14+s15+$0x0], $0xffff  }
0x1f1: {  	v18 =	vimm.f32 $0.0e+00;
	v9 =	vor.u32 v5, v7;
	v6 =	vadd.s32 $0x2, v6;
	v24 =	vld.idx.msk [tilespmem:v16+s15+$0x0], $0xffff  }
0x1f2: {  	v27 =	vimm.f32 $0.0e+00;
	v31 =	vimm.f32 $0.0e+00;
	v29 =	vand.u32 $0x7F, v6;
	v6 =	vld.idx.msk [tilespmem:v25+s15+$0x0], $0xffff  }
0x1f3: {  	v21 =	vor.u32 v5, v29;
	v35 =	vadd.s32 $0x1, v29;
	v22 =	vld.idx.msk [tilespmem:v8+s15+$0x0], $0xffff;
	v8 =	vor.u32 v4, v7  }
0x1f4: {  	v25 =	vld.idx.msk [tilespmem:v26+s15+$0x0], $0xffff;
	v33 =	vor.u32 v19, v29;
	v16 =	vor.u32 v4, v29;
	v30 =	vor.u32 v17, v29  }
0x1f5: {  	v34 =	vld.idx.msk [tilespmem:v28+s15+$0x0], $0xffff;
	v26 =	vor.u32 v10, v29;
	v20 =	vmul.f32 v15, v12;
	v7 =	vmul.f32 v11, v12  }
0x1f6: {  	v15 =	vld.idx.msk [tilespmem:v9+s15+$0x0], $0xffff;
	v13 =	vmul.f32 v13, v12;
	v11 =	vor.u32 v3, v29;
	v32 =	vmul.f32 v14, v12  }
0x1f7: {  	s22 =	simm.s32 $0x2;
	v9 =	vld.idx.msk [tilespmem:v28+s14+$0x0], $0xffff;
	v28 =	vimm.f32 $0.0e+00;
	v14 =	vimm.f32 $0.0e+00;
	v7 =	vadd.f32 v7, v18  }
.LBB2_13:
0x1f8: {  	s22 =	sadd.s32 $0x2, s22;
	v35 =	vand.u32 $0x7F, v35;
	v22 =	vmul.f32 v22, v12;
	v18 =	vadd.f32 v20, v18;
	v20 =	vld.idx.msk [tilespmem:v8+s15+$0x0], $0xffff  }
0x1f9: {  	v38 =	vmul.f32 v23, v12;
	p0 =	slt.u32 s22, $0x7E;
	v21 =	vld.idx.msk [tilespmem:v21+s15+$0x0], $0xffff;
	v36 =	vor.u32 v17, v35;
	v37 =	vor.u32 v5, v35  }
0x1fa: {  	v39 =	vor.u32 v19, v35;
	v8 =	vor.u32 v4, v35;
	v12 =	vld.idx.msk [tilespmem:v33+s14+$0x0], $0xffff;
	v27 =	vadd.f32 v22, v27  }
0x1fb: {  	v31 =	vadd.f32 v38, v31;
	v22 =	vadd.f32 v32, v28;
	v23 =	vld.idx.msk [tilespmem:v33+s15+$0x0], $0xffff;
	v33 =	vor.u32 v3, v35  }
0x1fc: {  	v32 =	vor.u32 v10, v35;
	v24 =	vmul.f32 v24, v9;
	v25 =	vmul.f32 v25, v9;
	v11 =	vld.idx.msk [tilespmem:v11+s15+$0x0], $0xffff  }
0x1fd: {  	v13 =	vadd.f32 v13, v14;
	v15 =	vmul.f32 v15, v9;
	v14 =	vmul.f32 v34, v9;
	v16 =	vld.idx.msk [tilespmem:v16+s15+$0x0], $0xffff  }
0x1fe: {  	v6 =	vmul.f32 v6, v9;
	v28 =	vadd.f32 v24, v22;
	v34 =	vld.idx.msk [tilespmem:v30+s15+$0x0], $0xffff;
	v30 =	vmul.f32 v20, v9  }
0x1ff: {  	v18 =	vadd.f32 v15, v18;
	v9 =	vadd.s32 $0x2, v29;
	v31 =	vadd.f32 v14, v31;
	v22 =	vld.idx.msk [tilespmem:v26+s15+$0x0], $0xffff  }
0x200: {  	v7 =	vadd.f32 v6, v7;
	v20 =	vmul.f32 v21, v12;
	v24 =	vld.idx.msk [tilespmem:v36+s15+$0x0], $0xffff;
	v14 =	vadd.f32 v30, v13  }
.Ltmp5:
0x201: {  	v27 =	vadd.f32 v25, v27;
	v29 =	vand.u32 $0x7F, v9;
	v15 =	vld.idx.msk [tilespmem:v37+s15+$0x0], $0xffff;
	(pc) =	sbr.rel @p0 .LBB2_13-.Ltmp5, $4  }
0x202: {  	v21 =	vor.u32 v5, v29;
	v35 =	vadd.s32 $0x1, v29;
	v9 =	vmul.f32 v11, v12;
	v6 =	vld.idx.msk [tilespmem:v33+s15+$0x0], $0xffff  }
0x203: {  	v33 =	vor.u32 v19, v29;
	v13 =	vmul.f32 v16, v12;
	v25 =	vld.idx.msk [tilespmem:v32+s15+$0x0], $0xffff  }
0x204: {  	v11 =	vor.u32 v3, v29;
	v16 =	vor.u32 v4, v29;
	v7 =	vadd.f32 v9, v7;
	v9 =	vld.idx.msk [tilespmem:v39+s14+$0x0], $0xffff  }
0x205: {  	v30 =	vor.u32 v17, v29;
	v26 =	vor.u32 v10, v29;
	v32 =	vmul.f32 v34, v12;
	v34 =	vld.idx.msk [tilespmem:v39+s15+$0x0], $0xffff  }
0x206: {  	v29 =	vand.u32 $0x7F, v35  }
0x207: {  	v19 =	vor.u32 v19, v29;
	_ =	sdelay $0x2  }
0x208: {  	v41 =	vld.idx.msk [tilespmem:v33+s14+$0x0], $0xffff  }
0x209: {  	v42 =	vld.idx.msk [tilespmem:v33+s15+$0x0], $0xffff  }
0x20a: {  	v23 =	vmul.f32 v23, v12;
	v36 =	vld.idx.msk [tilespmem:v19+s14+$0x0], $0xffff  }
0x20b: {  	v19 =	vld.idx.msk [tilespmem:v19+s15+$0x0], $0xffff  }
0x20c: {  	v23 =	vadd.f32 v23, v31;
	v43 =	vmul.f32 v34, v9;
	_ =	sdelay $0x1  }
0x20d: {  	v44 =	vmul.f32 v42, v41;
	v23 =	vadd.f32 v43, v23;
	_ =	sdelay $0x1  }
0x20e: {  	v23 =	vadd.f32 v44, v23;
	v19 =	vmul.f32 v19, v36;
	_ =	sdelay $0x1  }
0x20f: {  	v19 =	vadd.f32 v19, v23;
	_ =	sdelay $0x1  }
0x210: {  	v19 =	vmax.f32 v19, $-1.000000000e+01  }
0x211: {  	v19 =	vmin.f32 v19, $1.000000000e+01  }
0x212: {  	v19 =	vsub.f32 $0.0e+00, v19;
	_ =	sdelay $0x1  }
0x213: {  	v19 =	vmul.f32 $1.442695020e+00, v19  }
0x214: {  	v17 =	vor.u32 v17, v29  }
0x215: {  	(erf) = vpow2.f32 v19;
	_ =	sdelay $0x1  }
0x216: {  	v45 =	vld.idx.msk [tilespmem:v30+s15+$0x0], $0xffff;
	_ =	sdelay $0x1  }
0x217: {  	v17 =	vld.idx.msk [tilespmem:v17+s15+$0x0], $0xffff  }
0x218: {  	v46 =	vadd.f32 v32, v28;
	v24 =	vmul.f32 v24, v9;
	_ =	sdelay $0x1  }
0x219: {  	v23 =	vadd.f32 v24, v46;
	v19 =	vmul.f32 v45, v41;
	_ =	sdelay $0x1  }
0x21a: {  	v17 =	vmul.f32 v17, v36;
	v19 =	vadd.f32 v19, v23;
	v47 =	vpop (erf)  }
0x21b: {  	v23 =	vadd.f32 $1.000000000e+00, v47  }
0x21c: {  	v17 =	vadd.f32 v17, v19  }
0x21d: {  	v48 =	vand.u32 $0x7FFFFF, v23  }
0x21e: {  	v17 =	vmax.f32 v17, $-1.000000000e+01;
	v19 =	vor.u32 $0x3F800000, v48  }
0x21f: {  	v17 =	vmin.f32 v17, $1.000000000e+01;
	v49 =	vadd.f32 $1.000000000e+00, v19  }
0x220: {  	v17 =	vmul.f32 $1.442695020e+00, v17  }
0x221: {  	v10 =	vor.u32 v10, v29;
	(erf) = vrcp.f32 v49  }
0x222: {  	(erf) = vpow2.f32 v17;
	_ =	sdelay $0x1  }
0x223: {  	v50 =	vld.idx.msk [tilespmem:v26+s15+$0x0], $0xffff  }
0x224: {  	v51 =	vmul.f32 v22, v12  }
0x225: {  	v10 =	vld.idx.msk [tilespmem:v10+s15+$0x0], $0xffff  }
0x226: {  	v12 =	vadd.f32 v51, v27;
	v52 =	vmul.f32 v25, v9;
	_ =	sdelay $0x1  }
0x227: {  	v12 =	vadd.f32 v52, v12;
	v17 =	vmul.f32 v50, v41  }
0x228: {  	v53 =	vpop (erf)  }
0x229: {  	v10 =	vmul.f32 v10, v36;
	v12 =	vadd.f32 v17, v12;
	v54 =	vpop (erf)  }
0x22a: {  	v17 =	vadd.f32 $1.000000000e+00, v54  }
0x22b: {  	v10 =	vadd.f32 v10, v12  }
0x22c: {  	v55 =	vand.u32 $0x7FFFFF, v17  }
0x22d: {  	v10 =	vmax.f32 v10, $-1.000000000e+01;
	v12 =	vor.u32 $0x3F800000, v55  }
0x22e: {  	v10 =	vmin.f32 v10, $1.000000000e+01;
	v56 =	vadd.f32 $1.000000000e+00, v12  }
0x22f: {  	v10 =	vmul.f32 $1.442695020e+00, v10  }
0x230: {  	v5 =	vor.u32 v5, v29;
	(erf) = vrcp.f32 v56  }
0x231: {  	(erf) = vpow2.f32 v10;
	_ =	sdelay $0x1  }
0x232: {  	v57 =	vld.idx.msk [tilespmem:v21+s15+$0x0], $0xffff;
	_ =	sdelay $0x1  }
0x233: {  	v5 =	vld.idx.msk [tilespmem:v5+s15+$0x0], $0xffff  }
0x234: {  	v18 =	vadd.f32 v20, v18;
	v15 =	vmul.f32 v15, v9;
	_ =	sdelay $0x1  }
0x235: {  	v15 =	vadd.f32 v15, v18;
	v10 =	vmul.f32 v57, v41  }
0x236: {  	v58 =	vpop (erf)  }
0x237: {  	v5 =	vmul.f32 v5, v36;
	v10 =	vadd.f32 v10, v15;
	v59 =	vpop (erf)  }
0x238: {  	v15 =	vadd.f32 $1.000000000e+00, v59  }
0x239: {  	v5 =	vadd.f32 v5, v10  }
0x23a: {  	v60 =	vand.u32 $0x7FFFFF, v15  }
0x23b: {  	v5 =	vmax.f32 v5, $-1.000000000e+01;
	v10 =	vor.u32 $0x3F800000, v60  }
0x23c: {  	v5 =	vmin.f32 v5, $1.000000000e+01;
	v61 =	vadd.f32 $1.000000000e+00, v10  }
0x23d: {  	v5 =	vmul.f32 $1.442695020e+00, v5  }
0x23e: {  	v4 =	vor.u32 v4, v29;
	(erf) = vrcp.f32 v61  }
0x23f: {  	v8 =	vld.idx.msk [tilespmem:v8+s15+$0x0], $0xffff;
	(erf) = vpow2.f32 v5;
	_ =	sdelay $0x1  }
0x240: {  	v62 =	vld.idx.msk [tilespmem:v16+s15+$0x0], $0xffff;
	_ =	sdelay $0x1  }
0x241: {  	v4 =	vld.idx.msk [tilespmem:v4+s15+$0x0], $0xffff  }
0x242: {  	v13 =	vadd.f32 v13, v14;
	v8 =	vmul.f32 v8, v9;
	_ =	sdelay $0x1  }
0x243: {  	v8 =	vadd.f32 v8, v13;
	v5 =	vmul.f32 v62, v41  }
0x244: {  	v63 =	vpop (erf)  }
0x245: {  	v4 =	vmul.f32 v4, v36;
	v5 =	vadd.f32 v5, v8;
	v20 =	vpop (erf)  }
0x246: {  	v8 =	vadd.f32 $1.000000000e+00, v20  }
0x247: {  	v4 =	vadd.f32 v4, v5  }
0x248: {  	v21 =	vand.u32 $0x7FFFFF, v8  }
0x249: {  	v4 =	vmax.f32 v4, $-1.000000000e+01;
	v5 =	vor.u32 $0x3F800000, v21  }
0x24a: {  	v4 =	vmin.f32 v4, $1.000000000e+01;
	v24 =	vadd.f32 $1.000000000e+00, v5  }
0x24b: {  	v4 =	vmul.f32 $1.442695020e+00, v4  }
0x24c: {  	v3 =	vor.u32 v3, v29;
	(erf) = vrcp.f32 v24  }
0x24d: {  	(erf) = vpow2.f32 v4;
	_ =	sdelay $0x1  }
0x24e: {  	v25 =	vld.idx.msk [tilespmem:v11+s15+$0x0], $0xffff;
	_ =	sdelay $0x1  }
0x24f: {  	v3 =	vld.idx.msk [tilespmem:v3+s15+$0x0], $0xffff  }
0x250: {  	v6 =	vmul.f32 v6, v9;
	_ =	sdelay $0x1  }
0x251: {  	v6 =	vadd.f32 v6, v7;
	v4 =	vmul.f32 v25, v41  }
0x252: {  	v26 =	vpop (erf)  }
0x253: {  	v3 =	vmul.f32 v3, v36;
	v4 =	vadd.f32 v4, v6;
	v27 =	vpop (erf)  }
0x254: {  	v6 =	vadd.f32 $1.000000000e+00, v27  }
0x255: {  	v3 =	vadd.f32 v3, v4  }
0x256: {  	v28 =	vand.u32 $0x7FFFFF, v6  }
0x257: {  	v3 =	vmax.f32 v3, $-1.000000000e+01;
	v4 =	vor.u32 $0x3F800000, v28  }
0x258: {  	v3 =	vmin.f32 v3, $1.000000000e+01;
	v30 =	vadd.f32 $1.000000000e+00, v4  }
0x259: {  	v3 =	vmul.f32 $1.442695020e+00, v3  }
0x25a: {  	(erf) = vrcp.f32 v30  }
0x25b: {  	v12 =	vadd.f32 $-1.000000000e+00, v12;
	(erf) = vpow2.f32 v3;
	_ =	sdelay $0x1  }
0x25c: {  	v12 =	vmul.f32 v58, v12;
	_ =	sdelay $0x1  }
0x25d: {  	v32 =	vmul.f32 v12, v12  }
0x25e: {  	v29 =	vadd.f32 $-1.000000000e+00, v19  }
0x25f: {  	v34 =	vmul.f32 $1.111111120e-01, v32  }
0x260: {  	v9 =	vmul.f32 v53, v29  }
0x261: {  	v18 =	vadd.f32 $1.428571490e-01, v34;
	v33 =	vpop (erf)  }
0x262: {  	v31 =	vmul.f32 v9, v9;
	v35 =	vpop (erf)  }
0x263: {  	v43 =	vshra.s32 v17, $0x17;
	v18 =	vmul.f32 v18, v32;
	v19 =	vadd.f32 $1.000000000e+00, v35  }
0x264: {  	v36 =	vshra.s32 v23, $0x17;
	v7 =	vadd.s32 $0xFFFFFF81, v43;
	v3 =	vmul.f32 $1.111111120e-01, v31  }
0x265: {  	v7 =	vcvt.s32.f32 v7;
	v18 =	vadd.f32 $2.000000030e-01, v18;
	v37 =	vand.u32 $0x7FFFFF, v19  }
0x266: {  	v15 =	vshra.s32 v15, $0x17;
	v3 =	vadd.f32 $1.428571490e-01, v3;
	v13 =	vor.u32 $0x3F800000, v37  }
0x267: {  	v10 =	vadd.f32 $-1.000000000e+00, v10;
	v18 =	vmul.f32 v18, v32;
	v39 =	vadd.f32 $1.000000000e+00, v13  }
0x268: {  	v7 =	vmul.f32 $6.931471820e-01, v7;
	v15 =	vadd.s32 $0xFFFFFF81, v15;
	v3 =	vmul.f32 v3, v31  }
0x269: {  	v18 =	vadd.f32 $3.333333430e-01, v18;
	v10 =	vmul.f32 v63, v10;
	(erf) = vrcp.f32 v39  }
0x26a: {  	v15 =	vcvt.s32.f32 v15;
	v5 =	vadd.f32 $-1.000000000e+00, v5;
	v3 =	vadd.f32 $2.000000030e-01, v3  }
0x26b: {  	v9 =	vadd.f32 v9, v9;
	v14 =	vmul.f32 v18, v32;
	v38 =	vmul.f32 v10, v10  }
0x26c: {  	v12 =	vadd.f32 v12, v12;
	v5 =	vmul.f32 v26, v5;
	v3 =	vmul.f32 v3, v31  }
0x26d: {  	v54 =	vmul.f32 $6.931471820e-01, v15;
	v20 =	vadd.s32 $0xFFFFFF81, v36;
	v14 =	vadd.f32 $1.000000000e+00, v14  }
0x26e: {  	v40 =	vmul.f32 $1.111111120e-01, v38;
	v45 =	vmul.f32 v5, v5;
	v3 =	vadd.f32 $3.333333430e-01, v3  }
0x26f: {  	v20 =	vcvt.s32.f32 v20;
	v12 =	vmul.f32 v14, v12;
	v4 =	vadd.f32 $-1.000000000e+00, v4  }
0x270: {  	v42 =	vadd.f32 $1.428571490e-01, v40;
	v46 =	vmul.f32 $1.111111120e-01, v45;
	v3 =	vmul.f32 v3, v31  }
0x271: {  	v41 =	vmul.f32 $6.931471820e-01, v20;
	v4 =	vmul.f32 v33, v4;
	v13 =	vadd.f32 $-1.000000000e+00, v13  }
0x272: {  	v44 =	vmul.f32 v42, v38;
	v47 =	vadd.f32 $1.428571490e-01, v46;
	v3 =	vadd.f32 $1.000000000e+00, v3;
	v48 =	vpop (erf)  }
0x273: {  	v16 =	vmul.f32 v4, v4;
	v13 =	vmul.f32 v48, v13  }
0x274: {  	v10 =	vadd.f32 v10, v10;
	v14 =	vmul.f32 v47, v45;
	v3 =	vmul.f32 v3, v9  }
0x275: {  	v49 =	vmul.f32 $1.111111120e-01, v16;
	v9 =	vadd.f32 $2.000000030e-01, v44;
	v50 =	vmul.f32 v13, v13  }
0x276: {  	v8 =	vshra.s32 v8, $0x17;
	v14 =	vadd.f32 $2.000000030e-01, v14;
	v3 =	vadd.f32 v3, v41  }
0x277: {  	v18 =	vadd.f32 $1.428571490e-01, v49;
	v9 =	vmul.f32 v9, v38;
	v51 =	vmul.f32 $1.111111120e-01, v50  }
0x278: {  	v8 =	vadd.s32 $0xFFFFFF81, v8;
	v2 =	vadd.f32 v3, v2;
	v3 =	vmul.f32 v14, v45  }
0x279: {  	v52 =	vmul.f32 v18, v16;
	v9 =	vadd.f32 $3.333333430e-01, v9;
	v53 =	vadd.f32 $1.428571490e-01, v51  }
0x27a: {  	v7 =	vadd.f32 v12, v7;
	v8 =	vcvt.s32.f32 v8;
	v3 =	vadd.f32 $3.333333430e-01, v3  }
0x27b: {  	v14 =	vadd.f32 $2.000000030e-01, v52;
	v9 =	vmul.f32 v9, v38;
	v55 =	vmul.f32 v53, v50  }
0x27c: {  	v8 =	vmul.f32 $6.931471820e-01, v8;
	v2 =	vadd.f32 v2, v7;
	v3 =	vmul.f32 v3, v45  }
0x27d: {  	v56 =	vmul.f32 v14, v16;
	v9 =	vadd.f32 $1.000000000e+00, v9;
	v7 =	vadd.f32 $2.000000030e-01, v55  }
0x27e: {  	v5 =	vadd.f32 v5, v5;
	v57 =	vshra.s32 v6, $0x17;
	v3 =	vadd.f32 $1.000000000e+00, v3  }
0x27f: {  	v9 =	vmul.f32 v9, v10;
	v10 =	vadd.f32 $3.333333430e-01, v56;
	v7 =	vmul.f32 v7, v50  }
0x280: {  	v4 =	vadd.f32 v4, v4;
	v59 =	vshra.s32 v19, $0x17;
	v3 =	vmul.f32 v3, v5  }
0x281: {  	v58 =	vmul.f32 v10, v16;
	v5 =	vadd.s32 $0xFFFFFF81, v57;
	v7 =	vadd.f32 $3.333333430e-01, v7  }
0x282: {  	v60 =	vadd.s32 $0xFFFFFF81, v59;
	v9 =	vadd.f32 v9, v54;
	v5 =	vcvt.s32.f32 v5  }
0x283: {  	v61 =	vadd.f32 v13, v13;
	v6 =	vadd.f32 $1.000000000e+00, v58;
	v7 =	vmul.f32 v7, v50  }
0x284: {  	v2 =	vadd.f32 v2, v9;
	v3 =	vadd.f32 v3, v8;
	v5 =	vmul.f32 $6.931471820e-01, v5  }
0x285: {  	s20 =	sadd.s32 $0x1, s20;
	v4 =	vmul.f32 v6, v4;
	v6 =	vcvt.s32.f32 v60;
	v7 =	vadd.f32 $1.000000000e+00, v7  }
0x286: {  	p0 =	sne.s32 s20, $0x4;
	v2 =	vadd.f32 v2, v3  }
.Ltmp6:
0x287: {  	v3 =	vadd.f32 v4, v5;
	v63 =	vmul.f32 $6.931471820e-01, v6;
	v62 =	vmul.f32 v7, v61;
	(pc) =	sbr.rel @p0 .LBB2_12-.Ltmp6, $3  }
0x288: {  	_ = 	snop  }
0x289: {  	v2 =	vadd.f32 v2, v3;
	v3 =	vadd.f32 v62, v63;
	_ =	sdelay $0x1  }
0x28a: {  	v2 =	vadd.f32 v2, v3  }
0x28b: {  	s20 =	simm.s32 $0x100  }
0x28c: {  	[tilespmem:s14], [sflag:$0x1] =	stream.indirect.gather [hbm4b:s1+s13], $0x80, s20, s13, $0xb8;
	[tilespmem:$0x1DE80] =	vst v63  }
0x28d: {  	s25 =	simm.s32 $0x300  }
0x28e: {  	[tilespmem:s15], [sflag:$0x1] =	stream.indirect.gather [hbm4b:s3+s13], $0x80, s25, s13, $0xb8;
	[tilespmem:$0x1DE80] =	vst v63  }
0x28f: {  	s26 =	simm.s32 $0x1900  }
0x290: {  	[tilespmem:s18], [sflag:$0x1] =	stream.indirect.gather [hbm4b:s3+s16], $0x80, s26, s16, $0xb8;
	[tilespmem:$0x1DE80] =	vst v63  }
0x291: {  	_ =	swait.ge [sflag:s28], $0x2000  }
0x292: {  	[sflag:s28] =	ssyncset.done $0x0  }
0x293: {  	[sflag:s28] =	ssyncadd.s32 $0xFFFFE000  }
0x294: {  	_ =	swait.ge [sflag:s28], $0x2000  }
0x295: {  	[sflag:s28] =	ssyncset.done $0x0  }
0x296: {  	[sflag:s28] =	ssyncadd.s32 $0xFFFFE000  }
0x297: {  	_ =	swait.ge [sflag:s28], $0xA000  }
0x298: {  	[sflag:s28] =	ssyncset.done $0x0  }
0x299: {  	s20 =	simm.s32 $0x0;
	[sflag:s28] =	ssyncadd.s32 $0xFFFF6000  }
.LBB2_16:
0x29a: {  	s22 =	sshll.u32 s20, $0x4;
	v6 =	vlaneseq.u32  }
0x29b: {  	v3 =	vor.u32 s22, v6  }
0x29c: {  	v7 =	vmul.u32 $0x280, v3;
	v19 =	vshll.u32 v3, $0x7  }
0x29d: {  	v9 =	vor.u32 v19, v6  }
0x29e: {  	v5 =	vadd.s32 $0x2100, v7  }
0x29f: {  	v3 =	vadd.s32 $0x2200, v7;
	v8 =	vor.u32 v5, v6  }
0x2a0: {  	v4 =	vadd.s32 $0x2180, v7;
	v17 =	vadd.s32 $0x2000, v7;
	v11 =	vor.u32 v3, v6  }
0x2a1: {  	v10 =	vadd.s32 $0x2080, v7;
	v7 =	vadd.s32 $0x1, v6;
	v13 =	vor.u32 v4, v6  }
0x2a2: {  	v14 =	vor.u32 v17, v6;
	v7 =	vand.u32 $0x7F, v7;
	v12 =	vld.idx.msk [tilespmem:v9+s19+$0x0], $0xffff  }
0x2a3: {  	v16 =	vor.u32 v17, v7;
	v23 =	vld.idx.msk [tilespmem:v9+s21+$0x0], $0xffff  }
0x2a4: {  	v25 =	vor.u32 v3, v7;
	v15 =	vld.idx.msk [tilespmem:v8+s21+$0x0], $0xffff  }
0x2a5: {  	v8 =	vor.u32 v10, v6;
	v11 =	vld.idx.msk [tilespmem:v11+s21+$0x0], $0xffff  }
0x2a6: {  	v26 =	vor.u32 v10, v7;
	v13 =	vld.idx.msk [tilespmem:v13+s21+$0x0], $0xffff  }
0x2a7: {  	v28 =	vor.u32 v19, v7;
	v14 =	vld.idx.msk [tilespmem:v14+s21+$0x0], $0xffff  }
0x2a8: {  	v18 =	vimm.f32 $0.0e+00;
	v9 =	vor.u32 v5, v7;
	v6 =	vadd.s32 $0x2, v6;
	v24 =	vld.idx.msk [tilespmem:v16+s21+$0x0], $0xffff  }
0x2a9: {  	v27 =	vimm.f32 $0.0e+00;
	v31 =	vimm.f32 $0.0e+00;
	v29 =	vand.u32 $0x7F, v6;
	v6 =	vld.idx.msk [tilespmem:v25+s21+$0x0], $0xffff  }
0x2aa: {  	v21 =	vor.u32 v5, v29;
	v35 =	vadd.s32 $0x1, v29;
	v22 =	vld.idx.msk [tilespmem:v8+s21+$0x0], $0xffff;
	v8 =	vor.u32 v4, v7  }
0x2ab: {  	v25 =	vld.idx.msk [tilespmem:v26+s21+$0x0], $0xffff;
	v33 =	vor.u32 v19, v29;
	v16 =	vor.u32 v4, v29;
	v30 =	vor.u32 v17, v29  }
0x2ac: {  	v34 =	vld.idx.msk [tilespmem:v28+s21+$0x0], $0xffff;
	v26 =	vor.u32 v10, v29;
	v20 =	vmul.f32 v15, v12;
	v7 =	vmul.f32 v11, v12  }
0x2ad: {  	v15 =	vld.idx.msk [tilespmem:v9+s21+$0x0], $0xffff;
	v13 =	vmul.f32 v13, v12;
	v11 =	vor.u32 v3, v29;
	v32 =	vmul.f32 v14, v12  }
0x2ae: {  	s22 =	simm.s32 $0x2;
	v9 =	vld.idx.msk [tilespmem:v28+s19+$0x0], $0xffff;
	v28 =	vimm.f32 $0.0e+00;
	v14 =	vimm.f32 $0.0e+00;
	v7 =	vadd.f32 v7, v18  }
.LBB2_17:
0x2af: {  	s22 =	sadd.s32 $0x2, s22;
	v35 =	vand.u32 $0x7F, v35;
	v22 =	vmul.f32 v22, v12;
	v18 =	vadd.f32 v20, v18;
	v20 =	vld.idx.msk [tilespmem:v8+s21+$0x0], $0xffff  }
0x2b0: {  	v38 =	vmul.f32 v23, v12;
	p0 =	slt.u32 s22, $0x7E;
	v21 =	vld.idx.msk [tilespmem:v21+s21+$0x0], $0xffff;
	v36 =	vor.u32 v17, v35;
	v37 =	vor.u32 v5, v35  }
0x2b1: {  	v39 =	vor.u32 v19, v35;
	v8 =	vor.u32 v4, v35;
	v12 =	vld.idx.msk [tilespmem:v33+s19+$0x0], $0xffff;
	v27 =	vadd.f32 v22, v27  }
0x2b2: {  	v31 =	vadd.f32 v38, v31;
	v22 =	vadd.f32 v32, v28;
	v23 =	vld.idx.msk [tilespmem:v33+s21+$0x0], $0xffff;
	v33 =	vor.u32 v3, v35  }
0x2b3: {  	v32 =	vor.u32 v10, v35;
	v24 =	vmul.f32 v24, v9;
	v25 =	vmul.f32 v25, v9;
	v11 =	vld.idx.msk [tilespmem:v11+s21+$0x0], $0xffff  }
0x2b4: {  	v13 =	vadd.f32 v13, v14;
	v15 =	vmul.f32 v15, v9;
	v14 =	vmul.f32 v34, v9;
	v16 =	vld.idx.msk [tilespmem:v16+s21+$0x0], $0xffff  }
0x2b5: {  	v6 =	vmul.f32 v6, v9;
	v28 =	vadd.f32 v24, v22;
	v34 =	vld.idx.msk [tilespmem:v30+s21+$0x0], $0xffff;
	v30 =	vmul.f32 v20, v9  }
0x2b6: {  	v18 =	vadd.f32 v15, v18;
	v9 =	vadd.s32 $0x2, v29;
	v31 =	vadd.f32 v14, v31;
	v22 =	vld.idx.msk [tilespmem:v26+s21+$0x0], $0xffff  }
0x2b7: {  	v7 =	vadd.f32 v6, v7;
	v20 =	vmul.f32 v21, v12;
	v24 =	vld.idx.msk [tilespmem:v36+s21+$0x0], $0xffff;
	v14 =	vadd.f32 v30, v13  }
.Ltmp7:
0x2b8: {  	v27 =	vadd.f32 v25, v27;
	v29 =	vand.u32 $0x7F, v9;
	v15 =	vld.idx.msk [tilespmem:v37+s21+$0x0], $0xffff;
	(pc) =	sbr.rel @p0 .LBB2_17-.Ltmp7, $4  }
0x2b9: {  	v21 =	vor.u32 v5, v29;
	v35 =	vadd.s32 $0x1, v29;
	v9 =	vmul.f32 v11, v12;
	v6 =	vld.idx.msk [tilespmem:v33+s21+$0x0], $0xffff  }
0x2ba: {  	v33 =	vor.u32 v19, v29;
	v13 =	vmul.f32 v16, v12;
	v25 =	vld.idx.msk [tilespmem:v32+s21+$0x0], $0xffff  }
0x2bb: {  	v11 =	vor.u32 v3, v29;
	v16 =	vor.u32 v4, v29;
	v7 =	vadd.f32 v9, v7;
	v9 =	vld.idx.msk [tilespmem:v39+s19+$0x0], $0xffff  }
0x2bc: {  	v30 =	vor.u32 v17, v29;
	v26 =	vor.u32 v10, v29;
	v32 =	vmul.f32 v34, v12;
	v34 =	vld.idx.msk [tilespmem:v39+s21+$0x0], $0xffff  }
0x2bd: {  	v29 =	vand.u32 $0x7F, v35  }
0x2be: {  	v19 =	vor.u32 v19, v29;
	_ =	sdelay $0x2  }
0x2bf: {  	v41 =	vld.idx.msk [tilespmem:v33+s19+$0x0], $0xffff  }
0x2c0: {  	v42 =	vld.idx.msk [tilespmem:v33+s21+$0x0], $0xffff  }
0x2c1: {  	v23 =	vmul.f32 v23, v12;
	v36 =	vld.idx.msk [tilespmem:v19+s19+$0x0], $0xffff  }
0x2c2: {  	v19 =	vld.idx.msk [tilespmem:v19+s21+$0x0], $0xffff  }
0x2c3: {  	v23 =	vadd.f32 v23, v31;
	v43 =	vmul.f32 v34, v9;
	_ =	sdelay $0x1  }
0x2c4: {  	v44 =	vmul.f32 v42, v41;
	v23 =	vadd.f32 v43, v23;
	_ =	sdelay $0x1  }
0x2c5: {  	v23 =	vadd.f32 v44, v23;
	v19 =	vmul.f32 v19, v36;
	_ =	sdelay $0x1  }
0x2c6: {  	v19 =	vadd.f32 v19, v23;
	_ =	sdelay $0x1  }
0x2c7: {  	v19 =	vmax.f32 v19, $-1.000000000e+01  }
0x2c8: {  	v19 =	vmin.f32 v19, $1.000000000e+01  }
0x2c9: {  	v19 =	vsub.f32 $0.0e+00, v19;
	_ =	sdelay $0x1  }
0x2ca: {  	v19 =	vmul.f32 $1.442695020e+00, v19  }
0x2cb: {  	v17 =	vor.u32 v17, v29  }
0x2cc: {  	(erf) = vpow2.f32 v19;
	_ =	sdelay $0x1  }
0x2cd: {  	v45 =	vld.idx.msk [tilespmem:v30+s21+$0x0], $0xffff;
	_ =	sdelay $0x1  }
0x2ce: {  	v17 =	vld.idx.msk [tilespmem:v17+s21+$0x0], $0xffff  }
0x2cf: {  	v46 =	vadd.f32 v32, v28;
	v24 =	vmul.f32 v24, v9;
	_ =	sdelay $0x1  }
0x2d0: {  	v23 =	vadd.f32 v24, v46;
	v19 =	vmul.f32 v45, v41;
	_ =	sdelay $0x1  }
0x2d1: {  	v17 =	vmul.f32 v17, v36;
	v19 =	vadd.f32 v19, v23;
	v47 =	vpop (erf)  }
0x2d2: {  	v23 =	vadd.f32 $1.000000000e+00, v47  }
0x2d3: {  	v17 =	vadd.f32 v17, v19  }
0x2d4: {  	v48 =	vand.u32 $0x7FFFFF, v23  }
0x2d5: {  	v17 =	vmax.f32 v17, $-1.000000000e+01;
	v19 =	vor.u32 $0x3F800000, v48  }
0x2d6: {  	v17 =	vmin.f32 v17, $1.000000000e+01;
	v49 =	vadd.f32 $1.000000000e+00, v19  }
0x2d7: {  	v17 =	vmul.f32 $1.442695020e+00, v17  }
0x2d8: {  	v10 =	vor.u32 v10, v29;
	(erf) = vrcp.f32 v49  }
0x2d9: {  	(erf) = vpow2.f32 v17;
	_ =	sdelay $0x1  }
0x2da: {  	v50 =	vld.idx.msk [tilespmem:v26+s21+$0x0], $0xffff  }
0x2db: {  	v51 =	vmul.f32 v22, v12  }
0x2dc: {  	v10 =	vld.idx.msk [tilespmem:v10+s21+$0x0], $0xffff  }
0x2dd: {  	v12 =	vadd.f32 v51, v27;
	v52 =	vmul.f32 v25, v9;
	_ =	sdelay $0x1  }
0x2de: {  	v12 =	vadd.f32 v52, v12;
	v17 =	vmul.f32 v50, v41  }
0x2df: {  	v53 =	vpop (erf)  }
0x2e0: {  	v10 =	vmul.f32 v10, v36;
	v12 =	vadd.f32 v17, v12;
	v54 =	vpop (erf)  }
0x2e1: {  	v17 =	vadd.f32 $1.000000000e+00, v54  }
0x2e2: {  	v10 =	vadd.f32 v10, v12  }
0x2e3: {  	v55 =	vand.u32 $0x7FFFFF, v17  }
0x2e4: {  	v10 =	vmax.f32 v10, $-1.000000000e+01;
	v12 =	vor.u32 $0x3F800000, v55  }
0x2e5: {  	v10 =	vmin.f32 v10, $1.000000000e+01;
	v56 =	vadd.f32 $1.000000000e+00, v12  }
0x2e6: {  	v10 =	vmul.f32 $1.442695020e+00, v10  }
0x2e7: {  	v5 =	vor.u32 v5, v29;
	(erf) = vrcp.f32 v56  }
0x2e8: {  	(erf) = vpow2.f32 v10;
	_ =	sdelay $0x1  }
0x2e9: {  	v57 =	vld.idx.msk [tilespmem:v21+s21+$0x0], $0xffff;
	_ =	sdelay $0x1  }
0x2ea: {  	v5 =	vld.idx.msk [tilespmem:v5+s21+$0x0], $0xffff  }
0x2eb: {  	v18 =	vadd.f32 v20, v18;
	v15 =	vmul.f32 v15, v9;
	_ =	sdelay $0x1  }
0x2ec: {  	v15 =	vadd.f32 v15, v18;
	v10 =	vmul.f32 v57, v41  }
0x2ed: {  	v58 =	vpop (erf)  }
0x2ee: {  	v5 =	vmul.f32 v5, v36;
	v10 =	vadd.f32 v10, v15;
	v59 =	vpop (erf)  }
0x2ef: {  	v15 =	vadd.f32 $1.000000000e+00, v59  }
0x2f0: {  	v5 =	vadd.f32 v5, v10  }
0x2f1: {  	v60 =	vand.u32 $0x7FFFFF, v15  }
0x2f2: {  	v5 =	vmax.f32 v5, $-1.000000000e+01;
	v10 =	vor.u32 $0x3F800000, v60  }
0x2f3: {  	v5 =	vmin.f32 v5, $1.000000000e+01;
	v61 =	vadd.f32 $1.000000000e+00, v10  }
0x2f4: {  	v5 =	vmul.f32 $1.442695020e+00, v5  }
0x2f5: {  	v4 =	vor.u32 v4, v29;
	(erf) = vrcp.f32 v61  }
0x2f6: {  	v8 =	vld.idx.msk [tilespmem:v8+s21+$0x0], $0xffff;
	(erf) = vpow2.f32 v5;
	_ =	sdelay $0x1  }
0x2f7: {  	v62 =	vld.idx.msk [tilespmem:v16+s21+$0x0], $0xffff;
	_ =	sdelay $0x1  }
0x2f8: {  	v4 =	vld.idx.msk [tilespmem:v4+s21+$0x0], $0xffff  }
0x2f9: {  	v13 =	vadd.f32 v13, v14;
	v8 =	vmul.f32 v8, v9;
	_ =	sdelay $0x1  }
0x2fa: {  	v8 =	vadd.f32 v8, v13;
	v5 =	vmul.f32 v62, v41  }
0x2fb: {  	v63 =	vpop (erf)  }
0x2fc: {  	v4 =	vmul.f32 v4, v36;
	v5 =	vadd.f32 v5, v8;
	v20 =	vpop (erf)  }
0x2fd: {  	v8 =	vadd.f32 $1.000000000e+00, v20  }
0x2fe: {  	v4 =	vadd.f32 v4, v5  }
0x2ff: {  	v21 =	vand.u32 $0x7FFFFF, v8  }
0x300: {  	v4 =	vmax.f32 v4, $-1.000000000e+01;
	v5 =	vor.u32 $0x3F800000, v21  }
0x301: {  	v4 =	vmin.f32 v4, $1.000000000e+01;
	v24 =	vadd.f32 $1.000000000e+00, v5  }
0x302: {  	v4 =	vmul.f32 $1.442695020e+00, v4  }
0x303: {  	v3 =	vor.u32 v3, v29;
	(erf) = vrcp.f32 v24  }
0x304: {  	(erf) = vpow2.f32 v4;
	_ =	sdelay $0x1  }
0x305: {  	v25 =	vld.idx.msk [tilespmem:v11+s21+$0x0], $0xffff;
	_ =	sdelay $0x1  }
0x306: {  	v3 =	vld.idx.msk [tilespmem:v3+s21+$0x0], $0xffff  }
0x307: {  	v6 =	vmul.f32 v6, v9;
	_ =	sdelay $0x1  }
0x308: {  	v6 =	vadd.f32 v6, v7;
	v4 =	vmul.f32 v25, v41  }
0x309: {  	v26 =	vpop (erf)  }
0x30a: {  	v3 =	vmul.f32 v3, v36;
	v4 =	vadd.f32 v4, v6;
	v27 =	vpop (erf)  }
0x30b: {  	v6 =	vadd.f32 $1.000000000e+00, v27  }
0x30c: {  	v3 =	vadd.f32 v3, v4  }
0x30d: {  	v28 =	vand.u32 $0x7FFFFF, v6  }
0x30e: {  	v3 =	vmax.f32 v3, $-1.000000000e+01;
	v4 =	vor.u32 $0x3F800000, v28  }
0x30f: {  	v3 =	vmin.f32 v3, $1.000000000e+01;
	v30 =	vadd.f32 $1.000000000e+00, v4  }
0x310: {  	v3 =	vmul.f32 $1.442695020e+00, v3  }
0x311: {  	(erf) = vrcp.f32 v30  }
0x312: {  	v12 =	vadd.f32 $-1.000000000e+00, v12;
	(erf) = vpow2.f32 v3;
	_ =	sdelay $0x1  }
0x313: {  	v12 =	vmul.f32 v58, v12;
	_ =	sdelay $0x1  }
0x314: {  	v32 =	vmul.f32 v12, v12  }
0x315: {  	v29 =	vadd.f32 $-1.000000000e+00, v19  }
0x316: {  	v34 =	vmul.f32 $1.111111120e-01, v32  }
0x317: {  	v9 =	vmul.f32 v53, v29  }
0x318: {  	v18 =	vadd.f32 $1.428571490e-01, v34;
	v33 =	vpop (erf)  }
0x319: {  	v31 =	vmul.f32 v9, v9;
	v35 =	vpop (erf)  }
0x31a: {  	v43 =	vshra.s32 v17, $0x17;
	v18 =	vmul.f32 v18, v32;
	v19 =	vadd.f32 $1.000000000e+00, v35  }
0x31b: {  	v36 =	vshra.s32 v23, $0x17;
	v7 =	vadd.s32 $0xFFFFFF81, v43;
	v3 =	vmul.f32 $1.111111120e-01, v31  }
0x31c: {  	v7 =	vcvt.s32.f32 v7;
	v18 =	vadd.f32 $2.000000030e-01, v18;
	v37 =	vand.u32 $0x7FFFFF, v19  }
0x31d: {  	v15 =	vshra.s32 v15, $0x17;
	v3 =	vadd.f32 $1.428571490e-01, v3;
	v13 =	vor.u32 $0x3F800000, v37  }
0x31e: {  	v10 =	vadd.f32 $-1.000000000e+00, v10;
	v18 =	vmul.f32 v18, v32;
	v39 =	vadd.f32 $1.000000000e+00, v13  }
0x31f: {  	v7 =	vmul.f32 $6.931471820e-01, v7;
	v15 =	vadd.s32 $0xFFFFFF81, v15;
	v3 =	vmul.f32 v3, v31  }
0x320: {  	v18 =	vadd.f32 $3.333333430e-01, v18;
	v10 =	vmul.f32 v63, v10;
	(erf) = vrcp.f32 v39  }
0x321: {  	v15 =	vcvt.s32.f32 v15;
	v5 =	vadd.f32 $-1.000000000e+00, v5;
	v3 =	vadd.f32 $2.000000030e-01, v3  }
0x322: {  	v9 =	vadd.f32 v9, v9;
	v14 =	vmul.f32 v18, v32;
	v38 =	vmul.f32 v10, v10  }
0x323: {  	v12 =	vadd.f32 v12, v12;
	v5 =	vmul.f32 v26, v5;
	v3 =	vmul.f32 v3, v31  }
0x324: {  	v54 =	vmul.f32 $6.931471820e-01, v15;
	v20 =	vadd.s32 $0xFFFFFF81, v36;
	v14 =	vadd.f32 $1.000000000e+00, v14  }
0x325: {  	v40 =	vmul.f32 $1.111111120e-01, v38;
	v45 =	vmul.f32 v5, v5;
	v3 =	vadd.f32 $3.333333430e-01, v3  }
0x326: {  	v20 =	vcvt.s32.f32 v20;
	v12 =	vmul.f32 v14, v12;
	v4 =	vadd.f32 $-1.000000000e+00, v4  }
0x327: {  	v42 =	vadd.f32 $1.428571490e-01, v40;
	v46 =	vmul.f32 $1.111111120e-01, v45;
	v3 =	vmul.f32 v3, v31  }
0x328: {  	v41 =	vmul.f32 $6.931471820e-01, v20;
	v4 =	vmul.f32 v33, v4;
	v13 =	vadd.f32 $-1.000000000e+00, v13  }
0x329: {  	v44 =	vmul.f32 v42, v38;
	v47 =	vadd.f32 $1.428571490e-01, v46;
	v3 =	vadd.f32 $1.000000000e+00, v3;
	v48 =	vpop (erf)  }
0x32a: {  	v16 =	vmul.f32 v4, v4;
	v13 =	vmul.f32 v48, v13  }
0x32b: {  	v10 =	vadd.f32 v10, v10;
	v14 =	vmul.f32 v47, v45;
	v3 =	vmul.f32 v3, v9  }
0x32c: {  	v49 =	vmul.f32 $1.111111120e-01, v16;
	v9 =	vadd.f32 $2.000000030e-01, v44;
	v50 =	vmul.f32 v13, v13  }
0x32d: {  	v8 =	vshra.s32 v8, $0x17;
	v14 =	vadd.f32 $2.000000030e-01, v14;
	v3 =	vadd.f32 v3, v41  }
0x32e: {  	v18 =	vadd.f32 $1.428571490e-01, v49;
	v9 =	vmul.f32 v9, v38;
	v51 =	vmul.f32 $1.111111120e-01, v50  }
0x32f: {  	v8 =	vadd.s32 $0xFFFFFF81, v8;
	v2 =	vadd.f32 v3, v2;
	v3 =	vmul.f32 v14, v45  }
0x330: {  	v52 =	vmul.f32 v18, v16;
	v9 =	vadd.f32 $3.333333430e-01, v9;
	v53 =	vadd.f32 $1.428571490e-01, v51  }
0x331: {  	v7 =	vadd.f32 v12, v7;
	v8 =	vcvt.s32.f32 v8;
	v3 =	vadd.f32 $3.333333430e-01, v3  }
0x332: {  	v14 =	vadd.f32 $2.000000030e-01, v52;
	v9 =	vmul.f32 v9, v38;
	v55 =	vmul.f32 v53, v50  }
0x333: {  	v8 =	vmul.f32 $6.931471820e-01, v8;
	v2 =	vadd.f32 v2, v7;
	v3 =	vmul.f32 v3, v45  }
0x334: {  	v56 =	vmul.f32 v14, v16;
	v9 =	vadd.f32 $1.000000000e+00, v9;
	v7 =	vadd.f32 $2.000000030e-01, v55  }
0x335: {  	v5 =	vadd.f32 v5, v5;
	v57 =	vshra.s32 v6, $0x17;
	v3 =	vadd.f32 $1.000000000e+00, v3  }
0x336: {  	v9 =	vmul.f32 v9, v10;
	v10 =	vadd.f32 $3.333333430e-01, v56;
	v7 =	vmul.f32 v7, v50  }
0x337: {  	v4 =	vadd.f32 v4, v4;
	v59 =	vshra.s32 v19, $0x17;
	v3 =	vmul.f32 v3, v5  }
0x338: {  	v58 =	vmul.f32 v10, v16;
	v5 =	vadd.s32 $0xFFFFFF81, v57;
	v7 =	vadd.f32 $3.333333430e-01, v7  }
0x339: {  	v60 =	vadd.s32 $0xFFFFFF81, v59;
	v9 =	vadd.f32 v9, v54;
	v5 =	vcvt.s32.f32 v5  }
0x33a: {  	v61 =	vadd.f32 v13, v13;
	v6 =	vadd.f32 $1.000000000e+00, v58;
	v7 =	vmul.f32 v7, v50  }
0x33b: {  	v2 =	vadd.f32 v2, v9;
	v3 =	vadd.f32 v3, v8;
	v5 =	vmul.f32 $6.931471820e-01, v5  }
0x33c: {  	s20 =	sadd.s32 $0x1, s20;
	v4 =	vmul.f32 v6, v4;
	v6 =	vcvt.s32.f32 v60;
	v7 =	vadd.f32 $1.000000000e+00, v7  }
0x33d: {  	p0 =	sne.s32 s20, $0x4;
	v2 =	vadd.f32 v2, v3  }
.Ltmp8:
0x33e: {  	v3 =	vadd.f32 v4, v5;
	v63 =	vmul.f32 $6.931471820e-01, v6;
	v62 =	vmul.f32 v7, v61;
	(pc) =	sbr.rel @p0 .LBB2_16-.Ltmp8, $3  }
0x33f: {  	_ = 	snop  }
0x340: {  	v2 =	vadd.f32 v2, v3;
	v3 =	vadd.f32 v62, v63;
	_ =	sdelay $0x1  }
0x341: {  	v2 =	vadd.f32 v2, v3  }
0x342: {  	[tilespmem:s19], [sflag:$0x2] =	stream.indirect.gather [hbm4b:s1+s13], $0x80, s16, s13, $0xb8;
	[tilespmem:$0x1DE80] =	vst v63  }
0x343: {  	s20 =	simm.s32 $0x340  }
0x344: {  	[tilespmem:s21], [sflag:$0x2] =	stream.indirect.gather [hbm4b:s3+s13], $0x80, s20, s13, $0xb8;
	[tilespmem:$0x1DE80] =	vst v63  }
0x345: {  	s26 =	simm.s32 $0x1A40  }
0x346: {  	[tilespmem:s23], [sflag:$0x2] =	stream.indirect.gather [hbm4b:s3+s16], $0x80, s26, s16, $0xb8;
	[tilespmem:$0x1DE80] =	vst v63  }
0x347: {  	_ =	swait.ge [sflag:s12], $0x2000  }
0x348: {  	[sflag:s12] =	ssyncset.done $0x0  }
0x349: {  	[sflag:s12] =	ssyncadd.s32 $0xFFFFE000  }
0x34a: {  	_ =	swait.ge [sflag:s12], $0x2000  }
0x34b: {  	[sflag:s12] =	ssyncset.done $0x0  }
0x34c: {  	[sflag:s12] =	ssyncadd.s32 $0xFFFFE000  }
0x34d: {  	_ =	swait.ge [sflag:s12], $0xA000  }
0x34e: {  	[sflag:s12] =	ssyncset.done $0x0  }
0x34f: {  	s20 =	simm.s32 $0x0;
	[sflag:s12] =	ssyncadd.s32 $0xFFFF6000  }
.LBB2_20:
0x350: {  	s22 =	sshll.u32 s20, $0x4;
	v6 =	vlaneseq.u32  }
0x351: {  	v3 =	vor.u32 s22, v6  }
0x352: {  	v7 =	vmul.u32 $0x280, v3;
	v19 =	vshll.u32 v3, $0x7  }
0x353: {  	v9 =	vor.u32 v19, v6  }
0x354: {  	v5 =	vadd.s32 $0x2100, v7  }
0x355: {  	v3 =	vadd.s32 $0x2200, v7;
	v8 =	vor.u32 v5, v6  }
0x356: {  	v4 =	vadd.s32 $0x2180, v7;
	v17 =	vadd.s32 $0x2000, v7;
	v11 =	vor.u32 v3, v6  }
0x357: {  	v10 =	vadd.s32 $0x2080, v7;
	v7 =	vadd.s32 $0x1, v6;
	v13 =	vor.u32 v4, v6  }
0x358: {  	v14 =	vor.u32 v17, v6;
	v7 =	vand.u32 $0x7F, v7;
	v12 =	vld.idx.msk [tilespmem:v9+s14+$0x0], $0xffff  }
0x359: {  	v16 =	vor.u32 v17, v7;
	v23 =	vld.idx.msk [tilespmem:v9+s15+$0x0], $0xffff  }
0x35a: {  	v25 =	vor.u32 v3, v7;
	v15 =	vld.idx.msk [tilespmem:v8+s15+$0x0], $0xffff  }
0x35b: {  	v8 =	vor.u32 v10, v6;
	v11 =	vld.idx.msk [tilespmem:v11+s15+$0x0], $0xffff  }
0x35c: {  	v26 =	vor.u32 v10, v7;
	v13 =	vld.idx.msk [tilespmem:v13+s15+$0x0], $0xffff  }
0x35d: {  	v28 =	vor.u32 v19, v7;
	v14 =	vld.idx.msk [tilespmem:v14+s15+$0x0], $0xffff  }
0x35e: {  	v18 =	vimm.f32 $0.0e+00;
	v9 =	vor.u32 v5, v7;
	v6 =	vadd.s32 $0x2, v6;
	v24 =	vld.idx.msk [tilespmem:v16+s15+$0x0], $0xffff  }
0x35f: {  	v27 =	vimm.f32 $0.0e+00;
	v31 =	vimm.f32 $0.0e+00;
	v29 =	vand.u32 $0x7F, v6;
	v6 =	vld.idx.msk [tilespmem:v25+s15+$0x0], $0xffff  }
0x360: {  	v21 =	vor.u32 v5, v29;
	v35 =	vadd.s32 $0x1, v29;
	v22 =	vld.idx.msk [tilespmem:v8+s15+$0x0], $0xffff;
	v8 =	vor.u32 v4, v7  }
0x361: {  	v25 =	vld.idx.msk [tilespmem:v26+s15+$0x0], $0xffff;
	v33 =	vor.u32 v19, v29;
	v16 =	vor.u32 v4, v29;
	v30 =	vor.u32 v17, v29  }
0x362: {  	v34 =	vld.idx.msk [tilespmem:v28+s15+$0x0], $0xffff;
	v26 =	vor.u32 v10, v29;
	v20 =	vmul.f32 v15, v12;
	v7 =	vmul.f32 v11, v12  }
0x363: {  	v15 =	vld.idx.msk [tilespmem:v9+s15+$0x0], $0xffff;
	v13 =	vmul.f32 v13, v12;
	v11 =	vor.u32 v3, v29;
	v32 =	vmul.f32 v14, v12  }
0x364: {  	s22 =	simm.s32 $0x2;
	v9 =	vld.idx.msk [tilespmem:v28+s14+$0x0], $0xffff;
	v28 =	vimm.f32 $0.0e+00;
	v14 =	vimm.f32 $0.0e+00;
	v7 =	vadd.f32 v7, v18  }
.LBB2_21:
0x365: {  	s22 =	sadd.s32 $0x2, s22;
	v35 =	vand.u32 $0x7F, v35;
	v22 =	vmul.f32 v22, v12;
	v18 =	vadd.f32 v20, v18;
	v20 =	vld.idx.msk [tilespmem:v8+s15+$0x0], $0xffff  }
0x366: {  	v38 =	vmul.f32 v23, v12;
	p0 =	slt.u32 s22, $0x7E;
	v21 =	vld.idx.msk [tilespmem:v21+s15+$0x0], $0xffff;
	v36 =	vor.u32 v17, v35;
	v37 =	vor.u32 v5, v35  }
0x367: {  	v39 =	vor.u32 v19, v35;
	v8 =	vor.u32 v4, v35;
	v12 =	vld.idx.msk [tilespmem:v33+s14+$0x0], $0xffff;
	v27 =	vadd.f32 v22, v27  }
0x368: {  	v31 =	vadd.f32 v38, v31;
	v22 =	vadd.f32 v32, v28;
	v23 =	vld.idx.msk [tilespmem:v33+s15+$0x0], $0xffff;
	v33 =	vor.u32 v3, v35  }
0x369: {  	v32 =	vor.u32 v10, v35;
	v24 =	vmul.f32 v24, v9;
	v25 =	vmul.f32 v25, v9;
	v11 =	vld.idx.msk [tilespmem:v11+s15+$0x0], $0xffff  }
0x36a: {  	v13 =	vadd.f32 v13, v14;
	v15 =	vmul.f32 v15, v9;
	v14 =	vmul.f32 v34, v9;
	v16 =	vld.idx.msk [tilespmem:v16+s15+$0x0], $0xffff  }
0x36b: {  	v6 =	vmul.f32 v6, v9;
	v28 =	vadd.f32 v24, v22;
	v34 =	vld.idx.msk [tilespmem:v30+s15+$0x0], $0xffff;
	v30 =	vmul.f32 v20, v9  }
0x36c: {  	v18 =	vadd.f32 v15, v18;
	v9 =	vadd.s32 $0x2, v29;
	v31 =	vadd.f32 v14, v31;
	v22 =	vld.idx.msk [tilespmem:v26+s15+$0x0], $0xffff  }
0x36d: {  	v7 =	vadd.f32 v6, v7;
	v20 =	vmul.f32 v21, v12;
	v24 =	vld.idx.msk [tilespmem:v36+s15+$0x0], $0xffff;
	v14 =	vadd.f32 v30, v13  }
.Ltmp9:
0x36e: {  	v27 =	vadd.f32 v25, v27;
	v29 =	vand.u32 $0x7F, v9;
	v15 =	vld.idx.msk [tilespmem:v37+s15+$0x0], $0xffff;
	(pc) =	sbr.rel @p0 .LBB2_21-.Ltmp9, $4  }
0x36f: {  	v21 =	vor.u32 v5, v29;
	v35 =	vadd.s32 $0x1, v29;
	v9 =	vmul.f32 v11, v12;
	v6 =	vld.idx.msk [tilespmem:v33+s15+$0x0], $0xffff  }
0x370: {  	v33 =	vor.u32 v19, v29;
	v13 =	vmul.f32 v16, v12;
	v25 =	vld.idx.msk [tilespmem:v32+s15+$0x0], $0xffff  }
0x371: {  	v11 =	vor.u32 v3, v29;
	v16 =	vor.u32 v4, v29;
	v7 =	vadd.f32 v9, v7;
	v9 =	vld.idx.msk [tilespmem:v39+s14+$0x0], $0xffff  }
0x372: {  	v30 =	vor.u32 v17, v29;
	v26 =	vor.u32 v10, v29;
	v32 =	vmul.f32 v34, v12;
	v34 =	vld.idx.msk [tilespmem:v39+s15+$0x0], $0xffff  }
0x373: {  	v29 =	vand.u32 $0x7F, v35  }
0x374: {  	v19 =	vor.u32 v19, v29;
	_ =	sdelay $0x2  }
0x375: {  	v41 =	vld.idx.msk [tilespmem:v33+s14+$0x0], $0xffff  }
0x376: {  	v42 =	vld.idx.msk [tilespmem:v33+s15+$0x0], $0xffff  }
0x377: {  	v23 =	vmul.f32 v23, v12;
	v36 =	vld.idx.msk [tilespmem:v19+s14+$0x0], $0xffff  }
0x378: {  	v19 =	vld.idx.msk [tilespmem:v19+s15+$0x0], $0xffff  }
0x379: {  	v23 =	vadd.f32 v23, v31;
	v43 =	vmul.f32 v34, v9;
	_ =	sdelay $0x1  }
0x37a: {  	v44 =	vmul.f32 v42, v41;
	v23 =	vadd.f32 v43, v23;
	_ =	sdelay $0x1  }
0x37b: {  	v23 =	vadd.f32 v44, v23;
	v19 =	vmul.f32 v19, v36;
	_ =	sdelay $0x1  }
0x37c: {  	v19 =	vadd.f32 v19, v23;
	_ =	sdelay $0x1  }
0x37d: {  	v19 =	vmax.f32 v19, $-1.000000000e+01  }
0x37e: {  	v19 =	vmin.f32 v19, $1.000000000e+01  }
0x37f: {  	v19 =	vsub.f32 $0.0e+00, v19;
	_ =	sdelay $0x1  }
0x380: {  	v19 =	vmul.f32 $1.442695020e+00, v19  }
0x381: {  	v17 =	vor.u32 v17, v29  }
0x382: {  	(erf) = vpow2.f32 v19;
	_ =	sdelay $0x1  }
0x383: {  	v45 =	vld.idx.msk [tilespmem:v30+s15+$0x0], $0xffff;
	_ =	sdelay $0x1  }
0x384: {  	v17 =	vld.idx.msk [tilespmem:v17+s15+$0x0], $0xffff  }
0x385: {  	v46 =	vadd.f32 v32, v28;
	v24 =	vmul.f32 v24, v9;
	_ =	sdelay $0x1  }
0x386: {  	v23 =	vadd.f32 v24, v46;
	v19 =	vmul.f32 v45, v41;
	_ =	sdelay $0x1  }
0x387: {  	v17 =	vmul.f32 v17, v36;
	v19 =	vadd.f32 v19, v23;
	v47 =	vpop (erf)  }
0x388: {  	v23 =	vadd.f32 $1.000000000e+00, v47  }
0x389: {  	v17 =	vadd.f32 v17, v19  }
0x38a: {  	v48 =	vand.u32 $0x7FFFFF, v23  }
0x38b: {  	v17 =	vmax.f32 v17, $-1.000000000e+01;
	v19 =	vor.u32 $0x3F800000, v48  }
0x38c: {  	v17 =	vmin.f32 v17, $1.000000000e+01;
	v49 =	vadd.f32 $1.000000000e+00, v19  }
0x38d: {  	v17 =	vmul.f32 $1.442695020e+00, v17  }
0x38e: {  	v10 =	vor.u32 v10, v29;
	(erf) = vrcp.f32 v49  }
0x38f: {  	(erf) = vpow2.f32 v17;
	_ =	sdelay $0x1  }
0x390: {  	v50 =	vld.idx.msk [tilespmem:v26+s15+$0x0], $0xffff  }
0x391: {  	v51 =	vmul.f32 v22, v12  }
0x392: {  	v10 =	vld.idx.msk [tilespmem:v10+s15+$0x0], $0xffff  }
0x393: {  	v12 =	vadd.f32 v51, v27;
	v52 =	vmul.f32 v25, v9;
	_ =	sdelay $0x1  }
0x394: {  	v12 =	vadd.f32 v52, v12;
	v17 =	vmul.f32 v50, v41  }
0x395: {  	v53 =	vpop (erf)  }
0x396: {  	v10 =	vmul.f32 v10, v36;
	v12 =	vadd.f32 v17, v12;
	v54 =	vpop (erf)  }
0x397: {  	v17 =	vadd.f32 $1.000000000e+00, v54  }
0x398: {  	v10 =	vadd.f32 v10, v12  }
0x399: {  	v55 =	vand.u32 $0x7FFFFF, v17  }
0x39a: {  	v10 =	vmax.f32 v10, $-1.000000000e+01;
	v12 =	vor.u32 $0x3F800000, v55  }
0x39b: {  	v10 =	vmin.f32 v10, $1.000000000e+01;
	v56 =	vadd.f32 $1.000000000e+00, v12  }
0x39c: {  	v10 =	vmul.f32 $1.442695020e+00, v10  }
0x39d: {  	v5 =	vor.u32 v5, v29;
	(erf) = vrcp.f32 v56  }
0x39e: {  	(erf) = vpow2.f32 v10;
	_ =	sdelay $0x1  }
0x39f: {  	v57 =	vld.idx.msk [tilespmem:v21+s15+$0x0], $0xffff;
	_ =	sdelay $0x1  }
0x3a0: {  	v5 =	vld.idx.msk [tilespmem:v5+s15+$0x0], $0xffff  }
0x3a1: {  	v18 =	vadd.f32 v20, v18;
	v15 =	vmul.f32 v15, v9;
	_ =	sdelay $0x1  }
0x3a2: {  	v15 =	vadd.f32 v15, v18;
	v10 =	vmul.f32 v57, v41  }
0x3a3: {  	v58 =	vpop (erf)  }
0x3a4: {  	v5 =	vmul.f32 v5, v36;
	v10 =	vadd.f32 v10, v15;
	v59 =	vpop (erf)  }
0x3a5: {  	v15 =	vadd.f32 $1.000000000e+00, v59  }
0x3a6: {  	v5 =	vadd.f32 v5, v10  }
0x3a7: {  	v60 =	vand.u32 $0x7FFFFF, v15  }
0x3a8: {  	v5 =	vmax.f32 v5, $-1.000000000e+01;
	v10 =	vor.u32 $0x3F800000, v60  }
0x3a9: {  	v5 =	vmin.f32 v5, $1.000000000e+01;
	v61 =	vadd.f32 $1.000000000e+00, v10  }
0x3aa: {  	v5 =	vmul.f32 $1.442695020e+00, v5  }
0x3ab: {  	v4 =	vor.u32 v4, v29;
	(erf) = vrcp.f32 v61  }
0x3ac: {  	v8 =	vld.idx.msk [tilespmem:v8+s15+$0x0], $0xffff;
	(erf) = vpow2.f32 v5;
	_ =	sdelay $0x1  }
0x3ad: {  	v62 =	vld.idx.msk [tilespmem:v16+s15+$0x0], $0xffff;
	_ =	sdelay $0x1  }
0x3ae: {  	v4 =	vld.idx.msk [tilespmem:v4+s15+$0x0], $0xffff  }
0x3af: {  	v13 =	vadd.f32 v13, v14;
	v8 =	vmul.f32 v8, v9;
	_ =	sdelay $0x1  }
0x3b0: {  	v8 =	vadd.f32 v8, v13;
	v5 =	vmul.f32 v62, v41  }
0x3b1: {  	v63 =	vpop (erf)  }
0x3b2: {  	v4 =	vmul.f32 v4, v36;
	v5 =	vadd.f32 v5, v8;
	v20 =	vpop (erf)  }
0x3b3: {  	v8 =	vadd.f32 $1.000000000e+00, v20  }
0x3b4: {  	v4 =	vadd.f32 v4, v5  }
0x3b5: {  	v21 =	vand.u32 $0x7FFFFF, v8  }
0x3b6: {  	v4 =	vmax.f32 v4, $-1.000000000e+01;
	v5 =	vor.u32 $0x3F800000, v21  }
0x3b7: {  	v4 =	vmin.f32 v4, $1.000000000e+01;
	v24 =	vadd.f32 $1.000000000e+00, v5  }
0x3b8: {  	v4 =	vmul.f32 $1.442695020e+00, v4  }
0x3b9: {  	v3 =	vor.u32 v3, v29;
	(erf) = vrcp.f32 v24  }
0x3ba: {  	(erf) = vpow2.f32 v4;
	_ =	sdelay $0x1  }
0x3bb: {  	v25 =	vld.idx.msk [tilespmem:v11+s15+$0x0], $0xffff;
	_ =	sdelay $0x1  }
0x3bc: {  	v3 =	vld.idx.msk [tilespmem:v3+s15+$0x0], $0xffff  }
0x3bd: {  	v6 =	vmul.f32 v6, v9;
	_ =	sdelay $0x1  }
0x3be: {  	v6 =	vadd.f32 v6, v7;
	v4 =	vmul.f32 v25, v41  }
0x3bf: {  	v26 =	vpop (erf)  }
0x3c0: {  	v3 =	vmul.f32 v3, v36;
	v4 =	vadd.f32 v4, v6;
	v27 =	vpop (erf)  }
0x3c1: {  	v6 =	vadd.f32 $1.000000000e+00, v27  }
0x3c2: {  	v3 =	vadd.f32 v3, v4  }
0x3c3: {  	v28 =	vand.u32 $0x7FFFFF, v6  }
0x3c4: {  	v3 =	vmax.f32 v3, $-1.000000000e+01;
	v4 =	vor.u32 $0x3F800000, v28  }
0x3c5: {  	v3 =	vmin.f32 v3, $1.000000000e+01;
	v30 =	vadd.f32 $1.000000000e+00, v4  }
0x3c6: {  	v3 =	vmul.f32 $1.442695020e+00, v3  }
0x3c7: {  	(erf) = vrcp.f32 v30  }
0x3c8: {  	v12 =	vadd.f32 $-1.000000000e+00, v12;
	(erf) = vpow2.f32 v3;
	_ =	sdelay $0x1  }
0x3c9: {  	v12 =	vmul.f32 v58, v12;
	_ =	sdelay $0x1  }
0x3ca: {  	v32 =	vmul.f32 v12, v12  }
0x3cb: {  	v29 =	vadd.f32 $-1.000000000e+00, v19  }
0x3cc: {  	v34 =	vmul.f32 $1.111111120e-01, v32  }
0x3cd: {  	v9 =	vmul.f32 v53, v29  }
0x3ce: {  	v18 =	vadd.f32 $1.428571490e-01, v34;
	v33 =	vpop (erf)  }
0x3cf: {  	v31 =	vmul.f32 v9, v9;
	v35 =	vpop (erf)  }
0x3d0: {  	v43 =	vshra.s32 v17, $0x17;
	v18 =	vmul.f32 v18, v32;
	v19 =	vadd.f32 $1.000000000e+00, v35  }
0x3d1: {  	v36 =	vshra.s32 v23, $0x17;
	v7 =	vadd.s32 $0xFFFFFF81, v43;
	v3 =	vmul.f32 $1.111111120e-01, v31  }
0x3d2: {  	v7 =	vcvt.s32.f32 v7;
	v18 =	vadd.f32 $2.000000030e-01, v18;
	v37 =	vand.u32 $0x7FFFFF, v19  }
0x3d3: {  	v15 =	vshra.s32 v15, $0x17;
	v3 =	vadd.f32 $1.428571490e-01, v3;
	v13 =	vor.u32 $0x3F800000, v37  }
0x3d4: {  	v10 =	vadd.f32 $-1.000000000e+00, v10;
	v18 =	vmul.f32 v18, v32;
	v39 =	vadd.f32 $1.000000000e+00, v13  }
0x3d5: {  	v7 =	vmul.f32 $6.931471820e-01, v7;
	v15 =	vadd.s32 $0xFFFFFF81, v15;
	v3 =	vmul.f32 v3, v31  }
0x3d6: {  	v18 =	vadd.f32 $3.333333430e-01, v18;
	v10 =	vmul.f32 v63, v10;
	(erf) = vrcp.f32 v39  }
0x3d7: {  	v15 =	vcvt.s32.f32 v15;
	v5 =	vadd.f32 $-1.000000000e+00, v5;
	v3 =	vadd.f32 $2.000000030e-01, v3  }
0x3d8: {  	v9 =	vadd.f32 v9, v9;
	v14 =	vmul.f32 v18, v32;
	v38 =	vmul.f32 v10, v10  }
0x3d9: {  	v12 =	vadd.f32 v12, v12;
	v5 =	vmul.f32 v26, v5;
	v3 =	vmul.f32 v3, v31  }
0x3da: {  	v54 =	vmul.f32 $6.931471820e-01, v15;
	v20 =	vadd.s32 $0xFFFFFF81, v36;
	v14 =	vadd.f32 $1.000000000e+00, v14  }
0x3db: {  	v40 =	vmul.f32 $1.111111120e-01, v38;
	v45 =	vmul.f32 v5, v5;
	v3 =	vadd.f32 $3.333333430e-01, v3  }
0x3dc: {  	v20 =	vcvt.s32.f32 v20;
	v12 =	vmul.f32 v14, v12;
	v4 =	vadd.f32 $-1.000000000e+00, v4  }
0x3dd: {  	v42 =	vadd.f32 $1.428571490e-01, v40;
	v46 =	vmul.f32 $1.111111120e-01, v45;
	v3 =	vmul.f32 v3, v31  }
0x3de: {  	v41 =	vmul.f32 $6.931471820e-01, v20;
	v4 =	vmul.f32 v33, v4;
	v13 =	vadd.f32 $-1.000000000e+00, v13  }
0x3df: {  	v44 =	vmul.f32 v42, v38;
	v47 =	vadd.f32 $1.428571490e-01, v46;
	v3 =	vadd.f32 $1.000000000e+00, v3;
	v48 =	vpop (erf)  }
0x3e0: {  	v16 =	vmul.f32 v4, v4;
	v13 =	vmul.f32 v48, v13  }
0x3e1: {  	v10 =	vadd.f32 v10, v10;
	v14 =	vmul.f32 v47, v45;
	v3 =	vmul.f32 v3, v9  }
0x3e2: {  	v49 =	vmul.f32 $1.111111120e-01, v16;
	v9 =	vadd.f32 $2.000000030e-01, v44;
	v50 =	vmul.f32 v13, v13  }
0x3e3: {  	v8 =	vshra.s32 v8, $0x17;
	v14 =	vadd.f32 $2.000000030e-01, v14;
	v3 =	vadd.f32 v3, v41  }
0x3e4: {  	v18 =	vadd.f32 $1.428571490e-01, v49;
	v9 =	vmul.f32 v9, v38;
	v51 =	vmul.f32 $1.111111120e-01, v50  }
0x3e5: {  	v8 =	vadd.s32 $0xFFFFFF81, v8;
	v2 =	vadd.f32 v3, v2;
	v3 =	vmul.f32 v14, v45  }
0x3e6: {  	v52 =	vmul.f32 v18, v16;
	v9 =	vadd.f32 $3.333333430e-01, v9;
	v53 =	vadd.f32 $1.428571490e-01, v51  }
0x3e7: {  	v7 =	vadd.f32 v12, v7;
	v8 =	vcvt.s32.f32 v8;
	v3 =	vadd.f32 $3.333333430e-01, v3  }
0x3e8: {  	v14 =	vadd.f32 $2.000000030e-01, v52;
	v9 =	vmul.f32 v9, v38;
	v55 =	vmul.f32 v53, v50  }
0x3e9: {  	v8 =	vmul.f32 $6.931471820e-01, v8;
	v2 =	vadd.f32 v2, v7;
	v3 =	vmul.f32 v3, v45  }
0x3ea: {  	v56 =	vmul.f32 v14, v16;
	v9 =	vadd.f32 $1.000000000e+00, v9;
	v7 =	vadd.f32 $2.000000030e-01, v55  }
0x3eb: {  	v5 =	vadd.f32 v5, v5;
	v57 =	vshra.s32 v6, $0x17;
	v3 =	vadd.f32 $1.000000000e+00, v3  }
0x3ec: {  	v9 =	vmul.f32 v9, v10;
	v10 =	vadd.f32 $3.333333430e-01, v56;
	v7 =	vmul.f32 v7, v50  }
0x3ed: {  	v4 =	vadd.f32 v4, v4;
	v59 =	vshra.s32 v19, $0x17;
	v3 =	vmul.f32 v3, v5  }
0x3ee: {  	v58 =	vmul.f32 v10, v16;
	v5 =	vadd.s32 $0xFFFFFF81, v57;
	v7 =	vadd.f32 $3.333333430e-01, v7  }
0x3ef: {  	v60 =	vadd.s32 $0xFFFFFF81, v59;
	v9 =	vadd.f32 v9, v54;
	v5 =	vcvt.s32.f32 v5  }
0x3f0: {  	v61 =	vadd.f32 v13, v13;
	v6 =	vadd.f32 $1.000000000e+00, v58;
	v7 =	vmul.f32 v7, v50  }
0x3f1: {  	v2 =	vadd.f32 v2, v9;
	v3 =	vadd.f32 v3, v8;
	v5 =	vmul.f32 $6.931471820e-01, v5  }
0x3f2: {  	s20 =	sadd.s32 $0x1, s20;
	v4 =	vmul.f32 v6, v4;
	v6 =	vcvt.s32.f32 v60;
	v7 =	vadd.f32 $1.000000000e+00, v7  }
0x3f3: {  	p0 =	sne.s32 s20, $0x4;
	v2 =	vadd.f32 v2, v3  }
.Ltmp10:
0x3f4: {  	v3 =	vadd.f32 v4, v5;
	v63 =	vmul.f32 $6.931471820e-01, v6;
	v62 =	vmul.f32 v7, v61;
	(pc) =	sbr.rel @p0 .LBB2_20-.Ltmp10, $3  }
0x3f5: {  	_ = 	snop  }
0x3f6: {  	v2 =	vadd.f32 v2, v3;
	v3 =	vadd.f32 v62, v63;
	_ =	sdelay $0x1  }
0x3f7: {  	v2 =	vadd.f32 v2, v3  }
0x3f8: {  	s20 =	simm.s32 $0x180  }
0x3f9: {  	[tilespmem:s14], [sflag:$0x1] =	stream.indirect.gather [hbm4b:s1+s13], $0x80, s20, s13, $0xb8;
	[tilespmem:$0x1DE80] =	vst v63  }
0x3fa: {  	s25 =	simm.s32 $0x380  }
0x3fb: {  	[tilespmem:s15], [sflag:$0x1] =	stream.indirect.gather [hbm4b:s3+s13], $0x80, s25, s13, $0xb8;
	[tilespmem:$0x1DE80] =	vst v63  }
0x3fc: {  	s26 =	simm.s32 $0x1B80  }
0x3fd: {  	[tilespmem:s18], [sflag:$0x1] =	stream.indirect.gather [hbm4b:s3+s16], $0x80, s26, s16, $0xb8;
	[tilespmem:$0x1DE80] =	vst v63  }
0x3fe: {  	_ =	swait.ge [sflag:s28], $0x2000  }
0x3ff: {  	[sflag:s28] =	ssyncset.done $0x0  }
0x400: {  	[sflag:s28] =	ssyncadd.s32 $0xFFFFE000  }
0x401: {  	_ =	swait.ge [sflag:s28], $0x2000  }
0x402: {  	[sflag:s28] =	ssyncset.done $0x0  }
0x403: {  	[sflag:s28] =	ssyncadd.s32 $0xFFFFE000  }
0x404: {  	_ =	swait.ge [sflag:s28], $0xA000  }
0x405: {  	[sflag:s28] =	ssyncset.done $0x0  }
0x406: {  	s20 =	simm.s32 $0x0;
	[sflag:s28] =	ssyncadd.s32 $0xFFFF6000  }
.LBB2_24:
0x407: {  	s22 =	sshll.u32 s20, $0x4;
	v6 =	vlaneseq.u32  }
0x408: {  	v3 =	vor.u32 s22, v6  }
0x409: {  	v7 =	vmul.u32 $0x280, v3;
	v19 =	vshll.u32 v3, $0x7  }
0x40a: {  	v9 =	vor.u32 v19, v6  }
0x40b: {  	v5 =	vadd.s32 $0x2100, v7  }
0x40c: {  	v3 =	vadd.s32 $0x2200, v7;
	v8 =	vor.u32 v5, v6  }
0x40d: {  	v4 =	vadd.s32 $0x2180, v7;
	v17 =	vadd.s32 $0x2000, v7;
	v11 =	vor.u32 v3, v6  }
0x40e: {  	v10 =	vadd.s32 $0x2080, v7;
	v7 =	vadd.s32 $0x1, v6;
	v13 =	vor.u32 v4, v6  }
0x40f: {  	v14 =	vor.u32 v17, v6;
	v7 =	vand.u32 $0x7F, v7;
	v12 =	vld.idx.msk [tilespmem:v9+s19+$0x0], $0xffff  }
0x410: {  	v16 =	vor.u32 v17, v7;
	v23 =	vld.idx.msk [tilespmem:v9+s21+$0x0], $0xffff  }
0x411: {  	v25 =	vor.u32 v3, v7;
	v15 =	vld.idx.msk [tilespmem:v8+s21+$0x0], $0xffff  }
0x412: {  	v8 =	vor.u32 v10, v6;
	v11 =	vld.idx.msk [tilespmem:v11+s21+$0x0], $0xffff  }
0x413: {  	v26 =	vor.u32 v10, v7;
	v13 =	vld.idx.msk [tilespmem:v13+s21+$0x0], $0xffff  }
0x414: {  	v28 =	vor.u32 v19, v7;
	v14 =	vld.idx.msk [tilespmem:v14+s21+$0x0], $0xffff  }
0x415: {  	v18 =	vimm.f32 $0.0e+00;
	v9 =	vor.u32 v5, v7;
	v6 =	vadd.s32 $0x2, v6;
	v24 =	vld.idx.msk [tilespmem:v16+s21+$0x0], $0xffff  }
0x416: {  	v27 =	vimm.f32 $0.0e+00;
	v31 =	vimm.f32 $0.0e+00;
	v29 =	vand.u32 $0x7F, v6;
	v6 =	vld.idx.msk [tilespmem:v25+s21+$0x0], $0xffff  }
0x417: {  	v21 =	vor.u32 v5, v29;
	v35 =	vadd.s32 $0x1, v29;
	v22 =	vld.idx.msk [tilespmem:v8+s21+$0x0], $0xffff;
	v8 =	vor.u32 v4, v7  }
0x418: {  	v25 =	vld.idx.msk [tilespmem:v26+s21+$0x0], $0xffff;
	v33 =	vor.u32 v19, v29;
	v16 =	vor.u32 v4, v29;
	v30 =	vor.u32 v17, v29  }
0x419: {  	v34 =	vld.idx.msk [tilespmem:v28+s21+$0x0], $0xffff;
	v26 =	vor.u32 v10, v29;
	v20 =	vmul.f32 v15, v12;
	v7 =	vmul.f32 v11, v12  }
0x41a: {  	v15 =	vld.idx.msk [tilespmem:v9+s21+$0x0], $0xffff;
	v13 =	vmul.f32 v13, v12;
	v11 =	vor.u32 v3, v29;
	v32 =	vmul.f32 v14, v12  }
0x41b: {  	s22 =	simm.s32 $0x2;
	v9 =	vld.idx.msk [tilespmem:v28+s19+$0x0], $0xffff;
	v28 =	vimm.f32 $0.0e+00;
	v14 =	vimm.f32 $0.0e+00;
	v7 =	vadd.f32 v7, v18  }
.LBB2_25:
0x41c: {  	s22 =	sadd.s32 $0x2, s22;
	v35 =	vand.u32 $0x7F, v35;
	v22 =	vmul.f32 v22, v12;
	v18 =	vadd.f32 v20, v18;
	v20 =	vld.idx.msk [tilespmem:v8+s21+$0x0], $0xffff  }
0x41d: {  	v38 =	vmul.f32 v23, v12;
	p0 =	slt.u32 s22, $0x7E;
	v21 =	vld.idx.msk [tilespmem:v21+s21+$0x0], $0xffff;
	v36 =	vor.u32 v17, v35;
	v37 =	vor.u32 v5, v35  }
0x41e: {  	v39 =	vor.u32 v19, v35;
	v8 =	vor.u32 v4, v35;
	v12 =	vld.idx.msk [tilespmem:v33+s19+$0x0], $0xffff;
	v27 =	vadd.f32 v22, v27  }
0x41f: {  	v31 =	vadd.f32 v38, v31;
	v22 =	vadd.f32 v32, v28;
	v23 =	vld.idx.msk [tilespmem:v33+s21+$0x0], $0xffff;
	v33 =	vor.u32 v3, v35  }
0x420: {  	v32 =	vor.u32 v10, v35;
	v24 =	vmul.f32 v24, v9;
	v25 =	vmul.f32 v25, v9;
	v11 =	vld.idx.msk [tilespmem:v11+s21+$0x0], $0xffff  }
0x421: {  	v13 =	vadd.f32 v13, v14;
	v15 =	vmul.f32 v15, v9;
	v14 =	vmul.f32 v34, v9;
	v16 =	vld.idx.msk [tilespmem:v16+s21+$0x0], $0xffff  }
0x422: {  	v6 =	vmul.f32 v6, v9;
	v28 =	vadd.f32 v24, v22;
	v34 =	vld.idx.msk [tilespmem:v30+s21+$0x0], $0xffff;
	v30 =	vmul.f32 v20, v9  }
0x423: {  	v18 =	vadd.f32 v15, v18;
	v9 =	vadd.s32 $0x2, v29;
	v31 =	vadd.f32 v14, v31;
	v22 =	vld.idx.msk [tilespmem:v26+s21+$0x0], $0xffff  }
0x424: {  	v7 =	vadd.f32 v6, v7;
	v20 =	vmul.f32 v21, v12;
	v24 =	vld.idx.msk [tilespmem:v36+s21+$0x0], $0xffff;
	v14 =	vadd.f32 v30, v13  }
.Ltmp11:
0x425: {  	v27 =	vadd.f32 v25, v27;
	v29 =	vand.u32 $0x7F, v9;
	v15 =	vld.idx.msk [tilespmem:v37+s21+$0x0], $0xffff;
	(pc) =	sbr.rel @p0 .LBB2_25-.Ltmp11, $4  }
0x426: {  	v21 =	vor.u32 v5, v29;
	v35 =	vadd.s32 $0x1, v29;
	v9 =	vmul.f32 v11, v12;
	v6 =	vld.idx.msk [tilespmem:v33+s21+$0x0], $0xffff  }
0x427: {  	v33 =	vor.u32 v19, v29;
	v13 =	vmul.f32 v16, v12;
	v25 =	vld.idx.msk [tilespmem:v32+s21+$0x0], $0xffff  }
0x428: {  	v11 =	vor.u32 v3, v29;
	v16 =	vor.u32 v4, v29;
	v7 =	vadd.f32 v9, v7;
	v9 =	vld.idx.msk [tilespmem:v39+s19+$0x0], $0xffff  }
0x429: {  	v30 =	vor.u32 v17, v29;
	v26 =	vor.u32 v10, v29;
	v32 =	vmul.f32 v34, v12;
	v34 =	vld.idx.msk [tilespmem:v39+s21+$0x0], $0xffff  }
0x42a: {  	v29 =	vand.u32 $0x7F, v35  }
0x42b: {  	v19 =	vor.u32 v19, v29;
	_ =	sdelay $0x2  }
0x42c: {  	v41 =	vld.idx.msk [tilespmem:v33+s19+$0x0], $0xffff  }
0x42d: {  	v42 =	vld.idx.msk [tilespmem:v33+s21+$0x0], $0xffff  }
0x42e: {  	v23 =	vmul.f32 v23, v12;
	v36 =	vld.idx.msk [tilespmem:v19+s19+$0x0], $0xffff  }
0x42f: {  	v19 =	vld.idx.msk [tilespmem:v19+s21+$0x0], $0xffff  }
0x430: {  	v23 =	vadd.f32 v23, v31;
	v43 =	vmul.f32 v34, v9;
	_ =	sdelay $0x1  }
0x431: {  	v44 =	vmul.f32 v42, v41;
	v23 =	vadd.f32 v43, v23;
	_ =	sdelay $0x1  }
0x432: {  	v23 =	vadd.f32 v44, v23;
	v19 =	vmul.f32 v19, v36;
	_ =	sdelay $0x1  }
0x433: {  	v19 =	vadd.f32 v19, v23;
	_ =	sdelay $0x1  }
0x434: {  	v19 =	vmax.f32 v19, $-1.000000000e+01  }
0x435: {  	v19 =	vmin.f32 v19, $1.000000000e+01  }
0x436: {  	v19 =	vsub.f32 $0.0e+00, v19;
	_ =	sdelay $0x1  }
0x437: {  	v19 =	vmul.f32 $1.442695020e+00, v19  }
0x438: {  	v17 =	vor.u32 v17, v29  }
0x439: {  	(erf) = vpow2.f32 v19;
	_ =	sdelay $0x1  }
0x43a: {  	v45 =	vld.idx.msk [tilespmem:v30+s21+$0x0], $0xffff;
	_ =	sdelay $0x1  }
0x43b: {  	v17 =	vld.idx.msk [tilespmem:v17+s21+$0x0], $0xffff  }
0x43c: {  	v46 =	vadd.f32 v32, v28;
	v24 =	vmul.f32 v24, v9;
	_ =	sdelay $0x1  }
0x43d: {  	v23 =	vadd.f32 v24, v46;
	v19 =	vmul.f32 v45, v41;
	_ =	sdelay $0x1  }
0x43e: {  	v17 =	vmul.f32 v17, v36;
	v19 =	vadd.f32 v19, v23;
	v47 =	vpop (erf)  }
0x43f: {  	v23 =	vadd.f32 $1.000000000e+00, v47  }
0x440: {  	v17 =	vadd.f32 v17, v19  }
0x441: {  	v48 =	vand.u32 $0x7FFFFF, v23  }
0x442: {  	v17 =	vmax.f32 v17, $-1.000000000e+01;
	v19 =	vor.u32 $0x3F800000, v48  }
0x443: {  	v17 =	vmin.f32 v17, $1.000000000e+01;
	v49 =	vadd.f32 $1.000000000e+00, v19  }
0x444: {  	v17 =	vmul.f32 $1.442695020e+00, v17  }
0x445: {  	v10 =	vor.u32 v10, v29;
	(erf) = vrcp.f32 v49  }
0x446: {  	(erf) = vpow2.f32 v17;
	_ =	sdelay $0x1  }
0x447: {  	v50 =	vld.idx.msk [tilespmem:v26+s21+$0x0], $0xffff  }
0x448: {  	v51 =	vmul.f32 v22, v12  }
0x449: {  	v10 =	vld.idx.msk [tilespmem:v10+s21+$0x0], $0xffff  }
0x44a: {  	v12 =	vadd.f32 v51, v27;
	v52 =	vmul.f32 v25, v9;
	_ =	sdelay $0x1  }
0x44b: {  	v12 =	vadd.f32 v52, v12;
	v17 =	vmul.f32 v50, v41  }
0x44c: {  	v53 =	vpop (erf)  }
0x44d: {  	v10 =	vmul.f32 v10, v36;
	v12 =	vadd.f32 v17, v12;
	v54 =	vpop (erf)  }
0x44e: {  	v17 =	vadd.f32 $1.000000000e+00, v54  }
0x44f: {  	v10 =	vadd.f32 v10, v12  }
0x450: {  	v55 =	vand.u32 $0x7FFFFF, v17  }
0x451: {  	v10 =	vmax.f32 v10, $-1.000000000e+01;
	v12 =	vor.u32 $0x3F800000, v55  }
0x452: {  	v10 =	vmin.f32 v10, $1.000000000e+01;
	v56 =	vadd.f32 $1.000000000e+00, v12  }
0x453: {  	v10 =	vmul.f32 $1.442695020e+00, v10  }
0x454: {  	v5 =	vor.u32 v5, v29;
	(erf) = vrcp.f32 v56  }
0x455: {  	(erf) = vpow2.f32 v10;
	_ =	sdelay $0x1  }
0x456: {  	v57 =	vld.idx.msk [tilespmem:v21+s21+$0x0], $0xffff;
	_ =	sdelay $0x1  }
0x457: {  	v5 =	vld.idx.msk [tilespmem:v5+s21+$0x0], $0xffff  }
0x458: {  	v18 =	vadd.f32 v20, v18;
	v15 =	vmul.f32 v15, v9;
	_ =	sdelay $0x1  }
0x459: {  	v15 =	vadd.f32 v15, v18;
	v10 =	vmul.f32 v57, v41  }
0x45a: {  	v58 =	vpop (erf)  }
0x45b: {  	v5 =	vmul.f32 v5, v36;
	v10 =	vadd.f32 v10, v15;
	v59 =	vpop (erf)  }
0x45c: {  	v15 =	vadd.f32 $1.000000000e+00, v59  }
0x45d: {  	v5 =	vadd.f32 v5, v10  }
0x45e: {  	v60 =	vand.u32 $0x7FFFFF, v15  }
0x45f: {  	v5 =	vmax.f32 v5, $-1.000000000e+01;
	v10 =	vor.u32 $0x3F800000, v60  }
0x460: {  	v5 =	vmin.f32 v5, $1.000000000e+01;
	v61 =	vadd.f32 $1.000000000e+00, v10  }
0x461: {  	v5 =	vmul.f32 $1.442695020e+00, v5  }
0x462: {  	v4 =	vor.u32 v4, v29;
	(erf) = vrcp.f32 v61  }
0x463: {  	v8 =	vld.idx.msk [tilespmem:v8+s21+$0x0], $0xffff;
	(erf) = vpow2.f32 v5;
	_ =	sdelay $0x1  }
0x464: {  	v62 =	vld.idx.msk [tilespmem:v16+s21+$0x0], $0xffff;
	_ =	sdelay $0x1  }
0x465: {  	v4 =	vld.idx.msk [tilespmem:v4+s21+$0x0], $0xffff  }
0x466: {  	v13 =	vadd.f32 v13, v14;
	v8 =	vmul.f32 v8, v9;
	_ =	sdelay $0x1  }
0x467: {  	v8 =	vadd.f32 v8, v13;
	v5 =	vmul.f32 v62, v41  }
0x468: {  	v63 =	vpop (erf)  }
0x469: {  	v4 =	vmul.f32 v4, v36;
	v5 =	vadd.f32 v5, v8;
	v20 =	vpop (erf)  }
0x46a: {  	v8 =	vadd.f32 $1.000000000e+00, v20  }
0x46b: {  	v4 =	vadd.f32 v4, v5  }
0x46c: {  	v21 =	vand.u32 $0x7FFFFF, v8  }
0x46d: {  	v4 =	vmax.f32 v4, $-1.000000000e+01;
	v5 =	vor.u32 $0x3F800000, v21  }
0x46e: {  	v4 =	vmin.f32 v4, $1.000000000e+01;
	v24 =	vadd.f32 $1.000000000e+00, v5  }
0x46f: {  	v4 =	vmul.f32 $1.442695020e+00, v4  }
0x470: {  	v3 =	vor.u32 v3, v29;
	(erf) = vrcp.f32 v24  }
0x471: {  	(erf) = vpow2.f32 v4;
	_ =	sdelay $0x1  }
0x472: {  	v25 =	vld.idx.msk [tilespmem:v11+s21+$0x0], $0xffff;
	_ =	sdelay $0x1  }
0x473: {  	v3 =	vld.idx.msk [tilespmem:v3+s21+$0x0], $0xffff  }
0x474: {  	v6 =	vmul.f32 v6, v9;
	_ =	sdelay $0x1  }
0x475: {  	v6 =	vadd.f32 v6, v7;
	v4 =	vmul.f32 v25, v41  }
0x476: {  	v26 =	vpop (erf)  }
0x477: {  	v3 =	vmul.f32 v3, v36;
	v4 =	vadd.f32 v4, v6;
	v27 =	vpop (erf)  }
0x478: {  	v6 =	vadd.f32 $1.000000000e+00, v27  }
0x479: {  	v3 =	vadd.f32 v3, v4  }
0x47a: {  	v28 =	vand.u32 $0x7FFFFF, v6  }
0x47b: {  	v3 =	vmax.f32 v3, $-1.000000000e+01;
	v4 =	vor.u32 $0x3F800000, v28  }
0x47c: {  	v3 =	vmin.f32 v3, $1.000000000e+01;
	v30 =	vadd.f32 $1.000000000e+00, v4  }
0x47d: {  	v3 =	vmul.f32 $1.442695020e+00, v3  }
0x47e: {  	(erf) = vrcp.f32 v30  }
0x47f: {  	v12 =	vadd.f32 $-1.000000000e+00, v12;
	(erf) = vpow2.f32 v3;
	_ =	sdelay $0x1  }
0x480: {  	v12 =	vmul.f32 v58, v12;
	_ =	sdelay $0x1  }
0x481: {  	v32 =	vmul.f32 v12, v12  }
0x482: {  	v29 =	vadd.f32 $-1.000000000e+00, v19  }
0x483: {  	v34 =	vmul.f32 $1.111111120e-01, v32  }
0x484: {  	v9 =	vmul.f32 v53, v29  }
0x485: {  	v18 =	vadd.f32 $1.428571490e-01, v34;
	v33 =	vpop (erf)  }
0x486: {  	v31 =	vmul.f32 v9, v9;
	v35 =	vpop (erf)  }
0x487: {  	v43 =	vshra.s32 v17, $0x17;
	v18 =	vmul.f32 v18, v32;
	v19 =	vadd.f32 $1.000000000e+00, v35  }
0x488: {  	v36 =	vshra.s32 v23, $0x17;
	v7 =	vadd.s32 $0xFFFFFF81, v43;
	v3 =	vmul.f32 $1.111111120e-01, v31  }
0x489: {  	v7 =	vcvt.s32.f32 v7;
	v18 =	vadd.f32 $2.000000030e-01, v18;
	v37 =	vand.u32 $0x7FFFFF, v19  }
0x48a: {  	v15 =	vshra.s32 v15, $0x17;
	v3 =	vadd.f32 $1.428571490e-01, v3;
	v13 =	vor.u32 $0x3F800000, v37  }
0x48b: {  	v10 =	vadd.f32 $-1.000000000e+00, v10;
	v18 =	vmul.f32 v18, v32;
	v39 =	vadd.f32 $1.000000000e+00, v13  }
0x48c: {  	v7 =	vmul.f32 $6.931471820e-01, v7;
	v15 =	vadd.s32 $0xFFFFFF81, v15;
	v3 =	vmul.f32 v3, v31  }
0x48d: {  	v18 =	vadd.f32 $3.333333430e-01, v18;
	v10 =	vmul.f32 v63, v10;
	(erf) = vrcp.f32 v39  }
0x48e: {  	v15 =	vcvt.s32.f32 v15;
	v5 =	vadd.f32 $-1.000000000e+00, v5;
	v3 =	vadd.f32 $2.000000030e-01, v3  }
0x48f: {  	v9 =	vadd.f32 v9, v9;
	v14 =	vmul.f32 v18, v32;
	v38 =	vmul.f32 v10, v10  }
0x490: {  	v12 =	vadd.f32 v12, v12;
	v5 =	vmul.f32 v26, v5;
	v3 =	vmul.f32 v3, v31  }
0x491: {  	v54 =	vmul.f32 $6.931471820e-01, v15;
	v20 =	vadd.s32 $0xFFFFFF81, v36;
	v14 =	vadd.f32 $1.000000000e+00, v14  }
0x492: {  	v40 =	vmul.f32 $1.111111120e-01, v38;
	v45 =	vmul.f32 v5, v5;
	v3 =	vadd.f32 $3.333333430e-01, v3  }
0x493: {  	v20 =	vcvt.s32.f32 v20;
	v12 =	vmul.f32 v14, v12;
	v4 =	vadd.f32 $-1.000000000e+00, v4  }
0x494: {  	v42 =	vadd.f32 $1.428571490e-01, v40;
	v46 =	vmul.f32 $1.111111120e-01, v45;
	v3 =	vmul.f32 v3, v31  }
0x495: {  	v41 =	vmul.f32 $6.931471820e-01, v20;
	v4 =	vmul.f32 v33, v4;
	v13 =	vadd.f32 $-1.000000000e+00, v13  }
0x496: {  	v44 =	vmul.f32 v42, v38;
	v47 =	vadd.f32 $1.428571490e-01, v46;
	v3 =	vadd.f32 $1.000000000e+00, v3;
	v48 =	vpop (erf)  }
0x497: {  	v16 =	vmul.f32 v4, v4;
	v13 =	vmul.f32 v48, v13  }
0x498: {  	v10 =	vadd.f32 v10, v10;
	v14 =	vmul.f32 v47, v45;
	v3 =	vmul.f32 v3, v9  }
0x499: {  	v49 =	vmul.f32 $1.111111120e-01, v16;
	v9 =	vadd.f32 $2.000000030e-01, v44;
	v50 =	vmul.f32 v13, v13  }
0x49a: {  	v8 =	vshra.s32 v8, $0x17;
	v14 =	vadd.f32 $2.000000030e-01, v14;
	v3 =	vadd.f32 v3, v41  }
0x49b: {  	v18 =	vadd.f32 $1.428571490e-01, v49;
	v9 =	vmul.f32 v9, v38;
	v51 =	vmul.f32 $1.111111120e-01, v50  }
0x49c: {  	v8 =	vadd.s32 $0xFFFFFF81, v8;
	v2 =	vadd.f32 v3, v2;
	v3 =	vmul.f32 v14, v45  }
0x49d: {  	v52 =	vmul.f32 v18, v16;
	v9 =	vadd.f32 $3.333333430e-01, v9;
	v53 =	vadd.f32 $1.428571490e-01, v51  }
0x49e: {  	v7 =	vadd.f32 v12, v7;
	v8 =	vcvt.s32.f32 v8;
	v3 =	vadd.f32 $3.333333430e-01, v3  }
0x49f: {  	v14 =	vadd.f32 $2.000000030e-01, v52;
	v9 =	vmul.f32 v9, v38;
	v55 =	vmul.f32 v53, v50  }
0x4a0: {  	v8 =	vmul.f32 $6.931471820e-01, v8;
	v2 =	vadd.f32 v2, v7;
	v3 =	vmul.f32 v3, v45  }
0x4a1: {  	v56 =	vmul.f32 v14, v16;
	v9 =	vadd.f32 $1.000000000e+00, v9;
	v7 =	vadd.f32 $2.000000030e-01, v55  }
0x4a2: {  	v5 =	vadd.f32 v5, v5;
	v57 =	vshra.s32 v6, $0x17;
	v3 =	vadd.f32 $1.000000000e+00, v3  }
0x4a3: {  	v9 =	vmul.f32 v9, v10;
	v10 =	vadd.f32 $3.333333430e-01, v56;
	v7 =	vmul.f32 v7, v50  }
0x4a4: {  	v4 =	vadd.f32 v4, v4;
	v59 =	vshra.s32 v19, $0x17;
	v3 =	vmul.f32 v3, v5  }
0x4a5: {  	v58 =	vmul.f32 v10, v16;
	v5 =	vadd.s32 $0xFFFFFF81, v57;
	v7 =	vadd.f32 $3.333333430e-01, v7  }
0x4a6: {  	v60 =	vadd.s32 $0xFFFFFF81, v59;
	v9 =	vadd.f32 v9, v54;
	v5 =	vcvt.s32.f32 v5  }
0x4a7: {  	v61 =	vadd.f32 v13, v13;
	v6 =	vadd.f32 $1.000000000e+00, v58;
	v7 =	vmul.f32 v7, v50  }
0x4a8: {  	v2 =	vadd.f32 v2, v9;
	v3 =	vadd.f32 v3, v8;
	v5 =	vmul.f32 $6.931471820e-01, v5  }
0x4a9: {  	s20 =	sadd.s32 $0x1, s20;
	v4 =	vmul.f32 v6, v4;
	v6 =	vcvt.s32.f32 v60;
	v7 =	vadd.f32 $1.000000000e+00, v7  }
0x4aa: {  	p0 =	sne.s32 s20, $0x4;
	v2 =	vadd.f32 v2, v3  }
.Ltmp12:
0x4ab: {  	v3 =	vadd.f32 v4, v5;
	v63 =	vmul.f32 $6.931471820e-01, v6;
	v62 =	vmul.f32 v7, v61;
	(pc) =	sbr.rel @p0 .LBB2_24-.Ltmp12, $3  }
0x4ac: {  	_ = 	snop  }
0x4ad: {  	v2 =	vadd.f32 v2, v3;
	v3 =	vadd.f32 v62, v63;
	_ =	sdelay $0x1  }
0x4ae: {  	v2 =	vadd.f32 v2, v3  }
0x4af: {  	[tilespmem:s19], [sflag:$0x2] =	stream.indirect.gather [hbm4b:s1+s13], $0x80, s29, s13, $0xb8;
	[tilespmem:$0x1DE80] =	vst v63  }
0x4b0: {  	_ = 	snop  }
0x4b1: {  	[tilespmem:s21], [sflag:$0x2] =	stream.indirect.gather [hbm4b:s3+s13], $0x80, s30, s13, $0xb8;
	[tilespmem:$0x1DE80] =	vst v63  }
0x4b2: {  	_ = 	snop  }
0x4b3: {  	[tilespmem:s23], [sflag:$0x2] =	stream.indirect.gather [hbm4b:s3+s16], $0x80, s31, s16, $0xb8;
	[tilespmem:$0x1DE80] =	vst v63  }
0x4b4: {  	_ =	swait.ge [sflag:s12], $0x2000  }
0x4b5: {  	[sflag:s12] =	ssyncset.done $0x0  }
0x4b6: {  	[sflag:s12] =	ssyncadd.s32 $0xFFFFE000  }
0x4b7: {  	_ =	swait.ge [sflag:s12], $0x2000  }
0x4b8: {  	[sflag:s12] =	ssyncset.done $0x0  }
0x4b9: {  	[sflag:s12] =	ssyncadd.s32 $0xFFFFE000  }
0x4ba: {  	_ =	swait.ge [sflag:s12], $0xA000  }
0x4bb: {  	[sflag:s12] =	ssyncset.done $0x0  }
0x4bc: {  	s20 =	simm.s32 $0x0;
	[sflag:s12] =	ssyncadd.s32 $0xFFFF6000  }
.LBB2_28:
0x4bd: {  	s22 =	sshll.u32 s20, $0x4;
	v6 =	vlaneseq.u32  }
0x4be: {  	v3 =	vor.u32 s22, v6  }
0x4bf: {  	v7 =	vmul.u32 $0x280, v3;
	v19 =	vshll.u32 v3, $0x7  }
0x4c0: {  	v9 =	vor.u32 v19, v6  }
0x4c1: {  	v5 =	vadd.s32 $0x2100, v7  }
0x4c2: {  	v3 =	vadd.s32 $0x2200, v7;
	v8 =	vor.u32 v5, v6  }
0x4c3: {  	v4 =	vadd.s32 $0x2180, v7;
	v17 =	vadd.s32 $0x2000, v7;
	v11 =	vor.u32 v3, v6  }
0x4c4: {  	v10 =	vadd.s32 $0x2080, v7;
	v7 =	vadd.s32 $0x1, v6;
	v13 =	vor.u32 v4, v6  }
0x4c5: {  	v14 =	vor.u32 v17, v6;
	v7 =	vand.u32 $0x7F, v7;
	v12 =	vld.idx.msk [tilespmem:v9+s14+$0x0], $0xffff  }
0x4c6: {  	v16 =	vor.u32 v17, v7;
	v23 =	vld.idx.msk [tilespmem:v9+s15+$0x0], $0xffff  }
0x4c7: {  	v25 =	vor.u32 v3, v7;
	v15 =	vld.idx.msk [tilespmem:v8+s15+$0x0], $0xffff  }
0x4c8: {  	v8 =	vor.u32 v10, v6;
	v11 =	vld.idx.msk [tilespmem:v11+s15+$0x0], $0xffff  }
0x4c9: {  	v26 =	vor.u32 v10, v7;
	v13 =	vld.idx.msk [tilespmem:v13+s15+$0x0], $0xffff  }
0x4ca: {  	v28 =	vor.u32 v19, v7;
	v14 =	vld.idx.msk [tilespmem:v14+s15+$0x0], $0xffff  }
0x4cb: {  	v18 =	vimm.f32 $0.0e+00;
	v9 =	vor.u32 v5, v7;
	v6 =	vadd.s32 $0x2, v6;
	v24 =	vld.idx.msk [tilespmem:v16+s15+$0x0], $0xffff  }
0x4cc: {  	v27 =	vimm.f32 $0.0e+00;
	v31 =	vimm.f32 $0.0e+00;
	v29 =	vand.u32 $0x7F, v6;
	v6 =	vld.idx.msk [tilespmem:v25+s15+$0x0], $0xffff  }
0x4cd: {  	v21 =	vor.u32 v5, v29;
	v35 =	vadd.s32 $0x1, v29;
	v22 =	vld.idx.msk [tilespmem:v8+s15+$0x0], $0xffff;
	v8 =	vor.u32 v4, v7  }
0x4ce: {  	v25 =	vld.idx.msk [tilespmem:v26+s15+$0x0], $0xffff;
	v33 =	vor.u32 v19, v29;
	v16 =	vor.u32 v4, v29;
	v30 =	vor.u32 v17, v29  }
0x4cf: {  	v34 =	vld.idx.msk [tilespmem:v28+s15+$0x0], $0xffff;
	v26 =	vor.u32 v10, v29;
	v20 =	vmul.f32 v15, v12;
	v7 =	vmul.f32 v11, v12  }
0x4d0: {  	v15 =	vld.idx.msk [tilespmem:v9+s15+$0x0], $0xffff;
	v13 =	vmul.f32 v13, v12;
	v11 =	vor.u32 v3, v29;
	v32 =	vmul.f32 v14, v12  }
0x4d1: {  	s22 =	simm.s32 $0x2;
	v9 =	vld.idx.msk [tilespmem:v28+s14+$0x0], $0xffff;
	v28 =	vimm.f32 $0.0e+00;
	v14 =	vimm.f32 $0.0e+00;
	v7 =	vadd.f32 v7, v18  }
.LBB2_29:
0x4d2: {  	s22 =	sadd.s32 $0x2, s22;
	v35 =	vand.u32 $0x7F, v35;
	v22 =	vmul.f32 v22, v12;
	v18 =	vadd.f32 v20, v18;
	v20 =	vld.idx.msk [tilespmem:v8+s15+$0x0], $0xffff  }
0x4d3: {  	v38 =	vmul.f32 v23, v12;
	p0 =	slt.u32 s22, $0x7E;
	v21 =	vld.idx.msk [tilespmem:v21+s15+$0x0], $0xffff;
	v36 =	vor.u32 v17, v35;
	v37 =	vor.u32 v5, v35  }
0x4d4: {  	v39 =	vor.u32 v19, v35;
	v8 =	vor.u32 v4, v35;
	v12 =	vld.idx.msk [tilespmem:v33+s14+$0x0], $0xffff;
	v27 =	vadd.f32 v22, v27  }
0x4d5: {  	v31 =	vadd.f32 v38, v31;
	v22 =	vadd.f32 v32, v28;
	v23 =	vld.idx.msk [tilespmem:v33+s15+$0x0], $0xffff;
	v33 =	vor.u32 v3, v35  }
0x4d6: {  	v32 =	vor.u32 v10, v35;
	v24 =	vmul.f32 v24, v9;
	v25 =	vmul.f32 v25, v9;
	v11 =	vld.idx.msk [tilespmem:v11+s15+$0x0], $0xffff  }
0x4d7: {  	v13 =	vadd.f32 v13, v14;
	v15 =	vmul.f32 v15, v9;
	v14 =	vmul.f32 v34, v9;
	v16 =	vld.idx.msk [tilespmem:v16+s15+$0x0], $0xffff  }
0x4d8: {  	v6 =	vmul.f32 v6, v9;
	v28 =	vadd.f32 v24, v22;
	v34 =	vld.idx.msk [tilespmem:v30+s15+$0x0], $0xffff;
	v30 =	vmul.f32 v20, v9  }
0x4d9: {  	v18 =	vadd.f32 v15, v18;
	v9 =	vadd.s32 $0x2, v29;
	v31 =	vadd.f32 v14, v31;
	v22 =	vld.idx.msk [tilespmem:v26+s15+$0x0], $0xffff  }
0x4da: {  	v7 =	vadd.f32 v6, v7;
	v20 =	vmul.f32 v21, v12;
	v24 =	vld.idx.msk [tilespmem:v36+s15+$0x0], $0xffff;
	v14 =	vadd.f32 v30, v13  }
.Ltmp13:
0x4db: {  	v27 =	vadd.f32 v25, v27;
	v29 =	vand.u32 $0x7F, v9;
	v15 =	vld.idx.msk [tilespmem:v37+s15+$0x0], $0xffff;
	(pc) =	sbr.rel @p0 .LBB2_29-.Ltmp13, $4  }
0x4dc: {  	v21 =	vor.u32 v5, v29;
	v35 =	vadd.s32 $0x1, v29;
	v9 =	vmul.f32 v11, v12;
	v6 =	vld.idx.msk [tilespmem:v33+s15+$0x0], $0xffff  }
0x4dd: {  	v33 =	vor.u32 v19, v29;
	v13 =	vmul.f32 v16, v12;
	v25 =	vld.idx.msk [tilespmem:v32+s15+$0x0], $0xffff  }
0x4de: {  	v11 =	vor.u32 v3, v29;
	v16 =	vor.u32 v4, v29;
	v7 =	vadd.f32 v9, v7;
	v9 =	vld.idx.msk [tilespmem:v39+s14+$0x0], $0xffff  }
0x4df: {  	v30 =	vor.u32 v17, v29;
	v26 =	vor.u32 v10, v29;
	v32 =	vmul.f32 v34, v12;
	v34 =	vld.idx.msk [tilespmem:v39+s15+$0x0], $0xffff  }
0x4e0: {  	v29 =	vand.u32 $0x7F, v35  }
0x4e1: {  	v19 =	vor.u32 v19, v29;
	_ =	sdelay $0x2  }
0x4e2: {  	v41 =	vld.idx.msk [tilespmem:v33+s14+$0x0], $0xffff  }
0x4e3: {  	v42 =	vld.idx.msk [tilespmem:v33+s15+$0x0], $0xffff  }
0x4e4: {  	v23 =	vmul.f32 v23, v12;
	v36 =	vld.idx.msk [tilespmem:v19+s14+$0x0], $0xffff  }
0x4e5: {  	v19 =	vld.idx.msk [tilespmem:v19+s15+$0x0], $0xffff  }
0x4e6: {  	v23 =	vadd.f32 v23, v31;
	v43 =	vmul.f32 v34, v9;
	_ =	sdelay $0x1  }
0x4e7: {  	v44 =	vmul.f32 v42, v41;
	v23 =	vadd.f32 v43, v23;
	_ =	sdelay $0x1  }
0x4e8: {  	v23 =	vadd.f32 v44, v23;
	v19 =	vmul.f32 v19, v36;
	_ =	sdelay $0x1  }
0x4e9: {  	v19 =	vadd.f32 v19, v23;
	_ =	sdelay $0x1  }
0x4ea: {  	v19 =	vmax.f32 v19, $-1.000000000e+01  }
0x4eb: {  	v19 =	vmin.f32 v19, $1.000000000e+01  }
0x4ec: {  	v19 =	vsub.f32 $0.0e+00, v19;
	_ =	sdelay $0x1  }
0x4ed: {  	v19 =	vmul.f32 $1.442695020e+00, v19  }
0x4ee: {  	v17 =	vor.u32 v17, v29  }
0x4ef: {  	(erf) = vpow2.f32 v19;
	_ =	sdelay $0x1  }
0x4f0: {  	v45 =	vld.idx.msk [tilespmem:v30+s15+$0x0], $0xffff;
	_ =	sdelay $0x1  }
0x4f1: {  	v17 =	vld.idx.msk [tilespmem:v17+s15+$0x0], $0xffff  }
0x4f2: {  	v46 =	vadd.f32 v32, v28;
	v24 =	vmul.f32 v24, v9;
	_ =	sdelay $0x1  }
0x4f3: {  	v23 =	vadd.f32 v24, v46;
	v19 =	vmul.f32 v45, v41;
	_ =	sdelay $0x1  }
0x4f4: {  	v17 =	vmul.f32 v17, v36;
	v19 =	vadd.f32 v19, v23;
	v47 =	vpop (erf)  }
0x4f5: {  	v23 =	vadd.f32 $1.000000000e+00, v47  }
0x4f6: {  	v17 =	vadd.f32 v17, v19  }
0x4f7: {  	v48 =	vand.u32 $0x7FFFFF, v23  }
0x4f8: {  	v17 =	vmax.f32 v17, $-1.000000000e+01;
	v19 =	vor.u32 $0x3F800000, v48  }
0x4f9: {  	v17 =	vmin.f32 v17, $1.000000000e+01;
	v49 =	vadd.f32 $1.000000000e+00, v19  }
0x4fa: {  	v17 =	vmul.f32 $1.442695020e+00, v17  }
0x4fb: {  	v10 =	vor.u32 v10, v29;
	(erf) = vrcp.f32 v49  }
0x4fc: {  	(erf) = vpow2.f32 v17;
	_ =	sdelay $0x1  }
0x4fd: {  	v50 =	vld.idx.msk [tilespmem:v26+s15+$0x0], $0xffff  }
0x4fe: {  	v51 =	vmul.f32 v22, v12  }
0x4ff: {  	v10 =	vld.idx.msk [tilespmem:v10+s15+$0x0], $0xffff  }
0x500: {  	v12 =	vadd.f32 v51, v27;
	v52 =	vmul.f32 v25, v9;
	_ =	sdelay $0x1  }
0x501: {  	v12 =	vadd.f32 v52, v12;
	v17 =	vmul.f32 v50, v41  }
0x502: {  	v53 =	vpop (erf)  }
0x503: {  	v10 =	vmul.f32 v10, v36;
	v12 =	vadd.f32 v17, v12;
	v54 =	vpop (erf)  }
0x504: {  	v17 =	vadd.f32 $1.000000000e+00, v54  }
0x505: {  	v10 =	vadd.f32 v10, v12  }
0x506: {  	v55 =	vand.u32 $0x7FFFFF, v17  }
0x507: {  	v10 =	vmax.f32 v10, $-1.000000000e+01;
	v12 =	vor.u32 $0x3F800000, v55  }
0x508: {  	v10 =	vmin.f32 v10, $1.000000000e+01;
	v56 =	vadd.f32 $1.000000000e+00, v12  }
0x509: {  	v10 =	vmul.f32 $1.442695020e+00, v10  }
0x50a: {  	v5 =	vor.u32 v5, v29;
	(erf) = vrcp.f32 v56  }
0x50b: {  	(erf) = vpow2.f32 v10;
	_ =	sdelay $0x1  }
0x50c: {  	v57 =	vld.idx.msk [tilespmem:v21+s15+$0x0], $0xffff;
	_ =	sdelay $0x1  }
0x50d: {  	v5 =	vld.idx.msk [tilespmem:v5+s15+$0x0], $0xffff  }
0x50e: {  	v18 =	vadd.f32 v20, v18;
	v15 =	vmul.f32 v15, v9;
	_ =	sdelay $0x1  }
0x50f: {  	v15 =	vadd.f32 v15, v18;
	v10 =	vmul.f32 v57, v41  }
0x510: {  	v58 =	vpop (erf)  }
0x511: {  	v5 =	vmul.f32 v5, v36;
	v10 =	vadd.f32 v10, v15;
	v59 =	vpop (erf)  }
0x512: {  	v15 =	vadd.f32 $1.000000000e+00, v59  }
0x513: {  	v5 =	vadd.f32 v5, v10  }
0x514: {  	v60 =	vand.u32 $0x7FFFFF, v15  }
0x515: {  	v5 =	vmax.f32 v5, $-1.000000000e+01;
	v10 =	vor.u32 $0x3F800000, v60  }
0x516: {  	v5 =	vmin.f32 v5, $1.000000000e+01;
	v61 =	vadd.f32 $1.000000000e+00, v10  }
0x517: {  	v5 =	vmul.f32 $1.442695020e+00, v5  }
0x518: {  	v4 =	vor.u32 v4, v29;
	(erf) = vrcp.f32 v61  }
0x519: {  	v8 =	vld.idx.msk [tilespmem:v8+s15+$0x0], $0xffff;
	(erf) = vpow2.f32 v5;
	_ =	sdelay $0x1  }
0x51a: {  	v62 =	vld.idx.msk [tilespmem:v16+s15+$0x0], $0xffff;
	_ =	sdelay $0x1  }
0x51b: {  	v4 =	vld.idx.msk [tilespmem:v4+s15+$0x0], $0xffff  }
0x51c: {  	v13 =	vadd.f32 v13, v14;
	v8 =	vmul.f32 v8, v9;
	_ =	sdelay $0x1  }
0x51d: {  	v8 =	vadd.f32 v8, v13;
	v5 =	vmul.f32 v62, v41  }
0x51e: {  	v63 =	vpop (erf)  }
0x51f: {  	v4 =	vmul.f32 v4, v36;
	v5 =	vadd.f32 v5, v8;
	v20 =	vpop (erf)  }
0x520: {  	v8 =	vadd.f32 $1.000000000e+00, v20  }
0x521: {  	v4 =	vadd.f32 v4, v5  }
0x522: {  	v21 =	vand.u32 $0x7FFFFF, v8  }
0x523: {  	v4 =	vmax.f32 v4, $-1.000000000e+01;
	v5 =	vor.u32 $0x3F800000, v21  }
0x524: {  	v4 =	vmin.f32 v4, $1.000000000e+01;
	v24 =	vadd.f32 $1.000000000e+00, v5  }
0x525: {  	v4 =	vmul.f32 $1.442695020e+00, v4  }
0x526: {  	v3 =	vor.u32 v3, v29;
	(erf) = vrcp.f32 v24  }
0x527: {  	(erf) = vpow2.f32 v4;
	_ =	sdelay $0x1  }
0x528: {  	v25 =	vld.idx.msk [tilespmem:v11+s15+$0x0], $0xffff;
	_ =	sdelay $0x1  }
0x529: {  	v3 =	vld.idx.msk [tilespmem:v3+s15+$0x0], $0xffff  }
0x52a: {  	v6 =	vmul.f32 v6, v9;
	_ =	sdelay $0x1  }
0x52b: {  	v6 =	vadd.f32 v6, v7;
	v4 =	vmul.f32 v25, v41  }
0x52c: {  	v26 =	vpop (erf)  }
0x52d: {  	v3 =	vmul.f32 v3, v36;
	v4 =	vadd.f32 v4, v6;
	v27 =	vpop (erf)  }
0x52e: {  	v6 =	vadd.f32 $1.000000000e+00, v27  }
0x52f: {  	v3 =	vadd.f32 v3, v4  }
0x530: {  	v28 =	vand.u32 $0x7FFFFF, v6  }
0x531: {  	v3 =	vmax.f32 v3, $-1.000000000e+01;
	v4 =	vor.u32 $0x3F800000, v28  }
0x532: {  	v3 =	vmin.f32 v3, $1.000000000e+01;
	v30 =	vadd.f32 $1.000000000e+00, v4  }
0x533: {  	v3 =	vmul.f32 $1.442695020e+00, v3  }
0x534: {  	(erf) = vrcp.f32 v30  }
0x535: {  	v12 =	vadd.f32 $-1.000000000e+00, v12;
	(erf) = vpow2.f32 v3;
	_ =	sdelay $0x1  }
0x536: {  	v12 =	vmul.f32 v58, v12;
	_ =	sdelay $0x1  }
0x537: {  	v32 =	vmul.f32 v12, v12  }
0x538: {  	v29 =	vadd.f32 $-1.000000000e+00, v19  }
0x539: {  	v34 =	vmul.f32 $1.111111120e-01, v32  }
0x53a: {  	v9 =	vmul.f32 v53, v29  }
0x53b: {  	v18 =	vadd.f32 $1.428571490e-01, v34;
	v33 =	vpop (erf)  }
0x53c: {  	v31 =	vmul.f32 v9, v9;
	v35 =	vpop (erf)  }
0x53d: {  	v43 =	vshra.s32 v17, $0x17;
	v18 =	vmul.f32 v18, v32;
	v19 =	vadd.f32 $1.000000000e+00, v35  }
0x53e: {  	v36 =	vshra.s32 v23, $0x17;
	v7 =	vadd.s32 $0xFFFFFF81, v43;
	v3 =	vmul.f32 $1.111111120e-01, v31  }
0x53f: {  	v7 =	vcvt.s32.f32 v7;
	v18 =	vadd.f32 $2.000000030e-01, v18;
	v37 =	vand.u32 $0x7FFFFF, v19  }
0x540: {  	v15 =	vshra.s32 v15, $0x17;
	v3 =	vadd.f32 $1.428571490e-01, v3;
	v13 =	vor.u32 $0x3F800000, v37  }
0x541: {  	v10 =	vadd.f32 $-1.000000000e+00, v10;
	v18 =	vmul.f32 v18, v32;
	v39 =	vadd.f32 $1.000000000e+00, v13  }
0x542: {  	v7 =	vmul.f32 $6.931471820e-01, v7;
	v15 =	vadd.s32 $0xFFFFFF81, v15;
	v3 =	vmul.f32 v3, v31  }
0x543: {  	v18 =	vadd.f32 $3.333333430e-01, v18;
	v10 =	vmul.f32 v63, v10;
	(erf) = vrcp.f32 v39  }
0x544: {  	v15 =	vcvt.s32.f32 v15;
	v5 =	vadd.f32 $-1.000000000e+00, v5;
	v3 =	vadd.f32 $2.000000030e-01, v3  }
0x545: {  	v9 =	vadd.f32 v9, v9;
	v14 =	vmul.f32 v18, v32;
	v38 =	vmul.f32 v10, v10  }
0x546: {  	v12 =	vadd.f32 v12, v12;
	v5 =	vmul.f32 v26, v5;
	v3 =	vmul.f32 v3, v31  }
0x547: {  	v54 =	vmul.f32 $6.931471820e-01, v15;
	v20 =	vadd.s32 $0xFFFFFF81, v36;
	v14 =	vadd.f32 $1.000000000e+00, v14  }
0x548: {  	v40 =	vmul.f32 $1.111111120e-01, v38;
	v45 =	vmul.f32 v5, v5;
	v3 =	vadd.f32 $3.333333430e-01, v3  }
0x549: {  	v20 =	vcvt.s32.f32 v20;
	v12 =	vmul.f32 v14, v12;
	v4 =	vadd.f32 $-1.000000000e+00, v4  }
0x54a: {  	v42 =	vadd.f32 $1.428571490e-01, v40;
	v46 =	vmul.f32 $1.111111120e-01, v45;
	v3 =	vmul.f32 v3, v31  }
0x54b: {  	v41 =	vmul.f32 $6.931471820e-01, v20;
	v4 =	vmul.f32 v33, v4;
	v13 =	vadd.f32 $-1.000000000e+00, v13  }
0x54c: {  	v44 =	vmul.f32 v42, v38;
	v47 =	vadd.f32 $1.428571490e-01, v46;
	v3 =	vadd.f32 $1.000000000e+00, v3;
	v48 =	vpop (erf)  }
0x54d: {  	v16 =	vmul.f32 v4, v4;
	v13 =	vmul.f32 v48, v13  }
0x54e: {  	v10 =	vadd.f32 v10, v10;
	v14 =	vmul.f32 v47, v45;
	v3 =	vmul.f32 v3, v9  }
0x54f: {  	v49 =	vmul.f32 $1.111111120e-01, v16;
	v9 =	vadd.f32 $2.000000030e-01, v44;
	v50 =	vmul.f32 v13, v13  }
0x550: {  	v8 =	vshra.s32 v8, $0x17;
	v14 =	vadd.f32 $2.000000030e-01, v14;
	v3 =	vadd.f32 v3, v41  }
0x551: {  	v18 =	vadd.f32 $1.428571490e-01, v49;
	v9 =	vmul.f32 v9, v38;
	v51 =	vmul.f32 $1.111111120e-01, v50  }
0x552: {  	v8 =	vadd.s32 $0xFFFFFF81, v8;
	v2 =	vadd.f32 v3, v2;
	v3 =	vmul.f32 v14, v45  }
0x553: {  	v52 =	vmul.f32 v18, v16;
	v9 =	vadd.f32 $3.333333430e-01, v9;
	v53 =	vadd.f32 $1.428571490e-01, v51  }
0x554: {  	v7 =	vadd.f32 v12, v7;
	v8 =	vcvt.s32.f32 v8;
	v3 =	vadd.f32 $3.333333430e-01, v3  }
0x555: {  	v14 =	vadd.f32 $2.000000030e-01, v52;
	v9 =	vmul.f32 v9, v38;
	v55 =	vmul.f32 v53, v50  }
0x556: {  	v8 =	vmul.f32 $6.931471820e-01, v8;
	v2 =	vadd.f32 v2, v7;
	v3 =	vmul.f32 v3, v45  }
0x557: {  	v56 =	vmul.f32 v14, v16;
	v9 =	vadd.f32 $1.000000000e+00, v9;
	v7 =	vadd.f32 $2.000000030e-01, v55  }
0x558: {  	v5 =	vadd.f32 v5, v5;
	v57 =	vshra.s32 v6, $0x17;
	v3 =	vadd.f32 $1.000000000e+00, v3  }
0x559: {  	v9 =	vmul.f32 v9, v10;
	v10 =	vadd.f32 $3.333333430e-01, v56;
	v7 =	vmul.f32 v7, v50  }
0x55a: {  	v4 =	vadd.f32 v4, v4;
	v59 =	vshra.s32 v19, $0x17;
	v3 =	vmul.f32 v3, v5  }
0x55b: {  	v58 =	vmul.f32 v10, v16;
	v5 =	vadd.s32 $0xFFFFFF81, v57;
	v7 =	vadd.f32 $3.333333430e-01, v7  }
0x55c: {  	v60 =	vadd.s32 $0xFFFFFF81, v59;
	v9 =	vadd.f32 v9, v54;
	v5 =	vcvt.s32.f32 v5  }
0x55d: {  	v61 =	vadd.f32 v13, v13;
	v6 =	vadd.f32 $1.000000000e+00, v58;
	v7 =	vmul.f32 v7, v50  }
0x55e: {  	v2 =	vadd.f32 v2, v9;
	v3 =	vadd.f32 v3, v8;
	v5 =	vmul.f32 $6.931471820e-01, v5  }
0x55f: {  	s20 =	sadd.s32 $0x1, s20;
	v4 =	vmul.f32 v6, v4;
	v6 =	vcvt.s32.f32 v60;
	v7 =	vadd.f32 $1.000000000e+00, v7  }
0x560: {  	p0 =	sne.s32 s20, $0x4;
	v2 =	vadd.f32 v2, v3  }
.Ltmp14:
0x561: {  	v3 =	vadd.f32 v4, v5;
	v63 =	vmul.f32 $6.931471820e-01, v6;
	v62 =	vmul.f32 v7, v61;
	(pc) =	sbr.rel @p0 .LBB2_28-.Ltmp14, $3  }
0x562: {  	_ = 	snop  }
0x563: {  	v2 =	vadd.f32 v2, v3;
	v3 =	vadd.f32 v62, v63;
	_ =	sdelay $0x1  }
0x564: {  	v2 =	vadd.f32 v2, v3  }
0x565: {  	_ =	swait.ge [sflag:s28], $0x2000  }
0x566: {  	[sflag:s28] =	ssyncset.done $0x0  }
0x567: {  	[sflag:s28] =	ssyncadd.s32 $0xFFFFE000  }
0x568: {  	_ =	swait.ge [sflag:s28], $0x2000  }
0x569: {  	[sflag:s28] =	ssyncset.done $0x0  }
0x56a: {  	[sflag:s28] =	ssyncadd.s32 $0xFFFFE000  }
0x56b: {  	_ =	swait.ge [sflag:s28], $0xA000  }
0x56c: {  	[sflag:s28] =	ssyncset.done $0x0  }
0x56d: {  	s20 =	simm.s32 $0x0;
	[sflag:s28] =	ssyncadd.s32 $0xFFFF6000  }
.LBB2_32:
0x56e: {  	s22 =	sshll.u32 s20, $0x4;
	v6 =	vlaneseq.u32  }
0x56f: {  	v3 =	vor.u32 s22, v6  }
0x570: {  	v7 =	vmul.u32 $0x280, v3;
	v19 =	vshll.u32 v3, $0x7  }
0x571: {  	v9 =	vor.u32 v19, v6  }
0x572: {  	v5 =	vadd.s32 $0x2100, v7  }
0x573: {  	v3 =	vadd.s32 $0x2200, v7;
	v8 =	vor.u32 v5, v6  }
0x574: {  	v4 =	vadd.s32 $0x2180, v7;
	v17 =	vadd.s32 $0x2000, v7;
	v11 =	vor.u32 v3, v6  }
0x575: {  	v10 =	vadd.s32 $0x2080, v7;
	v7 =	vadd.s32 $0x1, v6;
	v13 =	vor.u32 v4, v6  }
0x576: {  	v14 =	vor.u32 v17, v6;
	v7 =	vand.u32 $0x7F, v7;
	v12 =	vld.idx.msk [tilespmem:v9+s19+$0x0], $0xffff  }
0x577: {  	v16 =	vor.u32 v17, v7;
	v23 =	vld.idx.msk [tilespmem:v9+s21+$0x0], $0xffff  }
0x578: {  	v25 =	vor.u32 v3, v7;
	v15 =	vld.idx.msk [tilespmem:v8+s21+$0x0], $0xffff  }
0x579: {  	v8 =	vor.u32 v10, v6;
	v11 =	vld.idx.msk [tilespmem:v11+s21+$0x0], $0xffff  }
0x57a: {  	v26 =	vor.u32 v10, v7;
	v13 =	vld.idx.msk [tilespmem:v13+s21+$0x0], $0xffff  }
0x57b: {  	v28 =	vor.u32 v19, v7;
	v14 =	vld.idx.msk [tilespmem:v14+s21+$0x0], $0xffff  }
0x57c: {  	v18 =	vimm.f32 $0.0e+00;
	v9 =	vor.u32 v5, v7;
	v6 =	vadd.s32 $0x2, v6;
	v24 =	vld.idx.msk [tilespmem:v16+s21+$0x0], $0xffff  }
0x57d: {  	v27 =	vimm.f32 $0.0e+00;
	v31 =	vimm.f32 $0.0e+00;
	v29 =	vand.u32 $0x7F, v6;
	v6 =	vld.idx.msk [tilespmem:v25+s21+$0x0], $0xffff  }
0x57e: {  	v21 =	vor.u32 v5, v29;
	v35 =	vadd.s32 $0x1, v29;
	v22 =	vld.idx.msk [tilespmem:v8+s21+$0x0], $0xffff;
	v8 =	vor.u32 v4, v7  }
0x57f: {  	v25 =	vld.idx.msk [tilespmem:v26+s21+$0x0], $0xffff;
	v33 =	vor.u32 v19, v29;
	v16 =	vor.u32 v4, v29;
	v30 =	vor.u32 v17, v29  }
0x580: {  	v34 =	vld.idx.msk [tilespmem:v28+s21+$0x0], $0xffff;
	v26 =	vor.u32 v10, v29;
	v20 =	vmul.f32 v15, v12;
	v7 =	vmul.f32 v11, v12  }
0x581: {  	v15 =	vld.idx.msk [tilespmem:v9+s21+$0x0], $0xffff;
	v13 =	vmul.f32 v13, v12;
	v11 =	vor.u32 v3, v29;
	v32 =	vmul.f32 v14, v12  }
0x582: {  	s22 =	simm.s32 $0x2;
	v9 =	vld.idx.msk [tilespmem:v28+s19+$0x0], $0xffff;
	v28 =	vimm.f32 $0.0e+00;
	v14 =	vimm.f32 $0.0e+00;
	v7 =	vadd.f32 v7, v18  }
.LBB2_33:
0x583: {  	s22 =	sadd.s32 $0x2, s22;
	v35 =	vand.u32 $0x7F, v35;
	v22 =	vmul.f32 v22, v12;
	v18 =	vadd.f32 v20, v18;
	v20 =	vld.idx.msk [tilespmem:v8+s21+$0x0], $0xffff  }
0x584: {  	v38 =	vmul.f32 v23, v12;
	p0 =	slt.u32 s22, $0x7E;
	v21 =	vld.idx.msk [tilespmem:v21+s21+$0x0], $0xffff;
	v36 =	vor.u32 v17, v35;
	v37 =	vor.u32 v5, v35  }
0x585: {  	v39 =	vor.u32 v19, v35;
	v8 =	vor.u32 v4, v35;
	v12 =	vld.idx.msk [tilespmem:v33+s19+$0x0], $0xffff;
	v27 =	vadd.f32 v22, v27  }
0x586: {  	v31 =	vadd.f32 v38, v31;
	v22 =	vadd.f32 v32, v28;
	v23 =	vld.idx.msk [tilespmem:v33+s21+$0x0], $0xffff;
	v33 =	vor.u32 v3, v35  }
0x587: {  	v32 =	vor.u32 v10, v35;
	v24 =	vmul.f32 v24, v9;
	v25 =	vmul.f32 v25, v9;
	v11 =	vld.idx.msk [tilespmem:v11+s21+$0x0], $0xffff  }
0x588: {  	v13 =	vadd.f32 v13, v14;
	v15 =	vmul.f32 v15, v9;
	v14 =	vmul.f32 v34, v9;
	v16 =	vld.idx.msk [tilespmem:v16+s21+$0x0], $0xffff  }
0x589: {  	v6 =	vmul.f32 v6, v9;
	v28 =	vadd.f32 v24, v22;
	v34 =	vld.idx.msk [tilespmem:v30+s21+$0x0], $0xffff;
	v30 =	vmul.f32 v20, v9  }
0x58a: {  	v18 =	vadd.f32 v15, v18;
	v9 =	vadd.s32 $0x2, v29;
	v31 =	vadd.f32 v14, v31;
	v22 =	vld.idx.msk [tilespmem:v26+s21+$0x0], $0xffff  }
0x58b: {  	v7 =	vadd.f32 v6, v7;
	v20 =	vmul.f32 v21, v12;
	v24 =	vld.idx.msk [tilespmem:v36+s21+$0x0], $0xffff;
	v14 =	vadd.f32 v30, v13  }
.Ltmp15:
0x58c: {  	v27 =	vadd.f32 v25, v27;
	v29 =	vand.u32 $0x7F, v9;
	v15 =	vld.idx.msk [tilespmem:v37+s21+$0x0], $0xffff;
	(pc) =	sbr.rel @p0 .LBB2_33-.Ltmp15, $4  }
0x58d: {  	v21 =	vor.u32 v5, v29;
	v35 =	vadd.s32 $0x1, v29;
	v9 =	vmul.f32 v11, v12;
	v6 =	vld.idx.msk [tilespmem:v33+s21+$0x0], $0xffff  }
0x58e: {  	v33 =	vor.u32 v19, v29;
	v13 =	vmul.f32 v16, v12;
	v25 =	vld.idx.msk [tilespmem:v32+s21+$0x0], $0xffff  }
0x58f: {  	v11 =	vor.u32 v3, v29;
	v16 =	vor.u32 v4, v29;
	v7 =	vadd.f32 v9, v7;
	v9 =	vld.idx.msk [tilespmem:v39+s19+$0x0], $0xffff  }
0x590: {  	v30 =	vor.u32 v17, v29;
	v26 =	vor.u32 v10, v29;
	v32 =	vmul.f32 v34, v12;
	v34 =	vld.idx.msk [tilespmem:v39+s21+$0x0], $0xffff  }
0x591: {  	v29 =	vand.u32 $0x7F, v35  }
0x592: {  	v19 =	vor.u32 v19, v29;
	_ =	sdelay $0x2  }
0x593: {  	v41 =	vld.idx.msk [tilespmem:v33+s19+$0x0], $0xffff  }
0x594: {  	v42 =	vld.idx.msk [tilespmem:v33+s21+$0x0], $0xffff  }
0x595: {  	v23 =	vmul.f32 v23, v12;
	v36 =	vld.idx.msk [tilespmem:v19+s19+$0x0], $0xffff  }
0x596: {  	v19 =	vld.idx.msk [tilespmem:v19+s21+$0x0], $0xffff  }
0x597: {  	v23 =	vadd.f32 v23, v31;
	v43 =	vmul.f32 v34, v9;
	_ =	sdelay $0x1  }
0x598: {  	v44 =	vmul.f32 v42, v41;
	v23 =	vadd.f32 v43, v23;
	_ =	sdelay $0x1  }
0x599: {  	v23 =	vadd.f32 v44, v23;
	v19 =	vmul.f32 v19, v36;
	_ =	sdelay $0x1  }
0x59a: {  	v19 =	vadd.f32 v19, v23;
	_ =	sdelay $0x1  }
0x59b: {  	v19 =	vmax.f32 v19, $-1.000000000e+01  }
0x59c: {  	v19 =	vmin.f32 v19, $1.000000000e+01  }
0x59d: {  	v19 =	vsub.f32 $0.0e+00, v19;
	_ =	sdelay $0x1  }
0x59e: {  	v19 =	vmul.f32 $1.442695020e+00, v19  }
0x59f: {  	v17 =	vor.u32 v17, v29  }
0x5a0: {  	(erf) = vpow2.f32 v19;
	_ =	sdelay $0x1  }
0x5a1: {  	v45 =	vld.idx.msk [tilespmem:v30+s21+$0x0], $0xffff;
	_ =	sdelay $0x1  }
0x5a2: {  	v17 =	vld.idx.msk [tilespmem:v17+s21+$0x0], $0xffff  }
0x5a3: {  	v46 =	vadd.f32 v32, v28;
	v24 =	vmul.f32 v24, v9;
	_ =	sdelay $0x1  }
0x5a4: {  	v23 =	vadd.f32 v24, v46;
	v19 =	vmul.f32 v45, v41;
	_ =	sdelay $0x1  }
0x5a5: {  	v17 =	vmul.f32 v17, v36;
	v19 =	vadd.f32 v19, v23;
	v47 =	vpop (erf)  }
0x5a6: {  	v23 =	vadd.f32 $1.000000000e+00, v47  }
0x5a7: {  	v17 =	vadd.f32 v17, v19  }
0x5a8: {  	v48 =	vand.u32 $0x7FFFFF, v23  }
0x5a9: {  	v17 =	vmax.f32 v17, $-1.000000000e+01;
	v19 =	vor.u32 $0x3F800000, v48  }
0x5aa: {  	v17 =	vmin.f32 v17, $1.000000000e+01;
	v49 =	vadd.f32 $1.000000000e+00, v19  }
0x5ab: {  	v17 =	vmul.f32 $1.442695020e+00, v17  }
0x5ac: {  	v10 =	vor.u32 v10, v29;
	(erf) = vrcp.f32 v49  }
0x5ad: {  	(erf) = vpow2.f32 v17;
	_ =	sdelay $0x1  }
0x5ae: {  	v50 =	vld.idx.msk [tilespmem:v26+s21+$0x0], $0xffff  }
0x5af: {  	v51 =	vmul.f32 v22, v12  }
0x5b0: {  	v10 =	vld.idx.msk [tilespmem:v10+s21+$0x0], $0xffff  }
0x5b1: {  	v12 =	vadd.f32 v51, v27;
	v52 =	vmul.f32 v25, v9;
	_ =	sdelay $0x1  }
0x5b2: {  	v12 =	vadd.f32 v52, v12;
	v17 =	vmul.f32 v50, v41  }
0x5b3: {  	v53 =	vpop (erf)  }
0x5b4: {  	v10 =	vmul.f32 v10, v36;
	v12 =	vadd.f32 v17, v12;
	v54 =	vpop (erf)  }
0x5b5: {  	v17 =	vadd.f32 $1.000000000e+00, v54  }
0x5b6: {  	v10 =	vadd.f32 v10, v12  }
0x5b7: {  	v55 =	vand.u32 $0x7FFFFF, v17  }
0x5b8: {  	v10 =	vmax.f32 v10, $-1.000000000e+01;
	v12 =	vor.u32 $0x3F800000, v55  }
0x5b9: {  	v10 =	vmin.f32 v10, $1.000000000e+01;
	v56 =	vadd.f32 $1.000000000e+00, v12  }
0x5ba: {  	v10 =	vmul.f32 $1.442695020e+00, v10  }
0x5bb: {  	v5 =	vor.u32 v5, v29;
	(erf) = vrcp.f32 v56  }
0x5bc: {  	(erf) = vpow2.f32 v10;
	_ =	sdelay $0x1  }
0x5bd: {  	v57 =	vld.idx.msk [tilespmem:v21+s21+$0x0], $0xffff;
	_ =	sdelay $0x1  }
0x5be: {  	v5 =	vld.idx.msk [tilespmem:v5+s21+$0x0], $0xffff  }
0x5bf: {  	v18 =	vadd.f32 v20, v18;
	v15 =	vmul.f32 v15, v9;
	_ =	sdelay $0x1  }
0x5c0: {  	v15 =	vadd.f32 v15, v18;
	v10 =	vmul.f32 v57, v41  }
0x5c1: {  	v58 =	vpop (erf)  }
0x5c2: {  	v5 =	vmul.f32 v5, v36;
	v10 =	vadd.f32 v10, v15;
	v59 =	vpop (erf)  }
0x5c3: {  	v15 =	vadd.f32 $1.000000000e+00, v59  }
0x5c4: {  	v5 =	vadd.f32 v5, v10  }
0x5c5: {  	v60 =	vand.u32 $0x7FFFFF, v15  }
0x5c6: {  	v5 =	vmax.f32 v5, $-1.000000000e+01;
	v10 =	vor.u32 $0x3F800000, v60  }
0x5c7: {  	v5 =	vmin.f32 v5, $1.000000000e+01;
	v61 =	vadd.f32 $1.000000000e+00, v10  }
0x5c8: {  	v5 =	vmul.f32 $1.442695020e+00, v5  }
0x5c9: {  	v4 =	vor.u32 v4, v29;
	(erf) = vrcp.f32 v61  }
0x5ca: {  	v8 =	vld.idx.msk [tilespmem:v8+s21+$0x0], $0xffff;
	(erf) = vpow2.f32 v5;
	_ =	sdelay $0x1  }
0x5cb: {  	v62 =	vld.idx.msk [tilespmem:v16+s21+$0x0], $0xffff;
	_ =	sdelay $0x1  }
0x5cc: {  	v4 =	vld.idx.msk [tilespmem:v4+s21+$0x0], $0xffff  }
0x5cd: {  	v13 =	vadd.f32 v13, v14;
	v8 =	vmul.f32 v8, v9;
	_ =	sdelay $0x1  }
0x5ce: {  	v8 =	vadd.f32 v8, v13;
	v5 =	vmul.f32 v62, v41  }
0x5cf: {  	v63 =	vpop (erf)  }
0x5d0: {  	v4 =	vmul.f32 v4, v36;
	v5 =	vadd.f32 v5, v8;
	v20 =	vpop (erf)  }
0x5d1: {  	v8 =	vadd.f32 $1.000000000e+00, v20  }
0x5d2: {  	v4 =	vadd.f32 v4, v5  }
0x5d3: {  	v21 =	vand.u32 $0x7FFFFF, v8  }
0x5d4: {  	v4 =	vmax.f32 v4, $-1.000000000e+01;
	v5 =	vor.u32 $0x3F800000, v21  }
0x5d5: {  	v4 =	vmin.f32 v4, $1.000000000e+01;
	v24 =	vadd.f32 $1.000000000e+00, v5  }
0x5d6: {  	v4 =	vmul.f32 $1.442695020e+00, v4  }
0x5d7: {  	v3 =	vor.u32 v3, v29;
	(erf) = vrcp.f32 v24  }
0x5d8: {  	(erf) = vpow2.f32 v4;
	_ =	sdelay $0x1  }
0x5d9: {  	v25 =	vld.idx.msk [tilespmem:v11+s21+$0x0], $0xffff;
	_ =	sdelay $0x1  }
0x5da: {  	v3 =	vld.idx.msk [tilespmem:v3+s21+$0x0], $0xffff  }
0x5db: {  	v6 =	vmul.f32 v6, v9;
	_ =	sdelay $0x1  }
0x5dc: {  	v6 =	vadd.f32 v6, v7;
	v4 =	vmul.f32 v25, v41  }
0x5dd: {  	v26 =	vpop (erf)  }
0x5de: {  	v3 =	vmul.f32 v3, v36;
	v4 =	vadd.f32 v4, v6;
	v27 =	vpop (erf)  }
0x5df: {  	v6 =	vadd.f32 $1.000000000e+00, v27  }
0x5e0: {  	v3 =	vadd.f32 v3, v4  }
0x5e1: {  	v28 =	vand.u32 $0x7FFFFF, v6  }
0x5e2: {  	v3 =	vmax.f32 v3, $-1.000000000e+01;
	v4 =	vor.u32 $0x3F800000, v28  }
0x5e3: {  	v3 =	vmin.f32 v3, $1.000000000e+01;
	v30 =	vadd.f32 $1.000000000e+00, v4  }
0x5e4: {  	v3 =	vmul.f32 $1.442695020e+00, v3  }
0x5e5: {  	(erf) = vrcp.f32 v30  }
0x5e6: {  	v12 =	vadd.f32 $-1.000000000e+00, v12;
	(erf) = vpow2.f32 v3;
	_ =	sdelay $0x1  }
0x5e7: {  	v12 =	vmul.f32 v58, v12;
	_ =	sdelay $0x1  }
0x5e8: {  	v32 =	vmul.f32 v12, v12  }
0x5e9: {  	v29 =	vadd.f32 $-1.000000000e+00, v19  }
0x5ea: {  	v34 =	vmul.f32 $1.111111120e-01, v32  }
0x5eb: {  	v9 =	vmul.f32 v53, v29  }
0x5ec: {  	v18 =	vadd.f32 $1.428571490e-01, v34;
	v33 =	vpop (erf)  }
0x5ed: {  	v31 =	vmul.f32 v9, v9;
	v35 =	vpop (erf)  }
0x5ee: {  	v43 =	vshra.s32 v17, $0x17;
	v18 =	vmul.f32 v18, v32;
	v19 =	vadd.f32 $1.000000000e+00, v35  }
0x5ef: {  	v36 =	vshra.s32 v23, $0x17;
	v7 =	vadd.s32 $0xFFFFFF81, v43;
	v3 =	vmul.f32 $1.111111120e-01, v31  }
0x5f0: {  	v7 =	vcvt.s32.f32 v7;
	v18 =	vadd.f32 $2.000000030e-01, v18;
	v37 =	vand.u32 $0x7FFFFF, v19  }
0x5f1: {  	v15 =	vshra.s32 v15, $0x17;
	v3 =	vadd.f32 $1.428571490e-01, v3;
	v13 =	vor.u32 $0x3F800000, v37  }
0x5f2: {  	v10 =	vadd.f32 $-1.000000000e+00, v10;
	v18 =	vmul.f32 v18, v32;
	v39 =	vadd.f32 $1.000000000e+00, v13  }
0x5f3: {  	v7 =	vmul.f32 $6.931471820e-01, v7;
	v15 =	vadd.s32 $0xFFFFFF81, v15;
	v3 =	vmul.f32 v3, v31  }
0x5f4: {  	v18 =	vadd.f32 $3.333333430e-01, v18;
	v10 =	vmul.f32 v63, v10;
	(erf) = vrcp.f32 v39  }
0x5f5: {  	v15 =	vcvt.s32.f32 v15;
	v5 =	vadd.f32 $-1.000000000e+00, v5;
	v3 =	vadd.f32 $2.000000030e-01, v3  }
0x5f6: {  	v9 =	vadd.f32 v9, v9;
	v14 =	vmul.f32 v18, v32;
	v38 =	vmul.f32 v10, v10  }
0x5f7: {  	v12 =	vadd.f32 v12, v12;
	v5 =	vmul.f32 v26, v5;
	v3 =	vmul.f32 v3, v31  }
0x5f8: {  	v54 =	vmul.f32 $6.931471820e-01, v15;
	v20 =	vadd.s32 $0xFFFFFF81, v36;
	v14 =	vadd.f32 $1.000000000e+00, v14  }
0x5f9: {  	v40 =	vmul.f32 $1.111111120e-01, v38;
	v45 =	vmul.f32 v5, v5;
	v3 =	vadd.f32 $3.333333430e-01, v3  }
0x5fa: {  	v20 =	vcvt.s32.f32 v20;
	v12 =	vmul.f32 v14, v12;
	v4 =	vadd.f32 $-1.000000000e+00, v4  }
0x5fb: {  	v42 =	vadd.f32 $1.428571490e-01, v40;
	v46 =	vmul.f32 $1.111111120e-01, v45;
	v3 =	vmul.f32 v3, v31  }
0x5fc: {  	v41 =	vmul.f32 $6.931471820e-01, v20;
	v4 =	vmul.f32 v33, v4;
	v13 =	vadd.f32 $-1.000000000e+00, v13  }
0x5fd: {  	v44 =	vmul.f32 v42, v38;
	v47 =	vadd.f32 $1.428571490e-01, v46;
	v3 =	vadd.f32 $1.000000000e+00, v3;
	v48 =	vpop (erf)  }
0x5fe: {  	v16 =	vmul.f32 v4, v4;
	v13 =	vmul.f32 v48, v13  }
0x5ff: {  	v10 =	vadd.f32 v10, v10;
	v14 =	vmul.f32 v47, v45;
	v3 =	vmul.f32 v3, v9  }
0x600: {  	v49 =	vmul.f32 $1.111111120e-01, v16;
	v9 =	vadd.f32 $2.000000030e-01, v44;
	v50 =	vmul.f32 v13, v13  }
0x601: {  	v8 =	vshra.s32 v8, $0x17;
	v14 =	vadd.f32 $2.000000030e-01, v14;
	v3 =	vadd.f32 v3, v41  }
0x602: {  	v18 =	vadd.f32 $1.428571490e-01, v49;
	v9 =	vmul.f32 v9, v38;
	v51 =	vmul.f32 $1.111111120e-01, v50  }
0x603: {  	v8 =	vadd.s32 $0xFFFFFF81, v8;
	v2 =	vadd.f32 v3, v2;
	v3 =	vmul.f32 v14, v45  }
0x604: {  	v52 =	vmul.f32 v18, v16;
	v9 =	vadd.f32 $3.333333430e-01, v9;
	v53 =	vadd.f32 $1.428571490e-01, v51  }
0x605: {  	v7 =	vadd.f32 v12, v7;
	v8 =	vcvt.s32.f32 v8;
	v3 =	vadd.f32 $3.333333430e-01, v3  }
0x606: {  	v14 =	vadd.f32 $2.000000030e-01, v52;
	v9 =	vmul.f32 v9, v38;
	v55 =	vmul.f32 v53, v50  }
0x607: {  	v8 =	vmul.f32 $6.931471820e-01, v8;
	v2 =	vadd.f32 v2, v7;
	v3 =	vmul.f32 v3, v45  }
0x608: {  	v56 =	vmul.f32 v14, v16;
	v9 =	vadd.f32 $1.000000000e+00, v9;
	v7 =	vadd.f32 $2.000000030e-01, v55  }
0x609: {  	v5 =	vadd.f32 v5, v5;
	v57 =	vshra.s32 v6, $0x17;
	v3 =	vadd.f32 $1.000000000e+00, v3  }
0x60a: {  	v9 =	vmul.f32 v9, v10;
	v10 =	vadd.f32 $3.333333430e-01, v56;
	v7 =	vmul.f32 v7, v50  }
0x60b: {  	v4 =	vadd.f32 v4, v4;
	v59 =	vshra.s32 v19, $0x17;
	v3 =	vmul.f32 v3, v5  }
0x60c: {  	v58 =	vmul.f32 v10, v16;
	v5 =	vadd.s32 $0xFFFFFF81, v57;
	v7 =	vadd.f32 $3.333333430e-01, v7  }
0x60d: {  	v60 =	vadd.s32 $0xFFFFFF81, v59;
	v9 =	vadd.f32 v9, v54;
	v5 =	vcvt.s32.f32 v5  }
0x60e: {  	v61 =	vadd.f32 v13, v13;
	v6 =	vadd.f32 $1.000000000e+00, v58;
	v7 =	vmul.f32 v7, v50  }
0x60f: {  	v2 =	vadd.f32 v2, v9;
	v3 =	vadd.f32 v3, v8;
	v5 =	vmul.f32 $6.931471820e-01, v5  }
0x610: {  	s20 =	sadd.s32 $0x1, s20;
	v4 =	vmul.f32 v6, v4;
	v6 =	vcvt.s32.f32 v60;
	v7 =	vadd.f32 $1.000000000e+00, v7  }
0x611: {  	p0 =	sne.s32 s20, $0x4;
	v2 =	vadd.f32 v2, v3  }
.Ltmp16:
0x612: {  	v3 =	vadd.f32 v4, v5;
	v63 =	vmul.f32 $6.931471820e-01, v6;
	v62 =	vmul.f32 v7, v61;
	(pc) =	sbr.rel @p0 .LBB2_32-.Ltmp16, $3  }
0x613: {  	_ = 	snop  }
0x614: {  	v2 =	vadd.f32 v2, v3;
	v3 =	vadd.f32 v62, v63;
	_ =	sdelay $0x1  }
0x615: {  	v2 =	vadd.f32 v2, v3  }
0x616: {  	s17 =	sadd.s32 $0x1, s17  }
0x617: {  	p0 =	sne.s32 s17, s9  }
.Ltmp17:
0x618: {  	[tilespmem:$0x1DE00] =	vst v2;
	(pc) =	sbr.rel @p0 .LBB2_1-.Ltmp17, $4  }
0x619: {  	[hbm4b:s8+s4] =	stream.linear.scatter [tilespmem:s0], [sflag:$0x3], $0x10, $0x38;
	[tilespmem:$0x1DE80] =	vst v63  }
0x61a: {  	_ =	swait.ge [sflag:s2], $0x10  }
0x61b: {  	[sflag:s2] =	ssyncset.done $0x0  }
0x61c: {  	[sflag:s2] =	ssyncadd.s32 $0xFFFFFFF0  }
0x61d: {  	_ =	sfence.sel $0x180000  }
0x61e: {  	[bflag:$0x0] =	sbarrier.arrive $0xFFFF  }
0x61f: {  	_ =	strace $0x90000047  }
0x620: {  	s0 =	stileid.u32;
	[bflag:$0x2] =	sbarrier.arrive $0xFFFF  }
0x621: {  	p0 =	sne.s32 s0, $0x0;
	s0 =	rddreg [dreg:$0x6]  }
0x622: {  	s0 =	sadd.s32 @!p0 $0x100000, s0  }
0x623: {  	[sflag:s0] =	ssyncadd.tile.s32 @!p0 $0x1;
	_ =	shalt  }
.Lfunc_end2:
_tile_overlayer_lowered:
.L_overlay_start_2:
0x624: {  	(tag) =	ssettag $0x2  }
0x625: {  	s0 =	rddreg [dreg:$0x0];
	s2 =	stileid.u32  }
0x626: {  	s1 =	rddreg [dreg:$0x1];
	p0 =	sne.s32 s2, $0x0  }
0x627: {  	s3 =	rddreg [dreg:$0x2];
	[bflag:$0x3] =	sbarrier.arrive $0xFFFF;
	s2 =	simm.s32 @!p0 $0x1C03  }
0x628: {  	[timem:s3], [sflag:s2] =	dma.local @!p0 [hbm:s0], s1  }
0x629: {  	s0 =	simm.s32 @!p0 $0x3  }
0x62a: {  	_ =	swait.ge @!p0 [sflag:s0], s1  }
0x62b: {  	s1 =	ssub.s32 @!p0 $0x0, s1;
	[sflag:s0] =	ssyncset.done @!p0 $0x0  }
0x62c: {  	[sflag:s0] =	ssyncadd.s32 @!p0 s1  }
0x62d: {  	[bflag:$0x3] =	sbarrier.arrive $0xFFFF  }
0x62e: {  	_ =	shalt  }

</sc_bundles>
